<compile_context>
chip_gen: v7x
topology: tpu7x:2x2x1
jax: 0.10.2.dev20260603
libtpu: 0.0.44.dev20260713+nightly
codegen_flags: <defaults>
</compile_context>

<pallas_src>
import functools

import jax
import jax.numpy as jnp
from jax import lax
from jax.experimental import pallas as pl
from jax.experimental.pallas import tpu as pltpu
from jax.experimental.pallas import tpu_sc as plsc

N_NODES = 10000
D_FEAT = 128
N_EDGES = 320000
HID = 8


def _tab_body(x_ref, w_ref, b_ref, o_ref):
    o_ref[...] = 2.0 * (
        jnp.dot(x_ref[...], w_ref[...], preferred_element_type=jnp.float32)
        + b_ref[...]
    )


def _make_table(x, w1cat, brow):
    return pl.pallas_call(
        _tab_body,
        out_shape=jax.ShapeDtypeStruct((N_NODES, 2 * HID), jnp.float32),
    )(x, w1cat, brow)


def _sc_edge_mlp(tabp, src, dst, wpack, *, per_w):
    groups = per_w // 16
    mesh = plsc.VectorSubcoreMesh(core_axis_name="c", subcore_axis_name="s")

    @functools.partial(
        pl.kernel,
        mesh=mesh,
        compiler_params=pltpu.CompilerParams(
            needs_layout_passes=False, use_tc_tiling_on_sc=False),
        out_type=jax.ShapeDtypeStruct((N_EDGES,), jnp.float32),
        scratch_types=[
            pltpu.VMEM((HID, N_NODES), jnp.int32),
            pltpu.VMEM((per_w,), jnp.int32),
            pltpu.VMEM((per_w,), jnp.int32),
            pltpu.VMEM((per_w,), jnp.float32),
            pltpu.VMEM((160, 16), jnp.float32),
            pltpu.SemaphoreType.DMA,
            pltpu.SemaphoreType.DMA,
            pltpu.SemaphoreType.DMA,
            pltpu.SemaphoreType.DMA,
        ],
    )
    def sc_k(tab_h, src_h, dst_h, wpack_h, out_h,
             tabv, idx_s, idx_d, outb, wv, sem0, sem1, sem2, sem3):
        wid = lax.axis_index("s") * 2 + lax.axis_index("c")
        base = wid * per_w
        cps = [
            pltpu.async_copy(tab_h, tabv, sem0),
            pltpu.async_copy(src_h.at[pl.ds(base, per_w)], idx_s, sem1),
            pltpu.async_copy(dst_h.at[pl.ds(base, per_w)], idx_d, sem2),
            pltpu.async_copy(wpack_h, wv, sem3),
        ]
        for cp in cps:
            cp.wait()

        col = [jnp.full((16,), i, jnp.int32) for i in range(HID)]

        def edge_group_t(g):
            sv = idx_s[pl.ds(g * 16, 16)]
            dv = idx_d[pl.ds(g * 16, 16)]
            t = []
            for i in range(HID // 2):
                gs = plsc.load_gather(tabv, [col[i], sv])
                gd = plsc.load_gather(tabv, [col[HID // 2 + i], dv])
                s0, s1 = plsc.unpack(
                    plsc.bitcast(gs, jnp.bfloat16),
                    format=plsc.PackFormat.INTERLEAVED)
                d0, d1 = plsc.unpack(
                    plsc.bitcast(gd, jnp.bfloat16),
                    format=plsc.PackFormat.INTERLEAVED)
                e0 = jnp.exp(s0 + d0)
                t.append(1.0 / (e0 + 1.0))
                e1 = jnp.exp(s1 + d1)
                t.append(1.0 / (e1 + 1.0))
            return t

        def mlp_tail(ts):
            h = ts
            for wbase, bbase in ((0, 136), (64, 144)):
                nxt = [[] for _ in h]
                for j in range(HID):
                    bj = wv[bbase + j]
                    accs = [bj for _ in h]
                    for i in range(HID):
                        wij = wv[wbase + i * HID + j]
                        accs = [a + hg[i] * wij for a, hg in zip(accs, h)]
                    for k, a in enumerate(accs):
                        e = jnp.exp(a)
                        nxt[k].append(1.0 / (e + 1.0))
                h = nxt
            b4 = wv[152]
            outs = [b4 for _ in h]
            for i in range(HID):
                w4i = wv[128 + i]
                outs = [o + hg[i] * w4i for o, hg in zip(outs, h)]
            return outs

        pairs = groups // 2

        @plsc.parallel_loop(0, pairs, unroll=2)
        def pair_body(p):
            g0 = p * 2
            o0, o1 = mlp_tail([edge_group_t(g0), edge_group_t(g0 + 1)])
            outb[pl.ds(g0 * 16, 16)] = o0
            outb[pl.ds(g0 * 16 + 16, 16)] = o1

        if groups % 2:
            g = groups - 1
            (o_tail,) = mlp_tail([edge_group_t(g)])
            outb[pl.ds(g * 16, 16)] = o_tail

        pltpu.sync_copy(outb, out_h.at[pl.ds(base, per_w)])

    return sc_k(tabp, src, dst, wpack)


def kernel(inputs, edge_index, W1, b1, W2, b2, W3, b3, W4, b4):
    w1cat = jnp.concatenate([W1[:D_FEAT], W1[D_FEAT:]], axis=1)
    brow = jnp.concatenate([b1, jnp.zeros((HID,), jnp.float32)])[None, :]
    tab = _make_table(inputs, w1cat, brow)

    h16 = lax.bitcast_convert_type(
        tab.astype(jnp.bfloat16), jnp.uint16).astype(jnp.uint32)
    packed = h16[:, 0::2] | (h16[:, 1::2] << 16)
    tabp = lax.bitcast_convert_type(packed.T, jnp.int32)

    wflat = jnp.concatenate([
        -4.0 * W2.reshape(-1), -4.0 * W3.reshape(-1), -2.0 * W4.reshape(-1),
        2.0 * b2 + 2.0 * jnp.sum(W2, axis=0),
        2.0 * b3 + 2.0 * jnp.sum(W3, axis=0),
        b4 + jnp.sum(W4)[None], jnp.zeros((7,), jnp.float32),
    ])
    wpack = jnp.broadcast_to(wflat[:, None], (160, 16))

    per_w = N_EDGES // 32
    out = _sc_edge_mlp(tabp, edge_index[0], edge_index[1], wpack,
                       per_w=per_w)
    return out.reshape(N_EDGES, 1)

# --- scband reference (transcript-rebuilt; emitter-appended) ---
"""Pipeline reference for scband-edge-network-83030307766410 (READ-ONLY COPY).

The authoritative reference and input builder live on the scoring server;
editing this copy changes nothing except your own understanding.
"""

import jax, jax.numpy as jnp
import numpy as np

N_NODES = 10000
D_FEAT = 128
N_EDGES = 320000
HIDDEN = 8


def setup_inputs(seed: int = 0) -> dict:
    key = jax.random.key(seed)
    ks = jax.random.split(key, 12)
    x = jax.random.normal(ks[0], (N_NODES, D_FEAT), dtype=jnp.float32)
    edge_index = jax.random.randint(ks[1], (2, N_EDGES), 0, N_NODES, dtype=jnp.int32)
    d_in = 2 * D_FEAT
    W1 = jax.random.normal(ks[2], (d_in, HIDDEN), dtype=jnp.float32) * (1.0 / np.sqrt(d_in))
    b1 = jnp.zeros((HIDDEN,), dtype=jnp.float32)
    W2 = jax.random.normal(ks[3], (HIDDEN, HIDDEN), dtype=jnp.float32) * (1.0 / np.sqrt(HIDDEN))
    b2 = jnp.zeros((HIDDEN,), dtype=jnp.float32)
    W3 = jax.random.normal(ks[4], (HIDDEN, HIDDEN), dtype=jnp.float32) * (1.0 / np.sqrt(HIDDEN))
    b3 = jnp.zeros((HIDDEN,), dtype=jnp.float32)
    W4 = jax.random.normal(ks[5], (HIDDEN, 1), dtype=jnp.float32) * (1.0 / np.sqrt(HIDDEN))
    b4 = jnp.zeros((1,), dtype=jnp.float32)
    return {"inputs": x, "edge_index": edge_index, "W1": W1, "b1": b1, "W2": W2, "b2": b2, "W3": W3, "b3": b3, "W4": W4, "b4": b4}


def reference(inputs, edge_index, W1, b1, W2, b2, W3, b3, W4, b4):
    # gather source / destination node features per edge
    x1 = jnp.take(inputs, edge_index[0], axis=0)
    x2 = jnp.take(inputs, edge_index[1], axis=0)
    edge_inputs = jnp.concatenate([x1, x2], axis=1)
    h = jnp.tanh(edge_inputs @ W1 + b1)
    h = jnp.tanh(h @ W2 + b2)
    h = jnp.tanh(h @ W3 + b3)
    out = h @ W4 + b4
    return out

if __name__ == "__main__":
    import jax
    _d = setup_inputs()
    print(jax.jit(kernel)(*tuple(_d.values())))

</pallas_src>

<mosaic_0001>
#map = affine_map<(d0, d1) -> (0, 0)>
#map1 = affine_map<(d0, d1) -> (0)>
module attributes {stable_mosaic.version = 14 : i64} {
  func.func @sc_k(%arg0: i32, %arg1: i32, %arg2: memref<8x10000xi32, #tpu.memory_space<hbm>>, %arg3: memref<320000xi32, #tpu.memory_space<hbm>>, %arg4: memref<320000xi32, #tpu.memory_space<hbm>>, %arg5: memref<160x16xf32, #tpu.memory_space<hbm>>, %arg6: memref<320000xf32, #tpu.memory_space<hbm>>, %arg7: memref<8x10000xi32, #tpu.memory_space<vmem>>, %arg8: memref<10000xi32, #tpu.memory_space<vmem>>, %arg9: memref<10000xi32, #tpu.memory_space<vmem>>, %arg10: memref<10000xf32, #tpu.memory_space<vmem>>, %arg11: memref<160x16xf32, #tpu.memory_space<vmem>>, %arg12: memref<!tpu.dma_semaphore, #tpu.memory_space<semaphore_mem>>, %arg13: memref<!tpu.dma_semaphore, #tpu.memory_space<semaphore_mem>>, %arg14: memref<!tpu.dma_semaphore, #tpu.memory_space<semaphore_mem>>, %arg15: memref<!tpu.dma_semaphore, #tpu.memory_space<semaphore_mem>>) attributes {dimension_semantics = [#tpu.dimension_semantics<core_parallel>, #tpu.dimension_semantics<subcore_parallel>], iteration_bounds = array<i64: 2, 16>, scalar_prefetch = 0 : i64, scratch_operands = 9 : i64, tpu.core_type = #tpu.core_type<sc_vector_subcore>, window_params = [{transform_indices = #map}, {transform_indices = #map1}, {transform_indices = #map1}, {transform_indices = #map}, {transform_indices = #map1}]} {
    %mul3A = arith.constant 2 : i32
    %mul3A_0 = arith.muli %arg1, %mul3A : i32
    %add3A = arith.addi %mul3A_0, %arg0 : i32
    %mul3A_1 = arith.constant 10000 : i32
    %mul3A_2 = arith.muli %add3A, %mul3A_1 : i32
    tpu.enqueue_dma source(%arg2 : memref<8x10000xi32, #tpu.memory_space<hbm>>) target(%arg7 : memref<8x10000xi32, #tpu.memory_space<vmem>>) target_semaphore(%arg12 : memref<!tpu.dma_semaphore, #tpu.memory_space<semaphore_mem>>)
    %dma_start3A = tpu.memref_slice %arg3[%mul3A_2] : memref<320000xi32, #tpu.memory_space<hbm>> -> memref<10000xi32, #tpu.memory_space<hbm>>
    %dma_start3A_3 = tpu.memref_slice %arg3[%mul3A_2] : memref<320000xi32, #tpu.memory_space<hbm>> -> memref<10000xi32, #tpu.memory_space<hbm>>
    tpu.enqueue_dma source(%dma_start3A_3 : memref<10000xi32, #tpu.memory_space<hbm>>) target(%arg8 : memref<10000xi32, #tpu.memory_space<vmem>>) target_semaphore(%arg13 : memref<!tpu.dma_semaphore, #tpu.memory_space<semaphore_mem>>)
    %dma_start3A_4 = tpu.memref_slice %arg4[%mul3A_2] : memref<320000xi32, #tpu.memory_space<hbm>> -> memref<10000xi32, #tpu.memory_space<hbm>>
    %dma_start3A_5 = tpu.memref_slice %arg4[%mul3A_2] : memref<320000xi32, #tpu.memory_space<hbm>> -> memref<10000xi32, #tpu.memory_space<hbm>>
    tpu.enqueue_dma source(%dma_start3A_5 : memref<10000xi32, #tpu.memory_space<hbm>>) target(%arg9 : memref<10000xi32, #tpu.memory_space<vmem>>) target_semaphore(%arg14 : memref<!tpu.dma_semaphore, #tpu.memory_space<semaphore_mem>>)
    tpu.enqueue_dma source(%arg5 : memref<160x16xf32, #tpu.memory_space<hbm>>) target(%arg11 : memref<160x16xf32, #tpu.memory_space<vmem>>) target_semaphore(%arg15 : memref<!tpu.dma_semaphore, #tpu.memory_space<semaphore_mem>>)
    tpu.wait_dma2 semaphore(%arg12 : memref<!tpu.dma_semaphore, #tpu.memory_space<semaphore_mem>>) src(%arg2 : memref<8x10000xi32, #tpu.memory_space<hbm>>) dst(%arg7 : memref<8x10000xi32, #tpu.memory_space<vmem>>)
    %dma_wait3A = tpu.memref_slice %arg3[%mul3A_2] : memref<320000xi32, #tpu.memory_space<hbm>> -> memref<10000xi32, #tpu.memory_space<hbm>>
    %dma_wait3A_6 = tpu.memref_slice %arg3[%mul3A_2] : memref<320000xi32, #tpu.memory_space<hbm>> -> memref<10000xi32, #tpu.memory_space<hbm>>
    tpu.wait_dma2 semaphore(%arg13 : memref<!tpu.dma_semaphore, #tpu.memory_space<semaphore_mem>>) src(%dma_wait3A_6 : memref<10000xi32, #tpu.memory_space<hbm>>) dst(%arg8 : memref<10000xi32, #tpu.memory_space<vmem>>)
    %dma_wait3A_7 = tpu.memref_slice %arg4[%mul3A_2] : memref<320000xi32, #tpu.memory_space<hbm>> -> memref<10000xi32, #tpu.memory_space<hbm>>
    %dma_wait3A_8 = tpu.memref_slice %arg4[%mul3A_2] : memref<320000xi32, #tpu.memory_space<hbm>> -> memref<10000xi32, #tpu.memory_space<hbm>>
    tpu.wait_dma2 semaphore(%arg14 : memref<!tpu.dma_semaphore, #tpu.memory_space<semaphore_mem>>) src(%dma_wait3A_8 : memref<10000xi32, #tpu.memory_space<hbm>>) dst(%arg9 : memref<10000xi32, #tpu.memory_space<vmem>>)
    tpu.wait_dma2 semaphore(%arg15 : memref<!tpu.dma_semaphore, #tpu.memory_space<semaphore_mem>>) src(%arg5 : memref<160x16xf32, #tpu.memory_space<hbm>>) dst(%arg11 : memref<160x16xf32, #tpu.memory_space<vmem>>)
    %broadcast_in_dim3A = arith.constant 0 : i32
    %broadcast_in_dim3A_9 = vector.broadcast %broadcast_in_dim3A : i32 to vector<16xi32>
    %broadcast_in_dim3A_10 = arith.constant 1 : i32
    %broadcast_in_dim3A_11 = vector.broadcast %broadcast_in_dim3A_10 : i32 to vector<16xi32>
    %broadcast_in_dim3A_12 = arith.constant 2 : i32
    %broadcast_in_dim3A_13 = vector.broadcast %broadcast_in_dim3A_12 : i32 to vector<16xi32>
    %broadcast_in_dim3A_14 = arith.constant 3 : i32
    %broadcast_in_dim3A_15 = vector.broadcast %broadcast_in_dim3A_14 : i32 to vector<16xi32>
    %broadcast_in_dim3A_16 = arith.constant 4 : i32
    %broadcast_in_dim3A_17 = vector.broadcast %broadcast_in_dim3A_16 : i32 to vector<16xi32>
    %broadcast_in_dim3A_18 = arith.constant 5 : i32
    %broadcast_in_dim3A_19 = vector.broadcast %broadcast_in_dim3A_18 : i32 to vector<16xi32>
    %broadcast_in_dim3A_20 = arith.constant 6 : i32
    %broadcast_in_dim3A_21 = vector.broadcast %broadcast_in_dim3A_20 : i32 to vector<16xi32>
    %broadcast_in_dim3A_22 = arith.constant 7 : i32
    %broadcast_in_dim3A_23 = vector.broadcast %broadcast_in_dim3A_22 : i32 to vector<16xi32>
    %parallel_loop3A = arith.constant 0 : i32
    %parallel_loop3A_24 = arith.constant 312 : i32
    %parallel_loop3A_25 = arith.constant 1 : i32
    scf.for %parallel_loop3A_1117 = %parallel_loop3A to %parallel_loop3A_24 step %parallel_loop3A_25  : i32 {
      %parallel_loop3A_1118 = arith.constant 2 : i32
      %parallel_loop3A_1119 = arith.muli %parallel_loop3A_1117, %parallel_loop3A_1118 : i32
      %parallel_loop3A_1120 = arith.constant 16 : i32
      %parallel_loop3A_1121 = arith.muli %parallel_loop3A_1119, %parallel_loop3A_1120 : i32
      %parallel_loop3A_1122 = arith.index_cast %parallel_loop3A_1121 : i32 to index
      %parallel_loop3A_1123 = tpu.vector_load %arg8[%parallel_loop3A_1122] {strides = array<i32>} : memref<10000xi32, #tpu.memory_space<vmem>>, vector<16xi32>,
      %parallel_loop3A_1124 = arith.constant 16 : i32
      %parallel_loop3A_1125 = arith.muli %parallel_loop3A_1119, %parallel_loop3A_1124 : i32
      %parallel_loop3A_1126 = arith.index_cast %parallel_loop3A_1125 : i32 to index
      %parallel_loop3A_1127 = tpu.vector_load %arg9[%parallel_loop3A_1126] {strides = array<i32>} : memref<10000xi32, #tpu.memory_space<vmem>>, vector<16xi32>,
      %parallel_loop3A_1128 = tpu.vector_load_idx %arg7[%broadcast_in_dim3A_9, %parallel_loop3A_1123] : memref<8x10000xi32, #tpu.memory_space<vmem>>[vector<16xi32>, vector<16xi32>], vector<16xi32>,
      %parallel_loop3A_1129 = tpu.vector_load_idx %arg7[%broadcast_in_dim3A_17, %parallel_loop3A_1127] : memref<8x10000xi32, #tpu.memory_space<vmem>>[vector<16xi32>, vector<16xi32>], vector<16xi32>,
      %parallel_loop3A_1130 = vector.bitcast %parallel_loop3A_1128 : vector<16xi32> to vector<32xbf16>
      %parallel_loop3A_1131 = tpu.unpack_subelements %parallel_loop3A_1130, 0 {pack_format = #tpu.pack_format<interleaved>} : vector<32xbf16> -> vector<16xf32>
      %parallel_loop3A_1132 = tpu.unpack_subelements %parallel_loop3A_1130, 1 {pack_format = #tpu.pack_format<interleaved>} : vector<32xbf16> -> vector<16xf32>
      %parallel_loop3A_1133 = vector.bitcast %parallel_loop3A_1129 : vector<16xi32> to vector<32xbf16>
      %parallel_loop3A_1134 = tpu.unpack_subelements %parallel_loop3A_1133, 0 {pack_format = #tpu.pack_format<interleaved>} : vector<32xbf16> -> vector<16xf32>
      %parallel_loop3A_1135 = tpu.unpack_subelements %parallel_loop3A_1133, 1 {pack_format = #tpu.pack_format<interleaved>} : vector<32xbf16> -> vector<16xf32>
      %parallel_loop3A_1136 = arith.addf %parallel_loop3A_1131, %parallel_loop3A_1134 : vector<16xf32>
      %parallel_loop3A_1137 = math.exp %parallel_loop3A_1136 : vector<16xf32>
      %parallel_loop3A_1138 = arith.constant 1.000000e+00 : f32
      %parallel_loop3A_1139 = vector.broadcast %parallel_loop3A_1138 : f32 to vector<16xf32>
      %parallel_loop3A_1140 = arith.addf %parallel_loop3A_1137, %parallel_loop3A_1139 : vector<16xf32>
      %parallel_loop3A_1141 = arith.constant 1.000000e+00 : f32
      %parallel_loop3A_1142 = vector.broadcast %parallel_loop3A_1141 : f32 to vector<16xf32>
      %parallel_loop3A_1143 = arith.divf %parallel_loop3A_1142, %parallel_loop3A_1140 : vector<16xf32>
      %parallel_loop3A_1144 = arith.addf %parallel_loop3A_1132, %parallel_loop3A_1135 : vector<16xf32>
      %parallel_loop3A_1145 = math.exp %parallel_loop3A_1144 : vector<16xf32>
      %parallel_loop3A_1146 = arith.constant 1.000000e+00 : f32
      %parallel_loop3A_1147 = vector.broadcast %parallel_loop3A_1146 : f32 to vector<16xf32>
      %parallel_loop3A_1148 = arith.addf %parallel_loop3A_1145, %parallel_loop3A_1147 : vector<16xf32>
      %parallel_loop3A_1149 = arith.constant 1.000000e+00 : f32
      %parallel_loop3A_1150 = vector.broadcast %parallel_loop3A_1149 : f32 to vector<16xf32>
      %parallel_loop3A_1151 = arith.divf %parallel_loop3A_1150, %parallel_loop3A_1148 : vector<16xf32>
      %parallel_loop3A_1152 = tpu.vector_load_idx %arg7[%broadcast_in_dim3A_11, %parallel_loop3A_1123] : memref<8x10000xi32, #tpu.memory_space<vmem>>[vector<16xi32>, vector<16xi32>], vector<16xi32>,
      %parallel_loop3A_1153 = tpu.vector_load_idx %arg7[%broadcast_in_dim3A_19, %parallel_loop3A_1127] : memref<8x10000xi32, #tpu.memory_space<vmem>>[vector<16xi32>, vector<16xi32>], vector<16xi32>,
      %parallel_loop3A_1154 = vector.bitcast %parallel_loop3A_1152 : vector<16xi32> to vector<32xbf16>
      %parallel_loop3A_1155 = tpu.unpack_subelements %parallel_loop3A_1154, 0 {pack_format = #tpu.pack_format<interleaved>} : vector<32xbf16> -> vector<16xf32>
      %parallel_loop3A_1156 = tpu.unpack_subelements %parallel_loop3A_1154, 1 {pack_format = #tpu.pack_format<interleaved>} : vector<32xbf16> -> vector<16xf32>
      %parallel_loop3A_1157 = vector.bitcast %parallel_loop3A_1153 : vector<16xi32> to vector<32xbf16>
      %parallel_loop3A_1158 = tpu.unpack_subelements %parallel_loop3A_1157, 0 {pack_format = #tpu.pack_format<interleaved>} : vector<32xbf16> -> vector<16xf32>
      %parallel_loop3A_1159 = tpu.unpack_subelements %parallel_loop3A_1157, 1 {pack_format = #tpu.pack_format<interleaved>} : vector<32xbf16> -> vector<16xf32>
      %parallel_loop3A_1160 = arith.addf %parallel_loop3A_1155, %parallel_loop3A_1158 : vector<16xf32>
      %parallel_loop3A_1161 = math.exp %parallel_loop3A_1160 : vector<16xf32>
      %parallel_loop3A_1162 = arith.constant 1.000000e+00 : f32
      %parallel_loop3A_1163 = vector.broadcast %parallel_loop3A_1162 : f32 to vector<16xf32>
      %parallel_loop3A_1164 = arith.addf %parallel_loop3A_1161, %parallel_loop3A_1163 : vector<16xf32>
      %parallel_loop3A_1165 = arith.constant 1.000000e+00 : f32
      %parallel_loop3A_1166 = vector.broadcast %parallel_loop3A_1165 : f32 to vector<16xf32>
      %parallel_loop3A_1167 = arith.divf %parallel_loop3A_1166, %parallel_loop3A_1164 : vector<16xf32>
      %parallel_loop3A_1168 = arith.addf %parallel_loop3A_1156, %parallel_loop3A_1159 : vector<16xf32>
      %parallel_loop3A_1169 = math.exp %parallel_loop3A_1168 : vector<16xf32>
      %parallel_loop3A_1170 = arith.constant 1.000000e+00 : f32
      %parallel_loop3A_1171 = vector.broadcast %parallel_loop3A_1170 : f32 to vector<16xf32>
      %parallel_loop3A_1172 = arith.addf %parallel_loop3A_1169, %parallel_loop3A_1171 : vector<16xf32>
      %parallel_loop3A_1173 = arith.constant 1.000000e+00 : f32
      %parallel_loop3A_1174 = vector.broadcast %parallel_loop3A_1173 : f32 to vector<16xf32>
      %parallel_loop3A_1175 = arith.divf %parallel_loop3A_1174, %parallel_loop3A_1172 : vector<16xf32>
      %parallel_loop3A_1176 = tpu.vector_load_idx %arg7[%broadcast_in_dim3A_13, %parallel_loop3A_1123] : memref<8x10000xi32, #tpu.memory_space<vmem>>[vector<16xi32>, vector<16xi32>], vector<16xi32>,
      %parallel_loop3A_1177 = tpu.vector_load_idx %arg7[%broadcast_in_dim3A_21, %parallel_loop3A_1127] : memref<8x10000xi32, #tpu.memory_space<vmem>>[vector<16xi32>, vector<16xi32>], vector<16xi32>,
      %parallel_loop3A_1178 = vector.bitcast %parallel_loop3A_1176 : vector<16xi32> to vector<32xbf16>
      %parallel_loop3A_1179 = tpu.unpack_subelements %parallel_loop3A_1178, 0 {pack_format = #tpu.pack_format<interleaved>} : vector<32xbf16> -> vector<16xf32>
      %parallel_loop3A_1180 = tpu.unpack_subelements %parallel_loop3A_1178, 1 {pack_format = #tpu.pack_format<interleaved>} : vector<32xbf16> -> vector<16xf32>
      %parallel_loop3A_1181 = vector.bitcast %parallel_loop3A_1177 : vector<16xi32> to vector<32xbf16>
      %parallel_loop3A_1182 = tpu.unpack_subelements %parallel_loop3A_1181, 0 {pack_format = #tpu.pack_format<interleaved>} : vector<32xbf16> -> vector<16xf32>
      %parallel_loop3A_1183 = tpu.unpack_subelements %parallel_loop3A_1181, 1 {pack_format = #tpu.pack_format<interleaved>} : vector<32xbf16> -> vector<16xf32>
      %parallel_loop3A_1184 = arith.addf %parallel_loop3A_1179, %parallel_loop3A_1182 : vector<16xf32>
      %parallel_loop3A_1185 = math.exp %parallel_loop3A_1184 : vector<16xf32>
      %parallel_loop3A_1186 = arith.constant 1.000000e+00 : f32
      %parallel_loop3A_1187 = vector.broadcast %parallel_loop3A_1186 : f32 to vector<16xf32>
      %parallel_loop3A_1188 = arith.addf %parallel_loop3A_1185, %parallel_loop3A_1187 : vector<16xf32>
      %parallel_loop3A_1189 = arith.constant 1.000000e+00 : f32
      %parallel_loop3A_1190 = vector.broadcast %parallel_loop3A_1189 : f32 to vector<16xf32>
      %parallel_loop3A_1191 = arith.divf %parallel_loop3A_1190, %parallel_loop3A_1188 : vector<16xf32>
      %parallel_loop3A_1192 = arith.addf %parallel_loop3A_1180, %parallel_loop3A_1183 : vector<16xf32>
      %parallel_loop3A_1193 = math.exp %parallel_loop3A_1192 : vector<16xf32>
      %parallel_loop3A_1194 = arith.constant 1.000000e+00 : f32
      %parallel_loop3A_1195 = vector.broadcast %parallel_loop3A_1194 : f32 to vector<16xf32>
      %parallel_loop3A_1196 = arith.addf %parallel_loop3A_1193, %parallel_loop3A_1195 : vector<16xf32>
      %parallel_loop3A_1197 = arith.constant 1.000000e+00 : f32
      %parallel_loop3A_1198 = vector.broadcast %parallel_loop3A_1197 : f32 to vector<16xf32>
      %parallel_loop3A_1199 = arith.divf %parallel_loop3A_1198, %parallel_loop3A_1196 : vector<16xf32>
      %parallel_loop3A_1200 = tpu.vector_load_idx %arg7[%broadcast_in_dim3A_15, %parallel_loop3A_1123] : memref<8x10000xi32, #tpu.memory_space<vmem>>[vector<16xi32>, vector<16xi32>], vector<16xi32>,
      %parallel_loop3A_1201 = tpu.vector_load_idx %arg7[%broadcast_in_dim3A_23, %parallel_loop3A_1127] : memref<8x10000xi32, #tpu.memory_space<vmem>>[vector<16xi32>, vector<16xi32>], vector<16xi32>,
      %parallel_loop3A_1202 = vector.bitcast %parallel_loop3A_1200 : vector<16xi32> to vector<32xbf16>
      %parallel_loop3A_1203 = tpu.unpack_subelements %parallel_loop3A_1202, 0 {pack_format = #tpu.pack_format<interleaved>} : vector<32xbf16> -> vector<16xf32>
      %parallel_loop3A_1204 = tpu.unpack_subelements %parallel_loop3A_1202, 1 {pack_format = #tpu.pack_format<interleaved>} : vector<32xbf16> -> vector<16xf32>
      %parallel_loop3A_1205 = vector.bitcast %parallel_loop3A_1201 : vector<16xi32> to vector<32xbf16>
      %parallel_loop3A_1206 = tpu.unpack_subelements %parallel_loop3A_1205, 0 {pack_format = #tpu.pack_format<interleaved>} : vector<32xbf16> -> vector<16xf32>
      %parallel_loop3A_1207 = tpu.unpack_subelements %parallel_loop3A_1205, 1 {pack_format = #tpu.pack_format<interleaved>} : vector<32xbf16> -> vector<16xf32>
      %parallel_loop3A_1208 = arith.addf %parallel_loop3A_1203, %parallel_loop3A_1206 : vector<16xf32>
      %parallel_loop3A_1209 = math.exp %parallel_loop3A_1208 : vector<16xf32>
      %parallel_loop3A_1210 = arith.constant 1.000000e+00 : f32
      %parallel_loop3A_1211 = vector.broadcast %parallel_loop3A_1210 : f32 to vector<16xf32>
      %parallel_loop3A_1212 = arith.addf %parallel_loop3A_1209, %parallel_loop3A_1211 : vector<16xf32>
      %parallel_loop3A_1213 = arith.constant 1.000000e+00 : f32
      %parallel_loop3A_1214 = vector.broadcast %parallel_loop3A_1213 : f32 to vector<16xf32>
      %parallel_loop3A_1215 = arith.divf %parallel_loop3A_1214, %parallel_loop3A_1212 : vector<16xf32>
      %parallel_loop3A_1216 = arith.addf %parallel_loop3A_1204, %parallel_loop3A_1207 : vector<16xf32>
      %parallel_loop3A_1217 = math.exp %parallel_loop3A_1216 : vector<16xf32>
      %parallel_loop3A_1218 = arith.constant 1.000000e+00 : f32
      %parallel_loop3A_1219 = vector.broadcast %parallel_loop3A_1218 : f32 to vector<16xf32>
      %parallel_loop3A_1220 = arith.addf %parallel_loop3A_1217, %parallel_loop3A_1219 : vector<16xf32>
      %parallel_loop3A_1221 = arith.constant 1.000000e+00 : f32
      %parallel_loop3A_1222 = vector.broadcast %parallel_loop3A_1221 : f32 to vector<16xf32>
      %parallel_loop3A_1223 = arith.divf %parallel_loop3A_1222, %parallel_loop3A_1220 : vector<16xf32>
      %parallel_loop3A_1224 = arith.constant 1 : i32
      %parallel_loop3A_1225 = arith.addi %parallel_loop3A_1119, %parallel_loop3A_1224 : i32
      %parallel_loop3A_1226 = arith.constant 16 : i32
      %parallel_loop3A_1227 = arith.muli %parallel_loop3A_1225, %parallel_loop3A_1226 : i32
      %parallel_loop3A_1228 = arith.index_cast %parallel_loop3A_1227 : i32 to index
      %parallel_loop3A_1229 = tpu.vector_load %arg8[%parallel_loop3A_1228] {strides = array<i32>} : memref<10000xi32, #tpu.memory_space<vmem>>, vector<16xi32>,
      %parallel_loop3A_1230 = arith.constant 16 : i32
      %parallel_loop3A_1231 = arith.muli %parallel_loop3A_1225, %parallel_loop3A_1230 : i32
      %parallel_loop3A_1232 = arith.index_cast %parallel_loop3A_1231 : i32 to index
      %parallel_loop3A_1233 = tpu.vector_load %arg9[%parallel_loop3A_1232] {strides = array<i32>} : memref<10000xi32, #tpu.memory_space<vmem>>, vector<16xi32>,
      %parallel_loop3A_1234 = tpu.vector_load_idx %arg7[%broadcast_in_dim3A_9, %parallel_loop3A_1229] : memref<8x10000xi32, #tpu.memory_space<vmem>>[vector<16xi32>, vector<16xi32>], vector<16xi32>,
      %parallel_loop3A_1235 = tpu.vector_load_idx %arg7[%broadcast_in_dim3A_17, %parallel_loop3A_1233] : memref<8x10000xi32, #tpu.memory_space<vmem>>[vector<16xi32>, vector<16xi32>], vector<16xi32>,
      %parallel_loop3A_1236 = vector.bitcast %parallel_loop3A_1234 : vector<16xi32> to vector<32xbf16>
      %parallel_loop3A_1237 = tpu.unpack_subelements %parallel_loop3A_1236, 0 {pack_format = #tpu.pack_format<interleaved>} : vector<32xbf16> -> vector<16xf32>
      %parallel_loop3A_1238 = tpu.unpack_subelements %parallel_loop3A_1236, 1 {pack_format = #tpu.pack_format<interleaved>} : vector<32xbf16> -> vector<16xf32>
      %parallel_loop3A_1239 = vector.bitcast %parallel_loop3A_1235 : vector<16xi32> to vector<32xbf16>
      %parallel_loop3A_1240 = tpu.unpack_subelements %parallel_loop3A_1239, 0 {pack_format = #tpu.pack_format<interleaved>} : vector<32xbf16> -> vector<16xf32>
      %parallel_loop3A_1241 = tpu.unpack_subelements %parallel_loop3A_1239, 1 {pack_format = #tpu.pack_format<interleaved>} : vector<32xbf16> -> vector<16xf32>
      %parallel_loop3A_1242 = arith.addf %parallel_loop3A_1237, %parallel_loop3A_1240 : vector<16xf32>
      %parallel_loop3A_1243 = math.exp %parallel_loop3A_1242 : vector<16xf32>
      %parallel_loop3A_1244 = arith.constant 1.000000e+00 : f32
      %parallel_loop3A_1245 = vector.broadcast %parallel_loop3A_1244 : f32 to vector<16xf32>
      %parallel_loop3A_1246 = arith.addf %parallel_loop3A_1243, %parallel_loop3A_1245 : vector<16xf32>
      %parallel_loop3A_1247 = arith.constant 1.000000e+00 : f32
      %parallel_loop3A_1248 = vector.broadcast %parallel_loop3A_1247 : f32 to vector<16xf32>
      %parallel_loop3A_1249 = arith.divf %parallel_loop3A_1248, %parallel_loop3A_1246 : vector<16xf32>
      %parallel_loop3A_1250 = arith.addf %parallel_loop3A_1238, %parallel_loop3A_1241 : vector<16xf32>
      %parallel_loop3A_1251 = math.exp %parallel_loop3A_1250 : vector<16xf32>
      %parallel_loop3A_1252 = arith.constant 1.000000e+00 : f32
      %parallel_loop3A_1253 = vector.broadcast %parallel_loop3A_1252 : f32 to vector<16xf32>
      %parallel_loop3A_1254 = arith.addf %parallel_loop3A_1251, %parallel_loop3A_1253 : vector<16xf32>
      %parallel_loop3A_1255 = arith.constant 1.000000e+00 : f32
      %parallel_loop3A_1256 = vector.broadcast %parallel_loop3A_1255 : f32 to vector<16xf32>
      %parallel_loop3A_1257 = arith.divf %parallel_loop3A_1256, %parallel_loop3A_1254 : vector<16xf32>
      %parallel_loop3A_1258 = tpu.vector_load_idx %arg7[%broadcast_in_dim3A_11, %parallel_loop3A_1229] : memref<8x10000xi32, #tpu.memory_space<vmem>>[vector<16xi32>, vector<16xi32>], vector<16xi32>,
      %parallel_loop3A_1259 = tpu.vector_load_idx %arg7[%broadcast_in_dim3A_19, %parallel_loop3A_1233] : memref<8x10000xi32, #tpu.memory_space<vmem>>[vector<16xi32>, vector<16xi32>], vector<16xi32>,
      %parallel_loop3A_1260 = vector.bitcast %parallel_loop3A_1258 : vector<16xi32> to vector<32xbf16>
      %parallel_loop3A_1261 = tpu.unpack_subelements %parallel_loop3A_1260, 0 {pack_format = #tpu.pack_format<interleaved>} : vector<32xbf16> -> vector<16xf32>
      %parallel_loop3A_1262 = tpu.unpack_subelements %parallel_loop3A_1260, 1 {pack_format = #tpu.pack_format<interleaved>} : vector<32xbf16> -> vector<16xf32>
      %parallel_loop3A_1263 = vector.bitcast %parallel_loop3A_1259 : vector<16xi32> to vector<32xbf16>
      %parallel_loop3A_1264 = tpu.unpack_subelements %parallel_loop3A_1263, 0 {pack_format = #tpu.pack_format<interleaved>} : vector<32xbf16> -> vector<16xf32>
      %parallel_loop3A_1265 = tpu.unpack_subelements %parallel_loop3A_1263, 1 {pack_format = #tpu.pack_format<interleaved>} : vector<32xbf16> -> vector<16xf32>
      %parallel_loop3A_1266 = arith.addf %parallel_loop3A_1261, %parallel_loop3A_1264 : vector<16xf32>
      %parallel_loop3A_1267 = math.exp %parallel_loop3A_1266 : vector<16xf32>
      %parallel_loop3A_1268 = arith.constant 1.000000e+00 : f32
      %parallel_loop3A_1269 = vector.broadcast %parallel_loop3A_1268 : f32 to vector<16xf32>
      %parallel_loop3A_1270 = arith.addf %parallel_loop3A_1267, %parallel_loop3A_1269 : vector<16xf32>
      %parallel_loop3A_1271 = arith.constant 1.000000e+00 : f32
      %parallel_loop3A_1272 = vector.broadcast %parallel_loop3A_1271 : f32 to vector<16xf32>
      %parallel_loop3A_1273 = arith.divf %parallel_loop3A_1272, %parallel_loop3A_1270 : vector<16xf32>
      %parallel_loop3A_1274 = arith.addf %parallel_loop3A_1262, %parallel_loop3A_1265 : vector<16xf32>
      %parallel_loop3A_1275 = math.exp %parallel_loop3A_1274 : vector<16xf32>
      %parallel_loop3A_1276 = arith.constant 1.000000e+00 : f32
      %parallel_loop3A_1277 = vector.broadcast %parallel_loop3A_1276 : f32 to vector<16xf32>
      %parallel_loop3A_1278 = arith.addf %parallel_loop3A_1275, %parallel_loop3A_1277 : vector<16xf32>
      %parallel_loop3A_1279 = arith.constant 1.000000e+00 : f32
      %parallel_loop3A_1280 = vector.broadcast %parallel_loop3A_1279 : f32 to vector<16xf32>
      %parallel_loop3A_1281 = arith.divf %parallel_loop3A_1280, %parallel_loop3A_1278 : vector<16xf32>
      %parallel_loop3A_1282 = tpu.vector_load_idx %arg7[%broadcast_in_dim3A_13, %parallel_loop3A_1229] : memref<8x10000xi32, #tpu.memory_space<vmem>>[vector<16xi32>, vector<16xi32>], vector<16xi32>,
      %parallel_loop3A_1283 = tpu.vector_load_idx %arg7[%broadcast_in_dim3A_21, %parallel_loop3A_1233] : memref<8x10000xi32, #tpu.memory_space<vmem>>[vector<16xi32>, vector<16xi32>], vector<16xi32>,
      %parallel_loop3A_1284 = vector.bitcast %parallel_loop3A_1282 : vector<16xi32> to vector<32xbf16>
      %parallel_loop3A_1285 = tpu.unpack_subelements %parallel_loop3A_1284, 0 {pack_format = #tpu.pack_format<interleaved>} : vector<32xbf16> -> vector<16xf32>
      %parallel_loop3A_1286 = tpu.unpack_subelements %parallel_loop3A_1284, 1 {pack_format = #tpu.pack_format<interleaved>} : vector<32xbf16> -> vector<16xf32>
      %parallel_loop3A_1287 = vector.bitcast %parallel_loop3A_1283 : vector<16xi32> to vector<32xbf16>
      %parallel_loop3A_1288 = tpu.unpack_subelements %parallel_loop3A_1287, 0 {pack_format = #tpu.pack_format<interleaved>} : vector<32xbf16> -> vector<16xf32>
      %parallel_loop3A_1289 = tpu.unpack_subelements %parallel_loop3A_1287, 1 {pack_format = #tpu.pack_format<interleaved>} : vector<32xbf16> -> vector<16xf32>
      %parallel_loop3A_1290 = arith.addf %parallel_loop3A_1285, %parallel_loop3A_1288 : vector<16xf32>
      %parallel_loop3A_1291 = math.exp %parallel_loop3A_1290 : vector<16xf32>
      %parallel_loop3A_1292 = arith.constant 1.000000e+00 : f32
      %parallel_loop3A_1293 = vector.broadcast %parallel_loop3A_1292 : f32 to vector<16xf32>
      %parallel_loop3A_1294 = arith.addf %parallel_loop3A_1291, %parallel_loop3A_1293 : vector<16xf32>
      %parallel_loop3A_1295 = arith.constant 1.000000e+00 : f32
      %parallel_loop3A_1296 = vector.broadcast %parallel_loop3A_1295 : f32 to vector<16xf32>
      %parallel_loop3A_1297 = arith.divf %parallel_loop3A_1296, %parallel_loop3A_1294 : vector<16xf32>
      %parallel_loop3A_1298 = arith.addf %parallel_loop3A_1286, %parallel_loop3A_1289 : vector<16xf32>
      %parallel_loop3A_1299 = math.exp %parallel_loop3A_1298 : vector<16xf32>
      %parallel_loop3A_1300 = arith.constant 1.000000e+00 : f32
      %parallel_loop3A_1301 = vector.broadcast %parallel_loop3A_1300 : f32 to vector<16xf32>
      %parallel_loop3A_1302 = arith.addf %parallel_loop3A_1299, %parallel_loop3A_1301 : vector<16xf32>
      %parallel_loop3A_1303 = arith.constant 1.000000e+00 : f32
      %parallel_loop3A_1304 = vector.broadcast %parallel_loop3A_1303 : f32 to vector<16xf32>
      %parallel_loop3A_1305 = arith.divf %parallel_loop3A_1304, %parallel_loop3A_1302 : vector<16xf32>
      %parallel_loop3A_1306 = tpu.vector_load_idx %arg7[%broadcast_in_dim3A_15, %parallel_loop3A_1229] : memref<8x10000xi32, #tpu.memory_space<vmem>>[vector<16xi32>, vector<16xi32>], vector<16xi32>,
      %parallel_loop3A_1307 = tpu.vector_load_idx %arg7[%broadcast_in_dim3A_23, %parallel_loop3A_1233] : memref<8x10000xi32, #tpu.memory_space<vmem>>[vector<16xi32>, vector<16xi32>], vector<16xi32>,
      %parallel_loop3A_1308 = vector.bitcast %parallel_loop3A_1306 : vector<16xi32> to vector<32xbf16>
      %parallel_loop3A_1309 = tpu.unpack_subelements %parallel_loop3A_1308, 0 {pack_format = #tpu.pack_format<interleaved>} : vector<32xbf16> -> vector<16xf32>
      %parallel_loop3A_1310 = tpu.unpack_subelements %parallel_loop3A_1308, 1 {pack_format = #tpu.pack_format<interleaved>} : vector<32xbf16> -> vector<16xf32>
      %parallel_loop3A_1311 = vector.bitcast %parallel_loop3A_1307 : vector<16xi32> to vector<32xbf16>
      %parallel_loop3A_1312 = tpu.unpack_subelements %parallel_loop3A_1311, 0 {pack_format = #tpu.pack_format<interleaved>} : vector<32xbf16> -> vector<16xf32>
      %parallel_loop3A_1313 = tpu.unpack_subelements %parallel_loop3A_1311, 1 {pack_format = #tpu.pack_format<interleaved>} : vector<32xbf16> -> vector<16xf32>
      %parallel_loop3A_1314 = arith.addf %parallel_loop3A_1309, %parallel_loop3A_1312 : vector<16xf32>
      %parallel_loop3A_1315 = math.exp %parallel_loop3A_1314 : vector<16xf32>
      %parallel_loop3A_1316 = arith.constant 1.000000e+00 : f32
      %parallel_loop3A_1317 = vector.broadcast %parallel_loop3A_1316 : f32 to vector<16xf32>
      %parallel_loop3A_1318 = arith.addf %parallel_loop3A_1315, %parallel_loop3A_1317 : vector<16xf32>
      %parallel_loop3A_1319 = arith.constant 1.000000e+00 : f32
      %parallel_loop3A_1320 = vector.broadcast %parallel_loop3A_1319 : f32 to vector<16xf32>
      %parallel_loop3A_1321 = arith.divf %parallel_loop3A_1320, %parallel_loop3A_1318 : vector<16xf32>
      %parallel_loop3A_1322 = arith.addf %parallel_loop3A_1310, %parallel_loop3A_1313 : vector<16xf32>
      %parallel_loop3A_1323 = math.exp %parallel_loop3A_1322 : vector<16xf32>
      %parallel_loop3A_1324 = arith.constant 1.000000e+00 : f32
      %parallel_loop3A_1325 = vector.broadcast %parallel_loop3A_1324 : f32 to vector<16xf32>
      %parallel_loop3A_1326 = arith.addf %parallel_loop3A_1323, %parallel_loop3A_1325 : vector<16xf32>
      %parallel_loop3A_1327 = arith.constant 1.000000e+00 : f32
      %parallel_loop3A_1328 = vector.broadcast %parallel_loop3A_1327 : f32 to vector<16xf32>
      %parallel_loop3A_1329 = arith.divf %parallel_loop3A_1328, %parallel_loop3A_1326 : vector<16xf32>
      %parallel_loop3A_1330 = arith.constant 136 : i32
      %parallel_loop3A_1331 = arith.index_cast %parallel_loop3A_1330 : i32 to index
      %parallel_loop3A_1332 = arith.constant 0 : index
      %parallel_loop3A_1333 = tpu.vector_load %arg11[%parallel_loop3A_1331, %parallel_loop3A_1332] {strides = array<i32>} : memref<160x16xf32, #tpu.memory_space<vmem>>, vector<16xf32>,
      %parallel_loop3A_1334 = arith.constant 0 : i32
      %parallel_loop3A_1335 = arith.index_cast %parallel_loop3A_1334 : i32 to index
      %parallel_loop3A_1336 = arith.constant 0 : index
      %parallel_loop3A_1337 = tpu.vector_load %arg11[%parallel_loop3A_1335, %parallel_loop3A_1336] {strides = array<i32>} : memref<160x16xf32, #tpu.memory_space<vmem>>, vector<16xf32>,
      %parallel_loop3A_1338 = arith.mulf %parallel_loop3A_1143, %parallel_loop3A_1337 : vector<16xf32>
      %parallel_loop3A_1339 = arith.addf %parallel_loop3A_1333, %parallel_loop3A_1338 : vector<16xf32>
      %parallel_loop3A_1340 = arith.mulf %parallel_loop3A_1249, %parallel_loop3A_1337 : vector<16xf32>
      %parallel_loop3A_1341 = arith.addf %parallel_loop3A_1333, %parallel_loop3A_1340 : vector<16xf32>
      %parallel_loop3A_1342 = arith.constant 8 : i32
      %parallel_loop3A_1343 = arith.index_cast %parallel_loop3A_1342 : i32 to index
      %parallel_loop3A_1344 = arith.constant 0 : index
      %parallel_loop3A_1345 = tpu.vector_load %arg11[%parallel_loop3A_1343, %parallel_loop3A_1344] {strides = array<i32>} : memref<160x16xf32, #tpu.memory_space<vmem>>, vector<16xf32>,
      %parallel_loop3A_1346 = arith.mulf %parallel_loop3A_1151, %parallel_loop3A_1345 : vector<16xf32>
      %parallel_loop3A_1347 = arith.addf %parallel_loop3A_1339, %parallel_loop3A_1346 : vector<16xf32>
      %parallel_loop3A_1348 = arith.mulf %parallel_loop3A_1257, %parallel_loop3A_1345 : vector<16xf32>
      %parallel_loop3A_1349 = arith.addf %parallel_loop3A_1341, %parallel_loop3A_1348 : vector<16xf32>
      %parallel_loop3A_1350 = arith.constant 16 : i32
      %parallel_loop3A_1351 = arith.index_cast %parallel_loop3A_1350 : i32 to index
      %parallel_loop3A_1352 = arith.constant 0 : index
      %parallel_loop3A_1353 = tpu.vector_load %arg11[%parallel_loop3A_1351, %parallel_loop3A_1352] {strides = array<i32>} : memref<160x16xf32, #tpu.memory_space<vmem>>, vector<16xf32>,
      %parallel_loop3A_1354 = arith.mulf %parallel_loop3A_1167, %parallel_loop3A_1353 : vector<16xf32>
      %parallel_loop3A_1355 = arith.addf %parallel_loop3A_1347, %parallel_loop3A_1354 : vector<16xf32>
      %parallel_loop3A_1356 = arith.mulf %parallel_loop3A_1273, %parallel_loop3A_1353 : vector<16xf32>
      %parallel_loop3A_1357 = arith.addf %parallel_loop3A_1349, %parallel_loop3A_1356 : vector<16xf32>
      %parallel_loop3A_1358 = arith.constant 24 : i32
      %parallel_loop3A_1359 = arith.index_cast %parallel_loop3A_1358 : i32 to index
      %parallel_loop3A_1360 = arith.constant 0 : index
      %parallel_loop3A_1361 = tpu.vector_load %arg11[%parallel_loop3A_1359, %parallel_loop3A_1360] {strides = array<i32>} : memref<160x16xf32, #tpu.memory_space<vmem>>, vector<16xf32>,
      %parallel_loop3A_1362 = arith.mulf %parallel_loop3A_1175, %parallel_loop3A_1361 : vector<16xf32>
      %parallel_loop3A_1363 = arith.addf %parallel_loop3A_1355, %parallel_loop3A_1362 : vector<16xf32>
      %parallel_loop3A_1364 = arith.mulf %parallel_loop3A_1281, %parallel_loop3A_1361 : vector<16xf32>
      %parallel_loop3A_1365 = arith.addf %parallel_loop3A_1357, %parallel_loop3A_1364 : vector<16xf32>
      %parallel_loop3A_1366 = arith.constant 32 : i32
      %parallel_loop3A_1367 = arith.index_cast %parallel_loop3A_1366 : i32 to index
      %parallel_loop3A_1368 = arith.constant 0 : index
      %parallel_loop3A_1369 = tpu.vector_load %arg11[%parallel_loop3A_1367, %parallel_loop3A_1368] {strides = array<i32>} : memref<160x16xf32, #tpu.memory_space<vmem>>, vector<16xf32>,
      %parallel_loop3A_1370 = arith.mulf %parallel_loop3A_1191, %parallel_loop3A_1369 : vector<16xf32>
      %parallel_loop3A_1371 = arith.addf %parallel_loop3A_1363, %parallel_loop3A_1370 : vector<16xf32>
      %parallel_loop3A_1372 = arith.mulf %parallel_loop3A_1297, %parallel_loop3A_1369 : vector<16xf32>
      %parallel_loop3A_1373 = arith.addf %parallel_loop3A_1365, %parallel_loop3A_1372 : vector<16xf32>
      %parallel_loop3A_1374 = arith.constant 40 : i32
      %parallel_loop3A_1375 = arith.index_cast %parallel_loop3A_1374 : i32 to index
      %parallel_loop3A_1376 = arith.constant 0 : index
      %parallel_loop3A_1377 = tpu.vector_load %arg11[%parallel_loop3A_1375, %parallel_loop3A_1376] {strides = array<i32>} : memref<160x16xf32, #tpu.memory_space<vmem>>, vector<16xf32>,
      %parallel_loop3A_1378 = arith.mulf %parallel_loop3A_1199, %parallel_loop3A_1377 : vector<16xf32>
      %parallel_loop3A_1379 = arith.addf %parallel_loop3A_1371, %parallel_loop3A_1378 : vector<16xf32>
      %parallel_loop3A_1380 = arith.mulf %parallel_loop3A_1305, %parallel_loop3A_1377 : vector<16xf32>
      %parallel_loop3A_1381 = arith.addf %parallel_loop3A_1373, %parallel_loop3A_1380 : vector<16xf32>
      %parallel_loop3A_1382 = arith.constant 48 : i32
      %parallel_loop3A_1383 = arith.index_cast %parallel_loop3A_1382 : i32 to index
      %parallel_loop3A_1384 = arith.constant 0 : index
      %parallel_loop3A_1385 = tpu.vector_load %arg11[%parallel_loop3A_1383, %parallel_loop3A_1384] {strides = array<i32>} : memref<160x16xf32, #tpu.memory_space<vmem>>, vector<16xf32>,
      %parallel_loop3A_1386 = arith.mulf %parallel_loop3A_1215, %parallel_loop3A_1385 : vector<16xf32>
      %parallel_loop3A_1387 = arith.addf %parallel_loop3A_1379, %parallel_loop3A_1386 : vector<16xf32>
      %parallel_loop3A_1388 = arith.mulf %parallel_loop3A_1321, %parallel_loop3A_1385 : vector<16xf32>
      %parallel_loop3A_1389 = arith.addf %parallel_loop3A_1381, %parallel_loop3A_1388 : vector<16xf32>
      %parallel_loop3A_1390 = arith.constant 56 : i32
      %parallel_loop3A_1391 = arith.index_cast %parallel_loop3A_1390 : i32 to index
      %parallel_loop3A_1392 = arith.constant 0 : index
      %parallel_loop3A_1393 = tpu.vector_load %arg11[%parallel_loop3A_1391, %parallel_loop3A_1392] {strides = array<i32>} : memref<160x16xf32, #tpu.memory_space<vmem>>, vector<16xf32>,
      %parallel_loop3A_1394 = arith.mulf %parallel_loop3A_1223, %parallel_loop3A_1393 : vector<16xf32>
      %parallel_loop3A_1395 = arith.addf %parallel_loop3A_1387, %parallel_loop3A_1394 : vector<16xf32>
      %parallel_loop3A_1396 = arith.mulf %parallel_loop3A_1329, %parallel_loop3A_1393 : vector<16xf32>
      %parallel_loop3A_1397 = arith.addf %parallel_loop3A_1389, %parallel_loop3A_1396 : vector<16xf32>
      %parallel_loop3A_1398 = math.exp %parallel_loop3A_1395 : vector<16xf32>
      %parallel_loop3A_1399 = arith.constant 1.000000e+00 : f32
      %parallel_loop3A_1400 = vector.broadcast %parallel_loop3A_1399 : f32 to vector<16xf32>
      %parallel_loop3A_1401 = arith.addf %parallel_loop3A_1398, %parallel_loop3A_1400 : vector<16xf32>
      %parallel_loop3A_1402 = arith.constant 1.000000e+00 : f32
      %parallel_loop3A_1403 = vector.broadcast %parallel_loop3A_1402 : f32 to vector<16xf32>
      %parallel_loop3A_1404 = arith.divf %parallel_loop3A_1403, %parallel_loop3A_1401 : vector<16xf32>
      %parallel_loop3A_1405 = math.exp %parallel_loop3A_1397 : vector<16xf32>
      %parallel_loop3A_1406 = arith.constant 1.000000e+00 : f32
      %parallel_loop3A_1407 = vector.broadcast %parallel_loop3A_1406 : f32 to vector<16xf32>
      %parallel_loop3A_1408 = arith.addf %parallel_loop3A_1405, %parallel_loop3A_1407 : vector<16xf32>
      %parallel_loop3A_1409 = arith.constant 1.000000e+00 : f32
      %parallel_loop3A_1410 = vector.broadcast %parallel_loop3A_1409 : f32 to vector<16xf32>
      %parallel_loop3A_1411 = arith.divf %parallel_loop3A_1410, %parallel_loop3A_1408 : vector<16xf32>
      %parallel_loop3A_1412 = arith.constant 137 : i32
      %parallel_loop3A_1413 = arith.index_cast %parallel_loop3A_1412 : i32 to index
      %parallel_loop3A_1414 = arith.constant 0 : index
      %parallel_loop3A_1415 = tpu.vector_load %arg11[%parallel_loop3A_1413, %parallel_loop3A_1414] {strides = array<i32>} : memref<160x16xf32, #tpu.memory_space<vmem>>, vector<16xf32>,
      %parallel_loop3A_1416 = arith.constant 1 : i32
      %parallel_loop3A_1417 = arith.index_cast %parallel_loop3A_1416 : i32 to index
      %parallel_loop3A_1418 = arith.constant 0 : index
      %parallel_loop3A_1419 = tpu.vector_load %arg11[%parallel_loop3A_1417, %parallel_loop3A_1418] {strides = array<i32>} : memref<160x16xf32, #tpu.memory_space<vmem>>, vector<16xf32>,
      %parallel_loop3A_1420 = arith.mulf %parallel_loop3A_1143, %parallel_loop3A_1419 : vector<16xf32>
      %parallel_loop3A_1421 = arith.addf %parallel_loop3A_1415, %parallel_loop3A_1420 : vector<16xf32>
      %parallel_loop3A_1422 = arith.mulf %parallel_loop3A_1249, %parallel_loop3A_1419 : vector<16xf32>
      %parallel_loop3A_1423 = arith.addf %parallel_loop3A_1415, %parallel_loop3A_1422 : vector<16xf32>
      %parallel_loop3A_1424 = arith.constant 9 : i32
      %parallel_loop3A_1425 = arith.index_cast %parallel_loop3A_1424 : i32 to index
      %parallel_loop3A_1426 = arith.constant 0 : index
      %parallel_loop3A_1427 = tpu.vector_load %arg11[%parallel_loop3A_1425, %parallel_loop3A_1426] {strides = array<i32>} : memref<160x16xf32, #tpu.memory_space<vmem>>, vector<16xf32>,
      %parallel_loop3A_1428 = arith.mulf %parallel_loop3A_1151, %parallel_loop3A_1427 : vector<16xf32>
      %parallel_loop3A_1429 = arith.addf %parallel_loop3A_1421, %parallel_loop3A_1428 : vector<16xf32>
      %parallel_loop3A_1430 = arith.mulf %parallel_loop3A_1257, %parallel_loop3A_1427 : vector<16xf32>
      %parallel_loop3A_1431 = arith.addf %parallel_loop3A_1423, %parallel_loop3A_1430 : vector<16xf32>
      %parallel_loop3A_1432 = arith.constant 17 : i32
      %parallel_loop3A_1433 = arith.index_cast %parallel_loop3A_1432 : i32 to index
      %parallel_loop3A_1434 = arith.constant 0 : index
      %parallel_loop3A_1435 = tpu.vector_load %arg11[%parallel_loop3A_1433, %parallel_loop3A_1434] {strides = array<i32>} : memref<160x16xf32, #tpu.memory_space<vmem>>, vector<16xf32>,
      %parallel_loop3A_1436 = arith.mulf %parallel_loop3A_1167, %parallel_loop3A_1435 : vector<16xf32>
      %parallel_loop3A_1437 = arith.addf %parallel_loop3A_1429, %parallel_loop3A_1436 : vector<16xf32>
      %parallel_loop3A_1438 = arith.mulf %parallel_loop3A_1273, %parallel_loop3A_1435 : vector<16xf32>
      %parallel_loop3A_1439 = arith.addf %parallel_loop3A_1431, %parallel_loop3A_1438 : vector<16xf32>
      %parallel_loop3A_1440 = arith.constant 25 : i32
      %parallel_loop3A_1441 = arith.index_cast %parallel_loop3A_1440 : i32 to index
      %parallel_loop3A_1442 = arith.constant 0 : index
      %parallel_loop3A_1443 = tpu.vector_load %arg11[%parallel_loop3A_1441, %parallel_loop3A_1442] {strides = array<i32>} : memref<160x16xf32, #tpu.memory_space<vmem>>, vector<16xf32>,
      %parallel_loop3A_1444 = arith.mulf %parallel_loop3A_1175, %parallel_loop3A_1443 : vector<16xf32>
      %parallel_loop3A_1445 = arith.addf %parallel_loop3A_1437, %parallel_loop3A_1444 : vector<16xf32>
      %parallel_loop3A_1446 = arith.mulf %parallel_loop3A_1281, %parallel_loop3A_1443 : vector<16xf32>
      %parallel_loop3A_1447 = arith.addf %parallel_loop3A_1439, %parallel_loop3A_1446 : vector<16xf32>
      %parallel_loop3A_1448 = arith.constant 33 : i32
      %parallel_loop3A_1449 = arith.index_cast %parallel_loop3A_1448 : i32 to index
      %parallel_loop3A_1450 = arith.constant 0 : index
      %parallel_loop3A_1451 = tpu.vector_load %arg11[%parallel_loop3A_1449, %parallel_loop3A_1450] {strides = array<i32>} : memref<160x16xf32, #tpu.memory_space<vmem>>, vector<16xf32>,
      %parallel_loop3A_1452 = arith.mulf %parallel_loop3A_1191, %parallel_loop3A_1451 : vector<16xf32>
      %parallel_loop3A_1453 = arith.addf %parallel_loop3A_1445, %parallel_loop3A_1452 : vector<16xf32>
      %parallel_loop3A_1454 = arith.mulf %parallel_loop3A_1297, %parallel_loop3A_1451 : vector<16xf32>
      %parallel_loop3A_1455 = arith.addf %parallel_loop3A_1447, %parallel_loop3A_1454 : vector<16xf32>
      %parallel_loop3A_1456 = arith.constant 41 : i32
      %parallel_loop3A_1457 = arith.index_cast %parallel_loop3A_1456 : i32 to index
      %parallel_loop3A_1458 = arith.constant 0 : index
      %parallel_loop3A_1459 = tpu.vector_load %arg11[%parallel_loop3A_1457, %parallel_loop3A_1458] {strides = array<i32>} : memref<160x16xf32, #tpu.memory_space<vmem>>, vector<16xf32>,
      %parallel_loop3A_1460 = arith.mulf %parallel_loop3A_1199, %parallel_loop3A_1459 : vector<16xf32>
      %parallel_loop3A_1461 = arith.addf %parallel_loop3A_1453, %parallel_loop3A_1460 : vector<16xf32>
      %parallel_loop3A_1462 = arith.mulf %parallel_loop3A_1305, %parallel_loop3A_1459 : vector<16xf32>
      %parallel_loop3A_1463 = arith.addf %parallel_loop3A_1455, %parallel_loop3A_1462 : vector<16xf32>
      %parallel_loop3A_1464 = arith.constant 49 : i32
      %parallel_loop3A_1465 = arith.index_cast %parallel_loop3A_1464 : i32 to index
      %parallel_loop3A_1466 = arith.constant 0 : index
      %parallel_loop3A_1467 = tpu.vector_load %arg11[%parallel_loop3A_1465, %parallel_loop3A_1466] {strides = array<i32>} : memref<160x16xf32, #tpu.memory_space<vmem>>, vector<16xf32>,
      %parallel_loop3A_1468 = arith.mulf %parallel_loop3A_1215, %parallel_loop3A_1467 : vector<16xf32>
      %parallel_loop3A_1469 = arith.addf %parallel_loop3A_1461, %parallel_loop3A_1468 : vector<16xf32>
      %parallel_loop3A_1470 = arith.mulf %parallel_loop3A_1321, %parallel_loop3A_1467 : vector<16xf32>
      %parallel_loop3A_1471 = arith.addf %parallel_loop3A_1463, %parallel_loop3A_1470 : vector<16xf32>
      %parallel_loop3A_1472 = arith.constant 57 : i32
      %parallel_loop3A_1473 = arith.index_cast %parallel_loop3A_1472 : i32 to index
      %parallel_loop3A_1474 = arith.constant 0 : index
      %parallel_loop3A_1475 = tpu.vector_load %arg11[%parallel_loop3A_1473, %parallel_loop3A_1474] {strides = array<i32>} : memref<160x16xf32, #tpu.memory_space<vmem>>, vector<16xf32>,
      %parallel_loop3A_1476 = arith.mulf %parallel_loop3A_1223, %parallel_loop3A_1475 : vector<16xf32>
      %parallel_loop3A_1477 = arith.addf %parallel_loop3A_1469, %parallel_loop3A_1476 : vector<16xf32>
      %parallel_loop3A_1478 = arith.mulf %parallel_loop3A_1329, %parallel_loop3A_1475 : vector<16xf32>
      %parallel_loop3A_1479 = arith.addf %parallel_loop3A_1471, %parallel_loop3A_1478 : vector<16xf32>
      %parallel_loop3A_1480 = math.exp %parallel_loop3A_1477 : vector<16xf32>
      %parallel_loop3A_1481 = arith.constant 1.000000e+00 : f32
      %parallel_loop3A_1482 = vector.broadcast %parallel_loop3A_1481 : f32 to vector<16xf32>
      %parallel_loop3A_1483 = arith.addf %parallel_loop3A_1480, %parallel_loop3A_1482 : vector<16xf32>
      %parallel_loop3A_1484 = arith.constant 1.000000e+00 : f32
      %parallel_loop3A_1485 = vector.broadcast %parallel_loop3A_1484 : f32 to vector<16xf32>
      %parallel_loop3A_1486 = arith.divf %parallel_loop3A_1485, %parallel_loop3A_1483 : vector<16xf32>
      %parallel_loop3A_1487 = math.exp %parallel_loop3A_1479 : vector<16xf32>
      %parallel_loop3A_1488 = arith.constant 1.000000e+00 : f32
      %parallel_loop3A_1489 = vector.broadcast %parallel_loop3A_1488 : f32 to vector<16xf32>
      %parallel_loop3A_1490 = arith.addf %parallel_loop3A_1487, %parallel_loop3A_1489 : vector<16xf32>
      %parallel_loop3A_1491 = arith.constant 1.000000e+00 : f32
      %parallel_loop3A_1492 = vector.broadcast %parallel_loop3A_1491 : f32 to vector<16xf32>
      %parallel_loop3A_1493 = arith.divf %parallel_loop3A_1492, %parallel_loop3A_1490 : vector<16xf32>
      %parallel_loop3A_1494 = arith.constant 138 : i32
      %parallel_loop3A_1495 = arith.index_cast %parallel_loop3A_1494 : i32 to index
      %parallel_loop3A_1496 = arith.constant 0 : index
      %parallel_loop3A_1497 = tpu.vector_load %arg11[%parallel_loop3A_1495, %parallel_loop3A_1496] {strides = array<i32>} : memref<160x16xf32, #tpu.memory_space<vmem>>, vector<16xf32>,
      %parallel_loop3A_1498 = arith.constant 2 : i32
      %parallel_loop3A_1499 = arith.index_cast %parallel_loop3A_1498 : i32 to index
      %parallel_loop3A_1500 = arith.constant 0 : index
      %parallel_loop3A_1501 = tpu.vector_load %arg11[%parallel_loop3A_1499, %parallel_loop3A_1500] {strides = array<i32>} : memref<160x16xf32, #tpu.memory_space<vmem>>, vector<16xf32>,
      %parallel_loop3A_1502 = arith.mulf %parallel_loop3A_1143, %parallel_loop3A_1501 : vector<16xf32>
      %parallel_loop3A_1503 = arith.addf %parallel_loop3A_1497, %parallel_loop3A_1502 : vector<16xf32>
      %parallel_loop3A_1504 = arith.mulf %parallel_loop3A_1249, %parallel_loop3A_1501 : vector<16xf32>
      %parallel_loop3A_1505 = arith.addf %parallel_loop3A_1497, %parallel_loop3A_1504 : vector<16xf32>
      %parallel_loop3A_1506 = arith.constant 10 : i32
      %parallel_loop3A_1507 = arith.index_cast %parallel_loop3A_1506 : i32 to index
      %parallel_loop3A_1508 = arith.constant 0 : index
      %parallel_loop3A_1509 = tpu.vector_load %arg11[%parallel_loop3A_1507, %parallel_loop3A_1508] {strides = array<i32>} : memref<160x16xf32, #tpu.memory_space<vmem>>, vector<16xf32>,
      %parallel_loop3A_1510 = arith.mulf %parallel_loop3A_1151, %parallel_loop3A_1509 : vector<16xf32>
      %parallel_loop3A_1511 = arith.addf %parallel_loop3A_1503, %parallel_loop3A_1510 : vector<16xf32>
      %parallel_loop3A_1512 = arith.mulf %parallel_loop3A_1257, %parallel_loop3A_1509 : vector<16xf32>
      %parallel_loop3A_1513 = arith.addf %parallel_loop3A_1505, %parallel_loop3A_1512 : vector<16xf32>
      %parallel_loop3A_1514 = arith.constant 18 : i32
      %parallel_loop3A_1515 = arith.index_cast %parallel_loop3A_1514 : i32 to index
      %parallel_loop3A_1516 = arith.constant 0 : index
      %parallel_loop3A_1517 = tpu.vector_load %arg11[%parallel_loop3A_1515, %parallel_loop3A_1516] {strides = array<i32>} : memref<160x16xf32, #tpu.memory_space<vmem>>, vector<16xf32>,
      %parallel_loop3A_1518 = arith.mulf %parallel_loop3A_1167, %parallel_loop3A_1517 : vector<16xf32>
      %parallel_loop3A_1519 = arith.addf %parallel_loop3A_1511, %parallel_loop3A_1518 : vector<16xf32>
      %parallel_loop3A_1520 = arith.mulf %parallel_loop3A_1273, %parallel_loop3A_1517 : vector<16xf32>
      %parallel_loop3A_1521 = arith.addf %parallel_loop3A_1513, %parallel_loop3A_1520 : vector<16xf32>
      %parallel_loop3A_1522 = arith.constant 26 : i32
      %parallel_loop3A_1523 = arith.index_cast %parallel_loop3A_1522 : i32 to index
      %parallel_loop3A_1524 = arith.constant 0 : index
      %parallel_loop3A_1525 = tpu.vector_load %arg11[%parallel_loop3A_1523, %parallel_loop3A_1524] {strides = array<i32>} : memref<160x16xf32, #tpu.memory_space<vmem>>, vector<16xf32>,
      %parallel_loop3A_1526 = arith.mulf %parallel_loop3A_1175, %parallel_loop3A_1525 : vector<16xf32>
      %parallel_loop3A_1527 = arith.addf %parallel_loop3A_1519, %parallel_loop3A_1526 : vector<16xf32>
      %parallel_loop3A_1528 = arith.mulf %parallel_loop3A_1281, %parallel_loop3A_1525 : vector<16xf32>
      %parallel_loop3A_1529 = arith.addf %parallel_loop3A_1521, %parallel_loop3A_1528 : vector<16xf32>
      %parallel_loop3A_1530 = arith.constant 34 : i32
      %parallel_loop3A_1531 = arith.index_cast %parallel_loop3A_1530 : i32 to index
      %parallel_loop3A_1532 = arith.constant 0 : index
      %parallel_loop3A_1533 = tpu.vector_load %arg11[%parallel_loop3A_1531, %parallel_loop3A_1532] {strides = array<i32>} : memref<160x16xf32, #tpu.memory_space<vmem>>, vector<16xf32>,
      %parallel_loop3A_1534 = arith.mulf %parallel_loop3A_1191, %parallel_loop3A_1533 : vector<16xf32>
      %parallel_loop3A_1535 = arith.addf %parallel_loop3A_1527, %parallel_loop3A_1534 : vector<16xf32>
      %parallel_loop3A_1536 = arith.mulf %parallel_loop3A_1297, %parallel_loop3A_1533 : vector<16xf32>
      %parallel_loop3A_1537 = arith.addf %parallel_loop3A_1529, %parallel_loop3A_1536 : vector<16xf32>
      %parallel_loop3A_1538 = arith.constant 42 : i32
      %parallel_loop3A_1539 = arith.index_cast %parallel_loop3A_1538 : i32 to index
      %parallel_loop3A_1540 = arith.constant 0 : index
      %parallel_loop3A_1541 = tpu.vector_load %arg11[%parallel_loop3A_1539, %parallel_loop3A_1540] {strides = array<i32>} : memref<160x16xf32, #tpu.memory_space<vmem>>, vector<16xf32>,
      %parallel_loop3A_1542 = arith.mulf %parallel_loop3A_1199, %parallel_loop3A_1541 : vector<16xf32>
      %parallel_loop3A_1543 = arith.addf %parallel_loop3A_1535, %parallel_loop3A_1542 : vector<16xf32>
      %parallel_loop3A_1544 = arith.mulf %parallel_loop3A_1305, %parallel_loop3A_1541 : vector<16xf32>
      %parallel_loop3A_1545 = arith.addf %parallel_loop3A_1537, %parallel_loop3A_1544 : vector<16xf32>
      %parallel_loop3A_1546 = arith.constant 50 : i32
      %parallel_loop3A_1547 = arith.index_cast %parallel_loop3A_1546 : i32 to index
      %parallel_loop3A_1548 = arith.constant 0 : index
      %parallel_loop3A_1549 = tpu.vector_load %arg11[%parallel_loop3A_1547, %parallel_loop3A_1548] {strides = array<i32>} : memref<160x16xf32, #tpu.memory_space<vmem>>, vector<16xf32>,
      %parallel_loop3A_1550 = arith.mulf %parallel_loop3A_1215, %parallel_loop3A_1549 : vector<16xf32>
      %parallel_loop3A_1551 = arith.addf %parallel_loop3A_1543, %parallel_loop3A_1550 : vector<16xf32>
      %parallel_loop3A_1552 = arith.mulf %parallel_loop3A_1321, %parallel_loop3A_1549 : vector<16xf32>
      %parallel_loop3A_1553 = arith.addf %parallel_loop3A_1545, %parallel_loop3A_1552 : vector<16xf32>
      %parallel_loop3A_1554 = arith.constant 58 : i32
      %parallel_loop3A_1555 = arith.index_cast %parallel_loop3A_1554 : i32 to index
      %parallel_loop3A_1556 = arith.constant 0 : index
      %parallel_loop3A_1557 = tpu.vector_load %arg11[%parallel_loop3A_1555, %parallel_loop3A_1556] {strides = array<i32>} : memref<160x16xf32, #tpu.memory_space<vmem>>, vector<16xf32>,
      %parallel_loop3A_1558 = arith.mulf %parallel_loop3A_1223, %parallel_loop3A_1557 : vector<16xf32>
      %parallel_loop3A_1559 = arith.addf %parallel_loop3A_1551, %parallel_loop3A_1558 : vector<16xf32>
      %parallel_loop3A_1560 = arith.mulf %parallel_loop3A_1329, %parallel_loop3A_1557 : vector<16xf32>
      %parallel_loop3A_1561 = arith.addf %parallel_loop3A_1553, %parallel_loop3A_1560 : vector<16xf32>
      %parallel_loop3A_1562 = math.exp %parallel_loop3A_1559 : vector<16xf32>
      %parallel_loop3A_1563 = arith.constant 1.000000e+00 : f32
      %parallel_loop3A_1564 = vector.broadcast %parallel_loop3A_1563 : f32 to vector<16xf32>
      %parallel_loop3A_1565 = arith.addf %parallel_loop3A_1562, %parallel_loop3A_1564 : vector<16xf32>
      %parallel_loop3A_1566 = arith.constant 1.000000e+00 : f32
      %parallel_loop3A_1567 = vector.broadcast %parallel_loop3A_1566 : f32 to vector<16xf32>
      %parallel_loop3A_1568 = arith.divf %parallel_loop3A_1567, %parallel_loop3A_1565 : vector<16xf32>
      %parallel_loop3A_1569 = math.exp %parallel_loop3A_1561 : vector<16xf32>
      %parallel_loop3A_1570 = arith.constant 1.000000e+00 : f32
      %parallel_loop3A_1571 = vector.broadcast %parallel_loop3A_1570 : f32 to vector<16xf32>
      %parallel_loop3A_1572 = arith.addf %parallel_loop3A_1569, %parallel_loop3A_1571 : vector<16xf32>
      %parallel_loop3A_1573 = arith.constant 1.000000e+00 : f32
      %parallel_loop3A_1574 = vector.broadcast %parallel_loop3A_1573 : f32 to vector<16xf32>
      %parallel_loop3A_1575 = arith.divf %parallel_loop3A_1574, %parallel_loop3A_1572 : vector<16xf32>
      %parallel_loop3A_1576 = arith.constant 139 : i32
      %parallel_loop3A_1577 = arith.index_cast %parallel_loop3A_1576 : i32 to index
      %parallel_loop3A_1578 = arith.constant 0 : index
      %parallel_loop3A_1579 = tpu.vector_load %arg11[%parallel_loop3A_1577, %parallel_loop3A_1578] {strides = array<i32>} : memref<160x16xf32, #tpu.memory_space<vmem>>, vector<16xf32>,
      %parallel_loop3A_1580 = arith.constant 3 : i32
      %parallel_loop3A_1581 = arith.index_cast %parallel_loop3A_1580 : i32 to index
      %parallel_loop3A_1582 = arith.constant 0 : index
      %parallel_loop3A_1583 = tpu.vector_load %arg11[%parallel_loop3A_1581, %parallel_loop3A_1582] {strides = array<i32>} : memref<160x16xf32, #tpu.memory_space<vmem>>, vector<16xf32>,
      %parallel_loop3A_1584 = arith.mulf %parallel_loop3A_1143, %parallel_loop3A_1583 : vector<16xf32>
      %parallel_loop3A_1585 = arith.addf %parallel_loop3A_1579, %parallel_loop3A_1584 : vector<16xf32>
      %parallel_loop3A_1586 = arith.mulf %parallel_loop3A_1249, %parallel_loop3A_1583 : vector<16xf32>
      %parallel_loop3A_1587 = arith.addf %parallel_loop3A_1579, %parallel_loop3A_1586 : vector<16xf32>
      %parallel_loop3A_1588 = arith.constant 11 : i32
      %parallel_loop3A_1589 = arith.index_cast %parallel_loop3A_1588 : i32 to index
      %parallel_loop3A_1590 = arith.constant 0 : index
      %parallel_loop3A_1591 = tpu.vector_load %arg11[%parallel_loop3A_1589, %parallel_loop3A_1590] {strides = array<i32>} : memref<160x16xf32, #tpu.memory_space<vmem>>, vector<16xf32>,
      %parallel_loop3A_1592 = arith.mulf %parallel_loop3A_1151, %parallel_loop3A_1591 : vector<16xf32>
      %parallel_loop3A_1593 = arith.addf %parallel_loop3A_1585, %parallel_loop3A_1592 : vector<16xf32>
      %parallel_loop3A_1594 = arith.mulf %parallel_loop3A_1257, %parallel_loop3A_1591 : vector<16xf32>
      %parallel_loop3A_1595 = arith.addf %parallel_loop3A_1587, %parallel_loop3A_1594 : vector<16xf32>
      %parallel_loop3A_1596 = arith.constant 19 : i32
      %parallel_loop3A_1597 = arith.index_cast %parallel_loop3A_1596 : i32 to index
      %parallel_loop3A_1598 = arith.constant 0 : index
      %parallel_loop3A_1599 = tpu.vector_load %arg11[%parallel_loop3A_1597, %parallel_loop3A_1598] {strides = array<i32>} : memref<160x16xf32, #tpu.memory_space<vmem>>, vector<16xf32>,
      %parallel_loop3A_1600 = arith.mulf %parallel_loop3A_1167, %parallel_loop3A_1599 : vector<16xf32>
      %parallel_loop3A_1601 = arith.addf %parallel_loop3A_1593, %parallel_loop3A_1600 : vector<16xf32>
      %parallel_loop3A_1602 = arith.mulf %parallel_loop3A_1273, %parallel_loop3A_1599 : vector<16xf32>
      %parallel_loop3A_1603 = arith.addf %parallel_loop3A_1595, %parallel_loop3A_1602 : vector<16xf32>
      %parallel_loop3A_1604 = arith.constant 27 : i32
      %parallel_loop3A_1605 = arith.index_cast %parallel_loop3A_1604 : i32 to index
      %parallel_loop3A_1606 = arith.constant 0 : index
      %parallel_loop3A_1607 = tpu.vector_load %arg11[%parallel_loop3A_1605, %parallel_loop3A_1606] {strides = array<i32>} : memref<160x16xf32, #tpu.memory_space<vmem>>, vector<16xf32>,
      %parallel_loop3A_1608 = arith.mulf %parallel_loop3A_1175, %parallel_loop3A_1607 : vector<16xf32>
      %parallel_loop3A_1609 = arith.addf %parallel_loop3A_1601, %parallel_loop3A_1608 : vector<16xf32>
      %parallel_loop3A_1610 = arith.mulf %parallel_loop3A_1281, %parallel_loop3A_1607 : vector<16xf32>
      %parallel_loop3A_1611 = arith.addf %parallel_loop3A_1603, %parallel_loop3A_1610 : vector<16xf32>
      %parallel_loop3A_1612 = arith.constant 35 : i32
      %parallel_loop3A_1613 = arith.index_cast %parallel_loop3A_1612 : i32 to index
      %parallel_loop3A_1614 = arith.constant 0 : index
      %parallel_loop3A_1615 = tpu.vector_load %arg11[%parallel_loop3A_1613, %parallel_loop3A_1614] {strides = array<i32>} : memref<160x16xf32, #tpu.memory_space<vmem>>, vector<16xf32>,
      %parallel_loop3A_1616 = arith.mulf %parallel_loop3A_1191, %parallel_loop3A_1615 : vector<16xf32>
      %parallel_loop3A_1617 = arith.addf %parallel_loop3A_1609, %parallel_loop3A_1616 : vector<16xf32>
      %parallel_loop3A_1618 = arith.mulf %parallel_loop3A_1297, %parallel_loop3A_1615 : vector<16xf32>
      %parallel_loop3A_1619 = arith.addf %parallel_loop3A_1611, %parallel_loop3A_1618 : vector<16xf32>
      %parallel_loop3A_1620 = arith.constant 43 : i32
      %parallel_loop3A_1621 = arith.index_cast %parallel_loop3A_1620 : i32 to index
      %parallel_loop3A_1622 = arith.constant 0 : index
      %parallel_loop3A_1623 = tpu.vector_load %arg11[%parallel_loop3A_1621, %parallel_loop3A_1622] {strides = array<i32>} : memref<160x16xf32, #tpu.memory_space<vmem>>, vector<16xf32>,
      %parallel_loop3A_1624 = arith.mulf %parallel_loop3A_1199, %parallel_loop3A_1623 : vector<16xf32>
      %parallel_loop3A_1625 = arith.addf %parallel_loop3A_1617, %parallel_loop3A_1624 : vector<16xf32>
      %parallel_loop3A_1626 = arith.mulf %parallel_loop3A_1305, %parallel_loop3A_1623 : vector<16xf32>
      %parallel_loop3A_1627 = arith.addf %parallel_loop3A_1619, %parallel_loop3A_1626 : vector<16xf32>
      %parallel_loop3A_1628 = arith.constant 51 : i32
      %parallel_loop3A_1629 = arith.index_cast %parallel_loop3A_1628 : i32 to index
      %parallel_loop3A_1630 = arith.constant 0 : index
      %parallel_loop3A_1631 = tpu.vector_load %arg11[%parallel_loop3A_1629, %parallel_loop3A_1630] {strides = array<i32>} : memref<160x16xf32, #tpu.memory_space<vmem>>, vector<16xf32>,
      %parallel_loop3A_1632 = arith.mulf %parallel_loop3A_1215, %parallel_loop3A_1631 : vector<16xf32>
      %parallel_loop3A_1633 = arith.addf %parallel_loop3A_1625, %parallel_loop3A_1632 : vector<16xf32>
      %parallel_loop3A_1634 = arith.mulf %parallel_loop3A_1321, %parallel_loop3A_1631 : vector<16xf32>
      %parallel_loop3A_1635 = arith.addf %parallel_loop3A_1627, %parallel_loop3A_1634 : vector<16xf32>
      %parallel_loop3A_1636 = arith.constant 59 : i32
      %parallel_loop3A_1637 = arith.index_cast %parallel_loop3A_1636 : i32 to index
      %parallel_loop3A_1638 = arith.constant 0 : index
      %parallel_loop3A_1639 = tpu.vector_load %arg11[%parallel_loop3A_1637, %parallel_loop3A_1638] {strides = array<i32>} : memref<160x16xf32, #tpu.memory_space<vmem>>, vector<16xf32>,
      %parallel_loop3A_1640 = arith.mulf %parallel_loop3A_1223, %parallel_loop3A_1639 : vector<16xf32>
      %parallel_loop3A_1641 = arith.addf %parallel_loop3A_1633, %parallel_loop3A_1640 : vector<16xf32>
      %parallel_loop3A_1642 = arith.mulf %parallel_loop3A_1329, %parallel_loop3A_1639 : vector<16xf32>
      %parallel_loop3A_1643 = arith.addf %parallel_loop3A_1635, %parallel_loop3A_1642 : vector<16xf32>
      %parallel_loop3A_1644 = math.exp %parallel_loop3A_1641 : vector<16xf32>
      %parallel_loop3A_1645 = arith.constant 1.000000e+00 : f32
      %parallel_loop3A_1646 = vector.broadcast %parallel_loop3A_1645 : f32 to vector<16xf32>
      %parallel_loop3A_1647 = arith.addf %parallel_loop3A_1644, %parallel_loop3A_1646 : vector<16xf32>
      %parallel_loop3A_1648 = arith.constant 1.000000e+00 : f32
      %parallel_loop3A_1649 = vector.broadcast %parallel_loop3A_1648 : f32 to vector<16xf32>
      %parallel_loop3A_1650 = arith.divf %parallel_loop3A_1649, %parallel_loop3A_1647 : vector<16xf32>
      %parallel_loop3A_1651 = math.exp %parallel_loop3A_1643 : vector<16xf32>
      %parallel_loop3A_1652 = arith.constant 1.000000e+00 : f32
      %parallel_loop3A_1653 = vector.broadcast %parallel_loop3A_1652 : f32 to vector<16xf32>
      %parallel_loop3A_1654 = arith.addf %parallel_loop3A_1651, %parallel_loop3A_1653 : vector<16xf32>
      %parallel_loop3A_1655 = arith.constant 1.000000e+00 : f32
      %parallel_loop3A_1656 = vector.broadcast %parallel_loop3A_1655 : f32 to vector<16xf32>
      %parallel_loop3A_1657 = arith.divf %parallel_loop3A_1656, %parallel_loop3A_1654 : vector<16xf32>
      %parallel_loop3A_1658 = arith.constant 140 : i32
      %parallel_loop3A_1659 = arith.index_cast %parallel_loop3A_1658 : i32 to index
      %parallel_loop3A_1660 = arith.constant 0 : index
      %parallel_loop3A_1661 = tpu.vector_load %arg11[%parallel_loop3A_1659, %parallel_loop3A_1660] {strides = array<i32>} : memref<160x16xf32, #tpu.memory_space<vmem>>, vector<16xf32>,
      %parallel_loop3A_1662 = arith.constant 4 : i32
      %parallel_loop3A_1663 = arith.index_cast %parallel_loop3A_1662 : i32 to index
      %parallel_loop3A_1664 = arith.constant 0 : index
      %parallel_loop3A_1665 = tpu.vector_load %arg11[%parallel_loop3A_1663, %parallel_loop3A_1664] {strides = array<i32>} : memref<160x16xf32, #tpu.memory_space<vmem>>, vector<16xf32>,
      %parallel_loop3A_1666 = arith.mulf %parallel_loop3A_1143, %parallel_loop3A_1665 : vector<16xf32>
      %parallel_loop3A_1667 = arith.addf %parallel_loop3A_1661, %parallel_loop3A_1666 : vector<16xf32>
      %parallel_loop3A_1668 = arith.mulf %parallel_loop3A_1249, %parallel_loop3A_1665 : vector<16xf32>
      %parallel_loop3A_1669 = arith.addf %parallel_loop3A_1661, %parallel_loop3A_1668 : vector<16xf32>
      %parallel_loop3A_1670 = arith.constant 12 : i32
      %parallel_loop3A_1671 = arith.index_cast %parallel_loop3A_1670 : i32 to index
      %parallel_loop3A_1672 = arith.constant 0 : index
      %parallel_loop3A_1673 = tpu.vector_load %arg11[%parallel_loop3A_1671, %parallel_loop3A_1672] {strides = array<i32>} : memref<160x16xf32, #tpu.memory_space<vmem>>, vector<16xf32>,
      %parallel_loop3A_1674 = arith.mulf %parallel_loop3A_1151, %parallel_loop3A_1673 : vector<16xf32>
      %parallel_loop3A_1675 = arith.addf %parallel_loop3A_1667, %parallel_loop3A_1674 : vector<16xf32>
      %parallel_loop3A_1676 = arith.mulf %parallel_loop3A_1257, %parallel_loop3A_1673 : vector<16xf32>
      %parallel_loop3A_1677 = arith.addf %parallel_loop3A_1669, %parallel_loop3A_1676 : vector<16xf32>
      %parallel_loop3A_1678 = arith.constant 20 : i32
      %parallel_loop3A_1679 = arith.index_cast %parallel_loop3A_1678 : i32 to index
      %parallel_loop3A_1680 = arith.constant 0 : index
      %parallel_loop3A_1681 = tpu.vector_load %arg11[%parallel_loop3A_1679, %parallel_loop3A_1680] {strides = array<i32>} : memref<160x16xf32, #tpu.memory_space<vmem>>, vector<16xf32>,
      %parallel_loop3A_1682 = arith.mulf %parallel_loop3A_1167, %parallel_loop3A_1681 : vector<16xf32>
      %parallel_loop3A_1683 = arith.addf %parallel_loop3A_1675, %parallel_loop3A_1682 : vector<16xf32>
      %parallel_loop3A_1684 = arith.mulf %parallel_loop3A_1273, %parallel_loop3A_1681 : vector<16xf32>
      %parallel_loop3A_1685 = arith.addf %parallel_loop3A_1677, %parallel_loop3A_1684 : vector<16xf32>
      %parallel_loop3A_1686 = arith.constant 28 : i32
      %parallel_loop3A_1687 = arith.index_cast %parallel_loop3A_1686 : i32 to index
      %parallel_loop3A_1688 = arith.constant 0 : index
      %parallel_loop3A_1689 = tpu.vector_load %arg11[%parallel_loop3A_1687, %parallel_loop3A_1688] {strides = array<i32>} : memref<160x16xf32, #tpu.memory_space<vmem>>, vector<16xf32>,
      %parallel_loop3A_1690 = arith.mulf %parallel_loop3A_1175, %parallel_loop3A_1689 : vector<16xf32>
      %parallel_loop3A_1691 = arith.addf %parallel_loop3A_1683, %parallel_loop3A_1690 : vector<16xf32>
      %parallel_loop3A_1692 = arith.mulf %parallel_loop3A_1281, %parallel_loop3A_1689 : vector<16xf32>
      %parallel_loop3A_1693 = arith.addf %parallel_loop3A_1685, %parallel_loop3A_1692 : vector<16xf32>
      %parallel_loop3A_1694 = arith.constant 36 : i32
      %parallel_loop3A_1695 = arith.index_cast %parallel_loop3A_1694 : i32 to index
      %parallel_loop3A_1696 = arith.constant 0 : index
      %parallel_loop3A_1697 = tpu.vector_load %arg11[%parallel_loop3A_1695, %parallel_loop3A_1696] {strides = array<i32>} : memref<160x16xf32, #tpu.memory_space<vmem>>, vector<16xf32>,
      %parallel_loop3A_1698 = arith.mulf %parallel_loop3A_1191, %parallel_loop3A_1697 : vector<16xf32>
      %parallel_loop3A_1699 = arith.addf %parallel_loop3A_1691, %parallel_loop3A_1698 : vector<16xf32>
      %parallel_loop3A_1700 = arith.mulf %parallel_loop3A_1297, %parallel_loop3A_1697 : vector<16xf32>
      %parallel_loop3A_1701 = arith.addf %parallel_loop3A_1693, %parallel_loop3A_1700 : vector<16xf32>
      %parallel_loop3A_1702 = arith.constant 44 : i32
      %parallel_loop3A_1703 = arith.index_cast %parallel_loop3A_1702 : i32 to index
      %parallel_loop3A_1704 = arith.constant 0 : index
      %parallel_loop3A_1705 = tpu.vector_load %arg11[%parallel_loop3A_1703, %parallel_loop3A_1704] {strides = array<i32>} : memref<160x16xf32, #tpu.memory_space<vmem>>, vector<16xf32>,
      %parallel_loop3A_1706 = arith.mulf %parallel_loop3A_1199, %parallel_loop3A_1705 : vector<16xf32>
      %parallel_loop3A_1707 = arith.addf %parallel_loop3A_1699, %parallel_loop3A_1706 : vector<16xf32>
      %parallel_loop3A_1708 = arith.mulf %parallel_loop3A_1305, %parallel_loop3A_1705 : vector<16xf32>
      %parallel_loop3A_1709 = arith.addf %parallel_loop3A_1701, %parallel_loop3A_1708 : vector<16xf32>
      %parallel_loop3A_1710 = arith.constant 52 : i32
      %parallel_loop3A_1711 = arith.index_cast %parallel_loop3A_1710 : i32 to index
      %parallel_loop3A_1712 = arith.constant 0 : index
      %parallel_loop3A_1713 = tpu.vector_load %arg11[%parallel_loop3A_1711, %parallel_loop3A_1712] {strides = array<i32>} : memref<160x16xf32, #tpu.memory_space<vmem>>, vector<16xf32>,
      %parallel_loop3A_1714 = arith.mulf %parallel_loop3A_1215, %parallel_loop3A_1713 : vector<16xf32>
      %parallel_loop3A_1715 = arith.addf %parallel_loop3A_1707, %parallel_loop3A_1714 : vector<16xf32>
      %parallel_loop3A_1716 = arith.mulf %parallel_loop3A_1321, %parallel_loop3A_1713 : vector<16xf32>
      %parallel_loop3A_1717 = arith.addf %parallel_loop3A_1709, %parallel_loop3A_1716 : vector<16xf32>
      %parallel_loop3A_1718 = arith.constant 60 : i32
      %parallel_loop3A_1719 = arith.index_cast %parallel_loop3A_1718 : i32 to index
      %parallel_loop3A_1720 = arith.constant 0 : index
      %parallel_loop3A_1721 = tpu.vector_load %arg11[%parallel_loop3A_1719, %parallel_loop3A_1720] {strides = array<i32>} : memref<160x16xf32, #tpu.memory_space<vmem>>, vector<16xf32>,
      %parallel_loop3A_1722 = arith.mulf %parallel_loop3A_1223, %parallel_loop3A_1721 : vector<16xf32>
      %parallel_loop3A_1723 = arith.addf %parallel_loop3A_1715, %parallel_loop3A_1722 : vector<16xf32>
      %parallel_loop3A_1724 = arith.mulf %parallel_loop3A_1329, %parallel_loop3A_1721 : vector<16xf32>
      %parallel_loop3A_1725 = arith.addf %parallel_loop3A_1717, %parallel_loop3A_1724 : vector<16xf32>
      %parallel_loop3A_1726 = math.exp %parallel_loop3A_1723 : vector<16xf32>
      %parallel_loop3A_1727 = arith.constant 1.000000e+00 : f32
      %parallel_loop3A_1728 = vector.broadcast %parallel_loop3A_1727 : f32 to vector<16xf32>
      %parallel_loop3A_1729 = arith.addf %parallel_loop3A_1726, %parallel_loop3A_1728 : vector<16xf32>
      %parallel_loop3A_1730 = arith.constant 1.000000e+00 : f32
      %parallel_loop3A_1731 = vector.broadcast %parallel_loop3A_1730 : f32 to vector<16xf32>
      %parallel_loop3A_1732 = arith.divf %parallel_loop3A_1731, %parallel_loop3A_1729 : vector<16xf32>
      %parallel_loop3A_1733 = math.exp %parallel_loop3A_1725 : vector<16xf32>
      %parallel_loop3A_1734 = arith.constant 1.000000e+00 : f32
      %parallel_loop3A_1735 = vector.broadcast %parallel_loop3A_1734 : f32 to vector<16xf32>
      %parallel_loop3A_1736 = arith.addf %parallel_loop3A_1733, %parallel_loop3A_1735 : vector<16xf32>
      %parallel_loop3A_1737 = arith.constant 1.000000e+00 : f32
      %parallel_loop3A_1738 = vector.broadcast %parallel_loop3A_1737 : f32 to vector<16xf32>
      %parallel_loop3A_1739 = arith.divf %parallel_loop3A_1738, %parallel_loop3A_1736 : vector<16xf32>
      %parallel_loop3A_1740 = arith.constant 141 : i32
      %parallel_loop3A_1741 = arith.index_cast %parallel_loop3A_1740 : i32 to index
      %parallel_loop3A_1742 = arith.constant 0 : index
      %parallel_loop3A_1743 = tpu.vector_load %arg11[%parallel_loop3A_1741, %parallel_loop3A_1742] {strides = array<i32>} : memref<160x16xf32, #tpu.memory_space<vmem>>, vector<16xf32>,
      %parallel_loop3A_1744 = arith.constant 5 : i32
      %parallel_loop3A_1745 = arith.index_cast %parallel_loop3A_1744 : i32 to index
      %parallel_loop3A_1746 = arith.constant 0 : index
      %parallel_loop3A_1747 = tpu.vector_load %arg11[%parallel_loop3A_1745, %parallel_loop3A_1746] {strides = array<i32>} : memref<160x16xf32, #tpu.memory_space<vmem>>, vector<16xf32>,
      %parallel_loop3A_1748 = arith.mulf %parallel_loop3A_1143, %parallel_loop3A_1747 : vector<16xf32>
      %parallel_loop3A_1749 = arith.addf %parallel_loop3A_1743, %parallel_loop3A_1748 : vector<16xf32>
      %parallel_loop3A_1750 = arith.mulf %parallel_loop3A_1249, %parallel_loop3A_1747 : vector<16xf32>
      %parallel_loop3A_1751 = arith.addf %parallel_loop3A_1743, %parallel_loop3A_1750 : vector<16xf32>
      %parallel_loop3A_1752 = arith.constant 13 : i32
      %parallel_loop3A_1753 = arith.index_cast %parallel_loop3A_1752 : i32 to index
      %parallel_loop3A_1754 = arith.constant 0 : index
      %parallel_loop3A_1755 = tpu.vector_load %arg11[%parallel_loop3A_1753, %parallel_loop3A_1754] {strides = array<i32>} : memref<160x16xf32, #tpu.memory_space<vmem>>, vector<16xf32>,
      %parallel_loop3A_1756 = arith.mulf %parallel_loop3A_1151, %parallel_loop3A_1755 : vector<16xf32>
      %parallel_loop3A_1757 = arith.addf %parallel_loop3A_1749, %parallel_loop3A_1756 : vector<16xf32>
      %parallel_loop3A_1758 = arith.mulf %parallel_loop3A_1257, %parallel_loop3A_1755 : vector<16xf32>
      %parallel_loop3A_1759 = arith.addf %parallel_loop3A_1751, %parallel_loop3A_1758 : vector<16xf32>
      %parallel_loop3A_1760 = arith.constant 21 : i32
      %parallel_loop3A_1761 = arith.index_cast %parallel_loop3A_1760 : i32 to index
      %parallel_loop3A_1762 = arith.constant 0 : index
      %parallel_loop3A_1763 = tpu.vector_load %arg11[%parallel_loop3A_1761, %parallel_loop3A_1762] {strides = array<i32>} : memref<160x16xf32, #tpu.memory_space<vmem>>, vector<16xf32>,
      %parallel_loop3A_1764 = arith.mulf %parallel_loop3A_1167, %parallel_loop3A_1763 : vector<16xf32>
      %parallel_loop3A_1765 = arith.addf %parallel_loop3A_1757, %parallel_loop3A_1764 : vector<16xf32>
      %parallel_loop3A_1766 = arith.mulf %parallel_loop3A_1273, %parallel_loop3A_1763 : vector<16xf32>
      %parallel_loop3A_1767 = arith.addf %parallel_loop3A_1759, %parallel_loop3A_1766 : vector<16xf32>
      %parallel_loop3A_1768 = arith.constant 29 : i32
      %parallel_loop3A_1769 = arith.index_cast %parallel_loop3A_1768 : i32 to index
      %parallel_loop3A_1770 = arith.constant 0 : index
      %parallel_loop3A_1771 = tpu.vector_load %arg11[%parallel_loop3A_1769, %parallel_loop3A_1770] {strides = array<i32>} : memref<160x16xf32, #tpu.memory_space<vmem>>, vector<16xf32>,
      %parallel_loop3A_1772 = arith.mulf %parallel_loop3A_1175, %parallel_loop3A_1771 : vector<16xf32>
      %parallel_loop3A_1773 = arith.addf %parallel_loop3A_1765, %parallel_loop3A_1772 : vector<16xf32>
      %parallel_loop3A_1774 = arith.mulf %parallel_loop3A_1281, %parallel_loop3A_1771 : vector<16xf32>
      %parallel_loop3A_1775 = arith.addf %parallel_loop3A_1767, %parallel_loop3A_1774 : vector<16xf32>
      %parallel_loop3A_1776 = arith.constant 37 : i32
      %parallel_loop3A_1777 = arith.index_cast %parallel_loop3A_1776 : i32 to index
      %parallel_loop3A_1778 = arith.constant 0 : index
      %parallel_loop3A_1779 = tpu.vector_load %arg11[%parallel_loop3A_1777, %parallel_loop3A_1778] {strides = array<i32>} : memref<160x16xf32, #tpu.memory_space<vmem>>, vector<16xf32>,
      %parallel_loop3A_1780 = arith.mulf %parallel_loop3A_1191, %parallel_loop3A_1779 : vector<16xf32>
      %parallel_loop3A_1781 = arith.addf %parallel_loop3A_1773, %parallel_loop3A_1780 : vector<16xf32>
      %parallel_loop3A_1782 = arith.mulf %parallel_loop3A_1297, %parallel_loop3A_1779 : vector<16xf32>
      %parallel_loop3A_1783 = arith.addf %parallel_loop3A_1775, %parallel_loop3A_1782 : vector<16xf32>
      %parallel_loop3A_1784 = arith.constant 45 : i32
      %parallel_loop3A_1785 = arith.index_cast %parallel_loop3A_1784 : i32 to index
      %parallel_loop3A_1786 = arith.constant 0 : index
      %parallel_loop3A_1787 = tpu.vector_load %arg11[%parallel_loop3A_1785, %parallel_loop3A_1786] {strides = array<i32>} : memref<160x16xf32, #tpu.memory_space<vmem>>, vector<16xf32>,
      %parallel_loop3A_1788 = arith.mulf %parallel_loop3A_1199, %parallel_loop3A_1787 : vector<16xf32>
      %parallel_loop3A_1789 = arith.addf %parallel_loop3A_1781, %parallel_loop3A_1788 : vector<16xf32>
      %parallel_loop3A_1790 = arith.mulf %parallel_loop3A_1305, %parallel_loop3A_1787 : vector<16xf32>
      %parallel_loop3A_1791 = arith.addf %parallel_loop3A_1783, %parallel_loop3A_1790 : vector<16xf32>
      %parallel_loop3A_1792 = arith.constant 53 : i32
      %parallel_loop3A_1793 = arith.index_cast %parallel_loop3A_1792 : i32 to index
      %parallel_loop3A_1794 = arith.constant 0 : index
      %parallel_loop3A_1795 = tpu.vector_load %arg11[%parallel_loop3A_1793, %parallel_loop3A_1794] {strides = array<i32>} : memref<160x16xf32, #tpu.memory_space<vmem>>, vector<16xf32>,
      %parallel_loop3A_1796 = arith.mulf %parallel_loop3A_1215, %parallel_loop3A_1795 : vector<16xf32>
      %parallel_loop3A_1797 = arith.addf %parallel_loop3A_1789, %parallel_loop3A_1796 : vector<16xf32>
      %parallel_loop3A_1798 = arith.mulf %parallel_loop3A_1321, %parallel_loop3A_1795 : vector<16xf32>
      %parallel_loop3A_1799 = arith.addf %parallel_loop3A_1791, %parallel_loop3A_1798 : vector<16xf32>
      %parallel_loop3A_1800 = arith.constant 61 : i32
      %parallel_loop3A_1801 = arith.index_cast %parallel_loop3A_1800 : i32 to index
      %parallel_loop3A_1802 = arith.constant 0 : index
      %parallel_loop3A_1803 = tpu.vector_load %arg11[%parallel_loop3A_1801, %parallel_loop3A_1802] {strides = array<i32>} : memref<160x16xf32, #tpu.memory_space<vmem>>, vector<16xf32>,
      %parallel_loop3A_1804 = arith.mulf %parallel_loop3A_1223, %parallel_loop3A_1803 : vector<16xf32>
      %parallel_loop3A_1805 = arith.addf %parallel_loop3A_1797, %parallel_loop3A_1804 : vector<16xf32>
      %parallel_loop3A_1806 = arith.mulf %parallel_loop3A_1329, %parallel_loop3A_1803 : vector<16xf32>
      %parallel_loop3A_1807 = arith.addf %parallel_loop3A_1799, %parallel_loop3A_1806 : vector<16xf32>
      %parallel_loop3A_1808 = math.exp %parallel_loop3A_1805 : vector<16xf32>
      %parallel_loop3A_1809 = arith.constant 1.000000e+00 : f32
      %parallel_loop3A_1810 = vector.broadcast %parallel_loop3A_1809 : f32 to vector<16xf32>
      %parallel_loop3A_1811 = arith.addf %parallel_loop3A_1808, %parallel_loop3A_1810 : vector<16xf32>
      %parallel_loop3A_1812 = arith.constant 1.000000e+00 : f32
      %parallel_loop3A_1813 = vector.broadcast %parallel_loop3A_1812 : f32 to vector<16xf32>
      %parallel_loop3A_1814 = arith.divf %parallel_loop3A_1813, %parallel_loop3A_1811 : vector<16xf32>
      %parallel_loop3A_1815 = math.exp %parallel_loop3A_1807 : vector<16xf32>
      %parallel_loop3A_1816 = arith.constant 1.000000e+00 : f32
      %parallel_loop3A_1817 = vector.broadcast %parallel_loop3A_1816 : f32 to vector<16xf32>
      %parallel_loop3A_1818 = arith.addf %parallel_loop3A_1815, %parallel_loop3A_1817 : vector<16xf32>
      %parallel_loop3A_1819 = arith.constant 1.000000e+00 : f32
      %parallel_loop3A_1820 = vector.broadcast %parallel_loop3A_1819 : f32 to vector<16xf32>
      %parallel_loop3A_1821 = arith.divf %parallel_loop3A_1820, %parallel_loop3A_1818 : vector<16xf32>
      %parallel_loop3A_1822 = arith.constant 142 : i32
      %parallel_loop3A_1823 = arith.index_cast %parallel_loop3A_1822 : i32 to index
      %parallel_loop3A_1824 = arith.constant 0 : index
      %parallel_loop3A_1825 = tpu.vector_load %arg11[%parallel_loop3A_1823, %parallel_loop3A_1824] {strides = array<i32>} : memref<160x16xf32, #tpu.memory_space<vmem>>, vector<16xf32>,
      %parallel_loop3A_1826 = arith.constant 6 : i32
      %parallel_loop3A_1827 = arith.index_cast %parallel_loop3A_1826 : i32 to index
      %parallel_loop3A_1828 = arith.constant 0 : index
      %parallel_loop3A_1829 = tpu.vector_load %arg11[%parallel_loop3A_1827, %parallel_loop3A_1828] {strides = array<i32>} : memref<160x16xf32, #tpu.memory_space<vmem>>, vector<16xf32>,
      %parallel_loop3A_1830 = arith.mulf %parallel_loop3A_1143, %parallel_loop3A_1829 : vector<16xf32>
      %parallel_loop3A_1831 = arith.addf %parallel_loop3A_1825, %parallel_loop3A_1830 : vector<16xf32>
      %parallel_loop3A_1832 = arith.mulf %parallel_loop3A_1249, %parallel_loop3A_1829 : vector<16xf32>
      %parallel_loop3A_1833 = arith.addf %parallel_loop3A_1825, %parallel_loop3A_1832 : vector<16xf32>
      %parallel_loop3A_1834 = arith.constant 14 : i32
      %parallel_loop3A_1835 = arith.index_cast %parallel_loop3A_1834 : i32 to index
      %parallel_loop3A_1836 = arith.constant 0 : index
      %parallel_loop3A_1837 = tpu.vector_load %arg11[%parallel_loop3A_1835, %parallel_loop3A_1836] {strides = array<i32>} : memref<160x16xf32, #tpu.memory_space<vmem>>, vector<16xf32>,
      %parallel_loop3A_1838 = arith.mulf %parallel_loop3A_1151, %parallel_loop3A_1837 : vector<16xf32>
      %parallel_loop3A_1839 = arith.addf %parallel_loop3A_1831, %parallel_loop3A_1838 : vector<16xf32>
      %parallel_loop3A_1840 = arith.mulf %parallel_loop3A_1257, %parallel_loop3A_1837 : vector<16xf32>
      %parallel_loop3A_1841 = arith.addf %parallel_loop3A_1833, %parallel_loop3A_1840 : vector<16xf32>
      %parallel_loop3A_1842 = arith.constant 22 : i32
      %parallel_loop3A_1843 = arith.index_cast %parallel_loop3A_1842 : i32 to index
      %parallel_loop3A_1844 = arith.constant 0 : index
      %parallel_loop3A_1845 = tpu.vector_load %arg11[%parallel_loop3A_1843, %parallel_loop3A_1844] {strides = array<i32>} : memref<160x16xf32, #tpu.memory_space<vmem>>, vector<16xf32>,
      %parallel_loop3A_1846 = arith.mulf %parallel_loop3A_1167, %parallel_loop3A_1845 : vector<16xf32>
      %parallel_loop3A_1847 = arith.addf %parallel_loop3A_1839, %parallel_loop3A_1846 : vector<16xf32>
      %parallel_loop3A_1848 = arith.mulf %parallel_loop3A_1273, %parallel_loop3A_1845 : vector<16xf32>
      %parallel_loop3A_1849 = arith.addf %parallel_loop3A_1841, %parallel_loop3A_1848 : vector<16xf32>
      %parallel_loop3A_1850 = arith.constant 30 : i32
      %parallel_loop3A_1851 = arith.index_cast %parallel_loop3A_1850 : i32 to index
      %parallel_loop3A_1852 = arith.constant 0 : index
      %parallel_loop3A_1853 = tpu.vector_load %arg11[%parallel_loop3A_1851, %parallel_loop3A_1852] {strides = array<i32>} : memref<160x16xf32, #tpu.memory_space<vmem>>, vector<16xf32>,
      %parallel_loop3A_1854 = arith.mulf %parallel_loop3A_1175, %parallel_loop3A_1853 : vector<16xf32>
      %parallel_loop3A_1855 = arith.addf %parallel_loop3A_1847, %parallel_loop3A_1854 : vector<16xf32>
      %parallel_loop3A_1856 = arith.mulf %parallel_loop3A_1281, %parallel_loop3A_1853 : vector<16xf32>
      %parallel_loop3A_1857 = arith.addf %parallel_loop3A_1849, %parallel_loop3A_1856 : vector<16xf32>
      %parallel_loop3A_1858 = arith.constant 38 : i32
      %parallel_loop3A_1859 = arith.index_cast %parallel_loop3A_1858 : i32 to index
      %parallel_loop3A_1860 = arith.constant 0 : index
      %parallel_loop3A_1861 = tpu.vector_load %arg11[%parallel_loop3A_1859, %parallel_loop3A_1860] {strides = array<i32>} : memref<160x16xf32, #tpu.memory_space<vmem>>, vector<16xf32>,
      %parallel_loop3A_1862 = arith.mulf %parallel_loop3A_1191, %parallel_loop3A_1861 : vector<16xf32>
      %parallel_loop3A_1863 = arith.addf %parallel_loop3A_1855, %parallel_loop3A_1862 : vector<16xf32>
      %parallel_loop3A_1864 = arith.mulf %parallel_loop3A_1297, %parallel_loop3A_1861 : vector<16xf32>
      %parallel_loop3A_1865 = arith.addf %parallel_loop3A_1857, %parallel_loop3A_1864 : vector<16xf32>
      %parallel_loop3A_1866 = arith.constant 46 : i32
      %parallel_loop3A_1867 = arith.index_cast %parallel_loop3A_1866 : i32 to index
      %parallel_loop3A_1868 = arith.constant 0 : index
      %parallel_loop3A_1869 = tpu.vector_load %arg11[%parallel_loop3A_1867, %parallel_loop3A_1868] {strides = array<i32>} : memref<160x16xf32, #tpu.memory_space<vmem>>, vector<16xf32>,
      %parallel_loop3A_1870 = arith.mulf %parallel_loop3A_1199, %parallel_loop3A_1869 : vector<16xf32>
      %parallel_loop3A_1871 = arith.addf %parallel_loop3A_1863, %parallel_loop3A_1870 : vector<16xf32>
      %parallel_loop3A_1872 = arith.mulf %parallel_loop3A_1305, %parallel_loop3A_1869 : vector<16xf32>
      %parallel_loop3A_1873 = arith.addf %parallel_loop3A_1865, %parallel_loop3A_1872 : vector<16xf32>
      %parallel_loop3A_1874 = arith.constant 54 : i32
      %parallel_loop3A_1875 = arith.index_cast %parallel_loop3A_1874 : i32 to index
      %parallel_loop3A_1876 = arith.constant 0 : index
      %parallel_loop3A_1877 = tpu.vector_load %arg11[%parallel_loop3A_1875, %parallel_loop3A_1876] {strides = array<i32>} : memref<160x16xf32, #tpu.memory_space<vmem>>, vector<16xf32>,
      %parallel_loop3A_1878 = arith.mulf %parallel_loop3A_1215, %parallel_loop3A_1877 : vector<16xf32>
      %parallel_loop3A_1879 = arith.addf %parallel_loop3A_1871, %parallel_loop3A_1878 : vector<16xf32>
      %parallel_loop3A_1880 = arith.mulf %parallel_loop3A_1321, %parallel_loop3A_1877 : vector<16xf32>
      %parallel_loop3A_1881 = arith.addf %parallel_loop3A_1873, %parallel_loop3A_1880 : vector<16xf32>
      %parallel_loop3A_1882 = arith.constant 62 : i32
      %parallel_loop3A_1883 = arith.index_cast %parallel_loop3A_1882 : i32 to index
      %parallel_loop3A_1884 = arith.constant 0 : index
      %parallel_loop3A_1885 = tpu.vector_load %arg11[%parallel_loop3A_1883, %parallel_loop3A_1884] {strides = array<i32>} : memref<160x16xf32, #tpu.memory_space<vmem>>, vector<16xf32>,
      %parallel_loop3A_1886 = arith.mulf %parallel_loop3A_1223, %parallel_loop3A_1885 : vector<16xf32>
      %parallel_loop3A_1887 = arith.addf %parallel_loop3A_1879, %parallel_loop3A_1886 : vector<16xf32>
      %parallel_loop3A_1888 = arith.mulf %parallel_loop3A_1329, %parallel_loop3A_1885 : vector<16xf32>
      %parallel_loop3A_1889 = arith.addf %parallel_loop3A_1881, %parallel_loop3A_1888 : vector<16xf32>
      %parallel_loop3A_1890 = math.exp %parallel_loop3A_1887 : vector<16xf32>
      %parallel_loop3A_1891 = arith.constant 1.000000e+00 : f32
      %parallel_loop3A_1892 = vector.broadcast %parallel_loop3A_1891 : f32 to vector<16xf32>
      %parallel_loop3A_1893 = arith.addf %parallel_loop3A_1890, %parallel_loop3A_1892 : vector<16xf32>
      %parallel_loop3A_1894 = arith.constant 1.000000e+00 : f32
      %parallel_loop3A_1895 = vector.broadcast %parallel_loop3A_1894 : f32 to vector<16xf32>
      %parallel_loop3A_1896 = arith.divf %parallel_loop3A_1895, %parallel_loop3A_1893 : vector<16xf32>
      %parallel_loop3A_1897 = math.exp %parallel_loop3A_1889 : vector<16xf32>
      %parallel_loop3A_1898 = arith.constant 1.000000e+00 : f32
      %parallel_loop3A_1899 = vector.broadcast %parallel_loop3A_1898 : f32 to vector<16xf32>
      %parallel_loop3A_1900 = arith.addf %parallel_loop3A_1897, %parallel_loop3A_1899 : vector<16xf32>
      %parallel_loop3A_1901 = arith.constant 1.000000e+00 : f32
      %parallel_loop3A_1902 = vector.broadcast %parallel_loop3A_1901 : f32 to vector<16xf32>
      %parallel_loop3A_1903 = arith.divf %parallel_loop3A_1902, %parallel_loop3A_1900 : vector<16xf32>
      %parallel_loop3A_1904 = arith.constant 143 : i32
      %parallel_loop3A_1905 = arith.index_cast %parallel_loop3A_1904 : i32 to index
      %parallel_loop3A_1906 = arith.constant 0 : index
      %parallel_loop3A_1907 = tpu.vector_load %arg11[%parallel_loop3A_1905, %parallel_loop3A_1906] {strides = array<i32>} : memref<160x16xf32, #tpu.memory_space<vmem>>, vector<16xf32>,
      %parallel_loop3A_1908 = arith.constant 7 : i32
      %parallel_loop3A_1909 = arith.index_cast %parallel_loop3A_1908 : i32 to index
      %parallel_loop3A_1910 = arith.constant 0 : index
      %parallel_loop3A_1911 = tpu.vector_load %arg11[%parallel_loop3A_1909, %parallel_loop3A_1910] {strides = array<i32>} : memref<160x16xf32, #tpu.memory_space<vmem>>, vector<16xf32>,
      %parallel_loop3A_1912 = arith.mulf %parallel_loop3A_1143, %parallel_loop3A_1911 : vector<16xf32>
      %parallel_loop3A_1913 = arith.addf %parallel_loop3A_1907, %parallel_loop3A_1912 : vector<16xf32>
      %parallel_loop3A_1914 = arith.mulf %parallel_loop3A_1249, %parallel_loop3A_1911 : vector<16xf32>
      %parallel_loop3A_1915 = arith.addf %parallel_loop3A_1907, %parallel_loop3A_1914 : vector<16xf32>
      %parallel_loop3A_1916 = arith.constant 15 : i32
      %parallel_loop3A_1917 = arith.index_cast %parallel_loop3A_1916 : i32 to index
      %parallel_loop3A_1918 = arith.constant 0 : index
      %parallel_loop3A_1919 = tpu.vector_load %arg11[%parallel_loop3A_1917, %parallel_loop3A_1918] {strides = array<i32>} : memref<160x16xf32, #tpu.memory_space<vmem>>, vector<16xf32>,
      %parallel_loop3A_1920 = arith.mulf %parallel_loop3A_1151, %parallel_loop3A_1919 : vector<16xf32>
      %parallel_loop3A_1921 = arith.addf %parallel_loop3A_1913, %parallel_loop3A_1920 : vector<16xf32>
      %parallel_loop3A_1922 = arith.mulf %parallel_loop3A_1257, %parallel_loop3A_1919 : vector<16xf32>
      %parallel_loop3A_1923 = arith.addf %parallel_loop3A_1915, %parallel_loop3A_1922 : vector<16xf32>
      %parallel_loop3A_1924 = arith.constant 23 : i32
      %parallel_loop3A_1925 = arith.index_cast %parallel_loop3A_1924 : i32 to index
      %parallel_loop3A_1926 = arith.constant 0 : index
      %parallel_loop3A_1927 = tpu.vector_load %arg11[%parallel_loop3A_1925, %parallel_loop3A_1926] {strides = array<i32>} : memref<160x16xf32, #tpu.memory_space<vmem>>, vector<16xf32>,
      %parallel_loop3A_1928 = arith.mulf %parallel_loop3A_1167, %parallel_loop3A_1927 : vector<16xf32>
      %parallel_loop3A_1929 = arith.addf %parallel_loop3A_1921, %parallel_loop3A_1928 : vector<16xf32>
      %parallel_loop3A_1930 = arith.mulf %parallel_loop3A_1273, %parallel_loop3A_1927 : vector<16xf32>
      %parallel_loop3A_1931 = arith.addf %parallel_loop3A_1923, %parallel_loop3A_1930 : vector<16xf32>
      %parallel_loop3A_1932 = arith.constant 31 : i32
      %parallel_loop3A_1933 = arith.index_cast %parallel_loop3A_1932 : i32 to index
      %parallel_loop3A_1934 = arith.constant 0 : index
      %parallel_loop3A_1935 = tpu.vector_load %arg11[%parallel_loop3A_1933, %parallel_loop3A_1934] {strides = array<i32>} : memref<160x16xf32, #tpu.memory_space<vmem>>, vector<16xf32>,
      %parallel_loop3A_1936 = arith.mulf %parallel_loop3A_1175, %parallel_loop3A_1935 : vector<16xf32>
      %parallel_loop3A_1937 = arith.addf %parallel_loop3A_1929, %parallel_loop3A_1936 : vector<16xf32>
      %parallel_loop3A_1938 = arith.mulf %parallel_loop3A_1281, %parallel_loop3A_1935 : vector<16xf32>
      %parallel_loop3A_1939 = arith.addf %parallel_loop3A_1931, %parallel_loop3A_1938 : vector<16xf32>
      %parallel_loop3A_1940 = arith.constant 39 : i32
      %parallel_loop3A_1941 = arith.index_cast %parallel_loop3A_1940 : i32 to index
      %parallel_loop3A_1942 = arith.constant 0 : index
      %parallel_loop3A_1943 = tpu.vector_load %arg11[%parallel_loop3A_1941, %parallel_loop3A_1942] {strides = array<i32>} : memref<160x16xf32, #tpu.memory_space<vmem>>, vector<16xf32>,
      %parallel_loop3A_1944 = arith.mulf %parallel_loop3A_1191, %parallel_loop3A_1943 : vector<16xf32>
      %parallel_loop3A_1945 = arith.addf %parallel_loop3A_1937, %parallel_loop3A_1944 : vector<16xf32>
      %parallel_loop3A_1946 = arith.mulf %parallel_loop3A_1297, %parallel_loop3A_1943 : vector<16xf32>
      %parallel_loop3A_1947 = arith.addf %parallel_loop3A_1939, %parallel_loop3A_1946 : vector<16xf32>
      %parallel_loop3A_1948 = arith.constant 47 : i32
      %parallel_loop3A_1949 = arith.index_cast %parallel_loop3A_1948 : i32 to index
      %parallel_loop3A_1950 = arith.constant 0 : index
      %parallel_loop3A_1951 = tpu.vector_load %arg11[%parallel_loop3A_1949, %parallel_loop3A_1950] {strides = array<i32>} : memref<160x16xf32, #tpu.memory_space<vmem>>, vector<16xf32>,
      %parallel_loop3A_1952 = arith.mulf %parallel_loop3A_1199, %parallel_loop3A_1951 : vector<16xf32>
      %parallel_loop3A_1953 = arith.addf %parallel_loop3A_1945, %parallel_loop3A_1952 : vector<16xf32>
      %parallel_loop3A_1954 = arith.mulf %parallel_loop3A_1305, %parallel_loop3A_1951 : vector<16xf32>
      %parallel_loop3A_1955 = arith.addf %parallel_loop3A_1947, %parallel_loop3A_1954 : vector<16xf32>
      %parallel_loop3A_1956 = arith.constant 55 : i32
      %parallel_loop3A_1957 = arith.index_cast %parallel_loop3A_1956 : i32 to index
      %parallel_loop3A_1958 = arith.constant 0 : index
      %parallel_loop3A_1959 = tpu.vector_load %arg11[%parallel_loop3A_1957, %parallel_loop3A_1958] {strides = array<i32>} : memref<160x16xf32, #tpu.memory_space<vmem>>, vector<16xf32>,
      %parallel_loop3A_1960 = arith.mulf %parallel_loop3A_1215, %parallel_loop3A_1959 : vector<16xf32>
      %parallel_loop3A_1961 = arith.addf %parallel_loop3A_1953, %parallel_loop3A_1960 : vector<16xf32>
      %parallel_loop3A_1962 = arith.mulf %parallel_loop3A_1321, %parallel_loop3A_1959 : vector<16xf32>
      %parallel_loop3A_1963 = arith.addf %parallel_loop3A_1955, %parallel_loop3A_1962 : vector<16xf32>
      %parallel_loop3A_1964 = arith.constant 63 : i32
      %parallel_loop3A_1965 = arith.index_cast %parallel_loop3A_1964 : i32 to index
      %parallel_loop3A_1966 = arith.constant 0 : index
      %parallel_loop3A_1967 = tpu.vector_load %arg11[%parallel_loop3A_1965, %parallel_loop3A_1966] {strides = array<i32>} : memref<160x16xf32, #tpu.memory_space<vmem>>, vector<16xf32>,
      %parallel_loop3A_1968 = arith.mulf %parallel_loop3A_1223, %parallel_loop3A_1967 : vector<16xf32>
      %parallel_loop3A_1969 = arith.addf %parallel_loop3A_1961, %parallel_loop3A_1968 : vector<16xf32>
      %parallel_loop3A_1970 = arith.mulf %parallel_loop3A_1329, %parallel_loop3A_1967 : vector<16xf32>
      %parallel_loop3A_1971 = arith.addf %parallel_loop3A_1963, %parallel_loop3A_1970 : vector<16xf32>
      %parallel_loop3A_1972 = math.exp %parallel_loop3A_1969 : vector<16xf32>
      %parallel_loop3A_1973 = arith.constant 1.000000e+00 : f32
      %parallel_loop3A_1974 = vector.broadcast %parallel_loop3A_1973 : f32 to vector<16xf32>
      %parallel_loop3A_1975 = arith.addf %parallel_loop3A_1972, %parallel_loop3A_1974 : vector<16xf32>
      %parallel_loop3A_1976 = arith.constant 1.000000e+00 : f32
      %parallel_loop3A_1977 = vector.broadcast %parallel_loop3A_1976 : f32 to vector<16xf32>
      %parallel_loop3A_1978 = arith.divf %parallel_loop3A_1977, %parallel_loop3A_1975 : vector<16xf32>
      %parallel_loop3A_1979 = math.exp %parallel_loop3A_1971 : vector<16xf32>
      %parallel_loop3A_1980 = arith.constant 1.000000e+00 : f32
      %parallel_loop3A_1981 = vector.broadcast %parallel_loop3A_1980 : f32 to vector<16xf32>
      %parallel_loop3A_1982 = arith.addf %parallel_loop3A_1979, %parallel_loop3A_1981 : vector<16xf32>
      %parallel_loop3A_1983 = arith.constant 1.000000e+00 : f32
      %parallel_loop3A_1984 = vector.broadcast %parallel_loop3A_1983 : f32 to vector<16xf32>
      %parallel_loop3A_1985 = arith.divf %parallel_loop3A_1984, %parallel_loop3A_1982 : vector<16xf32>
      %parallel_loop3A_1986 = arith.constant 144 : i32
      %parallel_loop3A_1987 = arith.index_cast %parallel_loop3A_1986 : i32 to index
      %parallel_loop3A_1988 = arith.constant 0 : index
      %parallel_loop3A_1989 = tpu.vector_load %arg11[%parallel_loop3A_1987, %parallel_loop3A_1988] {strides = array<i32>} : memref<160x16xf32, #tpu.memory_space<vmem>>, vector<16xf32>,
      %parallel_loop3A_1990 = arith.constant 64 : i32
      %parallel_loop3A_1991 = arith.index_cast %parallel_loop3A_1990 : i32 to index
      %parallel_loop3A_1992 = arith.constant 0 : index
      %parallel_loop3A_1993 = tpu.vector_load %arg11[%parallel_loop3A_1991, %parallel_loop3A_1992] {strides = array<i32>} : memref<160x16xf32, #tpu.memory_space<vmem>>, vector<16xf32>,
      %parallel_loop3A_1994 = arith.mulf %parallel_loop3A_1404, %parallel_loop3A_1993 : vector<16xf32>
      %parallel_loop3A_1995 = arith.addf %parallel_loop3A_1989, %parallel_loop3A_1994 : vector<16xf32>
      %parallel_loop3A_1996 = arith.mulf %parallel_loop3A_1411, %parallel_loop3A_1993 : vector<16xf32>
      %parallel_loop3A_1997 = arith.addf %parallel_loop3A_1989, %parallel_loop3A_1996 : vector<16xf32>
      %parallel_loop3A_1998 = arith.constant 72 : i32
      %parallel_loop3A_1999 = arith.index_cast %parallel_loop3A_1998 : i32 to index
      %parallel_loop3A_2000 = arith.constant 0 : index
      %parallel_loop3A_2001 = tpu.vector_load %arg11[%parallel_loop3A_1999, %parallel_loop3A_2000] {strides = array<i32>} : memref<160x16xf32, #tpu.memory_space<vmem>>, vector<16xf32>,
      %parallel_loop3A_2002 = arith.mulf %parallel_loop3A_1486, %parallel_loop3A_2001 : vector<16xf32>
      %parallel_loop3A_2003 = arith.addf %parallel_loop3A_1995, %parallel_loop3A_2002 : vector<16xf32>
      %parallel_loop3A_2004 = arith.mulf %parallel_loop3A_1493, %parallel_loop3A_2001 : vector<16xf32>
      %parallel_loop3A_2005 = arith.addf %parallel_loop3A_1997, %parallel_loop3A_2004 : vector<16xf32>
      %parallel_loop3A_2006 = arith.constant 80 : i32
      %parallel_loop3A_2007 = arith.index_cast %parallel_loop3A_2006 : i32 to index
      %parallel_loop3A_2008 = arith.constant 0 : index
      %parallel_loop3A_2009 = tpu.vector_load %arg11[%parallel_loop3A_2007, %parallel_loop3A_2008] {strides = array<i32>} : memref<160x16xf32, #tpu.memory_space<vmem>>, vector<16xf32>,
      %parallel_loop3A_2010 = arith.mulf %parallel_loop3A_1568, %parallel_loop3A_2009 : vector<16xf32>
      %parallel_loop3A_2011 = arith.addf %parallel_loop3A_2003, %parallel_loop3A_2010 : vector<16xf32>
      %parallel_loop3A_2012 = arith.mulf %parallel_loop3A_1575, %parallel_loop3A_2009 : vector<16xf32>
      %parallel_loop3A_2013 = arith.addf %parallel_loop3A_2005, %parallel_loop3A_2012 : vector<16xf32>
      %parallel_loop3A_2014 = arith.constant 88 : i32
      %parallel_loop3A_2015 = arith.index_cast %parallel_loop3A_2014 : i32 to index
      %parallel_loop3A_2016 = arith.constant 0 : index
      %parallel_loop3A_2017 = tpu.vector_load %arg11[%parallel_loop3A_2015, %parallel_loop3A_2016] {strides = array<i32>} : memref<160x16xf32, #tpu.memory_space<vmem>>, vector<16xf32>,
      %parallel_loop3A_2018 = arith.mulf %parallel_loop3A_1650, %parallel_loop3A_2017 : vector<16xf32>
      %parallel_loop3A_2019 = arith.addf %parallel_loop3A_2011, %parallel_loop3A_2018 : vector<16xf32>
      %parallel_loop3A_2020 = arith.mulf %parallel_loop3A_1657, %parallel_loop3A_2017 : vector<16xf32>
      %parallel_loop3A_2021 = arith.addf %parallel_loop3A_2013, %parallel_loop3A_2020 : vector<16xf32>
      %parallel_loop3A_2022 = arith.constant 96 : i32
      %parallel_loop3A_2023 = arith.index_cast %parallel_loop3A_2022 : i32 to index
      %parallel_loop3A_2024 = arith.constant 0 : index
      %parallel_loop3A_2025 = tpu.vector_load %arg11[%parallel_loop3A_2023, %parallel_loop3A_2024] {strides = array<i32>} : memref<160x16xf32, #tpu.memory_space<vmem>>, vector<16xf32>,
      %parallel_loop3A_2026 = arith.mulf %parallel_loop3A_1732, %parallel_loop3A_2025 : vector<16xf32>
      %parallel_loop3A_2027 = arith.addf %parallel_loop3A_2019, %parallel_loop3A_2026 : vector<16xf32>
      %parallel_loop3A_2028 = arith.mulf %parallel_loop3A_1739, %parallel_loop3A_2025 : vector<16xf32>
      %parallel_loop3A_2029 = arith.addf %parallel_loop3A_2021, %parallel_loop3A_2028 : vector<16xf32>
      %parallel_loop3A_2030 = arith.constant 104 : i32
      %parallel_loop3A_2031 = arith.index_cast %parallel_loop3A_2030 : i32 to index
      %parallel_loop3A_2032 = arith.constant 0 : index
      %parallel_loop3A_2033 = tpu.vector_load %arg11[%parallel_loop3A_2031, %parallel_loop3A_2032] {strides = array<i32>} : memref<160x16xf32, #tpu.memory_space<vmem>>, vector<16xf32>,
      %parallel_loop3A_2034 = arith.mulf %parallel_loop3A_1814, %parallel_loop3A_2033 : vector<16xf32>
      %parallel_loop3A_2035 = arith.addf %parallel_loop3A_2027, %parallel_loop3A_2034 : vector<16xf32>
      %parallel_loop3A_2036 = arith.mulf %parallel_loop3A_1821, %parallel_loop3A_2033 : vector<16xf32>
      %parallel_loop3A_2037 = arith.addf %parallel_loop3A_2029, %parallel_loop3A_2036 : vector<16xf32>
      %parallel_loop3A_2038 = arith.constant 112 : i32
      %parallel_loop3A_2039 = arith.index_cast %parallel_loop3A_2038 : i32 to index
      %parallel_loop3A_2040 = arith.constant 0 : index
      %parallel_loop3A_2041 = tpu.vector_load %arg11[%parallel_loop3A_2039, %parallel_loop3A_2040] {strides = array<i32>} : memref<160x16xf32, #tpu.memory_space<vmem>>, vector<16xf32>,
      %parallel_loop3A_2042 = arith.mulf %parallel_loop3A_1896, %parallel_loop3A_2041 : vector<16xf32>
      %parallel_loop3A_2043 = arith.addf %parallel_loop3A_2035, %parallel_loop3A_2042 : vector<16xf32>
      %parallel_loop3A_2044 = arith.mulf %parallel_loop3A_1903, %parallel_loop3A_2041 : vector<16xf32>
      %parallel_loop3A_2045 = arith.addf %parallel_loop3A_2037, %parallel_loop3A_2044 : vector<16xf32>
      %parallel_loop3A_2046 = arith.constant 120 : i32
      %parallel_loop3A_2047 = arith.index_cast %parallel_loop3A_2046 : i32 to index
      %parallel_loop3A_2048 = arith.constant 0 : index
      %parallel_loop3A_2049 = tpu.vector_load %arg11[%parallel_loop3A_2047, %parallel_loop3A_2048] {strides = array<i32>} : memref<160x16xf32, #tpu.memory_space<vmem>>, vector<16xf32>,
      %parallel_loop3A_2050 = arith.mulf %parallel_loop3A_1978, %parallel_loop3A_2049 : vector<16xf32>
      %parallel_loop3A_2051 = arith.addf %parallel_loop3A_2043, %parallel_loop3A_2050 : vector<16xf32>
      %parallel_loop3A_2052 = arith.mulf %parallel_loop3A_1985, %parallel_loop3A_2049 : vector<16xf32>
      %parallel_loop3A_2053 = arith.addf %parallel_loop3A_2045, %parallel_loop3A_2052 : vector<16xf32>
      %parallel_loop3A_2054 = math.exp %parallel_loop3A_2051 : vector<16xf32>
      %parallel_loop3A_2055 = arith.constant 1.000000e+00 : f32
      %parallel_loop3A_2056 = vector.broadcast %parallel_loop3A_2055 : f32 to vector<16xf32>
      %parallel_loop3A_2057 = arith.addf %parallel_loop3A_2054, %parallel_loop3A_2056 : vector<16xf32>
      %parallel_loop3A_2058 = arith.constant 1.000000e+00 : f32
      %parallel_loop3A_2059 = vector.broadcast %parallel_loop3A_2058 : f32 to vector<16xf32>
      %parallel_loop3A_2060 = arith.divf %parallel_loop3A_2059, %parallel_loop3A_2057 : vector<16xf32>
      %parallel_loop3A_2061 = math.exp %parallel_loop3A_2053 : vector<16xf32>
      %parallel_loop3A_2062 = arith.constant 1.000000e+00 : f32
      %parallel_loop3A_2063 = vector.broadcast %parallel_loop3A_2062 : f32 to vector<16xf32>
      %parallel_loop3A_2064 = arith.addf %parallel_loop3A_2061, %parallel_loop3A_2063 : vector<16xf32>
      %parallel_loop3A_2065 = arith.constant 1.000000e+00 : f32
      %parallel_loop3A_2066 = vector.broadcast %parallel_loop3A_2065 : f32 to vector<16xf32>
      %parallel_loop3A_2067 = arith.divf %parallel_loop3A_2066, %parallel_loop3A_2064 : vector<16xf32>
      %parallel_loop3A_2068 = arith.constant 145 : i32
      %parallel_loop3A_2069 = arith.index_cast %parallel_loop3A_2068 : i32 to index
      %parallel_loop3A_2070 = arith.constant 0 : index
      %parallel_loop3A_2071 = tpu.vector_load %arg11[%parallel_loop3A_2069, %parallel_loop3A_2070] {strides = array<i32>} : memref<160x16xf32, #tpu.memory_space<vmem>>, vector<16xf32>,
      %parallel_loop3A_2072 = arith.constant 65 : i32
      %parallel_loop3A_2073 = arith.index_cast %parallel_loop3A_2072 : i32 to index
      %parallel_loop3A_2074 = arith.constant 0 : index
      %parallel_loop3A_2075 = tpu.vector_load %arg11[%parallel_loop3A_2073, %parallel_loop3A_2074] {strides = array<i32>} : memref<160x16xf32, #tpu.memory_space<vmem>>, vector<16xf32>,
      %parallel_loop3A_2076 = arith.mulf %parallel_loop3A_1404, %parallel_loop3A_2075 : vector<16xf32>
      %parallel_loop3A_2077 = arith.addf %parallel_loop3A_2071, %parallel_loop3A_2076 : vector<16xf32>
      %parallel_loop3A_2078 = arith.mulf %parallel_loop3A_1411, %parallel_loop3A_2075 : vector<16xf32>
      %parallel_loop3A_2079 = arith.addf %parallel_loop3A_2071, %parallel_loop3A_2078 : vector<16xf32>
      %parallel_loop3A_2080 = arith.constant 73 : i32
      %parallel_loop3A_2081 = arith.index_cast %parallel_loop3A_2080 : i32 to index
      %parallel_loop3A_2082 = arith.constant 0 : index
      %parallel_loop3A_2083 = tpu.vector_load %arg11[%parallel_loop3A_2081, %parallel_loop3A_2082] {strides = array<i32>} : memref<160x16xf32, #tpu.memory_space<vmem>>, vector<16xf32>,
      %parallel_loop3A_2084 = arith.mulf %parallel_loop3A_1486, %parallel_loop3A_2083 : vector<16xf32>
      %parallel_loop3A_2085 = arith.addf %parallel_loop3A_2077, %parallel_loop3A_2084 : vector<16xf32>
      %parallel_loop3A_2086 = arith.mulf %parallel_loop3A_1493, %parallel_loop3A_2083 : vector<16xf32>
      %parallel_loop3A_2087 = arith.addf %parallel_loop3A_2079, %parallel_loop3A_2086 : vector<16xf32>
      %parallel_loop3A_2088 = arith.constant 81 : i32
      %parallel_loop3A_2089 = arith.index_cast %parallel_loop3A_2088 : i32 to index
      %parallel_loop3A_2090 = arith.constant 0 : index
      %parallel_loop3A_2091 = tpu.vector_load %arg11[%parallel_loop3A_2089, %parallel_loop3A_2090] {strides = array<i32>} : memref<160x16xf32, #tpu.memory_space<vmem>>, vector<16xf32>,
      %parallel_loop3A_2092 = arith.mulf %parallel_loop3A_1568, %parallel_loop3A_2091 : vector<16xf32>
      %parallel_loop3A_2093 = arith.addf %parallel_loop3A_2085, %parallel_loop3A_2092 : vector<16xf32>
      %parallel_loop3A_2094 = arith.mulf %parallel_loop3A_1575, %parallel_loop3A_2091 : vector<16xf32>
      %parallel_loop3A_2095 = arith.addf %parallel_loop3A_2087, %parallel_loop3A_2094 : vector<16xf32>
      %parallel_loop3A_2096 = arith.constant 89 : i32
      %parallel_loop3A_2097 = arith.index_cast %parallel_loop3A_2096 : i32 to index
      %parallel_loop3A_2098 = arith.constant 0 : index
      %parallel_loop3A_2099 = tpu.vector_load %arg11[%parallel_loop3A_2097, %parallel_loop3A_2098] {strides = array<i32>} : memref<160x16xf32, #tpu.memory_space<vmem>>, vector<16xf32>,
      %parallel_loop3A_2100 = arith.mulf %parallel_loop3A_1650, %parallel_loop3A_2099 : vector<16xf32>
      %parallel_loop3A_2101 = arith.addf %parallel_loop3A_2093, %parallel_loop3A_2100 : vector<16xf32>
      %parallel_loop3A_2102 = arith.mulf %parallel_loop3A_1657, %parallel_loop3A_2099 : vector<16xf32>
      %parallel_loop3A_2103 = arith.addf %parallel_loop3A_2095, %parallel_loop3A_2102 : vector<16xf32>
      %parallel_loop3A_2104 = arith.constant 97 : i32
      %parallel_loop3A_2105 = arith.index_cast %parallel_loop3A_2104 : i32 to index
      %parallel_loop3A_2106 = arith.constant 0 : index
      %parallel_loop3A_2107 = tpu.vector_load %arg11[%parallel_loop3A_2105, %parallel_loop3A_2106] {strides = array<i32>} : memref<160x16xf32, #tpu.memory_space<vmem>>, vector<16xf32>,
      %parallel_loop3A_2108 = arith.mulf %parallel_loop3A_1732, %parallel_loop3A_2107 : vector<16xf32>
      %parallel_loop3A_2109 = arith.addf %parallel_loop3A_2101, %parallel_loop3A_2108 : vector<16xf32>
      %parallel_loop3A_2110 = arith.mulf %parallel_loop3A_1739, %parallel_loop3A_2107 : vector<16xf32>
      %parallel_loop3A_2111 = arith.addf %parallel_loop3A_2103, %parallel_loop3A_2110 : vector<16xf32>
      %parallel_loop3A_2112 = arith.constant 105 : i32
      %parallel_loop3A_2113 = arith.index_cast %parallel_loop3A_2112 : i32 to index
      %parallel_loop3A_2114 = arith.constant 0 : index
      %parallel_loop3A_2115 = tpu.vector_load %arg11[%parallel_loop3A_2113, %parallel_loop3A_2114] {strides = array<i32>} : memref<160x16xf32, #tpu.memory_space<vmem>>, vector<16xf32>,
      %parallel_loop3A_2116 = arith.mulf %parallel_loop3A_1814, %parallel_loop3A_2115 : vector<16xf32>
      %parallel_loop3A_2117 = arith.addf %parallel_loop3A_2109, %parallel_loop3A_2116 : vector<16xf32>
      %parallel_loop3A_2118 = arith.mulf %parallel_loop3A_1821, %parallel_loop3A_2115 : vector<16xf32>
      %parallel_loop3A_2119 = arith.addf %parallel_loop3A_2111, %parallel_loop3A_2118 : vector<16xf32>
      %parallel_loop3A_2120 = arith.constant 113 : i32
      %parallel_loop3A_2121 = arith.index_cast %parallel_loop3A_2120 : i32 to index
      %parallel_loop3A_2122 = arith.constant 0 : index
      %parallel_loop3A_2123 = tpu.vector_load %arg11[%parallel_loop3A_2121, %parallel_loop3A_2122] {strides = array<i32>} : memref<160x16xf32, #tpu.memory_space<vmem>>, vector<16xf32>,
      %parallel_loop3A_2124 = arith.mulf %parallel_loop3A_1896, %parallel_loop3A_2123 : vector<16xf32>
      %parallel_loop3A_2125 = arith.addf %parallel_loop3A_2117, %parallel_loop3A_2124 : vector<16xf32>
      %parallel_loop3A_2126 = arith.mulf %parallel_loop3A_1903, %parallel_loop3A_2123 : vector<16xf32>
      %parallel_loop3A_2127 = arith.addf %parallel_loop3A_2119, %parallel_loop3A_2126 : vector<16xf32>
      %parallel_loop3A_2128 = arith.constant 121 : i32
      %parallel_loop3A_2129 = arith.index_cast %parallel_loop3A_2128 : i32 to index
      %parallel_loop3A_2130 = arith.constant 0 : index
      %parallel_loop3A_2131 = tpu.vector_load %arg11[%parallel_loop3A_2129, %parallel_loop3A_2130] {strides = array<i32>} : memref<160x16xf32, #tpu.memory_space<vmem>>, vector<16xf32>,
      %parallel_loop3A_2132 = arith.mulf %parallel_loop3A_1978, %parallel_loop3A_2131 : vector<16xf32>
      %parallel_loop3A_2133 = arith.addf %parallel_loop3A_2125, %parallel_loop3A_2132 : vector<16xf32>
      %parallel_loop3A_2134 = arith.mulf %parallel_loop3A_1985, %parallel_loop3A_2131 : vector<16xf32>
      %parallel_loop3A_2135 = arith.addf %parallel_loop3A_2127, %parallel_loop3A_2134 : vector<16xf32>
      %parallel_loop3A_2136 = math.exp %parallel_loop3A_2133 : vector<16xf32>
      %parallel_loop3A_2137 = arith.constant 1.000000e+00 : f32
      %parallel_loop3A_2138 = vector.broadcast %parallel_loop3A_2137 : f32 to vector<16xf32>
      %parallel_loop3A_2139 = arith.addf %parallel_loop3A_2136, %parallel_loop3A_2138 : vector<16xf32>
      %parallel_loop3A_2140 = arith.constant 1.000000e+00 : f32
      %parallel_loop3A_2141 = vector.broadcast %parallel_loop3A_2140 : f32 to vector<16xf32>
      %parallel_loop3A_2142 = arith.divf %parallel_loop3A_2141, %parallel_loop3A_2139 : vector<16xf32>
      %parallel_loop3A_2143 = math.exp %parallel_loop3A_2135 : vector<16xf32>
      %parallel_loop3A_2144 = arith.constant 1.000000e+00 : f32
      %parallel_loop3A_2145 = vector.broadcast %parallel_loop3A_2144 : f32 to vector<16xf32>
      %parallel_loop3A_2146 = arith.addf %parallel_loop3A_2143, %parallel_loop3A_2145 : vector<16xf32>
      %parallel_loop3A_2147 = arith.constant 1.000000e+00 : f32
      %parallel_loop3A_2148 = vector.broadcast %parallel_loop3A_2147 : f32 to vector<16xf32>
      %parallel_loop3A_2149 = arith.divf %parallel_loop3A_2148, %parallel_loop3A_2146 : vector<16xf32>
      %parallel_loop3A_2150 = arith.constant 146 : i32
      %parallel_loop3A_2151 = arith.index_cast %parallel_loop3A_2150 : i32 to index
      %parallel_loop3A_2152 = arith.constant 0 : index
      %parallel_loop3A_2153 = tpu.vector_load %arg11[%parallel_loop3A_2151, %parallel_loop3A_2152] {strides = array<i32>} : memref<160x16xf32, #tpu.memory_space<vmem>>, vector<16xf32>,
      %parallel_loop3A_2154 = arith.constant 66 : i32
      %parallel_loop3A_2155 = arith.index_cast %parallel_loop3A_2154 : i32 to index
      %parallel_loop3A_2156 = arith.constant 0 : index
      %parallel_loop3A_2157 = tpu.vector_load %arg11[%parallel_loop3A_2155, %parallel_loop3A_2156] {strides = array<i32>} : memref<160x16xf32, #tpu.memory_space<vmem>>, vector<16xf32>,
      %parallel_loop3A_2158 = arith.mulf %parallel_loop3A_1404, %parallel_loop3A_2157 : vector<16xf32>
      %parallel_loop3A_2159 = arith.addf %parallel_loop3A_2153, %parallel_loop3A_2158 : vector<16xf32>
      %parallel_loop3A_2160 = arith.mulf %parallel_loop3A_1411, %parallel_loop3A_2157 : vector<16xf32>
      %parallel_loop3A_2161 = arith.addf %parallel_loop3A_2153, %parallel_loop3A_2160 : vector<16xf32>
      %parallel_loop3A_2162 = arith.constant 74 : i32
      %parallel_loop3A_2163 = arith.index_cast %parallel_loop3A_2162 : i32 to index
      %parallel_loop3A_2164 = arith.constant 0 : index
      %parallel_loop3A_2165 = tpu.vector_load %arg11[%parallel_loop3A_2163, %parallel_loop3A_2164] {strides = array<i32>} : memref<160x16xf32, #tpu.memory_space<vmem>>, vector<16xf32>,
      %parallel_loop3A_2166 = arith.mulf %parallel_loop3A_1486, %parallel_loop3A_2165 : vector<16xf32>
      %parallel_loop3A_2167 = arith.addf %parallel_loop3A_2159, %parallel_loop3A_2166 : vector<16xf32>
      %parallel_loop3A_2168 = arith.mulf %parallel_loop3A_1493, %parallel_loop3A_2165 : vector<16xf32>
      %parallel_loop3A_2169 = arith.addf %parallel_loop3A_2161, %parallel_loop3A_2168 : vector<16xf32>
      %parallel_loop3A_2170 = arith.constant 82 : i32
      %parallel_loop3A_2171 = arith.index_cast %parallel_loop3A_2170 : i32 to index
      %parallel_loop3A_2172 = arith.constant 0 : index
      %parallel_loop3A_2173 = tpu.vector_load %arg11[%parallel_loop3A_2171, %parallel_loop3A_2172] {strides = array<i32>} : memref<160x16xf32, #tpu.memory_space<vmem>>, vector<16xf32>,
      %parallel_loop3A_2174 = arith.mulf %parallel_loop3A_1568, %parallel_loop3A_2173 : vector<16xf32>
      %parallel_loop3A_2175 = arith.addf %parallel_loop3A_2167, %parallel_loop3A_2174 : vector<16xf32>
      %parallel_loop3A_2176 = arith.mulf %parallel_loop3A_1575, %parallel_loop3A_2173 : vector<16xf32>
      %parallel_loop3A_2177 = arith.addf %parallel_loop3A_2169, %parallel_loop3A_2176 : vector<16xf32>
      %parallel_loop3A_2178 = arith.constant 90 : i32
      %parallel_loop3A_2179 = arith.index_cast %parallel_loop3A_2178 : i32 to index
      %parallel_loop3A_2180 = arith.constant 0 : index
      %parallel_loop3A_2181 = tpu.vector_load %arg11[%parallel_loop3A_2179, %parallel_loop3A_2180] {strides = array<i32>} : memref<160x16xf32, #tpu.memory_space<vmem>>, vector<16xf32>,
      %parallel_loop3A_2182 = arith.mulf %parallel_loop3A_1650, %parallel_loop3A_2181 : vector<16xf32>
      %parallel_loop3A_2183 = arith.addf %parallel_loop3A_2175, %parallel_loop3A_2182 : vector<16xf32>
      %parallel_loop3A_2184 = arith.mulf %parallel_loop3A_1657, %parallel_loop3A_2181 : vector<16xf32>
      %parallel_loop3A_2185 = arith.addf %parallel_loop3A_2177, %parallel_loop3A_2184 : vector<16xf32>
      %parallel_loop3A_2186 = arith.constant 98 : i32
      %parallel_loop3A_2187 = arith.index_cast %parallel_loop3A_2186 : i32 to index
      %parallel_loop3A_2188 = arith.constant 0 : index
      %parallel_loop3A_2189 = tpu.vector_load %arg11[%parallel_loop3A_2187, %parallel_loop3A_2188] {strides = array<i32>} : memref<160x16xf32, #tpu.memory_space<vmem>>, vector<16xf32>,
      %parallel_loop3A_2190 = arith.mulf %parallel_loop3A_1732, %parallel_loop3A_2189 : vector<16xf32>
      %parallel_loop3A_2191 = arith.addf %parallel_loop3A_2183, %parallel_loop3A_2190 : vector<16xf32>
      %parallel_loop3A_2192 = arith.mulf %parallel_loop3A_1739, %parallel_loop3A_2189 : vector<16xf32>
      %parallel_loop3A_2193 = arith.addf %parallel_loop3A_2185, %parallel_loop3A_2192 : vector<16xf32>
      %parallel_loop3A_2194 = arith.constant 106 : i32
      %parallel_loop3A_2195 = arith.index_cast %parallel_loop3A_2194 : i32 to index
      %parallel_loop3A_2196 = arith.constant 0 : index
      %parallel_loop3A_2197 = tpu.vector_load %arg11[%parallel_loop3A_2195, %parallel_loop3A_2196] {strides = array<i32>} : memref<160x16xf32, #tpu.memory_space<vmem>>, vector<16xf32>,
      %parallel_loop3A_2198 = arith.mulf %parallel_loop3A_1814, %parallel_loop3A_2197 : vector<16xf32>
      %parallel_loop3A_2199 = arith.addf %parallel_loop3A_2191, %parallel_loop3A_2198 : vector<16xf32>
      %parallel_loop3A_2200 = arith.mulf %parallel_loop3A_1821, %parallel_loop3A_2197 : vector<16xf32>
      %parallel_loop3A_2201 = arith.addf %parallel_loop3A_2193, %parallel_loop3A_2200 : vector<16xf32>
      %parallel_loop3A_2202 = arith.constant 114 : i32
      %parallel_loop3A_2203 = arith.index_cast %parallel_loop3A_2202 : i32 to index
      %parallel_loop3A_2204 = arith.constant 0 : index
      %parallel_loop3A_2205 = tpu.vector_load %arg11[%parallel_loop3A_2203, %parallel_loop3A_2204] {strides = array<i32>} : memref<160x16xf32, #tpu.memory_space<vmem>>, vector<16xf32>,
      %parallel_loop3A_2206 = arith.mulf %parallel_loop3A_1896, %parallel_loop3A_2205 : vector<16xf32>
      %parallel_loop3A_2207 = arith.addf %parallel_loop3A_2199, %parallel_loop3A_2206 : vector<16xf32>
      %parallel_loop3A_2208 = arith.mulf %parallel_loop3A_1903, %parallel_loop3A_2205 : vector<16xf32>
      %parallel_loop3A_2209 = arith.addf %parallel_loop3A_2201, %parallel_loop3A_2208 : vector<16xf32>
      %parallel_loop3A_2210 = arith.constant 122 : i32
      %parallel_loop3A_2211 = arith.index_cast %parallel_loop3A_2210 : i32 to index
      %parallel_loop3A_2212 = arith.constant 0 : index
      %parallel_loop3A_2213 = tpu.vector_load %arg11[%parallel_loop3A_2211, %parallel_loop3A_2212] {strides = array<i32>} : memref<160x16xf32, #tpu.memory_space<vmem>>, vector<16xf32>,
      %parallel_loop3A_2214 = arith.mulf %parallel_loop3A_1978, %parallel_loop3A_2213 : vector<16xf32>
      %parallel_loop3A_2215 = arith.addf %parallel_loop3A_2207, %parallel_loop3A_2214 : vector<16xf32>
      %parallel_loop3A_2216 = arith.mulf %parallel_loop3A_1985, %parallel_loop3A_2213 : vector<16xf32>
      %parallel_loop3A_2217 = arith.addf %parallel_loop3A_2209, %parallel_loop3A_2216 : vector<16xf32>
      %parallel_loop3A_2218 = math.exp %parallel_loop3A_2215 : vector<16xf32>
      %parallel_loop3A_2219 = arith.constant 1.000000e+00 : f32
      %parallel_loop3A_2220 = vector.broadcast %parallel_loop3A_2219 : f32 to vector<16xf32>
      %parallel_loop3A_2221 = arith.addf %parallel_loop3A_2218, %parallel_loop3A_2220 : vector<16xf32>
      %parallel_loop3A_2222 = arith.constant 1.000000e+00 : f32
      %parallel_loop3A_2223 = vector.broadcast %parallel_loop3A_2222 : f32 to vector<16xf32>
      %parallel_loop3A_2224 = arith.divf %parallel_loop3A_2223, %parallel_loop3A_2221 : vector<16xf32>
      %parallel_loop3A_2225 = math.exp %parallel_loop3A_2217 : vector<16xf32>
      %parallel_loop3A_2226 = arith.constant 1.000000e+00 : f32
      %parallel_loop3A_2227 = vector.broadcast %parallel_loop3A_2226 : f32 to vector<16xf32>
      %parallel_loop3A_2228 = arith.addf %parallel_loop3A_2225, %parallel_loop3A_2227 : vector<16xf32>
      %parallel_loop3A_2229 = arith.constant 1.000000e+00 : f32
      %parallel_loop3A_2230 = vector.broadcast %parallel_loop3A_2229 : f32 to vector<16xf32>
      %parallel_loop3A_2231 = arith.divf %parallel_loop3A_2230, %parallel_loop3A_2228 : vector<16xf32>
      %parallel_loop3A_2232 = arith.constant 147 : i32
      %parallel_loop3A_2233 = arith.index_cast %parallel_loop3A_2232 : i32 to index
      %parallel_loop3A_2234 = arith.constant 0 : index
      %parallel_loop3A_2235 = tpu.vector_load %arg11[%parallel_loop3A_2233, %parallel_loop3A_2234] {strides = array<i32>} : memref<160x16xf32, #tpu.memory_space<vmem>>, vector<16xf32>,
      %parallel_loop3A_2236 = arith.constant 67 : i32
      %parallel_loop3A_2237 = arith.index_cast %parallel_loop3A_2236 : i32 to index
      %parallel_loop3A_2238 = arith.constant 0 : index
      %parallel_loop3A_2239 = tpu.vector_load %arg11[%parallel_loop3A_2237, %parallel_loop3A_2238] {strides = array<i32>} : memref<160x16xf32, #tpu.memory_space<vmem>>, vector<16xf32>,
      %parallel_loop3A_2240 = arith.mulf %parallel_loop3A_1404, %parallel_loop3A_2239 : vector<16xf32>
      %parallel_loop3A_2241 = arith.addf %parallel_loop3A_2235, %parallel_loop3A_2240 : vector<16xf32>
      %parallel_loop3A_2242 = arith.mulf %parallel_loop3A_1411, %parallel_loop3A_2239 : vector<16xf32>
      %parallel_loop3A_2243 = arith.addf %parallel_loop3A_2235, %parallel_loop3A_2242 : vector<16xf32>
      %parallel_loop3A_2244 = arith.constant 75 : i32
      %parallel_loop3A_2245 = arith.index_cast %parallel_loop3A_2244 : i32 to index
      %parallel_loop3A_2246 = arith.constant 0 : index
      %parallel_loop3A_2247 = tpu.vector_load %arg11[%parallel_loop3A_2245, %parallel_loop3A_2246] {strides = array<i32>} : memref<160x16xf32, #tpu.memory_space<vmem>>, vector<16xf32>,
      %parallel_loop3A_2248 = arith.mulf %parallel_loop3A_1486, %parallel_loop3A_2247 : vector<16xf32>
      %parallel_loop3A_2249 = arith.addf %parallel_loop3A_2241, %parallel_loop3A_2248 : vector<16xf32>
      %parallel_loop3A_2250 = arith.mulf %parallel_loop3A_1493, %parallel_loop3A_2247 : vector<16xf32>
      %parallel_loop3A_2251 = arith.addf %parallel_loop3A_2243, %parallel_loop3A_2250 : vector<16xf32>
      %parallel_loop3A_2252 = arith.constant 83 : i32
      %parallel_loop3A_2253 = arith.index_cast %parallel_loop3A_2252 : i32 to index
      %parallel_loop3A_2254 = arith.constant 0 : index
      %parallel_loop3A_2255 = tpu.vector_load %arg11[%parallel_loop3A_2253, %parallel_loop3A_2254] {strides = array<i32>} : memref<160x16xf32, #tpu.memory_space<vmem>>, vector<16xf32>,
      %parallel_loop3A_2256 = arith.mulf %parallel_loop3A_1568, %parallel_loop3A_2255 : vector<16xf32>
      %parallel_loop3A_2257 = arith.addf %parallel_loop3A_2249, %parallel_loop3A_2256 : vector<16xf32>
      %parallel_loop3A_2258 = arith.mulf %parallel_loop3A_1575, %parallel_loop3A_2255 : vector<16xf32>
      %parallel_loop3A_2259 = arith.addf %parallel_loop3A_2251, %parallel_loop3A_2258 : vector<16xf32>
      %parallel_loop3A_2260 = arith.constant 91 : i32
      %parallel_loop3A_2261 = arith.index_cast %parallel_loop3A_2260 : i32 to index
      %parallel_loop3A_2262 = arith.constant 0 : index
      %parallel_loop3A_2263 = tpu.vector_load %arg11[%parallel_loop3A_2261, %parallel_loop3A_2262] {strides = array<i32>} : memref<160x16xf32, #tpu.memory_space<vmem>>, vector<16xf32>,
      %parallel_loop3A_2264 = arith.mulf %parallel_loop3A_1650, %parallel_loop3A_2263 : vector<16xf32>
      %parallel_loop3A_2265 = arith.addf %parallel_loop3A_2257, %parallel_loop3A_2264 : vector<16xf32>
      %parallel_loop3A_2266 = arith.mulf %parallel_loop3A_1657, %parallel_loop3A_2263 : vector<16xf32>
      %parallel_loop3A_2267 = arith.addf %parallel_loop3A_2259, %parallel_loop3A_2266 : vector<16xf32>
      %parallel_loop3A_2268 = arith.constant 99 : i32
      %parallel_loop3A_2269 = arith.index_cast %parallel_loop3A_2268 : i32 to index
      %parallel_loop3A_2270 = arith.constant 0 : index
      %parallel_loop3A_2271 = tpu.vector_load %arg11[%parallel_loop3A_2269, %parallel_loop3A_2270] {strides = array<i32>} : memref<160x16xf32, #tpu.memory_space<vmem>>, vector<16xf32>,
      %parallel_loop3A_2272 = arith.mulf %parallel_loop3A_1732, %parallel_loop3A_2271 : vector<16xf32>
      %parallel_loop3A_2273 = arith.addf %parallel_loop3A_2265, %parallel_loop3A_2272 : vector<16xf32>
      %parallel_loop3A_2274 = arith.mulf %parallel_loop3A_1739, %parallel_loop3A_2271 : vector<16xf32>
      %parallel_loop3A_2275 = arith.addf %parallel_loop3A_2267, %parallel_loop3A_2274 : vector<16xf32>
      %parallel_loop3A_2276 = arith.constant 107 : i32
      %parallel_loop3A_2277 = arith.index_cast %parallel_loop3A_2276 : i32 to index
      %parallel_loop3A_2278 = arith.constant 0 : index
      %parallel_loop3A_2279 = tpu.vector_load %arg11[%parallel_loop3A_2277, %parallel_loop3A_2278] {strides = array<i32>} : memref<160x16xf32, #tpu.memory_space<vmem>>, vector<16xf32>,
      %parallel_loop3A_2280 = arith.mulf %parallel_loop3A_1814, %parallel_loop3A_2279 : vector<16xf32>
      %parallel_loop3A_2281 = arith.addf %parallel_loop3A_2273, %parallel_loop3A_2280 : vector<16xf32>
      %parallel_loop3A_2282 = arith.mulf %parallel_loop3A_1821, %parallel_loop3A_2279 : vector<16xf32>
      %parallel_loop3A_2283 = arith.addf %parallel_loop3A_2275, %parallel_loop3A_2282 : vector<16xf32>
      %parallel_loop3A_2284 = arith.constant 115 : i32
      %parallel_loop3A_2285 = arith.index_cast %parallel_loop3A_2284 : i32 to index
      %parallel_loop3A_2286 = arith.constant 0 : index
      %parallel_loop3A_2287 = tpu.vector_load %arg11[%parallel_loop3A_2285, %parallel_loop3A_2286] {strides = array<i32>} : memref<160x16xf32, #tpu.memory_space<vmem>>, vector<16xf32>,
      %parallel_loop3A_2288 = arith.mulf %parallel_loop3A_1896, %parallel_loop3A_2287 : vector<16xf32>
      %parallel_loop3A_2289 = arith.addf %parallel_loop3A_2281, %parallel_loop3A_2288 : vector<16xf32>
      %parallel_loop3A_2290 = arith.mulf %parallel_loop3A_1903, %parallel_loop3A_2287 : vector<16xf32>
      %parallel_loop3A_2291 = arith.addf %parallel_loop3A_2283, %parallel_loop3A_2290 : vector<16xf32>
      %parallel_loop3A_2292 = arith.constant 123 : i32
      %parallel_loop3A_2293 = arith.index_cast %parallel_loop3A_2292 : i32 to index
      %parallel_loop3A_2294 = arith.constant 0 : index
      %parallel_loop3A_2295 = tpu.vector_load %arg11[%parallel_loop3A_2293, %parallel_loop3A_2294] {strides = array<i32>} : memref<160x16xf32, #tpu.memory_space<vmem>>, vector<16xf32>,
      %parallel_loop3A_2296 = arith.mulf %parallel_loop3A_1978, %parallel_loop3A_2295 : vector<16xf32>
      %parallel_loop3A_2297 = arith.addf %parallel_loop3A_2289, %parallel_loop3A_2296 : vector<16xf32>
      %parallel_loop3A_2298 = arith.mulf %parallel_loop3A_1985, %parallel_loop3A_2295 : vector<16xf32>
      %parallel_loop3A_2299 = arith.addf %parallel_loop3A_2291, %parallel_loop3A_2298 : vector<16xf32>
      %parallel_loop3A_2300 = math.exp %parallel_loop3A_2297 : vector<16xf32>
      %parallel_loop3A_2301 = arith.constant 1.000000e+00 : f32
      %parallel_loop3A_2302 = vector.broadcast %parallel_loop3A_2301 : f32 to vector<16xf32>
      %parallel_loop3A_2303 = arith.addf %parallel_loop3A_2300, %parallel_loop3A_2302 : vector<16xf32>
      %parallel_loop3A_2304 = arith.constant 1.000000e+00 : f32
      %parallel_loop3A_2305 = vector.broadcast %parallel_loop3A_2304 : f32 to vector<16xf32>
      %parallel_loop3A_2306 = arith.divf %parallel_loop3A_2305, %parallel_loop3A_2303 : vector<16xf32>
      %parallel_loop3A_2307 = math.exp %parallel_loop3A_2299 : vector<16xf32>
      %parallel_loop3A_2308 = arith.constant 1.000000e+00 : f32
      %parallel_loop3A_2309 = vector.broadcast %parallel_loop3A_2308 : f32 to vector<16xf32>
      %parallel_loop3A_2310 = arith.addf %parallel_loop3A_2307, %parallel_loop3A_2309 : vector<16xf32>
      %parallel_loop3A_2311 = arith.constant 1.000000e+00 : f32
      %parallel_loop3A_2312 = vector.broadcast %parallel_loop3A_2311 : f32 to vector<16xf32>
      %parallel_loop3A_2313 = arith.divf %parallel_loop3A_2312, %parallel_loop3A_2310 : vector<16xf32>
      %parallel_loop3A_2314 = arith.constant 148 : i32
      %parallel_loop3A_2315 = arith.index_cast %parallel_loop3A_2314 : i32 to index
      %parallel_loop3A_2316 = arith.constant 0 : index
      %parallel_loop3A_2317 = tpu.vector_load %arg11[%parallel_loop3A_2315, %parallel_loop3A_2316] {strides = array<i32>} : memref<160x16xf32, #tpu.memory_space<vmem>>, vector<16xf32>,
      %parallel_loop3A_2318 = arith.constant 68 : i32
      %parallel_loop3A_2319 = arith.index_cast %parallel_loop3A_2318 : i32 to index
      %parallel_loop3A_2320 = arith.constant 0 : index
      %parallel_loop3A_2321 = tpu.vector_load %arg11[%parallel_loop3A_2319, %parallel_loop3A_2320] {strides = array<i32>} : memref<160x16xf32, #tpu.memory_space<vmem>>, vector<16xf32>,
      %parallel_loop3A_2322 = arith.mulf %parallel_loop3A_1404, %parallel_loop3A_2321 : vector<16xf32>
      %parallel_loop3A_2323 = arith.addf %parallel_loop3A_2317, %parallel_loop3A_2322 : vector<16xf32>
      %parallel_loop3A_2324 = arith.mulf %parallel_loop3A_1411, %parallel_loop3A_2321 : vector<16xf32>
      %parallel_loop3A_2325 = arith.addf %parallel_loop3A_2317, %parallel_loop3A_2324 : vector<16xf32>
      %parallel_loop3A_2326 = arith.constant 76 : i32
      %parallel_loop3A_2327 = arith.index_cast %parallel_loop3A_2326 : i32 to index
      %parallel_loop3A_2328 = arith.constant 0 : index
      %parallel_loop3A_2329 = tpu.vector_load %arg11[%parallel_loop3A_2327, %parallel_loop3A_2328] {strides = array<i32>} : memref<160x16xf32, #tpu.memory_space<vmem>>, vector<16xf32>,
      %parallel_loop3A_2330 = arith.mulf %parallel_loop3A_1486, %parallel_loop3A_2329 : vector<16xf32>
      %parallel_loop3A_2331 = arith.addf %parallel_loop3A_2323, %parallel_loop3A_2330 : vector<16xf32>
      %parallel_loop3A_2332 = arith.mulf %parallel_loop3A_1493, %parallel_loop3A_2329 : vector<16xf32>
      %parallel_loop3A_2333 = arith.addf %parallel_loop3A_2325, %parallel_loop3A_2332 : vector<16xf32>
      %parallel_loop3A_2334 = arith.constant 84 : i32
      %parallel_loop3A_2335 = arith.index_cast %parallel_loop3A_2334 : i32 to index
      %parallel_loop3A_2336 = arith.constant 0 : index
      %parallel_loop3A_2337 = tpu.vector_load %arg11[%parallel_loop3A_2335, %parallel_loop3A_2336] {strides = array<i32>} : memref<160x16xf32, #tpu.memory_space<vmem>>, vector<16xf32>,
      %parallel_loop3A_2338 = arith.mulf %parallel_loop3A_1568, %parallel_loop3A_2337 : vector<16xf32>
      %parallel_loop3A_2339 = arith.addf %parallel_loop3A_2331, %parallel_loop3A_2338 : vector<16xf32>
      %parallel_loop3A_2340 = arith.mulf %parallel_loop3A_1575, %parallel_loop3A_2337 : vector<16xf32>
      %parallel_loop3A_2341 = arith.addf %parallel_loop3A_2333, %parallel_loop3A_2340 : vector<16xf32>
      %parallel_loop3A_2342 = arith.constant 92 : i32
      %parallel_loop3A_2343 = arith.index_cast %parallel_loop3A_2342 : i32 to index
      %parallel_loop3A_2344 = arith.constant 0 : index
      %parallel_loop3A_2345 = tpu.vector_load %arg11[%parallel_loop3A_2343, %parallel_loop3A_2344] {strides = array<i32>} : memref<160x16xf32, #tpu.memory_space<vmem>>, vector<16xf32>,
      %parallel_loop3A_2346 = arith.mulf %parallel_loop3A_1650, %parallel_loop3A_2345 : vector<16xf32>
      %parallel_loop3A_2347 = arith.addf %parallel_loop3A_2339, %parallel_loop3A_2346 : vector<16xf32>
      %parallel_loop3A_2348 = arith.mulf %parallel_loop3A_1657, %parallel_loop3A_2345 : vector<16xf32>
      %parallel_loop3A_2349 = arith.addf %parallel_loop3A_2341, %parallel_loop3A_2348 : vector<16xf32>
      %parallel_loop3A_2350 = arith.constant 100 : i32
      %parallel_loop3A_2351 = arith.index_cast %parallel_loop3A_2350 : i32 to index
      %parallel_loop3A_2352 = arith.constant 0 : index
      %parallel_loop3A_2353 = tpu.vector_load %arg11[%parallel_loop3A_2351, %parallel_loop3A_2352] {strides = array<i32>} : memref<160x16xf32, #tpu.memory_space<vmem>>, vector<16xf32>,
      %parallel_loop3A_2354 = arith.mulf %parallel_loop3A_1732, %parallel_loop3A_2353 : vector<16xf32>
      %parallel_loop3A_2355 = arith.addf %parallel_loop3A_2347, %parallel_loop3A_2354 : vector<16xf32>
      %parallel_loop3A_2356 = arith.mulf %parallel_loop3A_1739, %parallel_loop3A_2353 : vector<16xf32>
      %parallel_loop3A_2357 = arith.addf %parallel_loop3A_2349, %parallel_loop3A_2356 : vector<16xf32>
      %parallel_loop3A_2358 = arith.constant 108 : i32
      %parallel_loop3A_2359 = arith.index_cast %parallel_loop3A_2358 : i32 to index
      %parallel_loop3A_2360 = arith.constant 0 : index
      %parallel_loop3A_2361 = tpu.vector_load %arg11[%parallel_loop3A_2359, %parallel_loop3A_2360] {strides = array<i32>} : memref<160x16xf32, #tpu.memory_space<vmem>>, vector<16xf32>,
      %parallel_loop3A_2362 = arith.mulf %parallel_loop3A_1814, %parallel_loop3A_2361 : vector<16xf32>
      %parallel_loop3A_2363 = arith.addf %parallel_loop3A_2355, %parallel_loop3A_2362 : vector<16xf32>
      %parallel_loop3A_2364 = arith.mulf %parallel_loop3A_1821, %parallel_loop3A_2361 : vector<16xf32>
      %parallel_loop3A_2365 = arith.addf %parallel_loop3A_2357, %parallel_loop3A_2364 : vector<16xf32>
      %parallel_loop3A_2366 = arith.constant 116 : i32
      %parallel_loop3A_2367 = arith.index_cast %parallel_loop3A_2366 : i32 to index
      %parallel_loop3A_2368 = arith.constant 0 : index
      %parallel_loop3A_2369 = tpu.vector_load %arg11[%parallel_loop3A_2367, %parallel_loop3A_2368] {strides = array<i32>} : memref<160x16xf32, #tpu.memory_space<vmem>>, vector<16xf32>,
      %parallel_loop3A_2370 = arith.mulf %parallel_loop3A_1896, %parallel_loop3A_2369 : vector<16xf32>
      %parallel_loop3A_2371 = arith.addf %parallel_loop3A_2363, %parallel_loop3A_2370 : vector<16xf32>
      %parallel_loop3A_2372 = arith.mulf %parallel_loop3A_1903, %parallel_loop3A_2369 : vector<16xf32>
      %parallel_loop3A_2373 = arith.addf %parallel_loop3A_2365, %parallel_loop3A_2372 : vector<16xf32>
      %parallel_loop3A_2374 = arith.constant 124 : i32
      %parallel_loop3A_2375 = arith.index_cast %parallel_loop3A_2374 : i32 to index
      %parallel_loop3A_2376 = arith.constant 0 : index
      %parallel_loop3A_2377 = tpu.vector_load %arg11[%parallel_loop3A_2375, %parallel_loop3A_2376] {strides = array<i32>} : memref<160x16xf32, #tpu.memory_space<vmem>>, vector<16xf32>,
      %parallel_loop3A_2378 = arith.mulf %parallel_loop3A_1978, %parallel_loop3A_2377 : vector<16xf32>
      %parallel_loop3A_2379 = arith.addf %parallel_loop3A_2371, %parallel_loop3A_2378 : vector<16xf32>
      %parallel_loop3A_2380 = arith.mulf %parallel_loop3A_1985, %parallel_loop3A_2377 : vector<16xf32>
      %parallel_loop3A_2381 = arith.addf %parallel_loop3A_2373, %parallel_loop3A_2380 : vector<16xf32>
      %parallel_loop3A_2382 = math.exp %parallel_loop3A_2379 : vector<16xf32>
      %parallel_loop3A_2383 = arith.constant 1.000000e+00 : f32
      %parallel_loop3A_2384 = vector.broadcast %parallel_loop3A_2383 : f32 to vector<16xf32>
      %parallel_loop3A_2385 = arith.addf %parallel_loop3A_2382, %parallel_loop3A_2384 : vector<16xf32>
      %parallel_loop3A_2386 = arith.constant 1.000000e+00 : f32
      %parallel_loop3A_2387 = vector.broadcast %parallel_loop3A_2386 : f32 to vector<16xf32>
      %parallel_loop3A_2388 = arith.divf %parallel_loop3A_2387, %parallel_loop3A_2385 : vector<16xf32>
      %parallel_loop3A_2389 = math.exp %parallel_loop3A_2381 : vector<16xf32>
      %parallel_loop3A_2390 = arith.constant 1.000000e+00 : f32
      %parallel_loop3A_2391 = vector.broadcast %parallel_loop3A_2390 : f32 to vector<16xf32>
      %parallel_loop3A_2392 = arith.addf %parallel_loop3A_2389, %parallel_loop3A_2391 : vector<16xf32>
      %parallel_loop3A_2393 = arith.constant 1.000000e+00 : f32
      %parallel_loop3A_2394 = vector.broadcast %parallel_loop3A_2393 : f32 to vector<16xf32>
      %parallel_loop3A_2395 = arith.divf %parallel_loop3A_2394, %parallel_loop3A_2392 : vector<16xf32>
      %parallel_loop3A_2396 = arith.constant 149 : i32
      %parallel_loop3A_2397 = arith.index_cast %parallel_loop3A_2396 : i32 to index
      %parallel_loop3A_2398 = arith.constant 0 : index
      %parallel_loop3A_2399 = tpu.vector_load %arg11[%parallel_loop3A_2397, %parallel_loop3A_2398] {strides = array<i32>} : memref<160x16xf32, #tpu.memory_space<vmem>>, vector<16xf32>,
      %parallel_loop3A_2400 = arith.constant 69 : i32
      %parallel_loop3A_2401 = arith.index_cast %parallel_loop3A_2400 : i32 to index
      %parallel_loop3A_2402 = arith.constant 0 : index
      %parallel_loop3A_2403 = tpu.vector_load %arg11[%parallel_loop3A_2401, %parallel_loop3A_2402] {strides = array<i32>} : memref<160x16xf32, #tpu.memory_space<vmem>>, vector<16xf32>,
      %parallel_loop3A_2404 = arith.mulf %parallel_loop3A_1404, %parallel_loop3A_2403 : vector<16xf32>
      %parallel_loop3A_2405 = arith.addf %parallel_loop3A_2399, %parallel_loop3A_2404 : vector<16xf32>
      %parallel_loop3A_2406 = arith.mulf %parallel_loop3A_1411, %parallel_loop3A_2403 : vector<16xf32>
      %parallel_loop3A_2407 = arith.addf %parallel_loop3A_2399, %parallel_loop3A_2406 : vector<16xf32>
      %parallel_loop3A_2408 = arith.constant 77 : i32
      %parallel_loop3A_2409 = arith.index_cast %parallel_loop3A_2408 : i32 to index
      %parallel_loop3A_2410 = arith.constant 0 : index
      %parallel_loop3A_2411 = tpu.vector_load %arg11[%parallel_loop3A_2409, %parallel_loop3A_2410] {strides = array<i32>} : memref<160x16xf32, #tpu.memory_space<vmem>>, vector<16xf32>,
      %parallel_loop3A_2412 = arith.mulf %parallel_loop3A_1486, %parallel_loop3A_2411 : vector<16xf32>
      %parallel_loop3A_2413 = arith.addf %parallel_loop3A_2405, %parallel_loop3A_2412 : vector<16xf32>
      %parallel_loop3A_2414 = arith.mulf %parallel_loop3A_1493, %parallel_loop3A_2411 : vector<16xf32>
      %parallel_loop3A_2415 = arith.addf %parallel_loop3A_2407, %parallel_loop3A_2414 : vector<16xf32>
      %parallel_loop3A_2416 = arith.constant 85 : i32
      %parallel_loop3A_2417 = arith.index_cast %parallel_loop3A_2416 : i32 to index
      %parallel_loop3A_2418 = arith.constant 0 : index
      %parallel_loop3A_2419 = tpu.vector_load %arg11[%parallel_loop3A_2417, %parallel_loop3A_2418] {strides = array<i32>} : memref<160x16xf32, #tpu.memory_space<vmem>>, vector<16xf32>,
      %parallel_loop3A_2420 = arith.mulf %parallel_loop3A_1568, %parallel_loop3A_2419 : vector<16xf32>
      %parallel_loop3A_2421 = arith.addf %parallel_loop3A_2413, %parallel_loop3A_2420 : vector<16xf32>
      %parallel_loop3A_2422 = arith.mulf %parallel_loop3A_1575, %parallel_loop3A_2419 : vector<16xf32>
      %parallel_loop3A_2423 = arith.addf %parallel_loop3A_2415, %parallel_loop3A_2422 : vector<16xf32>
      %parallel_loop3A_2424 = arith.constant 93 : i32
      %parallel_loop3A_2425 = arith.index_cast %parallel_loop3A_2424 : i32 to index
      %parallel_loop3A_2426 = arith.constant 0 : index
      %parallel_loop3A_2427 = tpu.vector_load %arg11[%parallel_loop3A_2425, %parallel_loop3A_2426] {strides = array<i32>} : memref<160x16xf32, #tpu.memory_space<vmem>>, vector<16xf32>,
      %parallel_loop3A_2428 = arith.mulf %parallel_loop3A_1650, %parallel_loop3A_2427 : vector<16xf32>
      %parallel_loop3A_2429 = arith.addf %parallel_loop3A_2421, %parallel_loop3A_2428 : vector<16xf32>
      %parallel_loop3A_2430 = arith.mulf %parallel_loop3A_1657, %parallel_loop3A_2427 : vector<16xf32>
      %parallel_loop3A_2431 = arith.addf %parallel_loop3A_2423, %parallel_loop3A_2430 : vector<16xf32>
      %parallel_loop3A_2432 = arith.constant 101 : i32
      %parallel_loop3A_2433 = arith.index_cast %parallel_loop3A_2432 : i32 to index
      %parallel_loop3A_2434 = arith.constant 0 : index
      %parallel_loop3A_2435 = tpu.vector_load %arg11[%parallel_loop3A_2433, %parallel_loop3A_2434] {strides = array<i32>} : memref<160x16xf32, #tpu.memory_space<vmem>>, vector<16xf32>,
      %parallel_loop3A_2436 = arith.mulf %parallel_loop3A_1732, %parallel_loop3A_2435 : vector<16xf32>
      %parallel_loop3A_2437 = arith.addf %parallel_loop3A_2429, %parallel_loop3A_2436 : vector<16xf32>
      %parallel_loop3A_2438 = arith.mulf %parallel_loop3A_1739, %parallel_loop3A_2435 : vector<16xf32>
      %parallel_loop3A_2439 = arith.addf %parallel_loop3A_2431, %parallel_loop3A_2438 : vector<16xf32>
      %parallel_loop3A_2440 = arith.constant 109 : i32
      %parallel_loop3A_2441 = arith.index_cast %parallel_loop3A_2440 : i32 to index
      %parallel_loop3A_2442 = arith.constant 0 : index
      %parallel_loop3A_2443 = tpu.vector_load %arg11[%parallel_loop3A_2441, %parallel_loop3A_2442] {strides = array<i32>} : memref<160x16xf32, #tpu.memory_space<vmem>>, vector<16xf32>,
      %parallel_loop3A_2444 = arith.mulf %parallel_loop3A_1814, %parallel_loop3A_2443 : vector<16xf32>
      %parallel_loop3A_2445 = arith.addf %parallel_loop3A_2437, %parallel_loop3A_2444 : vector<16xf32>
      %parallel_loop3A_2446 = arith.mulf %parallel_loop3A_1821, %parallel_loop3A_2443 : vector<16xf32>
      %parallel_loop3A_2447 = arith.addf %parallel_loop3A_2439, %parallel_loop3A_2446 : vector<16xf32>
      %parallel_loop3A_2448 = arith.constant 117 : i32
      %parallel_loop3A_2449 = arith.index_cast %parallel_loop3A_2448 : i32 to index
      %parallel_loop3A_2450 = arith.constant 0 : index
      %parallel_loop3A_2451 = tpu.vector_load %arg11[%parallel_loop3A_2449, %parallel_loop3A_2450] {strides = array<i32>} : memref<160x16xf32, #tpu.memory_space<vmem>>, vector<16xf32>,
      %parallel_loop3A_2452 = arith.mulf %parallel_loop3A_1896, %parallel_loop3A_2451 : vector<16xf32>
      %parallel_loop3A_2453 = arith.addf %parallel_loop3A_2445, %parallel_loop3A_2452 : vector<16xf32>
      %parallel_loop3A_2454 = arith.mulf %parallel_loop3A_1903, %parallel_loop3A_2451 : vector<16xf32>
      %parallel_loop3A_2455 = arith.addf %parallel_loop3A_2447, %parallel_loop3A_2454 : vector<16xf32>
      %parallel_loop3A_2456 = arith.constant 125 : i32
      %parallel_loop3A_2457 = arith.index_cast %parallel_loop3A_2456 : i32 to index
      %parallel_loop3A_2458 = arith.constant 0 : index
      %parallel_loop3A_2459 = tpu.vector_load %arg11[%parallel_loop3A_2457, %parallel_loop3A_2458] {strides = array<i32>} : memref<160x16xf32, #tpu.memory_space<vmem>>, vector<16xf32>,
      %parallel_loop3A_2460 = arith.mulf %parallel_loop3A_1978, %parallel_loop3A_2459 : vector<16xf32>
      %parallel_loop3A_2461 = arith.addf %parallel_loop3A_2453, %parallel_loop3A_2460 : vector<16xf32>
      %parallel_loop3A_2462 = arith.mulf %parallel_loop3A_1985, %parallel_loop3A_2459 : vector<16xf32>
      %parallel_loop3A_2463 = arith.addf %parallel_loop3A_2455, %parallel_loop3A_2462 : vector<16xf32>
      %parallel_loop3A_2464 = math.exp %parallel_loop3A_2461 : vector<16xf32>
      %parallel_loop3A_2465 = arith.constant 1.000000e+00 : f32
      %parallel_loop3A_2466 = vector.broadcast %parallel_loop3A_2465 : f32 to vector<16xf32>
      %parallel_loop3A_2467 = arith.addf %parallel_loop3A_2464, %parallel_loop3A_2466 : vector<16xf32>
      %parallel_loop3A_2468 = arith.constant 1.000000e+00 : f32
      %parallel_loop3A_2469 = vector.broadcast %parallel_loop3A_2468 : f32 to vector<16xf32>
      %parallel_loop3A_2470 = arith.divf %parallel_loop3A_2469, %parallel_loop3A_2467 : vector<16xf32>
      %parallel_loop3A_2471 = math.exp %parallel_loop3A_2463 : vector<16xf32>
      %parallel_loop3A_2472 = arith.constant 1.000000e+00 : f32
      %parallel_loop3A_2473 = vector.broadcast %parallel_loop3A_2472 : f32 to vector<16xf32>
      %parallel_loop3A_2474 = arith.addf %parallel_loop3A_2471, %parallel_loop3A_2473 : vector<16xf32>
      %parallel_loop3A_2475 = arith.constant 1.000000e+00 : f32
      %parallel_loop3A_2476 = vector.broadcast %parallel_loop3A_2475 : f32 to vector<16xf32>
      %parallel_loop3A_2477 = arith.divf %parallel_loop3A_2476, %parallel_loop3A_2474 : vector<16xf32>
      %parallel_loop3A_2478 = arith.constant 150 : i32
      %parallel_loop3A_2479 = arith.index_cast %parallel_loop3A_2478 : i32 to index
      %parallel_loop3A_2480 = arith.constant 0 : index
      %parallel_loop3A_2481 = tpu.vector_load %arg11[%parallel_loop3A_2479, %parallel_loop3A_2480] {strides = array<i32>} : memref<160x16xf32, #tpu.memory_space<vmem>>, vector<16xf32>,
      %parallel_loop3A_2482 = arith.constant 70 : i32
      %parallel_loop3A_2483 = arith.index_cast %parallel_loop3A_2482 : i32 to index
      %parallel_loop3A_2484 = arith.constant 0 : index
      %parallel_loop3A_2485 = tpu.vector_load %arg11[%parallel_loop3A_2483, %parallel_loop3A_2484] {strides = array<i32>} : memref<160x16xf32, #tpu.memory_space<vmem>>, vector<16xf32>,
      %parallel_loop3A_2486 = arith.mulf %parallel_loop3A_1404, %parallel_loop3A_2485 : vector<16xf32>
      %parallel_loop3A_2487 = arith.addf %parallel_loop3A_2481, %parallel_loop3A_2486 : vector<16xf32>
      %parallel_loop3A_2488 = arith.mulf %parallel_loop3A_1411, %parallel_loop3A_2485 : vector<16xf32>
      %parallel_loop3A_2489 = arith.addf %parallel_loop3A_2481, %parallel_loop3A_2488 : vector<16xf32>
      %parallel_loop3A_2490 = arith.constant 78 : i32
      %parallel_loop3A_2491 = arith.index_cast %parallel_loop3A_2490 : i32 to index
      %parallel_loop3A_2492 = arith.constant 0 : index
      %parallel_loop3A_2493 = tpu.vector_load %arg11[%parallel_loop3A_2491, %parallel_loop3A_2492] {strides = array<i32>} : memref<160x16xf32, #tpu.memory_space<vmem>>, vector<16xf32>,
      %parallel_loop3A_2494 = arith.mulf %parallel_loop3A_1486, %parallel_loop3A_2493 : vector<16xf32>
      %parallel_loop3A_2495 = arith.addf %parallel_loop3A_2487, %parallel_loop3A_2494 : vector<16xf32>
      %parallel_loop3A_2496 = arith.mulf %parallel_loop3A_1493, %parallel_loop3A_2493 : vector<16xf32>
      %parallel_loop3A_2497 = arith.addf %parallel_loop3A_2489, %parallel_loop3A_2496 : vector<16xf32>
      %parallel_loop3A_2498 = arith.constant 86 : i32
      %parallel_loop3A_2499 = arith.index_cast %parallel_loop3A_2498 : i32 to index
      %parallel_loop3A_2500 = arith.constant 0 : index
      %parallel_loop3A_2501 = tpu.vector_load %arg11[%parallel_loop3A_2499, %parallel_loop3A_2500] {strides = array<i32>} : memref<160x16xf32, #tpu.memory_space<vmem>>, vector<16xf32>,
      %parallel_loop3A_2502 = arith.mulf %parallel_loop3A_1568, %parallel_loop3A_2501 : vector<16xf32>
      %parallel_loop3A_2503 = arith.addf %parallel_loop3A_2495, %parallel_loop3A_2502 : vector<16xf32>
      %parallel_loop3A_2504 = arith.mulf %parallel_loop3A_1575, %parallel_loop3A_2501 : vector<16xf32>
      %parallel_loop3A_2505 = arith.addf %parallel_loop3A_2497, %parallel_loop3A_2504 : vector<16xf32>
      %parallel_loop3A_2506 = arith.constant 94 : i32
      %parallel_loop3A_2507 = arith.index_cast %parallel_loop3A_2506 : i32 to index
      %parallel_loop3A_2508 = arith.constant 0 : index
      %parallel_loop3A_2509 = tpu.vector_load %arg11[%parallel_loop3A_2507, %parallel_loop3A_2508] {strides = array<i32>} : memref<160x16xf32, #tpu.memory_space<vmem>>, vector<16xf32>,
      %parallel_loop3A_2510 = arith.mulf %parallel_loop3A_1650, %parallel_loop3A_2509 : vector<16xf32>
      %parallel_loop3A_2511 = arith.addf %parallel_loop3A_2503, %parallel_loop3A_2510 : vector<16xf32>
      %parallel_loop3A_2512 = arith.mulf %parallel_loop3A_1657, %parallel_loop3A_2509 : vector<16xf32>
      %parallel_loop3A_2513 = arith.addf %parallel_loop3A_2505, %parallel_loop3A_2512 : vector<16xf32>
      %parallel_loop3A_2514 = arith.constant 102 : i32
      %parallel_loop3A_2515 = arith.index_cast %parallel_loop3A_2514 : i32 to index
      %parallel_loop3A_2516 = arith.constant 0 : index
      %parallel_loop3A_2517 = tpu.vector_load %arg11[%parallel_loop3A_2515, %parallel_loop3A_2516] {strides = array<i32>} : memref<160x16xf32, #tpu.memory_space<vmem>>, vector<16xf32>,
      %parallel_loop3A_2518 = arith.mulf %parallel_loop3A_1732, %parallel_loop3A_2517 : vector<16xf32>
      %parallel_loop3A_2519 = arith.addf %parallel_loop3A_2511, %parallel_loop3A_2518 : vector<16xf32>
      %parallel_loop3A_2520 = arith.mulf %parallel_loop3A_1739, %parallel_loop3A_2517 : vector<16xf32>
      %parallel_loop3A_2521 = arith.addf %parallel_loop3A_2513, %parallel_loop3A_2520 : vector<16xf32>
      %parallel_loop3A_2522 = arith.constant 110 : i32
      %parallel_loop3A_2523 = arith.index_cast %parallel_loop3A_2522 : i32 to index
      %parallel_loop3A_2524 = arith.constant 0 : index
      %parallel_loop3A_2525 = tpu.vector_load %arg11[%parallel_loop3A_2523, %parallel_loop3A_2524] {strides = array<i32>} : memref<160x16xf32, #tpu.memory_space<vmem>>, vector<16xf32>,
      %parallel_loop3A_2526 = arith.mulf %parallel_loop3A_1814, %parallel_loop3A_2525 : vector<16xf32>
      %parallel_loop3A_2527 = arith.addf %parallel_loop3A_2519, %parallel_loop3A_2526 : vector<16xf32>
      %parallel_loop3A_2528 = arith.mulf %parallel_loop3A_1821, %parallel_loop3A_2525 : vector<16xf32>
      %parallel_loop3A_2529 = arith.addf %parallel_loop3A_2521, %parallel_loop3A_2528 : vector<16xf32>
      %parallel_loop3A_2530 = arith.constant 118 : i32
      %parallel_loop3A_2531 = arith.index_cast %parallel_loop3A_2530 : i32 to index
      %parallel_loop3A_2532 = arith.constant 0 : index
      %parallel_loop3A_2533 = tpu.vector_load %arg11[%parallel_loop3A_2531, %parallel_loop3A_2532] {strides = array<i32>} : memref<160x16xf32, #tpu.memory_space<vmem>>, vector<16xf32>,
      %parallel_loop3A_2534 = arith.mulf %parallel_loop3A_1896, %parallel_loop3A_2533 : vector<16xf32>
      %parallel_loop3A_2535 = arith.addf %parallel_loop3A_2527, %parallel_loop3A_2534 : vector<16xf32>
      %parallel_loop3A_2536 = arith.mulf %parallel_loop3A_1903, %parallel_loop3A_2533 : vector<16xf32>
      %parallel_loop3A_2537 = arith.addf %parallel_loop3A_2529, %parallel_loop3A_2536 : vector<16xf32>
      %parallel_loop3A_2538 = arith.constant 126 : i32
      %parallel_loop3A_2539 = arith.index_cast %parallel_loop3A_2538 : i32 to index
      %parallel_loop3A_2540 = arith.constant 0 : index
      %parallel_loop3A_2541 = tpu.vector_load %arg11[%parallel_loop3A_2539, %parallel_loop3A_2540] {strides = array<i32>} : memref<160x16xf32, #tpu.memory_space<vmem>>, vector<16xf32>,
      %parallel_loop3A_2542 = arith.mulf %parallel_loop3A_1978, %parallel_loop3A_2541 : vector<16xf32>
      %parallel_loop3A_2543 = arith.addf %parallel_loop3A_2535, %parallel_loop3A_2542 : vector<16xf32>
      %parallel_loop3A_2544 = arith.mulf %parallel_loop3A_1985, %parallel_loop3A_2541 : vector<16xf32>
      %parallel_loop3A_2545 = arith.addf %parallel_loop3A_2537, %parallel_loop3A_2544 : vector<16xf32>
      %parallel_loop3A_2546 = math.exp %parallel_loop3A_2543 : vector<16xf32>
      %parallel_loop3A_2547 = arith.constant 1.000000e+00 : f32
      %parallel_loop3A_2548 = vector.broadcast %parallel_loop3A_2547 : f32 to vector<16xf32>
      %parallel_loop3A_2549 = arith.addf %parallel_loop3A_2546, %parallel_loop3A_2548 : vector<16xf32>
      %parallel_loop3A_2550 = arith.constant 1.000000e+00 : f32
      %parallel_loop3A_2551 = vector.broadcast %parallel_loop3A_2550 : f32 to vector<16xf32>
      %parallel_loop3A_2552 = arith.divf %parallel_loop3A_2551, %parallel_loop3A_2549 : vector<16xf32>
      %parallel_loop3A_2553 = math.exp %parallel_loop3A_2545 : vector<16xf32>
      %parallel_loop3A_2554 = arith.constant 1.000000e+00 : f32
      %parallel_loop3A_2555 = vector.broadcast %parallel_loop3A_2554 : f32 to vector<16xf32>
      %parallel_loop3A_2556 = arith.addf %parallel_loop3A_2553, %parallel_loop3A_2555 : vector<16xf32>
      %parallel_loop3A_2557 = arith.constant 1.000000e+00 : f32
      %parallel_loop3A_2558 = vector.broadcast %parallel_loop3A_2557 : f32 to vector<16xf32>
      %parallel_loop3A_2559 = arith.divf %parallel_loop3A_2558, %parallel_loop3A_2556 : vector<16xf32>
      %parallel_loop3A_2560 = arith.constant 151 : i32
      %parallel_loop3A_2561 = arith.index_cast %parallel_loop3A_2560 : i32 to index
      %parallel_loop3A_2562 = arith.constant 0 : index
      %parallel_loop3A_2563 = tpu.vector_load %arg11[%parallel_loop3A_2561, %parallel_loop3A_2562] {strides = array<i32>} : memref<160x16xf32, #tpu.memory_space<vmem>>, vector<16xf32>,
      %parallel_loop3A_2564 = arith.constant 71 : i32
      %parallel_loop3A_2565 = arith.index_cast %parallel_loop3A_2564 : i32 to index
      %parallel_loop3A_2566 = arith.constant 0 : index
      %parallel_loop3A_2567 = tpu.vector_load %arg11[%parallel_loop3A_2565, %parallel_loop3A_2566] {strides = array<i32>} : memref<160x16xf32, #tpu.memory_space<vmem>>, vector<16xf32>,
      %parallel_loop3A_2568 = arith.mulf %parallel_loop3A_1404, %parallel_loop3A_2567 : vector<16xf32>
      %parallel_loop3A_2569 = arith.addf %parallel_loop3A_2563, %parallel_loop3A_2568 : vector<16xf32>
      %parallel_loop3A_2570 = arith.mulf %parallel_loop3A_1411, %parallel_loop3A_2567 : vector<16xf32>
      %parallel_loop3A_2571 = arith.addf %parallel_loop3A_2563, %parallel_loop3A_2570 : vector<16xf32>
      %parallel_loop3A_2572 = arith.constant 79 : i32
      %parallel_loop3A_2573 = arith.index_cast %parallel_loop3A_2572 : i32 to index
      %parallel_loop3A_2574 = arith.constant 0 : index
      %parallel_loop3A_2575 = tpu.vector_load %arg11[%parallel_loop3A_2573, %parallel_loop3A_2574] {strides = array<i32>} : memref<160x16xf32, #tpu.memory_space<vmem>>, vector<16xf32>,
      %parallel_loop3A_2576 = arith.mulf %parallel_loop3A_1486, %parallel_loop3A_2575 : vector<16xf32>
      %parallel_loop3A_2577 = arith.addf %parallel_loop3A_2569, %parallel_loop3A_2576 : vector<16xf32>
      %parallel_loop3A_2578 = arith.mulf %parallel_loop3A_1493, %parallel_loop3A_2575 : vector<16xf32>
      %parallel_loop3A_2579 = arith.addf %parallel_loop3A_2571, %parallel_loop3A_2578 : vector<16xf32>
      %parallel_loop3A_2580 = arith.constant 87 : i32
      %parallel_loop3A_2581 = arith.index_cast %parallel_loop3A_2580 : i32 to index
      %parallel_loop3A_2582 = arith.constant 0 : index
      %parallel_loop3A_2583 = tpu.vector_load %arg11[%parallel_loop3A_2581, %parallel_loop3A_2582] {strides = array<i32>} : memref<160x16xf32, #tpu.memory_space<vmem>>, vector<16xf32>,
      %parallel_loop3A_2584 = arith.mulf %parallel_loop3A_1568, %parallel_loop3A_2583 : vector<16xf32>
      %parallel_loop3A_2585 = arith.addf %parallel_loop3A_2577, %parallel_loop3A_2584 : vector<16xf32>
      %parallel_loop3A_2586 = arith.mulf %parallel_loop3A_1575, %parallel_loop3A_2583 : vector<16xf32>
      %parallel_loop3A_2587 = arith.addf %parallel_loop3A_2579, %parallel_loop3A_2586 : vector<16xf32>
      %parallel_loop3A_2588 = arith.constant 95 : i32
      %parallel_loop3A_2589 = arith.index_cast %parallel_loop3A_2588 : i32 to index
      %parallel_loop3A_2590 = arith.constant 0 : index
      %parallel_loop3A_2591 = tpu.vector_load %arg11[%parallel_loop3A_2589, %parallel_loop3A_2590] {strides = array<i32>} : memref<160x16xf32, #tpu.memory_space<vmem>>, vector<16xf32>,
      %parallel_loop3A_2592 = arith.mulf %parallel_loop3A_1650, %parallel_loop3A_2591 : vector<16xf32>
      %parallel_loop3A_2593 = arith.addf %parallel_loop3A_2585, %parallel_loop3A_2592 : vector<16xf32>
      %parallel_loop3A_2594 = arith.mulf %parallel_loop3A_1657, %parallel_loop3A_2591 : vector<16xf32>
      %parallel_loop3A_2595 = arith.addf %parallel_loop3A_2587, %parallel_loop3A_2594 : vector<16xf32>
      %parallel_loop3A_2596 = arith.constant 103 : i32
      %parallel_loop3A_2597 = arith.index_cast %parallel_loop3A_2596 : i32 to index
      %parallel_loop3A_2598 = arith.constant 0 : index
      %parallel_loop3A_2599 = tpu.vector_load %arg11[%parallel_loop3A_2597, %parallel_loop3A_2598] {strides = array<i32>} : memref<160x16xf32, #tpu.memory_space<vmem>>, vector<16xf32>,
      %parallel_loop3A_2600 = arith.mulf %parallel_loop3A_1732, %parallel_loop3A_2599 : vector<16xf32>
      %parallel_loop3A_2601 = arith.addf %parallel_loop3A_2593, %parallel_loop3A_2600 : vector<16xf32>
      %parallel_loop3A_2602 = arith.mulf %parallel_loop3A_1739, %parallel_loop3A_2599 : vector<16xf32>
      %parallel_loop3A_2603 = arith.addf %parallel_loop3A_2595, %parallel_loop3A_2602 : vector<16xf32>
      %parallel_loop3A_2604 = arith.constant 111 : i32
      %parallel_loop3A_2605 = arith.index_cast %parallel_loop3A_2604 : i32 to index
      %parallel_loop3A_2606 = arith.constant 0 : index
      %parallel_loop3A_2607 = tpu.vector_load %arg11[%parallel_loop3A_2605, %parallel_loop3A_2606] {strides = array<i32>} : memref<160x16xf32, #tpu.memory_space<vmem>>, vector<16xf32>,
      %parallel_loop3A_2608 = arith.mulf %parallel_loop3A_1814, %parallel_loop3A_2607 : vector<16xf32>
      %parallel_loop3A_2609 = arith.addf %parallel_loop3A_2601, %parallel_loop3A_2608 : vector<16xf32>
      %parallel_loop3A_2610 = arith.mulf %parallel_loop3A_1821, %parallel_loop3A_2607 : vector<16xf32>
      %parallel_loop3A_2611 = arith.addf %parallel_loop3A_2603, %parallel_loop3A_2610 : vector<16xf32>
      %parallel_loop3A_2612 = arith.constant 119 : i32
      %parallel_loop3A_2613 = arith.index_cast %parallel_loop3A_2612 : i32 to index
      %parallel_loop3A_2614 = arith.constant 0 : index
      %parallel_loop3A_2615 = tpu.vector_load %arg11[%parallel_loop3A_2613, %parallel_loop3A_2614] {strides = array<i32>} : memref<160x16xf32, #tpu.memory_space<vmem>>, vector<16xf32>,
      %parallel_loop3A_2616 = arith.mulf %parallel_loop3A_1896, %parallel_loop3A_2615 : vector<16xf32>
      %parallel_loop3A_2617 = arith.addf %parallel_loop3A_2609, %parallel_loop3A_2616 : vector<16xf32>
      %parallel_loop3A_2618 = arith.mulf %parallel_loop3A_1903, %parallel_loop3A_2615 : vector<16xf32>
      %parallel_loop3A_2619 = arith.addf %parallel_loop3A_2611, %parallel_loop3A_2618 : vector<16xf32>
      %parallel_loop3A_2620 = arith.constant 127 : i32
      %parallel_loop3A_2621 = arith.index_cast %parallel_loop3A_2620 : i32 to index
      %parallel_loop3A_2622 = arith.constant 0 : index
      %parallel_loop3A_2623 = tpu.vector_load %arg11[%parallel_loop3A_2621, %parallel_loop3A_2622] {strides = array<i32>} : memref<160x16xf32, #tpu.memory_space<vmem>>, vector<16xf32>,
      %parallel_loop3A_2624 = arith.mulf %parallel_loop3A_1978, %parallel_loop3A_2623 : vector<16xf32>
      %parallel_loop3A_2625 = arith.addf %parallel_loop3A_2617, %parallel_loop3A_2624 : vector<16xf32>
      %parallel_loop3A_2626 = arith.mulf %parallel_loop3A_1985, %parallel_loop3A_2623 : vector<16xf32>
      %parallel_loop3A_2627 = arith.addf %parallel_loop3A_2619, %parallel_loop3A_2626 : vector<16xf32>
      %parallel_loop3A_2628 = math.exp %parallel_loop3A_2625 : vector<16xf32>
      %parallel_loop3A_2629 = arith.constant 1.000000e+00 : f32
      %parallel_loop3A_2630 = vector.broadcast %parallel_loop3A_2629 : f32 to vector<16xf32>
      %parallel_loop3A_2631 = arith.addf %parallel_loop3A_2628, %parallel_loop3A_2630 : vector<16xf32>
      %parallel_loop3A_2632 = arith.constant 1.000000e+00 : f32
      %parallel_loop3A_2633 = vector.broadcast %parallel_loop3A_2632 : f32 to vector<16xf32>
      %parallel_loop3A_2634 = arith.divf %parallel_loop3A_2633, %parallel_loop3A_2631 : vector<16xf32>
      %parallel_loop3A_2635 = math.exp %parallel_loop3A_2627 : vector<16xf32>
      %parallel_loop3A_2636 = arith.constant 1.000000e+00 : f32
      %parallel_loop3A_2637 = vector.broadcast %parallel_loop3A_2636 : f32 to vector<16xf32>
      %parallel_loop3A_2638 = arith.addf %parallel_loop3A_2635, %parallel_loop3A_2637 : vector<16xf32>
      %parallel_loop3A_2639 = arith.constant 1.000000e+00 : f32
      %parallel_loop3A_2640 = vector.broadcast %parallel_loop3A_2639 : f32 to vector<16xf32>
      %parallel_loop3A_2641 = arith.divf %parallel_loop3A_2640, %parallel_loop3A_2638 : vector<16xf32>
      %parallel_loop3A_2642 = arith.constant 152 : i32
      %parallel_loop3A_2643 = arith.index_cast %parallel_loop3A_2642 : i32 to index
      %parallel_loop3A_2644 = arith.constant 0 : index
      %parallel_loop3A_2645 = tpu.vector_load %arg11[%parallel_loop3A_2643, %parallel_loop3A_2644] {strides = array<i32>} : memref<160x16xf32, #tpu.memory_space<vmem>>, vector<16xf32>,
      %parallel_loop3A_2646 = arith.constant 128 : i32
      %parallel_loop3A_2647 = arith.index_cast %parallel_loop3A_2646 : i32 to index
      %parallel_loop3A_2648 = arith.constant 0 : index
      %parallel_loop3A_2649 = tpu.vector_load %arg11[%parallel_loop3A_2647, %parallel_loop3A_2648] {strides = array<i32>} : memref<160x16xf32, #tpu.memory_space<vmem>>, vector<16xf32>,
      %parallel_loop3A_2650 = arith.mulf %parallel_loop3A_2060, %parallel_loop3A_2649 : vector<16xf32>
      %parallel_loop3A_2651 = arith.addf %parallel_loop3A_2645, %parallel_loop3A_2650 : vector<16xf32>
      %parallel_loop3A_2652 = arith.mulf %parallel_loop3A_2067, %parallel_loop3A_2649 : vector<16xf32>
      %parallel_loop3A_2653 = arith.addf %parallel_loop3A_2645, %parallel_loop3A_2652 : vector<16xf32>
      %parallel_loop3A_2654 = arith.constant 129 : i32
      %parallel_loop3A_2655 = arith.index_cast %parallel_loop3A_2654 : i32 to index
      %parallel_loop3A_2656 = arith.constant 0 : index
      %parallel_loop3A_2657 = tpu.vector_load %arg11[%parallel_loop3A_2655, %parallel_loop3A_2656] {strides = array<i32>} : memref<160x16xf32, #tpu.memory_space<vmem>>, vector<16xf32>,
      %parallel_loop3A_2658 = arith.mulf %parallel_loop3A_2142, %parallel_loop3A_2657 : vector<16xf32>
      %parallel_loop3A_2659 = arith.addf %parallel_loop3A_2651, %parallel_loop3A_2658 : vector<16xf32>
      %parallel_loop3A_2660 = arith.mulf %parallel_loop3A_2149, %parallel_loop3A_2657 : vector<16xf32>
      %parallel_loop3A_2661 = arith.addf %parallel_loop3A_2653, %parallel_loop3A_2660 : vector<16xf32>
      %parallel_loop3A_2662 = arith.constant 130 : i32
      %parallel_loop3A_2663 = arith.index_cast %parallel_loop3A_2662 : i32 to index
      %parallel_loop3A_2664 = arith.constant 0 : index
      %parallel_loop3A_2665 = tpu.vector_load %arg11[%parallel_loop3A_2663, %parallel_loop3A_2664] {strides = array<i32>} : memref<160x16xf32, #tpu.memory_space<vmem>>, vector<16xf32>,
      %parallel_loop3A_2666 = arith.mulf %parallel_loop3A_2224, %parallel_loop3A_2665 : vector<16xf32>
      %parallel_loop3A_2667 = arith.addf %parallel_loop3A_2659, %parallel_loop3A_2666 : vector<16xf32>
      %parallel_loop3A_2668 = arith.mulf %parallel_loop3A_2231, %parallel_loop3A_2665 : vector<16xf32>
      %parallel_loop3A_2669 = arith.addf %parallel_loop3A_2661, %parallel_loop3A_2668 : vector<16xf32>
      %parallel_loop3A_2670 = arith.constant 131 : i32
      %parallel_loop3A_2671 = arith.index_cast %parallel_loop3A_2670 : i32 to index
      %parallel_loop3A_2672 = arith.constant 0 : index
      %parallel_loop3A_2673 = tpu.vector_load %arg11[%parallel_loop3A_2671, %parallel_loop3A_2672] {strides = array<i32>} : memref<160x16xf32, #tpu.memory_space<vmem>>, vector<16xf32>,
      %parallel_loop3A_2674 = arith.mulf %parallel_loop3A_2306, %parallel_loop3A_2673 : vector<16xf32>
      %parallel_loop3A_2675 = arith.addf %parallel_loop3A_2667, %parallel_loop3A_2674 : vector<16xf32>
      %parallel_loop3A_2676 = arith.mulf %parallel_loop3A_2313, %parallel_loop3A_2673 : vector<16xf32>
      %parallel_loop3A_2677 = arith.addf %parallel_loop3A_2669, %parallel_loop3A_2676 : vector<16xf32>
      %parallel_loop3A_2678 = arith.constant 132 : i32
      %parallel_loop3A_2679 = arith.index_cast %parallel_loop3A_2678 : i32 to index
      %parallel_loop3A_2680 = arith.constant 0 : index
      %parallel_loop3A_2681 = tpu.vector_load %arg11[%parallel_loop3A_2679, %parallel_loop3A_2680] {strides = array<i32>} : memref<160x16xf32, #tpu.memory_space<vmem>>, vector<16xf32>,
      %parallel_loop3A_2682 = arith.mulf %parallel_loop3A_2388, %parallel_loop3A_2681 : vector<16xf32>
      %parallel_loop3A_2683 = arith.addf %parallel_loop3A_2675, %parallel_loop3A_2682 : vector<16xf32>
      %parallel_loop3A_2684 = arith.mulf %parallel_loop3A_2395, %parallel_loop3A_2681 : vector<16xf32>
      %parallel_loop3A_2685 = arith.addf %parallel_loop3A_2677, %parallel_loop3A_2684 : vector<16xf32>
      %parallel_loop3A_2686 = arith.constant 133 : i32
      %parallel_loop3A_2687 = arith.index_cast %parallel_loop3A_2686 : i32 to index
      %parallel_loop3A_2688 = arith.constant 0 : index
      %parallel_loop3A_2689 = tpu.vector_load %arg11[%parallel_loop3A_2687, %parallel_loop3A_2688] {strides = array<i32>} : memref<160x16xf32, #tpu.memory_space<vmem>>, vector<16xf32>,
      %parallel_loop3A_2690 = arith.mulf %parallel_loop3A_2470, %parallel_loop3A_2689 : vector<16xf32>
      %parallel_loop3A_2691 = arith.addf %parallel_loop3A_2683, %parallel_loop3A_2690 : vector<16xf32>
      %parallel_loop3A_2692 = arith.mulf %parallel_loop3A_2477, %parallel_loop3A_2689 : vector<16xf32>
      %parallel_loop3A_2693 = arith.addf %parallel_loop3A_2685, %parallel_loop3A_2692 : vector<16xf32>
      %parallel_loop3A_2694 = arith.constant 134 : i32
      %parallel_loop3A_2695 = arith.index_cast %parallel_loop3A_2694 : i32 to index
      %parallel_loop3A_2696 = arith.constant 0 : index
      %parallel_loop3A_2697 = tpu.vector_load %arg11[%parallel_loop3A_2695, %parallel_loop3A_2696] {strides = array<i32>} : memref<160x16xf32, #tpu.memory_space<vmem>>, vector<16xf32>,
      %parallel_loop3A_2698 = arith.mulf %parallel_loop3A_2552, %parallel_loop3A_2697 : vector<16xf32>
      %parallel_loop3A_2699 = arith.addf %parallel_loop3A_2691, %parallel_loop3A_2698 : vector<16xf32>
      %parallel_loop3A_2700 = arith.mulf %parallel_loop3A_2559, %parallel_loop3A_2697 : vector<16xf32>
      %parallel_loop3A_2701 = arith.addf %parallel_loop3A_2693, %parallel_loop3A_2700 : vector<16xf32>
      %parallel_loop3A_2702 = arith.constant 135 : i32
      %parallel_loop3A_2703 = arith.index_cast %parallel_loop3A_2702 : i32 to index
      %parallel_loop3A_2704 = arith.constant 0 : index
      %parallel_loop3A_2705 = tpu.vector_load %arg11[%parallel_loop3A_2703, %parallel_loop3A_2704] {strides = array<i32>} : memref<160x16xf32, #tpu.memory_space<vmem>>, vector<16xf32>,
      %parallel_loop3A_2706 = arith.mulf %parallel_loop3A_2634, %parallel_loop3A_2705 : vector<16xf32>
      %parallel_loop3A_2707 = arith.addf %parallel_loop3A_2699, %parallel_loop3A_2706 : vector<16xf32>
      %parallel_loop3A_2708 = arith.mulf %parallel_loop3A_2641, %parallel_loop3A_2705 : vector<16xf32>
      %parallel_loop3A_2709 = arith.addf %parallel_loop3A_2701, %parallel_loop3A_2708 : vector<16xf32>
      %parallel_loop3A_2710 = arith.constant 16 : i32
      %parallel_loop3A_2711 = arith.muli %parallel_loop3A_1119, %parallel_loop3A_2710 : i32
      %parallel_loop3A_2712 = arith.index_cast %parallel_loop3A_2711 : i32 to index
      %parallel_loop3A_2713 = tpu.vector_load %arg10[%parallel_loop3A_2712] {strides = array<i32>} : memref<10000xf32, #tpu.memory_space<vmem>>, vector<16xf32>,
      tpu.vector_store %arg10[%parallel_loop3A_2712], %parallel_loop3A_2707 {strides = array<i32>} : memref<10000xf32, #tpu.memory_space<vmem>>, vector<16xf32>,
      %parallel_loop3A_2714 = arith.constant 16 : i32
      %parallel_loop3A_2715 = arith.muli %parallel_loop3A_1119, %parallel_loop3A_2714 : i32
      %parallel_loop3A_2716 = arith.constant 16 : i32
      %parallel_loop3A_2717 = arith.addi %parallel_loop3A_2715, %parallel_loop3A_2716 : i32
      %parallel_loop3A_2718 = arith.index_cast %parallel_loop3A_2717 : i32 to index
      %parallel_loop3A_2719 = tpu.vector_load %arg10[%parallel_loop3A_2718] {strides = array<i32>} : memref<10000xf32, #tpu.memory_space<vmem>>, vector<16xf32>,
      tpu.vector_store %arg10[%parallel_loop3A_2718], %parallel_loop3A_2709 {strides = array<i32>} : memref<10000xf32, #tpu.memory_space<vmem>>, vector<16xf32>,
    } {sc.loop_unroll_factor = 2 : i64, sc.parallel_access}
    %get3A = arith.constant 9984 : index
    %get3A_26 = tpu.vector_load %arg8[%get3A] {strides = array<i32>} : memref<10000xi32, #tpu.memory_space<vmem>>, vector<16xi32>,
    %get3A_27 = arith.constant 9984 : index
    %get3A_28 = tpu.vector_load %arg9[%get3A_27] {strides = array<i32>} : memref<10000xi32, #tpu.memory_space<vmem>>, vector<16xi32>,
    %gather3A = tpu.vector_load_idx %arg7[%broadcast_in_dim3A_9, %get3A_26] : memref<8x10000xi32, #tpu.memory_space<vmem>>[vector<16xi32>, vector<16xi32>], vector<16xi32>,
    %gather3A_29 = tpu.vector_load_idx %arg7[%broadcast_in_dim3A_17, %get3A_28] : memref<8x10000xi32, #tpu.memory_space<vmem>>[vector<16xi32>, vector<16xi32>], vector<16xi32>,
    %bitcast3A = vector.bitcast %gather3A : vector<16xi32> to vector<32xbf16>
    %unpack3A = tpu.unpack_subelements %bitcast3A, 0 {pack_format = #tpu.pack_format<interleaved>} : vector<32xbf16> -> vector<16xf32>
    %unpack3A_30 = tpu.unpack_subelements %bitcast3A, 1 {pack_format = #tpu.pack_format<interleaved>} : vector<32xbf16> -> vector<16xf32>
    %bitcast3A_31 = vector.bitcast %gather3A_29 : vector<16xi32> to vector<32xbf16>
    %unpack3A_32 = tpu.unpack_subelements %bitcast3A_31, 0 {pack_format = #tpu.pack_format<interleaved>} : vector<32xbf16> -> vector<16xf32>
    %unpack3A_33 = tpu.unpack_subelements %bitcast3A_31, 1 {pack_format = #tpu.pack_format<interleaved>} : vector<32xbf16> -> vector<16xf32>
    %add3A_34 = arith.addf %unpack3A, %unpack3A_32 : vector<16xf32>
    %exp3A = math.exp %add3A_34 : vector<16xf32>
    %add3A_35 = arith.constant 1.000000e+00 : f32
    %add3A_36 = vector.broadcast %add3A_35 : f32 to vector<16xf32>
    %add3A_37 = arith.addf %exp3A, %add3A_36 : vector<16xf32>
    %div3A = arith.constant 1.000000e+00 : f32
    %div3A_38 = vector.broadcast %div3A : f32 to vector<16xf32>
    %div3A_39 = arith.divf %div3A_38, %add3A_37 : vector<16xf32>
    %add3A_40 = arith.addf %unpack3A_30, %unpack3A_33 : vector<16xf32>
    %exp3A_41 = math.exp %add3A_40 : vector<16xf32>
    %add3A_42 = arith.constant 1.000000e+00 : f32
    %add3A_43 = vector.broadcast %add3A_42 : f32 to vector<16xf32>
    %add3A_44 = arith.addf %exp3A_41, %add3A_43 : vector<16xf32>
    %div3A_45 = arith.constant 1.000000e+00 : f32
    %div3A_46 = vector.broadcast %div3A_45 : f32 to vector<16xf32>
    %div3A_47 = arith.divf %div3A_46, %add3A_44 : vector<16xf32>
    %gather3A_48 = tpu.vector_load_idx %arg7[%broadcast_in_dim3A_11, %get3A_26] : memref<8x10000xi32, #tpu.memory_space<vmem>>[vector<16xi32>, vector<16xi32>], vector<16xi32>,
    %gather3A_49 = tpu.vector_load_idx %arg7[%broadcast_in_dim3A_19, %get3A_28] : memref<8x10000xi32, #tpu.memory_space<vmem>>[vector<16xi32>, vector<16xi32>], vector<16xi32>,
    %bitcast3A_50 = vector.bitcast %gather3A_48 : vector<16xi32> to vector<32xbf16>
    %unpack3A_51 = tpu.unpack_subelements %bitcast3A_50, 0 {pack_format = #tpu.pack_format<interleaved>} : vector<32xbf16> -> vector<16xf32>
    %unpack3A_52 = tpu.unpack_subelements %bitcast3A_50, 1 {pack_format = #tpu.pack_format<interleaved>} : vector<32xbf16> -> vector<16xf32>
    %bitcast3A_53 = vector.bitcast %gather3A_49 : vector<16xi32> to vector<32xbf16>
    %unpack3A_54 = tpu.unpack_subelements %bitcast3A_53, 0 {pack_format = #tpu.pack_format<interleaved>} : vector<32xbf16> -> vector<16xf32>
    %unpack3A_55 = tpu.unpack_subelements %bitcast3A_53, 1 {pack_format = #tpu.pack_format<interleaved>} : vector<32xbf16> -> vector<16xf32>
    %add3A_56 = arith.addf %unpack3A_51, %unpack3A_54 : vector<16xf32>
    %exp3A_57 = math.exp %add3A_56 : vector<16xf32>
    %add3A_58 = arith.constant 1.000000e+00 : f32
    %add3A_59 = vector.broadcast %add3A_58 : f32 to vector<16xf32>
    %add3A_60 = arith.addf %exp3A_57, %add3A_59 : vector<16xf32>
    %div3A_61 = arith.constant 1.000000e+00 : f32
    %div3A_62 = vector.broadcast %div3A_61 : f32 to vector<16xf32>
    %div3A_63 = arith.divf %div3A_62, %add3A_60 : vector<16xf32>
    %add3A_64 = arith.addf %unpack3A_52, %unpack3A_55 : vector<16xf32>
    %exp3A_65 = math.exp %add3A_64 : vector<16xf32>
    %add3A_66 = arith.constant 1.000000e+00 : f32
    %add3A_67 = vector.broadcast %add3A_66 : f32 to vector<16xf32>
    %add3A_68 = arith.addf %exp3A_65, %add3A_67 : vector<16xf32>
    %div3A_69 = arith.constant 1.000000e+00 : f32
    %div3A_70 = vector.broadcast %div3A_69 : f32 to vector<16xf32>
    %div3A_71 = arith.divf %div3A_70, %add3A_68 : vector<16xf32>
    %gather3A_72 = tpu.vector_load_idx %arg7[%broadcast_in_dim3A_13, %get3A_26] : memref<8x10000xi32, #tpu.memory_space<vmem>>[vector<16xi32>, vector<16xi32>], vector<16xi32>,
    %gather3A_73 = tpu.vector_load_idx %arg7[%broadcast_in_dim3A_21, %get3A_28] : memref<8x10000xi32, #tpu.memory_space<vmem>>[vector<16xi32>, vector<16xi32>], vector<16xi32>,
    %bitcast3A_74 = vector.bitcast %gather3A_72 : vector<16xi32> to vector<32xbf16>
    %unpack3A_75 = tpu.unpack_subelements %bitcast3A_74, 0 {pack_format = #tpu.pack_format<interleaved>} : vector<32xbf16> -> vector<16xf32>
    %unpack3A_76 = tpu.unpack_subelements %bitcast3A_74, 1 {pack_format = #tpu.pack_format<interleaved>} : vector<32xbf16> -> vector<16xf32>
    %bitcast3A_77 = vector.bitcast %gather3A_73 : vector<16xi32> to vector<32xbf16>
    %unpack3A_78 = tpu.unpack_subelements %bitcast3A_77, 0 {pack_format = #tpu.pack_format<interleaved>} : vector<32xbf16> -> vector<16xf32>
    %unpack3A_79 = tpu.unpack_subelements %bitcast3A_77, 1 {pack_format = #tpu.pack_format<interleaved>} : vector<32xbf16> -> vector<16xf32>
    %add3A_80 = arith.addf %unpack3A_75, %unpack3A_78 : vector<16xf32>
    %exp3A_81 = math.exp %add3A_80 : vector<16xf32>
    %add3A_82 = arith.constant 1.000000e+00 : f32
    %add3A_83 = vector.broadcast %add3A_82 : f32 to vector<16xf32>
    %add3A_84 = arith.addf %exp3A_81, %add3A_83 : vector<16xf32>
    %div3A_85 = arith.constant 1.000000e+00 : f32
    %div3A_86 = vector.broadcast %div3A_85 : f32 to vector<16xf32>
    %div3A_87 = arith.divf %div3A_86, %add3A_84 : vector<16xf32>
    %add3A_88 = arith.addf %unpack3A_76, %unpack3A_79 : vector<16xf32>
    %exp3A_89 = math.exp %add3A_88 : vector<16xf32>
    %add3A_90 = arith.constant 1.000000e+00 : f32
    %add3A_91 = vector.broadcast %add3A_90 : f32 to vector<16xf32>
    %add3A_92 = arith.addf %exp3A_89, %add3A_91 : vector<16xf32>
    %div3A_93 = arith.constant 1.000000e+00 : f32
    %div3A_94 = vector.broadcast %div3A_93 : f32 to vector<16xf32>
    %div3A_95 = arith.divf %div3A_94, %add3A_92 : vector<16xf32>
    %gather3A_96 = tpu.vector_load_idx %arg7[%broadcast_in_dim3A_15, %get3A_26] : memref<8x10000xi32, #tpu.memory_space<vmem>>[vector<16xi32>, vector<16xi32>], vector<16xi32>,
    %gather3A_97 = tpu.vector_load_idx %arg7[%broadcast_in_dim3A_23, %get3A_28] : memref<8x10000xi32, #tpu.memory_space<vmem>>[vector<16xi32>, vector<16xi32>], vector<16xi32>,
    %bitcast3A_98 = vector.bitcast %gather3A_96 : vector<16xi32> to vector<32xbf16>
    %unpack3A_99 = tpu.unpack_subelements %bitcast3A_98, 0 {pack_format = #tpu.pack_format<interleaved>} : vector<32xbf16> -> vector<16xf32>
    %unpack3A_100 = tpu.unpack_subelements %bitcast3A_98, 1 {pack_format = #tpu.pack_format<interleaved>} : vector<32xbf16> -> vector<16xf32>
    %bitcast3A_101 = vector.bitcast %gather3A_97 : vector<16xi32> to vector<32xbf16>
    %unpack3A_102 = tpu.unpack_subelements %bitcast3A_101, 0 {pack_format = #tpu.pack_format<interleaved>} : vector<32xbf16> -> vector<16xf32>
    %unpack3A_103 = tpu.unpack_subelements %bitcast3A_101, 1 {pack_format = #tpu.pack_format<interleaved>} : vector<32xbf16> -> vector<16xf32>
    %add3A_104 = arith.addf %unpack3A_99, %unpack3A_102 : vector<16xf32>
    %exp3A_105 = math.exp %add3A_104 : vector<16xf32>
    %add3A_106 = arith.constant 1.000000e+00 : f32
    %add3A_107 = vector.broadcast %add3A_106 : f32 to vector<16xf32>
    %add3A_108 = arith.addf %exp3A_105, %add3A_107 : vector<16xf32>
    %div3A_109 = arith.constant 1.000000e+00 : f32
    %div3A_110 = vector.broadcast %div3A_109 : f32 to vector<16xf32>
    %div3A_111 = arith.divf %div3A_110, %add3A_108 : vector<16xf32>
    %add3A_112 = arith.addf %unpack3A_100, %unpack3A_103 : vector<16xf32>
    %exp3A_113 = math.exp %add3A_112 : vector<16xf32>
    %add3A_114 = arith.constant 1.000000e+00 : f32
    %add3A_115 = vector.broadcast %add3A_114 : f32 to vector<16xf32>
    %add3A_116 = arith.addf %exp3A_113, %add3A_115 : vector<16xf32>
    %div3A_117 = arith.constant 1.000000e+00 : f32
    %div3A_118 = vector.broadcast %div3A_117 : f32 to vector<16xf32>
    %div3A_119 = arith.divf %div3A_118, %add3A_116 : vector<16xf32>
    %get3A_120 = arith.constant 136 : i32
    %get3A_121 = arith.index_cast %get3A_120 : i32 to index
    %get3A_122 = arith.constant 0 : index
    %get3A_123 = tpu.vector_load %arg11[%get3A_121, %get3A_122] {strides = array<i32>} : memref<160x16xf32, #tpu.memory_space<vmem>>, vector<16xf32>,
    %get3A_124 = arith.constant 0 : i32
    %get3A_125 = arith.index_cast %get3A_124 : i32 to index
    %get3A_126 = arith.constant 0 : index
    %get3A_127 = tpu.vector_load %arg11[%get3A_125, %get3A_126] {strides = array<i32>} : memref<160x16xf32, #tpu.memory_space<vmem>>, vector<16xf32>,
    %mul3A_128 = arith.mulf %div3A_39, %get3A_127 : vector<16xf32>
    %add3A_129 = arith.addf %get3A_123, %mul3A_128 : vector<16xf32>
    %get3A_130 = arith.constant 8 : i32
    %get3A_131 = arith.index_cast %get3A_130 : i32 to index
    %get3A_132 = arith.constant 0 : index
    %get3A_133 = tpu.vector_load %arg11[%get3A_131, %get3A_132] {strides = array<i32>} : memref<160x16xf32, #tpu.memory_space<vmem>>, vector<16xf32>,
    %mul3A_134 = arith.mulf %div3A_47, %get3A_133 : vector<16xf32>
    %add3A_135 = arith.addf %add3A_129, %mul3A_134 : vector<16xf32>
    %get3A_136 = arith.constant 16 : i32
    %get3A_137 = arith.index_cast %get3A_136 : i32 to index
    %get3A_138 = arith.constant 0 : index
    %get3A_139 = tpu.vector_load %arg11[%get3A_137, %get3A_138] {strides = array<i32>} : memref<160x16xf32, #tpu.memory_space<vmem>>, vector<16xf32>,
    %mul3A_140 = arith.mulf %div3A_63, %get3A_139 : vector<16xf32>
    %add3A_141 = arith.addf %add3A_135, %mul3A_140 : vector<16xf32>
    %get3A_142 = arith.constant 24 : i32
    %get3A_143 = arith.index_cast %get3A_142 : i32 to index
    %get3A_144 = arith.constant 0 : index
    %get3A_145 = tpu.vector_load %arg11[%get3A_143, %get3A_144] {strides = array<i32>} : memref<160x16xf32, #tpu.memory_space<vmem>>, vector<16xf32>,
    %mul3A_146 = arith.mulf %div3A_71, %get3A_145 : vector<16xf32>
    %add3A_147 = arith.addf %add3A_141, %mul3A_146 : vector<16xf32>
    %get3A_148 = arith.constant 32 : i32
    %get3A_149 = arith.index_cast %get3A_148 : i32 to index
    %get3A_150 = arith.constant 0 : index
    %get3A_151 = tpu.vector_load %arg11[%get3A_149, %get3A_150] {strides = array<i32>} : memref<160x16xf32, #tpu.memory_space<vmem>>, vector<16xf32>,
    %mul3A_152 = arith.mulf %div3A_87, %get3A_151 : vector<16xf32>
    %add3A_153 = arith.addf %add3A_147, %mul3A_152 : vector<16xf32>
    %get3A_154 = arith.constant 40 : i32
    %get3A_155 = arith.index_cast %get3A_154 : i32 to index
    %get3A_156 = arith.constant 0 : index
    %get3A_157 = tpu.vector_load %arg11[%get3A_155, %get3A_156] {strides = array<i32>} : memref<160x16xf32, #tpu.memory_space<vmem>>, vector<16xf32>,
    %mul3A_158 = arith.mulf %div3A_95, %get3A_157 : vector<16xf32>
    %add3A_159 = arith.addf %add3A_153, %mul3A_158 : vector<16xf32>
    %get3A_160 = arith.constant 48 : i32
    %get3A_161 = arith.index_cast %get3A_160 : i32 to index
    %get3A_162 = arith.constant 0 : index
    %get3A_163 = tpu.vector_load %arg11[%get3A_161, %get3A_162] {strides = array<i32>} : memref<160x16xf32, #tpu.memory_space<vmem>>, vector<16xf32>,
    %mul3A_164 = arith.mulf %div3A_111, %get3A_163 : vector<16xf32>
    %add3A_165 = arith.addf %add3A_159, %mul3A_164 : vector<16xf32>
    %get3A_166 = arith.constant 56 : i32
    %get3A_167 = arith.index_cast %get3A_166 : i32 to index
    %get3A_168 = arith.constant 0 : index
    %get3A_169 = tpu.vector_load %arg11[%get3A_167, %get3A_168] {strides = array<i32>} : memref<160x16xf32, #tpu.memory_space<vmem>>, vector<16xf32>,
    %mul3A_170 = arith.mulf %div3A_119, %get3A_169 : vector<16xf32>
    %add3A_171 = arith.addf %add3A_165, %mul3A_170 : vector<16xf32>
    %exp3A_172 = math.exp %add3A_171 : vector<16xf32>
    %add3A_173 = arith.constant 1.000000e+00 : f32
    %add3A_174 = vector.broadcast %add3A_173 : f32 to vector<16xf32>
    %add3A_175 = arith.addf %exp3A_172, %add3A_174 : vector<16xf32>
    %div3A_176 = arith.constant 1.000000e+00 : f32
    %div3A_177 = vector.broadcast %div3A_176 : f32 to vector<16xf32>
    %div3A_178 = arith.divf %div3A_177, %add3A_175 : vector<16xf32>
    %get3A_179 = arith.constant 137 : i32
    %get3A_180 = arith.index_cast %get3A_179 : i32 to index
    %get3A_181 = arith.constant 0 : index
    %get3A_182 = tpu.vector_load %arg11[%get3A_180, %get3A_181] {strides = array<i32>} : memref<160x16xf32, #tpu.memory_space<vmem>>, vector<16xf32>,
    %get3A_183 = arith.constant 1 : i32
    %get3A_184 = arith.index_cast %get3A_183 : i32 to index
    %get3A_185 = arith.constant 0 : index
    %get3A_186 = tpu.vector_load %arg11[%get3A_184, %get3A_185] {strides = array<i32>} : memref<160x16xf32, #tpu.memory_space<vmem>>, vector<16xf32>,
    %mul3A_187 = arith.mulf %div3A_39, %get3A_186 : vector<16xf32>
    %add3A_188 = arith.addf %get3A_182, %mul3A_187 : vector<16xf32>
    %get3A_189 = arith.constant 9 : i32
    %get3A_190 = arith.index_cast %get3A_189 : i32 to index
    %get3A_191 = arith.constant 0 : index
    %get3A_192 = tpu.vector_load %arg11[%get3A_190, %get3A_191] {strides = array<i32>} : memref<160x16xf32, #tpu.memory_space<vmem>>, vector<16xf32>,
    %mul3A_193 = arith.mulf %div3A_47, %get3A_192 : vector<16xf32>
    %add3A_194 = arith.addf %add3A_188, %mul3A_193 : vector<16xf32>
    %get3A_195 = arith.constant 17 : i32
    %get3A_196 = arith.index_cast %get3A_195 : i32 to index
    %get3A_197 = arith.constant 0 : index
    %get3A_198 = tpu.vector_load %arg11[%get3A_196, %get3A_197] {strides = array<i32>} : memref<160x16xf32, #tpu.memory_space<vmem>>, vector<16xf32>,
    %mul3A_199 = arith.mulf %div3A_63, %get3A_198 : vector<16xf32>
    %add3A_200 = arith.addf %add3A_194, %mul3A_199 : vector<16xf32>
    %get3A_201 = arith.constant 25 : i32
    %get3A_202 = arith.index_cast %get3A_201 : i32 to index
    %get3A_203 = arith.constant 0 : index
    %get3A_204 = tpu.vector_load %arg11[%get3A_202, %get3A_203] {strides = array<i32>} : memref<160x16xf32, #tpu.memory_space<vmem>>, vector<16xf32>,
    %mul3A_205 = arith.mulf %div3A_71, %get3A_204 : vector<16xf32>
    %add3A_206 = arith.addf %add3A_200, %mul3A_205 : vector<16xf32>
    %get3A_207 = arith.constant 33 : i32
    %get3A_208 = arith.index_cast %get3A_207 : i32 to index
    %get3A_209 = arith.constant 0 : index
    %get3A_210 = tpu.vector_load %arg11[%get3A_208, %get3A_209] {strides = array<i32>} : memref<160x16xf32, #tpu.memory_space<vmem>>, vector<16xf32>,
    %mul3A_211 = arith.mulf %div3A_87, %get3A_210 : vector<16xf32>
    %add3A_212 = arith.addf %add3A_206, %mul3A_211 : vector<16xf32>
    %get3A_213 = arith.constant 41 : i32
    %get3A_214 = arith.index_cast %get3A_213 : i32 to index
    %get3A_215 = arith.constant 0 : index
    %get3A_216 = tpu.vector_load %arg11[%get3A_214, %get3A_215] {strides = array<i32>} : memref<160x16xf32, #tpu.memory_space<vmem>>, vector<16xf32>,
    %mul3A_217 = arith.mulf %div3A_95, %get3A_216 : vector<16xf32>
    %add3A_218 = arith.addf %add3A_212, %mul3A_217 : vector<16xf32>
    %get3A_219 = arith.constant 49 : i32
    %get3A_220 = arith.index_cast %get3A_219 : i32 to index
    %get3A_221 = arith.constant 0 : index
    %get3A_222 = tpu.vector_load %arg11[%get3A_220, %get3A_221] {strides = array<i32>} : memref<160x16xf32, #tpu.memory_space<vmem>>, vector<16xf32>,
    %mul3A_223 = arith.mulf %div3A_111, %get3A_222 : vector<16xf32>
    %add3A_224 = arith.addf %add3A_218, %mul3A_223 : vector<16xf32>
    %get3A_225 = arith.constant 57 : i32
    %get3A_226 = arith.index_cast %get3A_225 : i32 to index
    %get3A_227 = arith.constant 0 : index
    %get3A_228 = tpu.vector_load %arg11[%get3A_226, %get3A_227] {strides = array<i32>} : memref<160x16xf32, #tpu.memory_space<vmem>>, vector<16xf32>,
    %mul3A_229 = arith.mulf %div3A_119, %get3A_228 : vector<16xf32>
    %add3A_230 = arith.addf %add3A_224, %mul3A_229 : vector<16xf32>
    %exp3A_231 = math.exp %add3A_230 : vector<16xf32>
    %add3A_232 = arith.constant 1.000000e+00 : f32
    %add3A_233 = vector.broadcast %add3A_232 : f32 to vector<16xf32>
    %add3A_234 = arith.addf %exp3A_231, %add3A_233 : vector<16xf32>
    %div3A_235 = arith.constant 1.000000e+00 : f32
    %div3A_236 = vector.broadcast %div3A_235 : f32 to vector<16xf32>
    %div3A_237 = arith.divf %div3A_236, %add3A_234 : vector<16xf32>
    %get3A_238 = arith.constant 138 : i32
    %get3A_239 = arith.index_cast %get3A_238 : i32 to index
    %get3A_240 = arith.constant 0 : index
    %get3A_241 = tpu.vector_load %arg11[%get3A_239, %get3A_240] {strides = array<i32>} : memref<160x16xf32, #tpu.memory_space<vmem>>, vector<16xf32>,
    %get3A_242 = arith.constant 2 : i32
    %get3A_243 = arith.index_cast %get3A_242 : i32 to index
    %get3A_244 = arith.constant 0 : index
    %get3A_245 = tpu.vector_load %arg11[%get3A_243, %get3A_244] {strides = array<i32>} : memref<160x16xf32, #tpu.memory_space<vmem>>, vector<16xf32>,
    %mul3A_246 = arith.mulf %div3A_39, %get3A_245 : vector<16xf32>
    %add3A_247 = arith.addf %get3A_241, %mul3A_246 : vector<16xf32>
    %get3A_248 = arith.constant 10 : i32
    %get3A_249 = arith.index_cast %get3A_248 : i32 to index
    %get3A_250 = arith.constant 0 : index
    %get3A_251 = tpu.vector_load %arg11[%get3A_249, %get3A_250] {strides = array<i32>} : memref<160x16xf32, #tpu.memory_space<vmem>>, vector<16xf32>,
    %mul3A_252 = arith.mulf %div3A_47, %get3A_251 : vector<16xf32>
    %add3A_253 = arith.addf %add3A_247, %mul3A_252 : vector<16xf32>
    %get3A_254 = arith.constant 18 : i32
    %get3A_255 = arith.index_cast %get3A_254 : i32 to index
    %get3A_256 = arith.constant 0 : index
    %get3A_257 = tpu.vector_load %arg11[%get3A_255, %get3A_256] {strides = array<i32>} : memref<160x16xf32, #tpu.memory_space<vmem>>, vector<16xf32>,
    %mul3A_258 = arith.mulf %div3A_63, %get3A_257 : vector<16xf32>
    %add3A_259 = arith.addf %add3A_253, %mul3A_258 : vector<16xf32>
    %get3A_260 = arith.constant 26 : i32
    %get3A_261 = arith.index_cast %get3A_260 : i32 to index
    %get3A_262 = arith.constant 0 : index
    %get3A_263 = tpu.vector_load %arg11[%get3A_261, %get3A_262] {strides = array<i32>} : memref<160x16xf32, #tpu.memory_space<vmem>>, vector<16xf32>,
    %mul3A_264 = arith.mulf %div3A_71, %get3A_263 : vector<16xf32>
    %add3A_265 = arith.addf %add3A_259, %mul3A_264 : vector<16xf32>
    %get3A_266 = arith.constant 34 : i32
    %get3A_267 = arith.index_cast %get3A_266 : i32 to index
    %get3A_268 = arith.constant 0 : index
    %get3A_269 = tpu.vector_load %arg11[%get3A_267, %get3A_268] {strides = array<i32>} : memref<160x16xf32, #tpu.memory_space<vmem>>, vector<16xf32>,
    %mul3A_270 = arith.mulf %div3A_87, %get3A_269 : vector<16xf32>
    %add3A_271 = arith.addf %add3A_265, %mul3A_270 : vector<16xf32>
    %get3A_272 = arith.constant 42 : i32
    %get3A_273 = arith.index_cast %get3A_272 : i32 to index
    %get3A_274 = arith.constant 0 : index
    %get3A_275 = tpu.vector_load %arg11[%get3A_273, %get3A_274] {strides = array<i32>} : memref<160x16xf32, #tpu.memory_space<vmem>>, vector<16xf32>,
    %mul3A_276 = arith.mulf %div3A_95, %get3A_275 : vector<16xf32>
    %add3A_277 = arith.addf %add3A_271, %mul3A_276 : vector<16xf32>
    %get3A_278 = arith.constant 50 : i32
    %get3A_279 = arith.index_cast %get3A_278 : i32 to index
    %get3A_280 = arith.constant 0 : index
    %get3A_281 = tpu.vector_load %arg11[%get3A_279, %get3A_280] {strides = array<i32>} : memref<160x16xf32, #tpu.memory_space<vmem>>, vector<16xf32>,
    %mul3A_282 = arith.mulf %div3A_111, %get3A_281 : vector<16xf32>
    %add3A_283 = arith.addf %add3A_277, %mul3A_282 : vector<16xf32>
    %get3A_284 = arith.constant 58 : i32
    %get3A_285 = arith.index_cast %get3A_284 : i32 to index
    %get3A_286 = arith.constant 0 : index
    %get3A_287 = tpu.vector_load %arg11[%get3A_285, %get3A_286] {strides = array<i32>} : memref<160x16xf32, #tpu.memory_space<vmem>>, vector<16xf32>,
    %mul3A_288 = arith.mulf %div3A_119, %get3A_287 : vector<16xf32>
    %add3A_289 = arith.addf %add3A_283, %mul3A_288 : vector<16xf32>
    %exp3A_290 = math.exp %add3A_289 : vector<16xf32>
    %add3A_291 = arith.constant 1.000000e+00 : f32
    %add3A_292 = vector.broadcast %add3A_291 : f32 to vector<16xf32>
    %add3A_293 = arith.addf %exp3A_290, %add3A_292 : vector<16xf32>
    %div3A_294 = arith.constant 1.000000e+00 : f32
    %div3A_295 = vector.broadcast %div3A_294 : f32 to vector<16xf32>
    %div3A_296 = arith.divf %div3A_295, %add3A_293 : vector<16xf32>
    %get3A_297 = arith.constant 139 : i32
    %get3A_298 = arith.index_cast %get3A_297 : i32 to index
    %get3A_299 = arith.constant 0 : index
    %get3A_300 = tpu.vector_load %arg11[%get3A_298, %get3A_299] {strides = array<i32>} : memref<160x16xf32, #tpu.memory_space<vmem>>, vector<16xf32>,
    %get3A_301 = arith.constant 3 : i32
    %get3A_302 = arith.index_cast %get3A_301 : i32 to index
    %get3A_303 = arith.constant 0 : index
    %get3A_304 = tpu.vector_load %arg11[%get3A_302, %get3A_303] {strides = array<i32>} : memref<160x16xf32, #tpu.memory_space<vmem>>, vector<16xf32>,
    %mul3A_305 = arith.mulf %div3A_39, %get3A_304 : vector<16xf32>
    %add3A_306 = arith.addf %get3A_300, %mul3A_305 : vector<16xf32>
    %get3A_307 = arith.constant 11 : i32
    %get3A_308 = arith.index_cast %get3A_307 : i32 to index
    %get3A_309 = arith.constant 0 : index
    %get3A_310 = tpu.vector_load %arg11[%get3A_308, %get3A_309] {strides = array<i32>} : memref<160x16xf32, #tpu.memory_space<vmem>>, vector<16xf32>,
    %mul3A_311 = arith.mulf %div3A_47, %get3A_310 : vector<16xf32>
    %add3A_312 = arith.addf %add3A_306, %mul3A_311 : vector<16xf32>
    %get3A_313 = arith.constant 19 : i32
    %get3A_314 = arith.index_cast %get3A_313 : i32 to index
    %get3A_315 = arith.constant 0 : index
    %get3A_316 = tpu.vector_load %arg11[%get3A_314, %get3A_315] {strides = array<i32>} : memref<160x16xf32, #tpu.memory_space<vmem>>, vector<16xf32>,
    %mul3A_317 = arith.mulf %div3A_63, %get3A_316 : vector<16xf32>
    %add3A_318 = arith.addf %add3A_312, %mul3A_317 : vector<16xf32>
    %get3A_319 = arith.constant 27 : i32
    %get3A_320 = arith.index_cast %get3A_319 : i32 to index
    %get3A_321 = arith.constant 0 : index
    %get3A_322 = tpu.vector_load %arg11[%get3A_320, %get3A_321] {strides = array<i32>} : memref<160x16xf32, #tpu.memory_space<vmem>>, vector<16xf32>,
    %mul3A_323 = arith.mulf %div3A_71, %get3A_322 : vector<16xf32>
    %add3A_324 = arith.addf %add3A_318, %mul3A_323 : vector<16xf32>
    %get3A_325 = arith.constant 35 : i32
    %get3A_326 = arith.index_cast %get3A_325 : i32 to index
    %get3A_327 = arith.constant 0 : index
    %get3A_328 = tpu.vector_load %arg11[%get3A_326, %get3A_327] {strides = array<i32>} : memref<160x16xf32, #tpu.memory_space<vmem>>, vector<16xf32>,
    %mul3A_329 = arith.mulf %div3A_87, %get3A_328 : vector<16xf32>
    %add3A_330 = arith.addf %add3A_324, %mul3A_329 : vector<16xf32>
    %get3A_331 = arith.constant 43 : i32
    %get3A_332 = arith.index_cast %get3A_331 : i32 to index
    %get3A_333 = arith.constant 0 : index
    %get3A_334 = tpu.vector_load %arg11[%get3A_332, %get3A_333] {strides = array<i32>} : memref<160x16xf32, #tpu.memory_space<vmem>>, vector<16xf32>,
    %mul3A_335 = arith.mulf %div3A_95, %get3A_334 : vector<16xf32>
    %add3A_336 = arith.addf %add3A_330, %mul3A_335 : vector<16xf32>
    %get3A_337 = arith.constant 51 : i32
    %get3A_338 = arith.index_cast %get3A_337 : i32 to index
    %get3A_339 = arith.constant 0 : index
    %get3A_340 = tpu.vector_load %arg11[%get3A_338, %get3A_339] {strides = array<i32>} : memref<160x16xf32, #tpu.memory_space<vmem>>, vector<16xf32>,
    %mul3A_341 = arith.mulf %div3A_111, %get3A_340 : vector<16xf32>
    %add3A_342 = arith.addf %add3A_336, %mul3A_341 : vector<16xf32>
    %get3A_343 = arith.constant 59 : i32
    %get3A_344 = arith.index_cast %get3A_343 : i32 to index
    %get3A_345 = arith.constant 0 : index
    %get3A_346 = tpu.vector_load %arg11[%get3A_344, %get3A_345] {strides = array<i32>} : memref<160x16xf32, #tpu.memory_space<vmem>>, vector<16xf32>,
    %mul3A_347 = arith.mulf %div3A_119, %get3A_346 : vector<16xf32>
    %add3A_348 = arith.addf %add3A_342, %mul3A_347 : vector<16xf32>
    %exp3A_349 = math.exp %add3A_348 : vector<16xf32>
    %add3A_350 = arith.constant 1.000000e+00 : f32
    %add3A_351 = vector.broadcast %add3A_350 : f32 to vector<16xf32>
    %add3A_352 = arith.addf %exp3A_349, %add3A_351 : vector<16xf32>
    %div3A_353 = arith.constant 1.000000e+00 : f32
    %div3A_354 = vector.broadcast %div3A_353 : f32 to vector<16xf32>
    %div3A_355 = arith.divf %div3A_354, %add3A_352 : vector<16xf32>
    %get3A_356 = arith.constant 140 : i32
    %get3A_357 = arith.index_cast %get3A_356 : i32 to index
    %get3A_358 = arith.constant 0 : index
    %get3A_359 = tpu.vector_load %arg11[%get3A_357, %get3A_358] {strides = array<i32>} : memref<160x16xf32, #tpu.memory_space<vmem>>, vector<16xf32>,
    %get3A_360 = arith.constant 4 : i32
    %get3A_361 = arith.index_cast %get3A_360 : i32 to index
    %get3A_362 = arith.constant 0 : index
    %get3A_363 = tpu.vector_load %arg11[%get3A_361, %get3A_362] {strides = array<i32>} : memref<160x16xf32, #tpu.memory_space<vmem>>, vector<16xf32>,
    %mul3A_364 = arith.mulf %div3A_39, %get3A_363 : vector<16xf32>
    %add3A_365 = arith.addf %get3A_359, %mul3A_364 : vector<16xf32>
    %get3A_366 = arith.constant 12 : i32
    %get3A_367 = arith.index_cast %get3A_366 : i32 to index
    %get3A_368 = arith.constant 0 : index
    %get3A_369 = tpu.vector_load %arg11[%get3A_367, %get3A_368] {strides = array<i32>} : memref<160x16xf32, #tpu.memory_space<vmem>>, vector<16xf32>,
    %mul3A_370 = arith.mulf %div3A_47, %get3A_369 : vector<16xf32>
    %add3A_371 = arith.addf %add3A_365, %mul3A_370 : vector<16xf32>
    %get3A_372 = arith.constant 20 : i32
    %get3A_373 = arith.index_cast %get3A_372 : i32 to index
    %get3A_374 = arith.constant 0 : index
    %get3A_375 = tpu.vector_load %arg11[%get3A_373, %get3A_374] {strides = array<i32>} : memref<160x16xf32, #tpu.memory_space<vmem>>, vector<16xf32>,
    %mul3A_376 = arith.mulf %div3A_63, %get3A_375 : vector<16xf32>
    %add3A_377 = arith.addf %add3A_371, %mul3A_376 : vector<16xf32>
    %get3A_378 = arith.constant 28 : i32
    %get3A_379 = arith.index_cast %get3A_378 : i32 to index
    %get3A_380 = arith.constant 0 : index
    %get3A_381 = tpu.vector_load %arg11[%get3A_379, %get3A_380] {strides = array<i32>} : memref<160x16xf32, #tpu.memory_space<vmem>>, vector<16xf32>,
    %mul3A_382 = arith.mulf %div3A_71, %get3A_381 : vector<16xf32>
    %add3A_383 = arith.addf %add3A_377, %mul3A_382 : vector<16xf32>
    %get3A_384 = arith.constant 36 : i32
    %get3A_385 = arith.index_cast %get3A_384 : i32 to index
    %get3A_386 = arith.constant 0 : index
    %get3A_387 = tpu.vector_load %arg11[%get3A_385, %get3A_386] {strides = array<i32>} : memref<160x16xf32, #tpu.memory_space<vmem>>, vector<16xf32>,
    %mul3A_388 = arith.mulf %div3A_87, %get3A_387 : vector<16xf32>
    %add3A_389 = arith.addf %add3A_383, %mul3A_388 : vector<16xf32>
    %get3A_390 = arith.constant 44 : i32
    %get3A_391 = arith.index_cast %get3A_390 : i32 to index
    %get3A_392 = arith.constant 0 : index
    %get3A_393 = tpu.vector_load %arg11[%get3A_391, %get3A_392] {strides = array<i32>} : memref<160x16xf32, #tpu.memory_space<vmem>>, vector<16xf32>,
    %mul3A_394 = arith.mulf %div3A_95, %get3A_393 : vector<16xf32>
    %add3A_395 = arith.addf %add3A_389, %mul3A_394 : vector<16xf32>
    %get3A_396 = arith.constant 52 : i32
    %get3A_397 = arith.index_cast %get3A_396 : i32 to index
    %get3A_398 = arith.constant 0 : index
    %get3A_399 = tpu.vector_load %arg11[%get3A_397, %get3A_398] {strides = array<i32>} : memref<160x16xf32, #tpu.memory_space<vmem>>, vector<16xf32>,
    %mul3A_400 = arith.mulf %div3A_111, %get3A_399 : vector<16xf32>
    %add3A_401 = arith.addf %add3A_395, %mul3A_400 : vector<16xf32>
    %get3A_402 = arith.constant 60 : i32
    %get3A_403 = arith.index_cast %get3A_402 : i32 to index
    %get3A_404 = arith.constant 0 : index
    %get3A_405 = tpu.vector_load %arg11[%get3A_403, %get3A_404] {strides = array<i32>} : memref<160x16xf32, #tpu.memory_space<vmem>>, vector<16xf32>,
    %mul3A_406 = arith.mulf %div3A_119, %get3A_405 : vector<16xf32>
    %add3A_407 = arith.addf %add3A_401, %mul3A_406 : vector<16xf32>
    %exp3A_408 = math.exp %add3A_407 : vector<16xf32>
    %add3A_409 = arith.constant 1.000000e+00 : f32
    %add3A_410 = vector.broadcast %add3A_409 : f32 to vector<16xf32>
    %add3A_411 = arith.addf %exp3A_408, %add3A_410 : vector<16xf32>
    %div3A_412 = arith.constant 1.000000e+00 : f32
    %div3A_413 = vector.broadcast %div3A_412 : f32 to vector<16xf32>
    %div3A_414 = arith.divf %div3A_413, %add3A_411 : vector<16xf32>
    %get3A_415 = arith.constant 141 : i32
    %get3A_416 = arith.index_cast %get3A_415 : i32 to index
    %get3A_417 = arith.constant 0 : index
    %get3A_418 = tpu.vector_load %arg11[%get3A_416, %get3A_417] {strides = array<i32>} : memref<160x16xf32, #tpu.memory_space<vmem>>, vector<16xf32>,
    %get3A_419 = arith.constant 5 : i32
    %get3A_420 = arith.index_cast %get3A_419 : i32 to index
    %get3A_421 = arith.constant 0 : index
    %get3A_422 = tpu.vector_load %arg11[%get3A_420, %get3A_421] {strides = array<i32>} : memref<160x16xf32, #tpu.memory_space<vmem>>, vector<16xf32>,
    %mul3A_423 = arith.mulf %div3A_39, %get3A_422 : vector<16xf32>
    %add3A_424 = arith.addf %get3A_418, %mul3A_423 : vector<16xf32>
    %get3A_425 = arith.constant 13 : i32
    %get3A_426 = arith.index_cast %get3A_425 : i32 to index
    %get3A_427 = arith.constant 0 : index
    %get3A_428 = tpu.vector_load %arg11[%get3A_426, %get3A_427] {strides = array<i32>} : memref<160x16xf32, #tpu.memory_space<vmem>>, vector<16xf32>,
    %mul3A_429 = arith.mulf %div3A_47, %get3A_428 : vector<16xf32>
    %add3A_430 = arith.addf %add3A_424, %mul3A_429 : vector<16xf32>
    %get3A_431 = arith.constant 21 : i32
    %get3A_432 = arith.index_cast %get3A_431 : i32 to index
    %get3A_433 = arith.constant 0 : index
    %get3A_434 = tpu.vector_load %arg11[%get3A_432, %get3A_433] {strides = array<i32>} : memref<160x16xf32, #tpu.memory_space<vmem>>, vector<16xf32>,
    %mul3A_435 = arith.mulf %div3A_63, %get3A_434 : vector<16xf32>
    %add3A_436 = arith.addf %add3A_430, %mul3A_435 : vector<16xf32>
    %get3A_437 = arith.constant 29 : i32
    %get3A_438 = arith.index_cast %get3A_437 : i32 to index
    %get3A_439 = arith.constant 0 : index
    %get3A_440 = tpu.vector_load %arg11[%get3A_438, %get3A_439] {strides = array<i32>} : memref<160x16xf32, #tpu.memory_space<vmem>>, vector<16xf32>,
    %mul3A_441 = arith.mulf %div3A_71, %get3A_440 : vector<16xf32>
    %add3A_442 = arith.addf %add3A_436, %mul3A_441 : vector<16xf32>
    %get3A_443 = arith.constant 37 : i32
    %get3A_444 = arith.index_cast %get3A_443 : i32 to index
    %get3A_445 = arith.constant 0 : index
    %get3A_446 = tpu.vector_load %arg11[%get3A_444, %get3A_445] {strides = array<i32>} : memref<160x16xf32, #tpu.memory_space<vmem>>, vector<16xf32>,
    %mul3A_447 = arith.mulf %div3A_87, %get3A_446 : vector<16xf32>
    %add3A_448 = arith.addf %add3A_442, %mul3A_447 : vector<16xf32>
    %get3A_449 = arith.constant 45 : i32
    %get3A_450 = arith.index_cast %get3A_449 : i32 to index
    %get3A_451 = arith.constant 0 : index
    %get3A_452 = tpu.vector_load %arg11[%get3A_450, %get3A_451] {strides = array<i32>} : memref<160x16xf32, #tpu.memory_space<vmem>>, vector<16xf32>,
    %mul3A_453 = arith.mulf %div3A_95, %get3A_452 : vector<16xf32>
    %add3A_454 = arith.addf %add3A_448, %mul3A_453 : vector<16xf32>
    %get3A_455 = arith.constant 53 : i32
    %get3A_456 = arith.index_cast %get3A_455 : i32 to index
    %get3A_457 = arith.constant 0 : index
    %get3A_458 = tpu.vector_load %arg11[%get3A_456, %get3A_457] {strides = array<i32>} : memref<160x16xf32, #tpu.memory_space<vmem>>, vector<16xf32>,
    %mul3A_459 = arith.mulf %div3A_111, %get3A_458 : vector<16xf32>
    %add3A_460 = arith.addf %add3A_454, %mul3A_459 : vector<16xf32>
    %get3A_461 = arith.constant 61 : i32
    %get3A_462 = arith.index_cast %get3A_461 : i32 to index
    %get3A_463 = arith.constant 0 : index
    %get3A_464 = tpu.vector_load %arg11[%get3A_462, %get3A_463] {strides = array<i32>} : memref<160x16xf32, #tpu.memory_space<vmem>>, vector<16xf32>,
    %mul3A_465 = arith.mulf %div3A_119, %get3A_464 : vector<16xf32>
    %add3A_466 = arith.addf %add3A_460, %mul3A_465 : vector<16xf32>
    %exp3A_467 = math.exp %add3A_466 : vector<16xf32>
    %add3A_468 = arith.constant 1.000000e+00 : f32
    %add3A_469 = vector.broadcast %add3A_468 : f32 to vector<16xf32>
    %add3A_470 = arith.addf %exp3A_467, %add3A_469 : vector<16xf32>
    %div3A_471 = arith.constant 1.000000e+00 : f32
    %div3A_472 = vector.broadcast %div3A_471 : f32 to vector<16xf32>
    %div3A_473 = arith.divf %div3A_472, %add3A_470 : vector<16xf32>
    %get3A_474 = arith.constant 142 : i32
    %get3A_475 = arith.index_cast %get3A_474 : i32 to index
    %get3A_476 = arith.constant 0 : index
    %get3A_477 = tpu.vector_load %arg11[%get3A_475, %get3A_476] {strides = array<i32>} : memref<160x16xf32, #tpu.memory_space<vmem>>, vector<16xf32>,
    %get3A_478 = arith.constant 6 : i32
    %get3A_479 = arith.index_cast %get3A_478 : i32 to index
    %get3A_480 = arith.constant 0 : index
    %get3A_481 = tpu.vector_load %arg11[%get3A_479, %get3A_480] {strides = array<i32>} : memref<160x16xf32, #tpu.memory_space<vmem>>, vector<16xf32>,
    %mul3A_482 = arith.mulf %div3A_39, %get3A_481 : vector<16xf32>
    %add3A_483 = arith.addf %get3A_477, %mul3A_482 : vector<16xf32>
    %get3A_484 = arith.constant 14 : i32
    %get3A_485 = arith.index_cast %get3A_484 : i32 to index
    %get3A_486 = arith.constant 0 : index
    %get3A_487 = tpu.vector_load %arg11[%get3A_485, %get3A_486] {strides = array<i32>} : memref<160x16xf32, #tpu.memory_space<vmem>>, vector<16xf32>,
    %mul3A_488 = arith.mulf %div3A_47, %get3A_487 : vector<16xf32>
    %add3A_489 = arith.addf %add3A_483, %mul3A_488 : vector<16xf32>
    %get3A_490 = arith.constant 22 : i32
    %get3A_491 = arith.index_cast %get3A_490 : i32 to index
    %get3A_492 = arith.constant 0 : index
    %get3A_493 = tpu.vector_load %arg11[%get3A_491, %get3A_492] {strides = array<i32>} : memref<160x16xf32, #tpu.memory_space<vmem>>, vector<16xf32>,
    %mul3A_494 = arith.mulf %div3A_63, %get3A_493 : vector<16xf32>
    %add3A_495 = arith.addf %add3A_489, %mul3A_494 : vector<16xf32>
    %get3A_496 = arith.constant 30 : i32
    %get3A_497 = arith.index_cast %get3A_496 : i32 to index
    %get3A_498 = arith.constant 0 : index
    %get3A_499 = tpu.vector_load %arg11[%get3A_497, %get3A_498] {strides = array<i32>} : memref<160x16xf32, #tpu.memory_space<vmem>>, vector<16xf32>,
    %mul3A_500 = arith.mulf %div3A_71, %get3A_499 : vector<16xf32>
    %add3A_501 = arith.addf %add3A_495, %mul3A_500 : vector<16xf32>
    %get3A_502 = arith.constant 38 : i32
    %get3A_503 = arith.index_cast %get3A_502 : i32 to index
    %get3A_504 = arith.constant 0 : index
    %get3A_505 = tpu.vector_load %arg11[%get3A_503, %get3A_504] {strides = array<i32>} : memref<160x16xf32, #tpu.memory_space<vmem>>, vector<16xf32>,
    %mul3A_506 = arith.mulf %div3A_87, %get3A_505 : vector<16xf32>
    %add3A_507 = arith.addf %add3A_501, %mul3A_506 : vector<16xf32>
    %get3A_508 = arith.constant 46 : i32
    %get3A_509 = arith.index_cast %get3A_508 : i32 to index
    %get3A_510 = arith.constant 0 : index
    %get3A_511 = tpu.vector_load %arg11[%get3A_509, %get3A_510] {strides = array<i32>} : memref<160x16xf32, #tpu.memory_space<vmem>>, vector<16xf32>,
    %mul3A_512 = arith.mulf %div3A_95, %get3A_511 : vector<16xf32>
    %add3A_513 = arith.addf %add3A_507, %mul3A_512 : vector<16xf32>
    %get3A_514 = arith.constant 54 : i32
    %get3A_515 = arith.index_cast %get3A_514 : i32 to index
    %get3A_516 = arith.constant 0 : index
    %get3A_517 = tpu.vector_load %arg11[%get3A_515, %get3A_516] {strides = array<i32>} : memref<160x16xf32, #tpu.memory_space<vmem>>, vector<16xf32>,
    %mul3A_518 = arith.mulf %div3A_111, %get3A_517 : vector<16xf32>
    %add3A_519 = arith.addf %add3A_513, %mul3A_518 : vector<16xf32>
    %get3A_520 = arith.constant 62 : i32
    %get3A_521 = arith.index_cast %get3A_520 : i32 to index
    %get3A_522 = arith.constant 0 : index
    %get3A_523 = tpu.vector_load %arg11[%get3A_521, %get3A_522] {strides = array<i32>} : memref<160x16xf32, #tpu.memory_space<vmem>>, vector<16xf32>,
    %mul3A_524 = arith.mulf %div3A_119, %get3A_523 : vector<16xf32>
    %add3A_525 = arith.addf %add3A_519, %mul3A_524 : vector<16xf32>
    %exp3A_526 = math.exp %add3A_525 : vector<16xf32>
    %add3A_527 = arith.constant 1.000000e+00 : f32
    %add3A_528 = vector.broadcast %add3A_527 : f32 to vector<16xf32>
    %add3A_529 = arith.addf %exp3A_526, %add3A_528 : vector<16xf32>
    %div3A_530 = arith.constant 1.000000e+00 : f32
    %div3A_531 = vector.broadcast %div3A_530 : f32 to vector<16xf32>
    %div3A_532 = arith.divf %div3A_531, %add3A_529 : vector<16xf32>
    %get3A_533 = arith.constant 143 : i32
    %get3A_534 = arith.index_cast %get3A_533 : i32 to index
    %get3A_535 = arith.constant 0 : index
    %get3A_536 = tpu.vector_load %arg11[%get3A_534, %get3A_535] {strides = array<i32>} : memref<160x16xf32, #tpu.memory_space<vmem>>, vector<16xf32>,
    %get3A_537 = arith.constant 7 : i32
    %get3A_538 = arith.index_cast %get3A_537 : i32 to index
    %get3A_539 = arith.constant 0 : index
    %get3A_540 = tpu.vector_load %arg11[%get3A_538, %get3A_539] {strides = array<i32>} : memref<160x16xf32, #tpu.memory_space<vmem>>, vector<16xf32>,
    %mul3A_541 = arith.mulf %div3A_39, %get3A_540 : vector<16xf32>
    %add3A_542 = arith.addf %get3A_536, %mul3A_541 : vector<16xf32>
    %get3A_543 = arith.constant 15 : i32
    %get3A_544 = arith.index_cast %get3A_543 : i32 to index
    %get3A_545 = arith.constant 0 : index
    %get3A_546 = tpu.vector_load %arg11[%get3A_544, %get3A_545] {strides = array<i32>} : memref<160x16xf32, #tpu.memory_space<vmem>>, vector<16xf32>,
    %mul3A_547 = arith.mulf %div3A_47, %get3A_546 : vector<16xf32>
    %add3A_548 = arith.addf %add3A_542, %mul3A_547 : vector<16xf32>
    %get3A_549 = arith.constant 23 : i32
    %get3A_550 = arith.index_cast %get3A_549 : i32 to index
    %get3A_551 = arith.constant 0 : index
    %get3A_552 = tpu.vector_load %arg11[%get3A_550, %get3A_551] {strides = array<i32>} : memref<160x16xf32, #tpu.memory_space<vmem>>, vector<16xf32>,
    %mul3A_553 = arith.mulf %div3A_63, %get3A_552 : vector<16xf32>
    %add3A_554 = arith.addf %add3A_548, %mul3A_553 : vector<16xf32>
    %get3A_555 = arith.constant 31 : i32
    %get3A_556 = arith.index_cast %get3A_555 : i32 to index
    %get3A_557 = arith.constant 0 : index
    %get3A_558 = tpu.vector_load %arg11[%get3A_556, %get3A_557] {strides = array<i32>} : memref<160x16xf32, #tpu.memory_space<vmem>>, vector<16xf32>,
    %mul3A_559 = arith.mulf %div3A_71, %get3A_558 : vector<16xf32>
    %add3A_560 = arith.addf %add3A_554, %mul3A_559 : vector<16xf32>
    %get3A_561 = arith.constant 39 : i32
    %get3A_562 = arith.index_cast %get3A_561 : i32 to index
    %get3A_563 = arith.constant 0 : index
    %get3A_564 = tpu.vector_load %arg11[%get3A_562, %get3A_563] {strides = array<i32>} : memref<160x16xf32, #tpu.memory_space<vmem>>, vector<16xf32>,
    %mul3A_565 = arith.mulf %div3A_87, %get3A_564 : vector<16xf32>
    %add3A_566 = arith.addf %add3A_560, %mul3A_565 : vector<16xf32>
    %get3A_567 = arith.constant 47 : i32
    %get3A_568 = arith.index_cast %get3A_567 : i32 to index
    %get3A_569 = arith.constant 0 : index
    %get3A_570 = tpu.vector_load %arg11[%get3A_568, %get3A_569] {strides = array<i32>} : memref<160x16xf32, #tpu.memory_space<vmem>>, vector<16xf32>,
    %mul3A_571 = arith.mulf %div3A_95, %get3A_570 : vector<16xf32>
    %add3A_572 = arith.addf %add3A_566, %mul3A_571 : vector<16xf32>
    %get3A_573 = arith.constant 55 : i32
    %get3A_574 = arith.index_cast %get3A_573 : i32 to index
    %get3A_575 = arith.constant 0 : index
    %get3A_576 = tpu.vector_load %arg11[%get3A_574, %get3A_575] {strides = array<i32>} : memref<160x16xf32, #tpu.memory_space<vmem>>, vector<16xf32>,
    %mul3A_577 = arith.mulf %div3A_111, %get3A_576 : vector<16xf32>
    %add3A_578 = arith.addf %add3A_572, %mul3A_577 : vector<16xf32>
    %get3A_579 = arith.constant 63 : i32
    %get3A_580 = arith.index_cast %get3A_579 : i32 to index
    %get3A_581 = arith.constant 0 : index
    %get3A_582 = tpu.vector_load %arg11[%get3A_580, %get3A_581] {strides = array<i32>} : memref<160x16xf32, #tpu.memory_space<vmem>>, vector<16xf32>,
    %mul3A_583 = arith.mulf %div3A_119, %get3A_582 : vector<16xf32>
    %add3A_584 = arith.addf %add3A_578, %mul3A_583 : vector<16xf32>
    %exp3A_585 = math.exp %add3A_584 : vector<16xf32>
    %add3A_586 = arith.constant 1.000000e+00 : f32
    %add3A_587 = vector.broadcast %add3A_586 : f32 to vector<16xf32>
    %add3A_588 = arith.addf %exp3A_585, %add3A_587 : vector<16xf32>
    %div3A_589 = arith.constant 1.000000e+00 : f32
    %div3A_590 = vector.broadcast %div3A_589 : f32 to vector<16xf32>
    %div3A_591 = arith.divf %div3A_590, %add3A_588 : vector<16xf32>
    %get3A_592 = arith.constant 144 : i32
    %get3A_593 = arith.index_cast %get3A_592 : i32 to index
    %get3A_594 = arith.constant 0 : index
    %get3A_595 = tpu.vector_load %arg11[%get3A_593, %get3A_594] {strides = array<i32>} : memref<160x16xf32, #tpu.memory_space<vmem>>, vector<16xf32>,
    %get3A_596 = arith.constant 64 : i32
    %get3A_597 = arith.index_cast %get3A_596 : i32 to index
    %get3A_598 = arith.constant 0 : index
    %get3A_599 = tpu.vector_load %arg11[%get3A_597, %get3A_598] {strides = array<i32>} : memref<160x16xf32, #tpu.memory_space<vmem>>, vector<16xf32>,
    %mul3A_600 = arith.mulf %div3A_178, %get3A_599 : vector<16xf32>
    %add3A_601 = arith.addf %get3A_595, %mul3A_600 : vector<16xf32>
    %get3A_602 = arith.constant 72 : i32
    %get3A_603 = arith.index_cast %get3A_602 : i32 to index
    %get3A_604 = arith.constant 0 : index
    %get3A_605 = tpu.vector_load %arg11[%get3A_603, %get3A_604] {strides = array<i32>} : memref<160x16xf32, #tpu.memory_space<vmem>>, vector<16xf32>,
    %mul3A_606 = arith.mulf %div3A_237, %get3A_605 : vector<16xf32>
    %add3A_607 = arith.addf %add3A_601, %mul3A_606 : vector<16xf32>
    %get3A_608 = arith.constant 80 : i32
    %get3A_609 = arith.index_cast %get3A_608 : i32 to index
    %get3A_610 = arith.constant 0 : index
    %get3A_611 = tpu.vector_load %arg11[%get3A_609, %get3A_610] {strides = array<i32>} : memref<160x16xf32, #tpu.memory_space<vmem>>, vector<16xf32>,
    %mul3A_612 = arith.mulf %div3A_296, %get3A_611 : vector<16xf32>
    %add3A_613 = arith.addf %add3A_607, %mul3A_612 : vector<16xf32>
    %get3A_614 = arith.constant 88 : i32
    %get3A_615 = arith.index_cast %get3A_614 : i32 to index
    %get3A_616 = arith.constant 0 : index
    %get3A_617 = tpu.vector_load %arg11[%get3A_615, %get3A_616] {strides = array<i32>} : memref<160x16xf32, #tpu.memory_space<vmem>>, vector<16xf32>,
    %mul3A_618 = arith.mulf %div3A_355, %get3A_617 : vector<16xf32>
    %add3A_619 = arith.addf %add3A_613, %mul3A_618 : vector<16xf32>
    %get3A_620 = arith.constant 96 : i32
    %get3A_621 = arith.index_cast %get3A_620 : i32 to index
    %get3A_622 = arith.constant 0 : index
    %get3A_623 = tpu.vector_load %arg11[%get3A_621, %get3A_622] {strides = array<i32>} : memref<160x16xf32, #tpu.memory_space<vmem>>, vector<16xf32>,
    %mul3A_624 = arith.mulf %div3A_414, %get3A_623 : vector<16xf32>
    %add3A_625 = arith.addf %add3A_619, %mul3A_624 : vector<16xf32>
    %get3A_626 = arith.constant 104 : i32
    %get3A_627 = arith.index_cast %get3A_626 : i32 to index
    %get3A_628 = arith.constant 0 : index
    %get3A_629 = tpu.vector_load %arg11[%get3A_627, %get3A_628] {strides = array<i32>} : memref<160x16xf32, #tpu.memory_space<vmem>>, vector<16xf32>,
    %mul3A_630 = arith.mulf %div3A_473, %get3A_629 : vector<16xf32>
    %add3A_631 = arith.addf %add3A_625, %mul3A_630 : vector<16xf32>
    %get3A_632 = arith.constant 112 : i32
    %get3A_633 = arith.index_cast %get3A_632 : i32 to index
    %get3A_634 = arith.constant 0 : index
    %get3A_635 = tpu.vector_load %arg11[%get3A_633, %get3A_634] {strides = array<i32>} : memref<160x16xf32, #tpu.memory_space<vmem>>, vector<16xf32>,
    %mul3A_636 = arith.mulf %div3A_532, %get3A_635 : vector<16xf32>
    %add3A_637 = arith.addf %add3A_631, %mul3A_636 : vector<16xf32>
    %get3A_638 = arith.constant 120 : i32
    %get3A_639 = arith.index_cast %get3A_638 : i32 to index
    %get3A_640 = arith.constant 0 : index
    %get3A_641 = tpu.vector_load %arg11[%get3A_639, %get3A_640] {strides = array<i32>} : memref<160x16xf32, #tpu.memory_space<vmem>>, vector<16xf32>,
    %mul3A_642 = arith.mulf %div3A_591, %get3A_641 : vector<16xf32>
    %add3A_643 = arith.addf %add3A_637, %mul3A_642 : vector<16xf32>
    %exp3A_644 = math.exp %add3A_643 : vector<16xf32>
    %add3A_645 = arith.constant 1.000000e+00 : f32
    %add3A_646 = vector.broadcast %add3A_645 : f32 to vector<16xf32>
    %add3A_647 = arith.addf %exp3A_644, %add3A_646 : vector<16xf32>
    %div3A_648 = arith.constant 1.000000e+00 : f32
    %div3A_649 = vector.broadcast %div3A_648 : f32 to vector<16xf32>
    %div3A_650 = arith.divf %div3A_649, %add3A_647 : vector<16xf32>
    %get3A_651 = arith.constant 145 : i32
    %get3A_652 = arith.index_cast %get3A_651 : i32 to index
    %get3A_653 = arith.constant 0 : index
    %get3A_654 = tpu.vector_load %arg11[%get3A_652, %get3A_653] {strides = array<i32>} : memref<160x16xf32, #tpu.memory_space<vmem>>, vector<16xf32>,
    %get3A_655 = arith.constant 65 : i32
    %get3A_656 = arith.index_cast %get3A_655 : i32 to index
    %get3A_657 = arith.constant 0 : index
    %get3A_658 = tpu.vector_load %arg11[%get3A_656, %get3A_657] {strides = array<i32>} : memref<160x16xf32, #tpu.memory_space<vmem>>, vector<16xf32>,
    %mul3A_659 = arith.mulf %div3A_178, %get3A_658 : vector<16xf32>
    %add3A_660 = arith.addf %get3A_654, %mul3A_659 : vector<16xf32>
    %get3A_661 = arith.constant 73 : i32
    %get3A_662 = arith.index_cast %get3A_661 : i32 to index
    %get3A_663 = arith.constant 0 : index
    %get3A_664 = tpu.vector_load %arg11[%get3A_662, %get3A_663] {strides = array<i32>} : memref<160x16xf32, #tpu.memory_space<vmem>>, vector<16xf32>,
    %mul3A_665 = arith.mulf %div3A_237, %get3A_664 : vector<16xf32>
    %add3A_666 = arith.addf %add3A_660, %mul3A_665 : vector<16xf32>
    %get3A_667 = arith.constant 81 : i32
    %get3A_668 = arith.index_cast %get3A_667 : i32 to index
    %get3A_669 = arith.constant 0 : index
    %get3A_670 = tpu.vector_load %arg11[%get3A_668, %get3A_669] {strides = array<i32>} : memref<160x16xf32, #tpu.memory_space<vmem>>, vector<16xf32>,
    %mul3A_671 = arith.mulf %div3A_296, %get3A_670 : vector<16xf32>
    %add3A_672 = arith.addf %add3A_666, %mul3A_671 : vector<16xf32>
    %get3A_673 = arith.constant 89 : i32
    %get3A_674 = arith.index_cast %get3A_673 : i32 to index
    %get3A_675 = arith.constant 0 : index
    %get3A_676 = tpu.vector_load %arg11[%get3A_674, %get3A_675] {strides = array<i32>} : memref<160x16xf32, #tpu.memory_space<vmem>>, vector<16xf32>,
    %mul3A_677 = arith.mulf %div3A_355, %get3A_676 : vector<16xf32>
    %add3A_678 = arith.addf %add3A_672, %mul3A_677 : vector<16xf32>
    %get3A_679 = arith.constant 97 : i32
    %get3A_680 = arith.index_cast %get3A_679 : i32 to index
    %get3A_681 = arith.constant 0 : index
    %get3A_682 = tpu.vector_load %arg11[%get3A_680, %get3A_681] {strides = array<i32>} : memref<160x16xf32, #tpu.memory_space<vmem>>, vector<16xf32>,
    %mul3A_683 = arith.mulf %div3A_414, %get3A_682 : vector<16xf32>
    %add3A_684 = arith.addf %add3A_678, %mul3A_683 : vector<16xf32>
    %get3A_685 = arith.constant 105 : i32
    %get3A_686 = arith.index_cast %get3A_685 : i32 to index
    %get3A_687 = arith.constant 0 : index
    %get3A_688 = tpu.vector_load %arg11[%get3A_686, %get3A_687] {strides = array<i32>} : memref<160x16xf32, #tpu.memory_space<vmem>>, vector<16xf32>,
    %mul3A_689 = arith.mulf %div3A_473, %get3A_688 : vector<16xf32>
    %add3A_690 = arith.addf %add3A_684, %mul3A_689 : vector<16xf32>
    %get3A_691 = arith.constant 113 : i32
    %get3A_692 = arith.index_cast %get3A_691 : i32 to index
    %get3A_693 = arith.constant 0 : index
    %get3A_694 = tpu.vector_load %arg11[%get3A_692, %get3A_693] {strides = array<i32>} : memref<160x16xf32, #tpu.memory_space<vmem>>, vector<16xf32>,
    %mul3A_695 = arith.mulf %div3A_532, %get3A_694 : vector<16xf32>
    %add3A_696 = arith.addf %add3A_690, %mul3A_695 : vector<16xf32>
    %get3A_697 = arith.constant 121 : i32
    %get3A_698 = arith.index_cast %get3A_697 : i32 to index
    %get3A_699 = arith.constant 0 : index
    %get3A_700 = tpu.vector_load %arg11[%get3A_698, %get3A_699] {strides = array<i32>} : memref<160x16xf32, #tpu.memory_space<vmem>>, vector<16xf32>,
    %mul3A_701 = arith.mulf %div3A_591, %get3A_700 : vector<16xf32>
    %add3A_702 = arith.addf %add3A_696, %mul3A_701 : vector<16xf32>
    %exp3A_703 = math.exp %add3A_702 : vector<16xf32>
    %add3A_704 = arith.constant 1.000000e+00 : f32
    %add3A_705 = vector.broadcast %add3A_704 : f32 to vector<16xf32>
    %add3A_706 = arith.addf %exp3A_703, %add3A_705 : vector<16xf32>
    %div3A_707 = arith.constant 1.000000e+00 : f32
    %div3A_708 = vector.broadcast %div3A_707 : f32 to vector<16xf32>
    %div3A_709 = arith.divf %div3A_708, %add3A_706 : vector<16xf32>
    %get3A_710 = arith.constant 146 : i32
    %get3A_711 = arith.index_cast %get3A_710 : i32 to index
    %get3A_712 = arith.constant 0 : index
    %get3A_713 = tpu.vector_load %arg11[%get3A_711, %get3A_712] {strides = array<i32>} : memref<160x16xf32, #tpu.memory_space<vmem>>, vector<16xf32>,
    %get3A_714 = arith.constant 66 : i32
    %get3A_715 = arith.index_cast %get3A_714 : i32 to index
    %get3A_716 = arith.constant 0 : index
    %get3A_717 = tpu.vector_load %arg11[%get3A_715, %get3A_716] {strides = array<i32>} : memref<160x16xf32, #tpu.memory_space<vmem>>, vector<16xf32>,
    %mul3A_718 = arith.mulf %div3A_178, %get3A_717 : vector<16xf32>
    %add3A_719 = arith.addf %get3A_713, %mul3A_718 : vector<16xf32>
    %get3A_720 = arith.constant 74 : i32
    %get3A_721 = arith.index_cast %get3A_720 : i32 to index
    %get3A_722 = arith.constant 0 : index
    %get3A_723 = tpu.vector_load %arg11[%get3A_721, %get3A_722] {strides = array<i32>} : memref<160x16xf32, #tpu.memory_space<vmem>>, vector<16xf32>,
    %mul3A_724 = arith.mulf %div3A_237, %get3A_723 : vector<16xf32>
    %add3A_725 = arith.addf %add3A_719, %mul3A_724 : vector<16xf32>
    %get3A_726 = arith.constant 82 : i32
    %get3A_727 = arith.index_cast %get3A_726 : i32 to index
    %get3A_728 = arith.constant 0 : index
    %get3A_729 = tpu.vector_load %arg11[%get3A_727, %get3A_728] {strides = array<i32>} : memref<160x16xf32, #tpu.memory_space<vmem>>, vector<16xf32>,
    %mul3A_730 = arith.mulf %div3A_296, %get3A_729 : vector<16xf32>
    %add3A_731 = arith.addf %add3A_725, %mul3A_730 : vector<16xf32>
    %get3A_732 = arith.constant 90 : i32
    %get3A_733 = arith.index_cast %get3A_732 : i32 to index
    %get3A_734 = arith.constant 0 : index
    %get3A_735 = tpu.vector_load %arg11[%get3A_733, %get3A_734] {strides = array<i32>} : memref<160x16xf32, #tpu.memory_space<vmem>>, vector<16xf32>,
    %mul3A_736 = arith.mulf %div3A_355, %get3A_735 : vector<16xf32>
    %add3A_737 = arith.addf %add3A_731, %mul3A_736 : vector<16xf32>
    %get3A_738 = arith.constant 98 : i32
    %get3A_739 = arith.index_cast %get3A_738 : i32 to index
    %get3A_740 = arith.constant 0 : index
    %get3A_741 = tpu.vector_load %arg11[%get3A_739, %get3A_740] {strides = array<i32>} : memref<160x16xf32, #tpu.memory_space<vmem>>, vector<16xf32>,
    %mul3A_742 = arith.mulf %div3A_414, %get3A_741 : vector<16xf32>
    %add3A_743 = arith.addf %add3A_737, %mul3A_742 : vector<16xf32>
    %get3A_744 = arith.constant 106 : i32
    %get3A_745 = arith.index_cast %get3A_744 : i32 to index
    %get3A_746 = arith.constant 0 : index
    %get3A_747 = tpu.vector_load %arg11[%get3A_745, %get3A_746] {strides = array<i32>} : memref<160x16xf32, #tpu.memory_space<vmem>>, vector<16xf32>,
    %mul3A_748 = arith.mulf %div3A_473, %get3A_747 : vector<16xf32>
    %add3A_749 = arith.addf %add3A_743, %mul3A_748 : vector<16xf32>
    %get3A_750 = arith.constant 114 : i32
    %get3A_751 = arith.index_cast %get3A_750 : i32 to index
    %get3A_752 = arith.constant 0 : index
    %get3A_753 = tpu.vector_load %arg11[%get3A_751, %get3A_752] {strides = array<i32>} : memref<160x16xf32, #tpu.memory_space<vmem>>, vector<16xf32>,
    %mul3A_754 = arith.mulf %div3A_532, %get3A_753 : vector<16xf32>
    %add3A_755 = arith.addf %add3A_749, %mul3A_754 : vector<16xf32>
    %get3A_756 = arith.constant 122 : i32
    %get3A_757 = arith.index_cast %get3A_756 : i32 to index
    %get3A_758 = arith.constant 0 : index
    %get3A_759 = tpu.vector_load %arg11[%get3A_757, %get3A_758] {strides = array<i32>} : memref<160x16xf32, #tpu.memory_space<vmem>>, vector<16xf32>,
    %mul3A_760 = arith.mulf %div3A_591, %get3A_759 : vector<16xf32>
    %add3A_761 = arith.addf %add3A_755, %mul3A_760 : vector<16xf32>
    %exp3A_762 = math.exp %add3A_761 : vector<16xf32>
    %add3A_763 = arith.constant 1.000000e+00 : f32
    %add3A_764 = vector.broadcast %add3A_763 : f32 to vector<16xf32>
    %add3A_765 = arith.addf %exp3A_762, %add3A_764 : vector<16xf32>
    %div3A_766 = arith.constant 1.000000e+00 : f32
    %div3A_767 = vector.broadcast %div3A_766 : f32 to vector<16xf32>
    %div3A_768 = arith.divf %div3A_767, %add3A_765 : vector<16xf32>
    %get3A_769 = arith.constant 147 : i32
    %get3A_770 = arith.index_cast %get3A_769 : i32 to index
    %get3A_771 = arith.constant 0 : index
    %get3A_772 = tpu.vector_load %arg11[%get3A_770, %get3A_771] {strides = array<i32>} : memref<160x16xf32, #tpu.memory_space<vmem>>, vector<16xf32>,
    %get3A_773 = arith.constant 67 : i32
    %get3A_774 = arith.index_cast %get3A_773 : i32 to index
    %get3A_775 = arith.constant 0 : index
    %get3A_776 = tpu.vector_load %arg11[%get3A_774, %get3A_775] {strides = array<i32>} : memref<160x16xf32, #tpu.memory_space<vmem>>, vector<16xf32>,
    %mul3A_777 = arith.mulf %div3A_178, %get3A_776 : vector<16xf32>
    %add3A_778 = arith.addf %get3A_772, %mul3A_777 : vector<16xf32>
    %get3A_779 = arith.constant 75 : i32
    %get3A_780 = arith.index_cast %get3A_779 : i32 to index
    %get3A_781 = arith.constant 0 : index
    %get3A_782 = tpu.vector_load %arg11[%get3A_780, %get3A_781] {strides = array<i32>} : memref<160x16xf32, #tpu.memory_space<vmem>>, vector<16xf32>,
    %mul3A_783 = arith.mulf %div3A_237, %get3A_782 : vector<16xf32>
    %add3A_784 = arith.addf %add3A_778, %mul3A_783 : vector<16xf32>
    %get3A_785 = arith.constant 83 : i32
    %get3A_786 = arith.index_cast %get3A_785 : i32 to index
    %get3A_787 = arith.constant 0 : index
    %get3A_788 = tpu.vector_load %arg11[%get3A_786, %get3A_787] {strides = array<i32>} : memref<160x16xf32, #tpu.memory_space<vmem>>, vector<16xf32>,
    %mul3A_789 = arith.mulf %div3A_296, %get3A_788 : vector<16xf32>
    %add3A_790 = arith.addf %add3A_784, %mul3A_789 : vector<16xf32>
    %get3A_791 = arith.constant 91 : i32
    %get3A_792 = arith.index_cast %get3A_791 : i32 to index
    %get3A_793 = arith.constant 0 : index
    %get3A_794 = tpu.vector_load %arg11[%get3A_792, %get3A_793] {strides = array<i32>} : memref<160x16xf32, #tpu.memory_space<vmem>>, vector<16xf32>,
    %mul3A_795 = arith.mulf %div3A_355, %get3A_794 : vector<16xf32>
    %add3A_796 = arith.addf %add3A_790, %mul3A_795 : vector<16xf32>
    %get3A_797 = arith.constant 99 : i32
    %get3A_798 = arith.index_cast %get3A_797 : i32 to index
    %get3A_799 = arith.constant 0 : index
    %get3A_800 = tpu.vector_load %arg11[%get3A_798, %get3A_799] {strides = array<i32>} : memref<160x16xf32, #tpu.memory_space<vmem>>, vector<16xf32>,
    %mul3A_801 = arith.mulf %div3A_414, %get3A_800 : vector<16xf32>
    %add3A_802 = arith.addf %add3A_796, %mul3A_801 : vector<16xf32>
    %get3A_803 = arith.constant 107 : i32
    %get3A_804 = arith.index_cast %get3A_803 : i32 to index
    %get3A_805 = arith.constant 0 : index
    %get3A_806 = tpu.vector_load %arg11[%get3A_804, %get3A_805] {strides = array<i32>} : memref<160x16xf32, #tpu.memory_space<vmem>>, vector<16xf32>,
    %mul3A_807 = arith.mulf %div3A_473, %get3A_806 : vector<16xf32>
    %add3A_808 = arith.addf %add3A_802, %mul3A_807 : vector<16xf32>
    %get3A_809 = arith.constant 115 : i32
    %get3A_810 = arith.index_cast %get3A_809 : i32 to index
    %get3A_811 = arith.constant 0 : index
    %get3A_812 = tpu.vector_load %arg11[%get3A_810, %get3A_811] {strides = array<i32>} : memref<160x16xf32, #tpu.memory_space<vmem>>, vector<16xf32>,
    %mul3A_813 = arith.mulf %div3A_532, %get3A_812 : vector<16xf32>
    %add3A_814 = arith.addf %add3A_808, %mul3A_813 : vector<16xf32>
    %get3A_815 = arith.constant 123 : i32
    %get3A_816 = arith.index_cast %get3A_815 : i32 to index
    %get3A_817 = arith.constant 0 : index
    %get3A_818 = tpu.vector_load %arg11[%get3A_816, %get3A_817] {strides = array<i32>} : memref<160x16xf32, #tpu.memory_space<vmem>>, vector<16xf32>,
    %mul3A_819 = arith.mulf %div3A_591, %get3A_818 : vector<16xf32>
    %add3A_820 = arith.addf %add3A_814, %mul3A_819 : vector<16xf32>
    %exp3A_821 = math.exp %add3A_820 : vector<16xf32>
    %add3A_822 = arith.constant 1.000000e+00 : f32
    %add3A_823 = vector.broadcast %add3A_822 : f32 to vector<16xf32>
    %add3A_824 = arith.addf %exp3A_821, %add3A_823 : vector<16xf32>
    %div3A_825 = arith.constant 1.000000e+00 : f32
    %div3A_826 = vector.broadcast %div3A_825 : f32 to vector<16xf32>
    %div3A_827 = arith.divf %div3A_826, %add3A_824 : vector<16xf32>
    %get3A_828 = arith.constant 148 : i32
    %get3A_829 = arith.index_cast %get3A_828 : i32 to index
    %get3A_830 = arith.constant 0 : index
    %get3A_831 = tpu.vector_load %arg11[%get3A_829, %get3A_830] {strides = array<i32>} : memref<160x16xf32, #tpu.memory_space<vmem>>, vector<16xf32>,
    %get3A_832 = arith.constant 68 : i32
    %get3A_833 = arith.index_cast %get3A_832 : i32 to index
    %get3A_834 = arith.constant 0 : index
    %get3A_835 = tpu.vector_load %arg11[%get3A_833, %get3A_834] {strides = array<i32>} : memref<160x16xf32, #tpu.memory_space<vmem>>, vector<16xf32>,
    %mul3A_836 = arith.mulf %div3A_178, %get3A_835 : vector<16xf32>
    %add3A_837 = arith.addf %get3A_831, %mul3A_836 : vector<16xf32>
    %get3A_838 = arith.constant 76 : i32
    %get3A_839 = arith.index_cast %get3A_838 : i32 to index
    %get3A_840 = arith.constant 0 : index
    %get3A_841 = tpu.vector_load %arg11[%get3A_839, %get3A_840] {strides = array<i32>} : memref<160x16xf32, #tpu.memory_space<vmem>>, vector<16xf32>,
    %mul3A_842 = arith.mulf %div3A_237, %get3A_841 : vector<16xf32>
    %add3A_843 = arith.addf %add3A_837, %mul3A_842 : vector<16xf32>
    %get3A_844 = arith.constant 84 : i32
    %get3A_845 = arith.index_cast %get3A_844 : i32 to index
    %get3A_846 = arith.constant 0 : index
    %get3A_847 = tpu.vector_load %arg11[%get3A_845, %get3A_846] {strides = array<i32>} : memref<160x16xf32, #tpu.memory_space<vmem>>, vector<16xf32>,
    %mul3A_848 = arith.mulf %div3A_296, %get3A_847 : vector<16xf32>
    %add3A_849 = arith.addf %add3A_843, %mul3A_848 : vector<16xf32>
    %get3A_850 = arith.constant 92 : i32
    %get3A_851 = arith.index_cast %get3A_850 : i32 to index
    %get3A_852 = arith.constant 0 : index
    %get3A_853 = tpu.vector_load %arg11[%get3A_851, %get3A_852] {strides = array<i32>} : memref<160x16xf32, #tpu.memory_space<vmem>>, vector<16xf32>,
    %mul3A_854 = arith.mulf %div3A_355, %get3A_853 : vector<16xf32>
    %add3A_855 = arith.addf %add3A_849, %mul3A_854 : vector<16xf32>
    %get3A_856 = arith.constant 100 : i32
    %get3A_857 = arith.index_cast %get3A_856 : i32 to index
    %get3A_858 = arith.constant 0 : index
    %get3A_859 = tpu.vector_load %arg11[%get3A_857, %get3A_858] {strides = array<i32>} : memref<160x16xf32, #tpu.memory_space<vmem>>, vector<16xf32>,
    %mul3A_860 = arith.mulf %div3A_414, %get3A_859 : vector<16xf32>
    %add3A_861 = arith.addf %add3A_855, %mul3A_860 : vector<16xf32>
    %get3A_862 = arith.constant 108 : i32
    %get3A_863 = arith.index_cast %get3A_862 : i32 to index
    %get3A_864 = arith.constant 0 : index
    %get3A_865 = tpu.vector_load %arg11[%get3A_863, %get3A_864] {strides = array<i32>} : memref<160x16xf32, #tpu.memory_space<vmem>>, vector<16xf32>,
    %mul3A_866 = arith.mulf %div3A_473, %get3A_865 : vector<16xf32>
    %add3A_867 = arith.addf %add3A_861, %mul3A_866 : vector<16xf32>
    %get3A_868 = arith.constant 116 : i32
    %get3A_869 = arith.index_cast %get3A_868 : i32 to index
    %get3A_870 = arith.constant 0 : index
    %get3A_871 = tpu.vector_load %arg11[%get3A_869, %get3A_870] {strides = array<i32>} : memref<160x16xf32, #tpu.memory_space<vmem>>, vector<16xf32>,
    %mul3A_872 = arith.mulf %div3A_532, %get3A_871 : vector<16xf32>
    %add3A_873 = arith.addf %add3A_867, %mul3A_872 : vector<16xf32>
    %get3A_874 = arith.constant 124 : i32
    %get3A_875 = arith.index_cast %get3A_874 : i32 to index
    %get3A_876 = arith.constant 0 : index
    %get3A_877 = tpu.vector_load %arg11[%get3A_875, %get3A_876] {strides = array<i32>} : memref<160x16xf32, #tpu.memory_space<vmem>>, vector<16xf32>,
    %mul3A_878 = arith.mulf %div3A_591, %get3A_877 : vector<16xf32>
    %add3A_879 = arith.addf %add3A_873, %mul3A_878 : vector<16xf32>
    %exp3A_880 = math.exp %add3A_879 : vector<16xf32>
    %add3A_881 = arith.constant 1.000000e+00 : f32
    %add3A_882 = vector.broadcast %add3A_881 : f32 to vector<16xf32>
    %add3A_883 = arith.addf %exp3A_880, %add3A_882 : vector<16xf32>
    %div3A_884 = arith.constant 1.000000e+00 : f32
    %div3A_885 = vector.broadcast %div3A_884 : f32 to vector<16xf32>
    %div3A_886 = arith.divf %div3A_885, %add3A_883 : vector<16xf32>
    %get3A_887 = arith.constant 149 : i32
    %get3A_888 = arith.index_cast %get3A_887 : i32 to index
    %get3A_889 = arith.constant 0 : index
    %get3A_890 = tpu.vector_load %arg11[%get3A_888, %get3A_889] {strides = array<i32>} : memref<160x16xf32, #tpu.memory_space<vmem>>, vector<16xf32>,
    %get3A_891 = arith.constant 69 : i32
    %get3A_892 = arith.index_cast %get3A_891 : i32 to index
    %get3A_893 = arith.constant 0 : index
    %get3A_894 = tpu.vector_load %arg11[%get3A_892, %get3A_893] {strides = array<i32>} : memref<160x16xf32, #tpu.memory_space<vmem>>, vector<16xf32>,
    %mul3A_895 = arith.mulf %div3A_178, %get3A_894 : vector<16xf32>
    %add3A_896 = arith.addf %get3A_890, %mul3A_895 : vector<16xf32>
    %get3A_897 = arith.constant 77 : i32
    %get3A_898 = arith.index_cast %get3A_897 : i32 to index
    %get3A_899 = arith.constant 0 : index
    %get3A_900 = tpu.vector_load %arg11[%get3A_898, %get3A_899] {strides = array<i32>} : memref<160x16xf32, #tpu.memory_space<vmem>>, vector<16xf32>,
    %mul3A_901 = arith.mulf %div3A_237, %get3A_900 : vector<16xf32>
    %add3A_902 = arith.addf %add3A_896, %mul3A_901 : vector<16xf32>
    %get3A_903 = arith.constant 85 : i32
    %get3A_904 = arith.index_cast %get3A_903 : i32 to index
    %get3A_905 = arith.constant 0 : index
    %get3A_906 = tpu.vector_load %arg11[%get3A_904, %get3A_905] {strides = array<i32>} : memref<160x16xf32, #tpu.memory_space<vmem>>, vector<16xf32>,
    %mul3A_907 = arith.mulf %div3A_296, %get3A_906 : vector<16xf32>
    %add3A_908 = arith.addf %add3A_902, %mul3A_907 : vector<16xf32>
    %get3A_909 = arith.constant 93 : i32
    %get3A_910 = arith.index_cast %get3A_909 : i32 to index
    %get3A_911 = arith.constant 0 : index
    %get3A_912 = tpu.vector_load %arg11[%get3A_910, %get3A_911] {strides = array<i32>} : memref<160x16xf32, #tpu.memory_space<vmem>>, vector<16xf32>,
    %mul3A_913 = arith.mulf %div3A_355, %get3A_912 : vector<16xf32>
    %add3A_914 = arith.addf %add3A_908, %mul3A_913 : vector<16xf32>
    %get3A_915 = arith.constant 101 : i32
    %get3A_916 = arith.index_cast %get3A_915 : i32 to index
    %get3A_917 = arith.constant 0 : index
    %get3A_918 = tpu.vector_load %arg11[%get3A_916, %get3A_917] {strides = array<i32>} : memref<160x16xf32, #tpu.memory_space<vmem>>, vector<16xf32>,
    %mul3A_919 = arith.mulf %div3A_414, %get3A_918 : vector<16xf32>
    %add3A_920 = arith.addf %add3A_914, %mul3A_919 : vector<16xf32>
    %get3A_921 = arith.constant 109 : i32
    %get3A_922 = arith.index_cast %get3A_921 : i32 to index
    %get3A_923 = arith.constant 0 : index
    %get3A_924 = tpu.vector_load %arg11[%get3A_922, %get3A_923] {strides = array<i32>} : memref<160x16xf32, #tpu.memory_space<vmem>>, vector<16xf32>,
    %mul3A_925 = arith.mulf %div3A_473, %get3A_924 : vector<16xf32>
    %add3A_926 = arith.addf %add3A_920, %mul3A_925 : vector<16xf32>
    %get3A_927 = arith.constant 117 : i32
    %get3A_928 = arith.index_cast %get3A_927 : i32 to index
    %get3A_929 = arith.constant 0 : index
    %get3A_930 = tpu.vector_load %arg11[%get3A_928, %get3A_929] {strides = array<i32>} : memref<160x16xf32, #tpu.memory_space<vmem>>, vector<16xf32>,
    %mul3A_931 = arith.mulf %div3A_532, %get3A_930 : vector<16xf32>
    %add3A_932 = arith.addf %add3A_926, %mul3A_931 : vector<16xf32>
    %get3A_933 = arith.constant 125 : i32
    %get3A_934 = arith.index_cast %get3A_933 : i32 to index
    %get3A_935 = arith.constant 0 : index
    %get3A_936 = tpu.vector_load %arg11[%get3A_934, %get3A_935] {strides = array<i32>} : memref<160x16xf32, #tpu.memory_space<vmem>>, vector<16xf32>,
    %mul3A_937 = arith.mulf %div3A_591, %get3A_936 : vector<16xf32>
    %add3A_938 = arith.addf %add3A_932, %mul3A_937 : vector<16xf32>
    %exp3A_939 = math.exp %add3A_938 : vector<16xf32>
    %add3A_940 = arith.constant 1.000000e+00 : f32
    %add3A_941 = vector.broadcast %add3A_940 : f32 to vector<16xf32>
    %add3A_942 = arith.addf %exp3A_939, %add3A_941 : vector<16xf32>
    %div3A_943 = arith.constant 1.000000e+00 : f32
    %div3A_944 = vector.broadcast %div3A_943 : f32 to vector<16xf32>
    %div3A_945 = arith.divf %div3A_944, %add3A_942 : vector<16xf32>
    %get3A_946 = arith.constant 150 : i32
    %get3A_947 = arith.index_cast %get3A_946 : i32 to index
    %get3A_948 = arith.constant 0 : index
    %get3A_949 = tpu.vector_load %arg11[%get3A_947, %get3A_948] {strides = array<i32>} : memref<160x16xf32, #tpu.memory_space<vmem>>, vector<16xf32>,
    %get3A_950 = arith.constant 70 : i32
    %get3A_951 = arith.index_cast %get3A_950 : i32 to index
    %get3A_952 = arith.constant 0 : index
    %get3A_953 = tpu.vector_load %arg11[%get3A_951, %get3A_952] {strides = array<i32>} : memref<160x16xf32, #tpu.memory_space<vmem>>, vector<16xf32>,
    %mul3A_954 = arith.mulf %div3A_178, %get3A_953 : vector<16xf32>
    %add3A_955 = arith.addf %get3A_949, %mul3A_954 : vector<16xf32>
    %get3A_956 = arith.constant 78 : i32
    %get3A_957 = arith.index_cast %get3A_956 : i32 to index
    %get3A_958 = arith.constant 0 : index
    %get3A_959 = tpu.vector_load %arg11[%get3A_957, %get3A_958] {strides = array<i32>} : memref<160x16xf32, #tpu.memory_space<vmem>>, vector<16xf32>,
    %mul3A_960 = arith.mulf %div3A_237, %get3A_959 : vector<16xf32>
    %add3A_961 = arith.addf %add3A_955, %mul3A_960 : vector<16xf32>
    %get3A_962 = arith.constant 86 : i32
    %get3A_963 = arith.index_cast %get3A_962 : i32 to index
    %get3A_964 = arith.constant 0 : index
    %get3A_965 = tpu.vector_load %arg11[%get3A_963, %get3A_964] {strides = array<i32>} : memref<160x16xf32, #tpu.memory_space<vmem>>, vector<16xf32>,
    %mul3A_966 = arith.mulf %div3A_296, %get3A_965 : vector<16xf32>
    %add3A_967 = arith.addf %add3A_961, %mul3A_966 : vector<16xf32>
    %get3A_968 = arith.constant 94 : i32
    %get3A_969 = arith.index_cast %get3A_968 : i32 to index
    %get3A_970 = arith.constant 0 : index
    %get3A_971 = tpu.vector_load %arg11[%get3A_969, %get3A_970] {strides = array<i32>} : memref<160x16xf32, #tpu.memory_space<vmem>>, vector<16xf32>,
    %mul3A_972 = arith.mulf %div3A_355, %get3A_971 : vector<16xf32>
    %add3A_973 = arith.addf %add3A_967, %mul3A_972 : vector<16xf32>
    %get3A_974 = arith.constant 102 : i32
    %get3A_975 = arith.index_cast %get3A_974 : i32 to index
    %get3A_976 = arith.constant 0 : index
    %get3A_977 = tpu.vector_load %arg11[%get3A_975, %get3A_976] {strides = array<i32>} : memref<160x16xf32, #tpu.memory_space<vmem>>, vector<16xf32>,
    %mul3A_978 = arith.mulf %div3A_414, %get3A_977 : vector<16xf32>
    %add3A_979 = arith.addf %add3A_973, %mul3A_978 : vector<16xf32>
    %get3A_980 = arith.constant 110 : i32
    %get3A_981 = arith.index_cast %get3A_980 : i32 to index
    %get3A_982 = arith.constant 0 : index
    %get3A_983 = tpu.vector_load %arg11[%get3A_981, %get3A_982] {strides = array<i32>} : memref<160x16xf32, #tpu.memory_space<vmem>>, vector<16xf32>,
    %mul3A_984 = arith.mulf %div3A_473, %get3A_983 : vector<16xf32>
    %add3A_985 = arith.addf %add3A_979, %mul3A_984 : vector<16xf32>
    %get3A_986 = arith.constant 118 : i32
    %get3A_987 = arith.index_cast %get3A_986 : i32 to index
    %get3A_988 = arith.constant 0 : index
    %get3A_989 = tpu.vector_load %arg11[%get3A_987, %get3A_988] {strides = array<i32>} : memref<160x16xf32, #tpu.memory_space<vmem>>, vector<16xf32>,
    %mul3A_990 = arith.mulf %div3A_532, %get3A_989 : vector<16xf32>
    %add3A_991 = arith.addf %add3A_985, %mul3A_990 : vector<16xf32>
    %get3A_992 = arith.constant 126 : i32
    %get3A_993 = arith.index_cast %get3A_992 : i32 to index
    %get3A_994 = arith.constant 0 : index
    %get3A_995 = tpu.vector_load %arg11[%get3A_993, %get3A_994] {strides = array<i32>} : memref<160x16xf32, #tpu.memory_space<vmem>>, vector<16xf32>,
    %mul3A_996 = arith.mulf %div3A_591, %get3A_995 : vector<16xf32>
    %add3A_997 = arith.addf %add3A_991, %mul3A_996 : vector<16xf32>
    %exp3A_998 = math.exp %add3A_997 : vector<16xf32>
    %add3A_999 = arith.constant 1.000000e+00 : f32
    %add3A_1000 = vector.broadcast %add3A_999 : f32 to vector<16xf32>
    %add3A_1001 = arith.addf %exp3A_998, %add3A_1000 : vector<16xf32>
    %div3A_1002 = arith.constant 1.000000e+00 : f32
    %div3A_1003 = vector.broadcast %div3A_1002 : f32 to vector<16xf32>
    %div3A_1004 = arith.divf %div3A_1003, %add3A_1001 : vector<16xf32>
    %get3A_1005 = arith.constant 151 : i32
    %get3A_1006 = arith.index_cast %get3A_1005 : i32 to index
    %get3A_1007 = arith.constant 0 : index
    %get3A_1008 = tpu.vector_load %arg11[%get3A_1006, %get3A_1007] {strides = array<i32>} : memref<160x16xf32, #tpu.memory_space<vmem>>, vector<16xf32>,
    %get3A_1009 = arith.constant 71 : i32
    %get3A_1010 = arith.index_cast %get3A_1009 : i32 to index
    %get3A_1011 = arith.constant 0 : index
    %get3A_1012 = tpu.vector_load %arg11[%get3A_1010, %get3A_1011] {strides = array<i32>} : memref<160x16xf32, #tpu.memory_space<vmem>>, vector<16xf32>,
    %mul3A_1013 = arith.mulf %div3A_178, %get3A_1012 : vector<16xf32>
    %add3A_1014 = arith.addf %get3A_1008, %mul3A_1013 : vector<16xf32>
    %get3A_1015 = arith.constant 79 : i32
    %get3A_1016 = arith.index_cast %get3A_1015 : i32 to index
    %get3A_1017 = arith.constant 0 : index
    %get3A_1018 = tpu.vector_load %arg11[%get3A_1016, %get3A_1017] {strides = array<i32>} : memref<160x16xf32, #tpu.memory_space<vmem>>, vector<16xf32>,
    %mul3A_1019 = arith.mulf %div3A_237, %get3A_1018 : vector<16xf32>
    %add3A_1020 = arith.addf %add3A_1014, %mul3A_1019 : vector<16xf32>
    %get3A_1021 = arith.constant 87 : i32
    %get3A_1022 = arith.index_cast %get3A_1021 : i32 to index
    %get3A_1023 = arith.constant 0 : index
    %get3A_1024 = tpu.vector_load %arg11[%get3A_1022, %get3A_1023] {strides = array<i32>} : memref<160x16xf32, #tpu.memory_space<vmem>>, vector<16xf32>,
    %mul3A_1025 = arith.mulf %div3A_296, %get3A_1024 : vector<16xf32>
    %add3A_1026 = arith.addf %add3A_1020, %mul3A_1025 : vector<16xf32>
    %get3A_1027 = arith.constant 95 : i32
    %get3A_1028 = arith.index_cast %get3A_1027 : i32 to index
    %get3A_1029 = arith.constant 0 : index
    %get3A_1030 = tpu.vector_load %arg11[%get3A_1028, %get3A_1029] {strides = array<i32>} : memref<160x16xf32, #tpu.memory_space<vmem>>, vector<16xf32>,
    %mul3A_1031 = arith.mulf %div3A_355, %get3A_1030 : vector<16xf32>
    %add3A_1032 = arith.addf %add3A_1026, %mul3A_1031 : vector<16xf32>
    %get3A_1033 = arith.constant 103 : i32
    %get3A_1034 = arith.index_cast %get3A_1033 : i32 to index
    %get3A_1035 = arith.constant 0 : index
    %get3A_1036 = tpu.vector_load %arg11[%get3A_1034, %get3A_1035] {strides = array<i32>} : memref<160x16xf32, #tpu.memory_space<vmem>>, vector<16xf32>,
    %mul3A_1037 = arith.mulf %div3A_414, %get3A_1036 : vector<16xf32>
    %add3A_1038 = arith.addf %add3A_1032, %mul3A_1037 : vector<16xf32>
    %get3A_1039 = arith.constant 111 : i32
    %get3A_1040 = arith.index_cast %get3A_1039 : i32 to index
    %get3A_1041 = arith.constant 0 : index
    %get3A_1042 = tpu.vector_load %arg11[%get3A_1040, %get3A_1041] {strides = array<i32>} : memref<160x16xf32, #tpu.memory_space<vmem>>, vector<16xf32>,
    %mul3A_1043 = arith.mulf %div3A_473, %get3A_1042 : vector<16xf32>
    %add3A_1044 = arith.addf %add3A_1038, %mul3A_1043 : vector<16xf32>
    %get3A_1045 = arith.constant 119 : i32
    %get3A_1046 = arith.index_cast %get3A_1045 : i32 to index
    %get3A_1047 = arith.constant 0 : index
    %get3A_1048 = tpu.vector_load %arg11[%get3A_1046, %get3A_1047] {strides = array<i32>} : memref<160x16xf32, #tpu.memory_space<vmem>>, vector<16xf32>,
    %mul3A_1049 = arith.mulf %div3A_532, %get3A_1048 : vector<16xf32>
    %add3A_1050 = arith.addf %add3A_1044, %mul3A_1049 : vector<16xf32>
    %get3A_1051 = arith.constant 127 : i32
    %get3A_1052 = arith.index_cast %get3A_1051 : i32 to index
    %get3A_1053 = arith.constant 0 : index
    %get3A_1054 = tpu.vector_load %arg11[%get3A_1052, %get3A_1053] {strides = array<i32>} : memref<160x16xf32, #tpu.memory_space<vmem>>, vector<16xf32>,
    %mul3A_1055 = arith.mulf %div3A_591, %get3A_1054 : vector<16xf32>
    %add3A_1056 = arith.addf %add3A_1050, %mul3A_1055 : vector<16xf32>
    %exp3A_1057 = math.exp %add3A_1056 : vector<16xf32>
    %add3A_1058 = arith.constant 1.000000e+00 : f32
    %add3A_1059 = vector.broadcast %add3A_1058 : f32 to vector<16xf32>
    %add3A_1060 = arith.addf %exp3A_1057, %add3A_1059 : vector<16xf32>
    %div3A_1061 = arith.constant 1.000000e+00 : f32
    %div3A_1062 = vector.broadcast %div3A_1061 : f32 to vector<16xf32>
    %div3A_1063 = arith.divf %div3A_1062, %add3A_1060 : vector<16xf32>
    %get3A_1064 = arith.constant 152 : i32
    %get3A_1065 = arith.index_cast %get3A_1064 : i32 to index
    %get3A_1066 = arith.constant 0 : index
    %get3A_1067 = tpu.vector_load %arg11[%get3A_1065, %get3A_1066] {strides = array<i32>} : memref<160x16xf32, #tpu.memory_space<vmem>>, vector<16xf32>,
    %get3A_1068 = arith.constant 128 : i32
    %get3A_1069 = arith.index_cast %get3A_1068 : i32 to index
    %get3A_1070 = arith.constant 0 : index
    %get3A_1071 = tpu.vector_load %arg11[%get3A_1069, %get3A_1070] {strides = array<i32>} : memref<160x16xf32, #tpu.memory_space<vmem>>, vector<16xf32>,
    %mul3A_1072 = arith.mulf %div3A_650, %get3A_1071 : vector<16xf32>
    %add3A_1073 = arith.addf %get3A_1067, %mul3A_1072 : vector<16xf32>
    %get3A_1074 = arith.constant 129 : i32
    %get3A_1075 = arith.index_cast %get3A_1074 : i32 to index
    %get3A_1076 = arith.constant 0 : index
    %get3A_1077 = tpu.vector_load %arg11[%get3A_1075, %get3A_1076] {strides = array<i32>} : memref<160x16xf32, #tpu.memory_space<vmem>>, vector<16xf32>,
    %mul3A_1078 = arith.mulf %div3A_709, %get3A_1077 : vector<16xf32>
    %add3A_1079 = arith.addf %add3A_1073, %mul3A_1078 : vector<16xf32>
    %get3A_1080 = arith.constant 130 : i32
    %get3A_1081 = arith.index_cast %get3A_1080 : i32 to index
    %get3A_1082 = arith.constant 0 : index
    %get3A_1083 = tpu.vector_load %arg11[%get3A_1081, %get3A_1082] {strides = array<i32>} : memref<160x16xf32, #tpu.memory_space<vmem>>, vector<16xf32>,
    %mul3A_1084 = arith.mulf %div3A_768, %get3A_1083 : vector<16xf32>
    %add3A_1085 = arith.addf %add3A_1079, %mul3A_1084 : vector<16xf32>
    %get3A_1086 = arith.constant 131 : i32
    %get3A_1087 = arith.index_cast %get3A_1086 : i32 to index
    %get3A_1088 = arith.constant 0 : index
    %get3A_1089 = tpu.vector_load %arg11[%get3A_1087, %get3A_1088] {strides = array<i32>} : memref<160x16xf32, #tpu.memory_space<vmem>>, vector<16xf32>,
    %mul3A_1090 = arith.mulf %div3A_827, %get3A_1089 : vector<16xf32>
    %add3A_1091 = arith.addf %add3A_1085, %mul3A_1090 : vector<16xf32>
    %get3A_1092 = arith.constant 132 : i32
    %get3A_1093 = arith.index_cast %get3A_1092 : i32 to index
    %get3A_1094 = arith.constant 0 : index
    %get3A_1095 = tpu.vector_load %arg11[%get3A_1093, %get3A_1094] {strides = array<i32>} : memref<160x16xf32, #tpu.memory_space<vmem>>, vector<16xf32>,
    %mul3A_1096 = arith.mulf %div3A_886, %get3A_1095 : vector<16xf32>
    %add3A_1097 = arith.addf %add3A_1091, %mul3A_1096 : vector<16xf32>
    %get3A_1098 = arith.constant 133 : i32
    %get3A_1099 = arith.index_cast %get3A_1098 : i32 to index
    %get3A_1100 = arith.constant 0 : index
    %get3A_1101 = tpu.vector_load %arg11[%get3A_1099, %get3A_1100] {strides = array<i32>} : memref<160x16xf32, #tpu.memory_space<vmem>>, vector<16xf32>,
    %mul3A_1102 = arith.mulf %div3A_945, %get3A_1101 : vector<16xf32>
    %add3A_1103 = arith.addf %add3A_1097, %mul3A_1102 : vector<16xf32>
    %get3A_1104 = arith.constant 134 : i32
    %get3A_1105 = arith.index_cast %get3A_1104 : i32 to index
    %get3A_1106 = arith.constant 0 : index
    %get3A_1107 = tpu.vector_load %arg11[%get3A_1105, %get3A_1106] {strides = array<i32>} : memref<160x16xf32, #tpu.memory_space<vmem>>, vector<16xf32>,
    %mul3A_1108 = arith.mulf %div3A_1004, %get3A_1107 : vector<16xf32>
    %add3A_1109 = arith.addf %add3A_1103, %mul3A_1108 : vector<16xf32>
    %get3A_1110 = arith.constant 135 : i32
    %get3A_1111 = arith.index_cast %get3A_1110 : i32 to index
    %get3A_1112 = arith.constant 0 : index
    %get3A_1113 = tpu.vector_load %arg11[%get3A_1111, %get3A_1112] {strides = array<i32>} : memref<160x16xf32, #tpu.memory_space<vmem>>, vector<16xf32>,
    %mul3A_1114 = arith.mulf %div3A_1063, %get3A_1113 : vector<16xf32>
    %add3A_1115 = arith.addf %add3A_1109, %mul3A_1114 : vector<16xf32>
    %swap3A = arith.constant 9984 : index
    %swap3A_1116 = tpu.vector_load %arg10[%swap3A] {strides = array<i32>} : memref<10000xf32, #tpu.memory_space<vmem>>, vector<16xf32>,
    tpu.vector_store %arg10[%swap3A], %add3A_1115 {strides = array<i32>} : memref<10000xf32, #tpu.memory_space<vmem>>, vector<16xf32>,
    "tpu.region"() ({
      %run_scoped3A = tpu.sem_alloc : memref<!tpu.dma_semaphore, #tpu.memory_space<semaphore_mem>>
      %dma_start3A_1117 = tpu.memref_slice %arg6[%mul3A_2] : memref<320000xf32, #tpu.memory_space<hbm>> -> memref<10000xf32, #tpu.memory_space<hbm>>
      %dma_start3A_1118 = tpu.memref_slice %arg6[%mul3A_2] : memref<320000xf32, #tpu.memory_space<hbm>> -> memref<10000xf32, #tpu.memory_space<hbm>>
      tpu.enqueue_dma source(%arg10 : memref<10000xf32, #tpu.memory_space<vmem>>) target(%dma_start3A_1118 : memref<10000xf32, #tpu.memory_space<hbm>>) target_semaphore(%run_scoped3A : memref<!tpu.dma_semaphore, #tpu.memory_space<semaphore_mem>>)
      %dma_wait3A_1119 = tpu.memref_slice %arg6[%mul3A_2] : memref<320000xf32, #tpu.memory_space<hbm>> -> memref<10000xf32, #tpu.memory_space<hbm>>
      %dma_wait3A_1120 = tpu.memref_slice %arg6[%mul3A_2] : memref<320000xf32, #tpu.memory_space<hbm>> -> memref<10000xf32, #tpu.memory_space<hbm>>
      tpu.wait_dma2 semaphore(%run_scoped3A : memref<!tpu.dma_semaphore, #tpu.memory_space<semaphore_mem>>) src(%arg10 : memref<10000xf32, #tpu.memory_space<vmem>>) dst(%dma_wait3A_1120 : memref<10000xf32, #tpu.memory_space<hbm>>)
      tpu.yield
    }) : () -> ()
    return
  }
}

module attributes {stable_mosaic.version = 14 : i64} {
  func.func @_tab_body(%arg0: memref<10000x128xf32, #tpu.memory_space<vmem>>, %arg1: memref<128x16xf32, #tpu.memory_space<vmem>>, %arg2: memref<1x16xf32, #tpu.memory_space<vmem>>, %arg3: memref<10000x16xf32, #tpu.memory_space<vmem>>) attributes {dimension_semantics = [], scalar_prefetch = 0 : i64, scratch_operands = 0 : i64, tpu.core_type = #tpu.core_type<tc>} {
    %get3A = arith.constant 0 : index
    %get3A_0 = arith.constant 0 : index
    %get3A_1 = vector.load %arg0[%get3A, %get3A_0] : memref<10000x128xf32, #tpu.memory_space<vmem>>, vector<10000x128xf32>
    %get3A_2 = arith.constant 0 : index
    %get3A_3 = arith.constant 0 : index
    %get3A_4 = vector.load %arg1[%get3A_2, %get3A_3] : memref<128x16xf32, #tpu.memory_space<vmem>>, vector<128x16xf32>
    %dot_general3A = arith.constant dense<0.000000e+00> : vector<10000x16xf32>
    %dot_general3A_5 = tpu.matmul %get3A_1, %get3A_4, %dot_general3A {dimension_numbers = #tpu.dot_dimension_numbers<[1], [0], [0], [1], [0, 0, 1, 1], [], []>, transpose_lhs_hint = false} : vector<10000x128xf32>, vector<128x16xf32>, vector<10000x16xf32> -> vector<10000x16xf32>
    %get3A_6 = arith.constant 0 : index
    %get3A_7 = arith.constant 0 : index
    %get3A_8 = vector.load %arg2[%get3A_6, %get3A_7] : memref<1x16xf32, #tpu.memory_space<vmem>>, vector<1x16xf32>
    %add3A = vector.broadcast %get3A_8 : vector<1x16xf32> to vector<10000x16xf32>
    %add3A_9 = arith.addf %dot_general3A_5, %add3A : vector<10000x16xf32>
    %mul3A = arith.constant 2.000000e+00 : f32
    %mul3A_10 = vector.broadcast %mul3A : f32 to vector<10000x16xf32>
    %mul3A_11 = arith.mulf %mul3A_10, %add3A_9 : vector<10000x16xf32>
    %swap3A = arith.constant 0 : index
    %swap3A_12 = arith.constant 0 : index
    %swap3A_13 = vector.load %arg3[%swap3A, %swap3A_12] : memref<10000x16xf32, #tpu.memory_space<vmem>>, vector<10000x16xf32>
    tpu.vector_store %arg3[%swap3A, %swap3A_12], %mul3A_11 {strides = array<i32>} : memref<10000x16xf32, #tpu.memory_space<vmem>>, vector<10000x16xf32>,
    return
  }
}

</mosaic_0001>

<sc_bundles>
// kernel: kernel.4.cloned.1.call-start
scs
__scs_entry_jumppad:
0x0: {  	(pc) =	sbr.rel $0x88, $3  }
0x1: {  	(tag) =	ssettag $0x0;
	lr =	simm.s32 $0x1  }
0x2: {  	[smem:$0x3F97] =	sst lr;
	_ =	strace $0xD0000000  }
0x3: {  	_ = 	snop  }
0x4: {  	_ = 	snop  }
0x5: {  	_ = 	snop  }
0x6: {  	_ = 	snop  }
0x7: {  	_ = 	snop  }
__scs_overlays_trampoline_lowered:
0x8: {  	[smem:$0x3FA6] =	sst s0  }
0x9: {  	[smem:$0x3FA7] =	sst s1  }
0xa: {  	[smem:$0x3FA8] =	sst s2  }
0xb: {  	[smem:$0x3FA9] =	sst s3  }
0xc: {  	[smem:$0x3FAA] =	sst s4  }
0xd: {  	[smem:$0x3FAB] =	sst s5  }
0xe: {  	[smem:$0x3FAC] =	sst s6  }
0xf: {  	[smem:$0x3FAD] =	sst s7  }
0x10: {  	[smem:$0x3FAE] =	sst s8  }
0x11: {  	[smem:$0x3FAF] =	sst s9;
	s0 =	simm.s32 @!p0 $0x0  }
0x12: {  	s1 =	sld [smem:$0x3F95];
	s0 =	simm.s32 @p0 $0x1  }
0x13: {  	[smem:$0x3FB0] =	sst s0;
	s0 =	simm.s32 @!p1 $0x0  }
0x14: {  	s2 =	sld [smem:$0x3F94];
	s0 =	simm.s32 @p1 $0x1  }
0x15: {  	[smem:$0x3FB1] =	sst s0;
	s0 =	simm.s32 @!p2 $0x0  }
0x16: {  	s3 =	sld [smem:$0x3FDB];
	s0 =	simm.s32 @p2 $0x1  }
0x17: {  	s4 =	simm.s32 $0x1BF5;
	[smem:$0x3FB3] =	sst s0  }
0x18: {  	s0 =	sld [smem:$0x3F96];
	_ =	swait.ge [sflag:s4], $0x0  }
0x19: {  	s7 =	sld [smem:$0x3F97]  }
0x1a: {  	s8 =	sadd.s32 $0xFFFFE003, lr  }
0x1b: {  	s9 =	sadd.s32 $0xFFFFFEF7, lr;
	s5 =	simm.s32 $0xFFFFFFFF;
	p2 =	slt.u32 s8, $0xFFFFF086  }
0x1c: {  	p1 =	slt.u32 s9, $0xF7A;
	s5 =	simm.s32 @!p2 $0x0  }
0x1d: {  	s5 =	simm.s32 @p1 $0x1;
	p0 =	seq.s32 s7, s2  }
0x1e: {  	s7 =	smul.u32 @!p0 $0xF7A, s2;
	p2 =	seq.s32 @!p0 s5, $0x0  }
0x1f: {  	s9 =	smul.u32 $0xF7A, s1;
	s8 =	simm.s32 @!p0 $0x1BF5;
	p2 =	por !p2, p0  }
0x20: {  	[sflag:s8] =	ssyncset.s32 @!p0 $0xFFFFF086;
	s6 =	sadd.s32 @!p0 s3, s7;
	s7 =	simm.s32 @!p0 $0x108  }
0x21: {  	s3 =	sadd.s32 s3, s9;
	s6 =	sadd.s32 @!p0 $0x88, s6;
	s7 =	simm.s32 @p2 $0x1082  }
0x22: {  	[simem:s7], [sflag:s8] =	dma.local @!p0 [hbm:s6], $0xF7A  }
0x23: {  	s9 =	sor.u32 $0xD0000000, s2;
	s6 =	simm.s32 $0x108;
	_ =	swait.ge @!p0 [sflag:s8], $0x0  }
0x24: {  	s3 =	sadd.s32 $0x88, s3;
	s6 =	simm.s32 @!p1 $0x1082;
	[sflag:s4] =	ssyncset.s32 $0xFFFFF086  }
0x25: {  	[simem:s6], [sflag:s4] =	dma.local [hbm:s3], $0xF7A  }
0x26: {  	[smem:$0x3F97] =	sst s1;
	(tag) =	ssettag s2;
	_ =	strace s9  }
0x27: {  	s1 =	sld [smem:$0x3FA7]  }
0x28: {  	s2 =	sld [smem:$0x3FA8]  }
0x29: {  	s4 =	sld [smem:$0x3FAA]  }
0x2a: {  	p0 =	seq.s32 s5, $0x0;
	s5 =	sld [smem:$0x3FAB]  }
0x2b: {  	s6 =	sld [smem:$0x3FAC]  }
0x2c: {  	s7 =	sld [smem:$0x3FAD]  }
0x2d: {  	s3 =	simm.s32 $0x108;
	s8 =	sld [smem:$0x3FAE]  }
0x2e: {  	s3 =	simm.s32 @!p0 $0x1082;
	s9 =	sld [smem:$0x3FAF]  }
0x2f: {  	lr =	sadd.s32 s0, s3;
	s0 =	sld [smem:$0x3FA6]  }
0x30: {  	s3 =	sld [smem:$0x3FA9]  }
0x31: {  	[smem:$0x3FB2] =	sst s10  }
0x32: {  	s10 =	sld [smem:$0x3FB0];
	_ =	sdelay $0x3  }
0x33: {  	p0 =	seq.s32 s10, $0x1;
	s10 =	sld [smem:$0x3FB2];
	_ =	sdelay $0x3  }
0x34: {  	[smem:$0x3FB2] =	sst s10  }
0x35: {  	s10 =	sld [smem:$0x3FB1];
	_ =	sdelay $0x3  }
0x36: {  	p1 =	seq.s32 s10, $0x1;
	s10 =	sld [smem:$0x3FB2];
	_ =	sdelay $0x3  }
0x37: {  	[smem:$0x3FB2] =	sst s10  }
0x38: {  	s10 =	sld [smem:$0x3FB3]  }
0x39: {  	_ = 	snop;
	(pc) =	sbr.ind lr, $3  }
0x3a: {  	_ = 	snop  }
0x3b: {  	_ = 	snop  }
0x3c: {  	p2 =	seq.s32 s10, $0x1;
	s10 =	sld [smem:$0x3FB2]  }
0x3d: {  	_ =	shalt  }
0x3e: {  	_ =	shalt  }
0x3f: {  	_ =	shalt  }
0x40: {  	_ =	shalt  }
0x41: {  	_ =	shalt  }
0x42: {  	_ =	shalt  }
0x43: {  	_ =	shalt  }
0x44: {  	_ =	shalt  }
0x45: {  	_ =	shalt  }
0x46: {  	_ =	shalt  }
0x47: {  	_ =	shalt  }
0x48: {  	_ =	shalt  }
0x49: {  	_ =	shalt  }
0x4a: {  	_ =	shalt  }
0x4b: {  	_ =	shalt  }
0x4c: {  	_ =	shalt  }
0x4d: {  	_ =	shalt  }
0x4e: {  	_ =	shalt  }
0x4f: {  	_ =	shalt  }
0x50: {  	_ =	shalt  }
0x51: {  	_ =	shalt  }
0x52: {  	_ =	shalt  }
0x53: {  	_ =	shalt  }
0x54: {  	_ =	shalt  }
0x55: {  	_ =	shalt  }
0x56: {  	_ =	shalt  }
0x57: {  	_ =	shalt  }
0x58: {  	_ =	shalt  }
0x59: {  	_ =	shalt  }
0x5a: {  	_ =	shalt  }
0x5b: {  	_ =	shalt  }
0x5c: {  	_ =	shalt  }
0x5d: {  	_ =	shalt  }
0x5e: {  	_ =	shalt  }
0x5f: {  	_ =	shalt  }
0x60: {  	_ =	shalt  }
0x61: {  	_ =	shalt  }
0x62: {  	_ =	shalt  }
0x63: {  	_ =	shalt  }
0x64: {  	_ =	shalt  }
0x65: {  	_ =	shalt  }
0x66: {  	_ =	shalt  }
0x67: {  	_ =	shalt  }
0x68: {  	_ =	shalt  }
0x69: {  	_ =	shalt  }
0x6a: {  	_ =	shalt  }
0x6b: {  	_ =	shalt  }
0x6c: {  	_ =	shalt  }
0x6d: {  	_ =	shalt  }
0x6e: {  	_ =	shalt  }
0x6f: {  	_ =	shalt  }
0x70: {  	_ =	shalt  }
0x71: {  	_ =	shalt  }
0x72: {  	_ =	shalt  }
0x73: {  	_ =	shalt  }
0x74: {  	_ =	shalt  }
0x75: {  	_ =	shalt  }
0x76: {  	_ =	shalt  }
0x77: {  	_ =	shalt  }
0x78: {  	_ =	shalt  }
0x79: {  	_ =	shalt  }
0x7a: {  	_ =	shalt  }
0x7b: {  	_ =	shalt  }
0x7c: {  	_ =	shalt  }
0x7d: {  	_ =	shalt  }
0x7e: {  	_ =	shalt  }
0x7f: {  	_ =	shalt  }
0x80: {  	_ =	shalt  }
0x81: {  	_ =	shalt  }
0x82: {  	_ =	shalt  }
0x83: {  	_ =	shalt  }
0x84: {  	_ =	shalt  }
0x85: {  	_ =	shalt  }
0x86: {  	_ =	shalt  }
0x87: {  	_ =	shalt  }
.Lfunc_end0:
.L_simem_size_0:
called_computation_lowered:
.L_overlay_start_0:
0x88: {  	s2 =	sld [smem:$0x3FD9]  }
0x89: {  	s3 =	sld [smem:$0x3FFE];
	_ =	sdelay $0x1  }
0x8a: {  	s1 =	srdreg.scid  }
0x8b: {  	s0 =	sand.u32 $0x1, s1  }
0x8c: {  	s17 =	sshll.u32 s0, $0xA;
	s2 =	sadd.s32 s3, s2  }
0x8d: {  	s2 =	sadd.s32 s2, s17  }
0x8e: {  	[smem:$0x3FBE] =	sst s2  }
0x8f: {  	_ = 	snop  }
0x90: {  	s2 =	sld [smem:$0x3FD0];
	(tm) =	ssettm $0x1  }
0x91: {  	s18 =	sld [smem:$0x3FFB];
	_ =	sdelay $0x3  }
0x92: {  	_ =	strace s18  }
0x93: {  	s3 =	sld [smem:$0x3FFC];
	_ =	sdelay $0x3  }
0x94: {  	_ =	strace s3  }
0x95: {  	s3 =	sld [smem:$0x3FFD];
	_ =	sdelay $0x3  }
0x96: {  	_ =	strace s3  }
0x97: {  	_ =	strace $0x8FFFFFFF  }
0x98: {  	s19 =	sld [smem:$0x3FDB];
	_ =	sdelay $0x1  }
0x99: {  	s4 =	simm.s32 $_scs_section_size  }
0x9a: {  	s5 =	simm.s32 $_size__tile_overlayer_lowered;
	s6 =	simm.s32 $_tile_overlayer_lowered  }
0x9b: {  	s22 =	simm.s32 $0x1BFF;
	s21 =	sshll.u32 s6, $0x1;
	s3 =	sadd.s32 s4, s19  }
0x9c: {  	s7 =	simm.s32 $0x0;
	s20 =	sshll.u32 s5, $0x1;
	s5 =	sadd.s32 s21, s3  }
0x9d: {  	[timem:s7], [sflag:s22] =	dma.local [hbm:s5], s20  }
0x9e: {  	_ =	swait.ge [sflag:s22], s20  }
0x9f: {  	s4 =	ssub.s32 $0x0, s20;
	[sflag:s22] =	ssyncset.done $0x0  }
0xa0: {  	[sflag:s22] =	ssyncadd.s32 s4;
	_ =	sdelay $0x1  }
0xa1: {  	s23 =	simm.s32 $0x1B8B  }
0xa2: {  	_ =	swait.ge [sflag:s23], $0x1  }
0xa3: {  	[sflag:s23] =	ssyncset.done $0x0  }
0xa4: {  	s25 =	simm.s32 $0x1B8E;
	s24 =	sld [smem:$0x3FFE];
	[sflag:s23] =	ssyncadd.s32 $0xFFFFFFFF  }
0xa5: {  	s26 =	simm.s32 $execute0_lowered;
	[smem:$0x3FD2] =	sst s25  }
0xa6: {  	s5 =	sshll.u32 s26, $0x1;
	_ =	strace $0x80000046;
	[dreg:$0x1] =	wrdreg $0xFFFFFFFF  }
0xa7: {  	s28 =	simm.s32 $_size_execute0_lowered;
	s3 =	sadd.s32 s3, s5;
	[dreg:$0x0] =	wrdreg $0x0  }
0xa8: {  	s5 =	sshll.u32 s28, $0x1;
	[dreg:$0x2] =	wrdreg s3  }
0xa9: {  	[dreg:$0x3] =	wrdreg s5  }
0xaa: {  	[dreg:$0x4] =	wrdreg $0xC0  }
0xab: {  	_ =	task [dreg:s7], $0x5FFFF  }
0xac: {  	[dreg:$0x1] =	wrdreg $0xFFFFFFFF  }
0xad: {  	[dreg:$0x0] =	wrdreg $0x60  }
0xae: {  	[dreg:$0x2] =	wrdreg s2  }
0xaf: {  	[dreg:$0x3] =	wrdreg s24  }
0xb0: {  	[dreg:$0x4] =	wrdreg $0x9  }
0xb1: {  	_ =	task.clear_ibuf [dreg:s7], $0x5FFFF;
	_ =	strace $0x90000046  }
0xb2: {  	s29 =	simm.s32 $0x9;
	_ =	strace $0x80000048  }
0xb3: {  	_ =	swait.ge [sflag:s29], $0x1  }
0xb4: {  	[sflag:s29] =	ssyncadd.s32 $0xFFFFFFFF  }
0xb5: {  	_ =	strace $0x90000048  }
0xb6: {  	_ =	sfence  }
0xb7: {  	s30 =	sld [smem:$0x0];
	_ =	sdelay $0x2  }
0xb8: {  	s31 =	sshll.u32 s1, $0xD;
	s1 =	sshrl.u32 s1, $0x2  }
0xb9: {  	s3 =	sand.u32 $0x4000, s31;
	s1 =	sadd.s32 s1, s30  }
0xba: {  	s0 =	sor.u32 s3, s0;
	s1 =	sshll.u32 s1, $0x11  }
0xbb: {  	s0 =	sor.u32 s1, s0  }
0xbc: {  	s0 =	sadd.s32 $0x8F2B, s0  }
0xbd: {  	[sflag:s0] =	ssyncadd.remote.s32 $0x1  }
0xbe: {  	_ =	sfence.sel $0xFFFF  }
0xbf: {  	[dreg:$0x0] =	wrdreg $0xFFFFFFFF;
	(pc) =	sbr.abs _section_cstart, $3  }
0xc0: {  	[dreg:$0x1] =	wrdreg $0xFFFFFFFF  }
0xc1: {  	_ =	task.clear_ibuf [dreg:s7], $0x2FFFF;
	_ =	strace $0x9FFFFFFF  }
0xc2: {  	(tm) =	ssettm $0x7FFFFFFF  }
0xc3: {  	_ =	shalt  }
tec
execute0_lowered:
.L_overlay_start_1:
0x0: {  	(tag) =	ssettag $0x1  }
0x1: {  	s1 =	srdreg.scid  }
0x2: {  	s0 =	stileid.u32;
	s2 =	rddreg [dreg:$0x0]  }
0x3: {  	s5 =	rddreg [dreg:$0x1];
	s3 =	simm.s32 $0x0;
	s9 =	simm.s32 $0x13880  }
0x4: {  	s10 =	simm.s32 $0x15F90;
	s11 =	simm.s32 $0x1ADB0;
	s12 =	simm.s32 $0x1  }
0x5: {  	s13 =	simm.s32 $0x2;
	s14 =	simm.s32 $0x3;
	s15 =	simm.s32 $0x4  }
0x6: {  	s16 =	simm.s32 $0x186A0;
	s4 =	sand.u32 $0x1, s1;
	s31 =	sshll.u32 s0, $0x1  }
0x7: {  	s17 =	simm.s32 $0x5;
	s18 =	simm.s32 $0x0;
	s6 =	sor.u32 s4, s31  }
0x8: {  	[smem:$0x7FF] =	sst s3;
	s7 =	ssub.s32 $0x2, s4;
	s6 =	smul.u32 $0x4E2, s6  }
0x9: {  	s1 =	rddreg [dreg:$0x2];
	_ =	strace $0x80000047;
	s8 =	sshrl.u32 s7, $0x1  }
0xa: {  	s8 =	ssub.s32 s7, s8;
	s4 =	sadd.s32 s5, s6;
	s5 =	sadd.s32 $0x13C00, s5  }
0xb: {  	s8 =	smax.u32 s8, $0x1;
	s6 =	sadd.s32 $0x9E00, s4;
	s7 =	sadd.s32 $0x13E00, s4  }
.LBB2_1:
0xc: {  	[tilespmem:s3], [sflag:$0x1] =	stream.linear.gather [hbm4b:s2+s3], $0x13880, $0x38;
	[tilespmem:$0x1B7B0] =	vst v63  }
0xd: {  	_ = 	snop  }
0xe: {  	[tilespmem:s9], [sflag:$0x2] =	stream.linear.gather [hbm4b:s6+s3], $0x2710, $0x38;
	[tilespmem:$0x1B7B0] =	vst v63  }
0xf: {  	_ = 	snop  }
0x10: {  	[tilespmem:s10], [sflag:$0x3] =	stream.linear.gather [hbm4b:s4+s3], $0x2710, $0x38;
	[tilespmem:$0x1B7B0] =	vst v63  }
0x11: {  	_ = 	snop  }
0x12: {  	[tilespmem:s11], [sflag:$0x4] =	stream.linear.gather [hbm4b:s5+s3], $0xA00, $0x38;
	[tilespmem:$0x1B7B0] =	vst v63  }
0x13: {  	_ =	swait.ge [sflag:s12], $0x13880  }
0x14: {  	[sflag:s12] =	ssyncset.done $0x0  }
0x15: {  	[sflag:s12] =	ssyncadd.s32 $0xFFFEC780  }
0x16: {  	_ =	swait.ge [sflag:s13], $0x2710  }
0x17: {  	[sflag:s13] =	ssyncset.done $0x0  }
0x18: {  	[sflag:s13] =	ssyncadd.s32 $0xFFFFD8F0  }
0x19: {  	_ =	swait.ge [sflag:s14], $0x2710  }
0x1a: {  	[sflag:s14] =	ssyncset.done $0x0  }
0x1b: {  	[sflag:s14] =	ssyncadd.s32 $0xFFFFD8F0  }
0x1c: {  	_ =	swait.ge [sflag:s15], $0xA00  }
0x1d: {  	s19 =	simm.s32 $0xFFFFFFFE;
	s20 =	simm.s32 $0x138A0;
	[sflag:s15] =	ssyncset.done $0x0  }
0x1e: {  	s21 =	simm.s32 $0x186C0;
	s22 =	simm.s32 $0x15FB0;
	[sflag:s15] =	ssyncadd.s32 $0xFFFFF600  }
.LBB2_2:
0x1f: {  	v0 =	vld [tilespmem:s22+$0xFFFFFFE0]  }
0x20: {  	v1 =	vld [tilespmem:s20+$0xFFFFFFE0];
	_ =	sdelay $0x3  }
0x21: {  	v2 =	vadd.s32 $0x9C40, v0;
	_ =	sdelay $0x3  }
0x22: {  	v3 =	vld.idx.msk [tilespmem:v1+s3+$0x0], $0xffff  }
0x23: {  	v2 =	vld.idx.msk [tilespmem:v2+s3+$0x0], $0xffff;
	_ =	sdelay $0x4  }
0x24: {  	v4 =	vunpack.i.l.bf16.f32 v3;
	v5 =	vunpack.i.l.bf16.f32 v2  }
0x25: {  	v4 =	vadd.f32 v5, v4;
	_ =	sdelay $0x1  }
0x26: {  	v4 =	vmul.f32 $1.442695020e+00, v4;
	_ =	sdelay $0x1  }
0x27: {  	(erf) = vpow2.f32 v4;
	_ =	sdelay $0x7  }
0x28: {  	v3 =	vunpack.i.u.bf16.f32 v3;
	v2 =	vunpack.i.u.bf16.f32 v2  }
0x29: {  	v2 =	vadd.f32 v2, v3;
	v4 =	vpop (erf)  }
0x2a: {  	v57 =	vadd.s32 $0x2710, v1;
	v56 =	vadd.f32 $1.000000000e+00, v4  }
0x2b: {  	v58 =	vadd.s32 $0xC350, v0;
	v2 =	vmul.f32 $1.442695020e+00, v2  }
0x2c: {  	(erf) = vrcp.f32 v56  }
0x2d: {  	(erf) = vpow2.f32 v2;
	_ =	sdelay $0x1  }
0x2e: {  	v59 =	vld.idx.msk [tilespmem:v57+s3+$0x0], $0xffff  }
0x2f: {  	v60 =	vld.idx.msk [tilespmem:v58+s3+$0x0], $0xffff;
	_ =	sdelay $0x4  }
0x30: {  	v5 =	vunpack.i.l.bf16.f32 v60;
	v4 =	vunpack.i.l.bf16.f32 v59;
	v9 =	vpop (erf)  }
0x31: {  	v4 =	vadd.f32 v5, v4;
	v6 =	vpop (erf)  }
0x32: {  	v61 =	vadd.f32 $1.000000000e+00, v6  }
0x33: {  	v4 =	vmul.f32 $1.442695020e+00, v4  }
0x34: {  	(erf) = vrcp.f32 v61  }
0x35: {  	(erf) = vpow2.f32 v4;
	_ =	sdelay $0x7  }
0x36: {  	v3 =	vunpack.i.u.bf16.f32 v60;
	v2 =	vunpack.i.u.bf16.f32 v59;
	v10 =	vpop (erf)  }
0x37: {  	v2 =	vadd.f32 v3, v2;
	v4 =	vpop (erf)  }
0x38: {  	v63 =	vadd.s32 $0x4E20, v1;
	v62 =	vadd.f32 $1.000000000e+00, v4  }
0x39: {  	v8 =	vadd.s32 $0xEA60, v0;
	v2 =	vmul.f32 $1.442695020e+00, v2  }
0x3a: {  	(erf) = vrcp.f32 v62  }
0x3b: {  	(erf) = vpow2.f32 v2;
	_ =	sdelay $0x1  }
0x3c: {  	v11 =	vld.idx.msk [tilespmem:v63+s3+$0x0], $0xffff  }
0x3d: {  	v16 =	vld.idx.msk [tilespmem:v8+s3+$0x0], $0xffff;
	_ =	sdelay $0x4  }
0x3e: {  	v5 =	vunpack.i.l.bf16.f32 v16;
	v4 =	vunpack.i.l.bf16.f32 v11;
	v12 =	vpop (erf)  }
0x3f: {  	v4 =	vadd.f32 v5, v4;
	v17 =	vpop (erf)  }
0x40: {  	v18 =	vadd.f32 $1.000000000e+00, v17  }
0x41: {  	v4 =	vmul.f32 $1.442695020e+00, v4  }
0x42: {  	(erf) = vrcp.f32 v18  }
0x43: {  	(erf) = vpow2.f32 v4;
	_ =	sdelay $0x7  }
0x44: {  	v3 =	vunpack.i.u.bf16.f32 v16;
	v2 =	vunpack.i.u.bf16.f32 v11;
	v13 =	vpop (erf)  }
0x45: {  	v2 =	vadd.f32 v3, v2;
	v4 =	vpop (erf)  }
0x46: {  	v0 =	vadd.s32 $0x11170, v0;
	v19 =	vadd.f32 $1.000000000e+00, v4  }
0x47: {  	v1 =	vadd.s32 $0x7530, v1;
	v2 =	vmul.f32 $1.442695020e+00, v2  }
0x48: {  	(erf) = vrcp.f32 v19  }
0x49: {  	(erf) = vpow2.f32 v2;
	_ =	sdelay $0x1  }
0x4a: {  	v0 =	vld.idx.msk [tilespmem:v0+s3+$0x0], $0xffff  }
0x4b: {  	v1 =	vld.idx.msk [tilespmem:v1+s3+$0x0], $0xffff;
	_ =	sdelay $0x4  }
0x4c: {  	v21 =	vunpack.i.l.bf16.f32 v0;
	v20 =	vunpack.i.l.bf16.f32 v1;
	v14 =	vpop (erf)  }
0x4d: {  	v2 =	vadd.f32 v21, v20;
	v22 =	vpop (erf)  }
0x4e: {  	v23 =	vadd.f32 $1.000000000e+00, v22  }
0x4f: {  	v2 =	vmul.f32 $1.442695020e+00, v2  }
0x50: {  	(erf) = vrcp.f32 v23  }
0x51: {  	(erf) = vpow2.f32 v2;
	_ =	sdelay $0x5  }
0x52: {  	v24 =	vld [tilespmem:s22+$0xFFFFFFF0]  }
0x53: {  	v25 =	vld [tilespmem:s20+$0xFFFFFFF0]  }
0x54: {  	v0 =	vunpack.i.u.bf16.f32 v0;
	v1 =	vunpack.i.u.bf16.f32 v1;
	v15 =	vpop (erf)  }
0x55: {  	v0 =	vadd.f32 v0, v1;
	v26 =	vpop (erf)  }
0x56: {  	v27 =	vadd.f32 $1.000000000e+00, v26  }
0x57: {  	v28 =	vadd.s32 $0x9C40, v24;
	v0 =	vmul.f32 $1.442695020e+00, v0  }
0x58: {  	(erf) = vrcp.f32 v27  }
0x59: {  	(erf) = vpow2.f32 v0;
	_ =	sdelay $0x1  }
0x5a: {  	v29 =	vld.idx.msk [tilespmem:v25+s3+$0x0], $0xffff  }
0x5b: {  	v30 =	vld.idx.msk [tilespmem:v28+s3+$0x0], $0xffff;
	_ =	sdelay $0x4  }
0x5c: {  	v31 =	vunpack.i.l.bf16.f32 v29;
	v32 =	vunpack.i.l.bf16.f32 v30;
	v16 =	vpop (erf)  }
0x5d: {  	v4 =	vadd.f32 v32, v31;
	v33 =	vpop (erf)  }
0x5e: {  	v34 =	vadd.f32 $1.000000000e+00, v33  }
0x5f: {  	v4 =	vmul.f32 $1.442695020e+00, v4  }
0x60: {  	(erf) = vrcp.f32 v34  }
0x61: {  	(erf) = vpow2.f32 v4;
	_ =	sdelay $0x7  }
0x62: {  	v1 =	vunpack.i.u.bf16.f32 v30;
	v0 =	vunpack.i.u.bf16.f32 v29;
	v17 =	vpop (erf)  }
0x63: {  	v0 =	vadd.f32 v1, v0;
	v4 =	vpop (erf)  }
0x64: {  	v36 =	vadd.s32 $0x2710, v25;
	v35 =	vadd.f32 $1.000000000e+00, v4  }
0x65: {  	v37 =	vadd.s32 $0xC350, v24;
	v0 =	vmul.f32 $1.442695020e+00, v0  }
0x66: {  	(erf) = vrcp.f32 v35  }
0x67: {  	(erf) = vpow2.f32 v0;
	_ =	sdelay $0x1  }
0x68: {  	v38 =	vld.idx.msk [tilespmem:v36+s3+$0x0], $0xffff  }
0x69: {  	v39 =	vld.idx.msk [tilespmem:v37+s3+$0x0], $0xffff;
	_ =	sdelay $0x4  }
0x6a: {  	v5 =	vunpack.i.l.bf16.f32 v39;
	v4 =	vunpack.i.l.bf16.f32 v38;
	v20 =	vpop (erf)  }
0x6b: {  	v4 =	vadd.f32 v5, v4;
	v40 =	vpop (erf)  }
0x6c: {  	v41 =	vadd.f32 $1.000000000e+00, v40  }
0x6d: {  	v4 =	vmul.f32 $1.442695020e+00, v4  }
0x6e: {  	(erf) = vrcp.f32 v41  }
0x6f: {  	(erf) = vpow2.f32 v4;
	_ =	sdelay $0x7  }
0x70: {  	v1 =	vunpack.i.u.bf16.f32 v39;
	v0 =	vunpack.i.u.bf16.f32 v38;
	v21 =	vpop (erf)  }
0x71: {  	v0 =	vadd.f32 v1, v0;
	v4 =	vpop (erf)  }
0x72: {  	v43 =	vadd.s32 $0x4E20, v25;
	v42 =	vadd.f32 $1.000000000e+00, v4  }
0x73: {  	v44 =	vadd.s32 $0xEA60, v24;
	v0 =	vmul.f32 $1.442695020e+00, v0  }
0x74: {  	(erf) = vrcp.f32 v42  }
0x75: {  	(erf) = vpow2.f32 v0;
	_ =	sdelay $0x1  }
0x76: {  	v45 =	vld.idx.msk [tilespmem:v43+s3+$0x0], $0xffff  }
0x77: {  	v46 =	vld.idx.msk [tilespmem:v44+s3+$0x0], $0xffff;
	_ =	sdelay $0x4  }
0x78: {  	v5 =	vunpack.i.l.bf16.f32 v46;
	v4 =	vunpack.i.l.bf16.f32 v45;
	v22 =	vpop (erf)  }
0x79: {  	v4 =	vadd.f32 v5, v4;
	v47 =	vpop (erf)  }
0x7a: {  	v48 =	vadd.f32 $1.000000000e+00, v47  }
0x7b: {  	v4 =	vmul.f32 $1.442695020e+00, v4  }
0x7c: {  	(erf) = vrcp.f32 v48  }
0x7d: {  	(erf) = vpow2.f32 v4;
	_ =	sdelay $0x7  }
0x7e: {  	v1 =	vunpack.i.u.bf16.f32 v46;
	v0 =	vunpack.i.u.bf16.f32 v45;
	v23 =	vpop (erf)  }
0x7f: {  	v0 =	vadd.f32 v1, v0;
	v4 =	vpop (erf)  }
0x80: {  	v3 =	vadd.s32 $0x7530, v25;
	v49 =	vadd.f32 $1.000000000e+00, v4  }
0x81: {  	v2 =	vadd.s32 $0x11170, v24;
	v0 =	vmul.f32 $1.442695020e+00, v0  }
0x82: {  	(erf) = vrcp.f32 v49  }
0x83: {  	(erf) = vpow2.f32 v0;
	_ =	sdelay $0x1  }
0x84: {  	v50 =	vld.idx.msk [tilespmem:v3+s3+$0x0], $0xffff  }
0x85: {  	v51 =	vld.idx.msk [tilespmem:v2+s3+$0x0], $0xffff;
	_ =	sdelay $0x4  }
0x86: {  	v52 =	vunpack.i.l.bf16.f32 v50;
	v53 =	vunpack.i.l.bf16.f32 v51;
	v24 =	vpop (erf)  }
0x87: {  	v2 =	vadd.f32 v53, v52;
	v54 =	vpop (erf)  }
0x88: {  	v55 =	vadd.f32 $1.000000000e+00, v54  }
0x89: {  	v2 =	vmul.f32 $1.442695020e+00, v2  }
0x8a: {  	(erf) = vrcp.f32 v55  }
0x8b: {  	(erf) = vpow2.f32 v2;
	_ =	sdelay $0x2  }
0x8c: {  	v28 =	vld [tilespmem:$0x1ADB0]  }
0x8d: {  	v19 =	vld [tilespmem:$0x1AE30]  }
0x8e: {  	v27 =	vld [tilespmem:$0x1B630];
	_ =	sdelay $0x1  }
0x8f: {  	v8 =	vld [tilespmem:$0x1AEB0]  }
0x90: {  	v57 =	vmul.f32 v28, v9;
	v1 =	vunpack.i.u.bf16.f32 v51;
	v0 =	vunpack.i.u.bf16.f32 v50;
	v25 =	vpop (erf)  }
0x91: {  	v58 =	vld [tilespmem:$0x1AF30];
	v0 =	vadd.f32 v1, v0;
	v2 =	vpop (erf)  }
0x92: {  	v59 =	vmul.f32 v19, v10;
	v1 =	vadd.f32 v57, v27;
	v56 =	vadd.f32 $1.000000000e+00, v2  }
0x93: {  	v7 =	vld [tilespmem:$0x1AFB0];
	v0 =	vmul.f32 $1.442695020e+00, v0  }
0x94: {  	v60 =	vmul.f32 v8, v12;
	v1 =	vadd.f32 v59, v1;
	(erf) = vrcp.f32 v56  }
0x95: {  	v11 =	vld [tilespmem:$0x1B030];
	(erf) = vpow2.f32 v0  }
0x96: {  	v61 =	vmul.f32 v58, v13;
	v1 =	vadd.f32 v60, v1  }
0x97: {  	v18 =	vld [tilespmem:$0x1B0B0]  }
0x98: {  	v62 =	vmul.f32 v7, v14;
	v1 =	vadd.f32 v61, v1  }
0x99: {  	v63 =	vld [tilespmem:$0x1B130]  }
0x9a: {  	v32 =	vmul.f32 v11, v15;
	v1 =	vadd.f32 v62, v1;
	_ =	sdelay $0x1  }
0x9b: {  	v33 =	vmul.f32 v18, v16;
	v1 =	vadd.f32 v32, v1  }
0x9c: {  	v34 =	vmul.f32 v28, v20;
	v26 =	vpop (erf)  }
0x9d: {  	v35 =	vmul.f32 v63, v17;
	v1 =	vadd.f32 v33, v1;
	v0 =	vpop (erf)  }
0x9e: {  	v3 =	vadd.f32 v34, v27;
	v37 =	vmul.f32 v19, v21;
	v0 =	vadd.f32 $1.000000000e+00, v0  }
0x9f: {  	v1 =	vadd.f32 v35, v1  }
0xa0: {  	v38 =	vadd.f32 v37, v3;
	v39 =	vmul.f32 v8, v22;
	(erf) = vrcp.f32 v0  }
0xa1: {  	v1 =	vmul.f32 $1.442695020e+00, v1  }
0xa2: {  	v40 =	vmul.f32 v58, v23;
	v0 =	vadd.f32 v39, v38  }
0xa3: {  	(erf) = vpow2.f32 v1  }
0xa4: {  	v42 =	vld [tilespmem:$0x1ADC0];
	v41 =	vmul.f32 v7, v24;
	v0 =	vadd.f32 v40, v0  }
0xa5: {  	v43 =	vld [tilespmem:$0x1B640]  }
0xa6: {  	v45 =	vld [tilespmem:$0x1AE40];
	v44 =	vmul.f32 v11, v25;
	v0 =	vadd.f32 v41, v0;
	_ =	sdelay $0x1  }
0xa7: {  	v47 =	vld [tilespmem:$0x1AEC0];
	v46 =	vmul.f32 v18, v26;
	v0 =	vadd.f32 v44, v0  }
0xa8: {  	v36 =	vmov v63;
	[tilespmem:$0x1F7A0] =	vst v27;
	v48 =	vmul.f32 v42, v9;
	v27 =	vpop (erf)  }
0xa9: {  	v50 =	vld [tilespmem:$0x1AF40];
	v0 =	vadd.f32 v46, v0;
	v49 =	vmul.f32 v36, v27  }
0xaa: {  	v51 =	vmul.f32 v45, v10;
	v2 =	vadd.f32 v48, v43  }
0xab: {  	v53 =	vld [tilespmem:$0x1AFC0];
	v52 =	vpop (erf);
	v0 =	vadd.f32 v49, v0  }
0xac: {  	v54 =	vmul.f32 v47, v12;
	v2 =	vadd.f32 v51, v2;
	v1 =	vadd.f32 $1.000000000e+00, v52  }
0xad: {  	v29 =	vld [tilespmem:$0x1B040];
	v0 =	vmul.f32 $1.442695020e+00, v0  }
0xae: {  	v56 =	vmul.f32 v50, v13;
	v55 =	vadd.f32 v54, v2;
	(erf) = vrcp.f32 v1  }
0xaf: {  	v30 =	vld [tilespmem:$0x1B0C0];
	(erf) = vpow2.f32 v0  }
0xb0: {  	[tilespmem:$0x1F7D0] =	vst v58;
	v58 =	vmul.f32 v53, v14;
	v57 =	vadd.f32 v56, v55  }
0xb1: {  	v59 =	vld [tilespmem:$0x1B140]  }
0xb2: {  	v60 =	vmul.f32 v29, v15;
	v0 =	vadd.f32 v58, v57;
	_ =	sdelay $0x1  }
0xb3: {  	v61 =	vmul.f32 v30, v16;
	v0 =	vadd.f32 v60, v0  }
0xb4: {  	[tilespmem:$0x1F810] =	vst v63;
	v62 =	vmul.f32 v42, v20  }
0xb5: {  	[tilespmem:$0x1F7F0] =	vst v11;
	v63 =	vmul.f32 v59, v17;
	v0 =	vadd.f32 v61, v0  }
0xb6: {  	[tilespmem:$0x1F7B0] =	vst v19;
	v11 =	vmul.f32 v45, v21;
	v2 =	vadd.f32 v62, v43;
	v19 =	vpop (erf)  }
0xb7: {  	v0 =	vadd.f32 v63, v0;
	v31 =	vpop (erf)  }
0xb8: {  	v33 =	vmul.f32 v47, v22;
	v2 =	vadd.f32 v11, v2;
	v32 =	vadd.f32 $1.000000000e+00, v31  }
0xb9: {  	v0 =	vmul.f32 $1.442695020e+00, v0  }
0xba: {  	v35 =	vmul.f32 v50, v23;
	v34 =	vadd.f32 v33, v2;
	(erf) = vrcp.f32 v32  }
0xbb: {  	(erf) = vpow2.f32 v0  }
0xbc: {  	v37 =	vmul.f32 v53, v24;
	v38 =	vld [tilespmem:$0x1ADD0];
	v36 =	vadd.f32 v35, v34  }
0xbd: {  	v39 =	vld [tilespmem:$0x1B650]  }
0xbe: {  	v40 =	vmul.f32 v29, v25;
	v41 =	vld [tilespmem:$0x1AE50];
	v0 =	vadd.f32 v37, v36  }
0xbf: {  	[tilespmem:$0x1F830] =	vst v43  }
0xc0: {  	[tilespmem:$0x1F820] =	vst v42;
	v43 =	vld [tilespmem:$0x1AED0];
	v42 =	vmul.f32 v30, v26;
	v0 =	vadd.f32 v40, v0  }
0xc1: {  	v44 =	vmul.f32 v38, v9  }
0xc2: {  	[tilespmem:$0x1F840] =	vst v45;
	v46 =	vld [tilespmem:$0x1AF50];
	v45 =	vmul.f32 v59, v27;
	v0 =	vadd.f32 v42, v0  }
0xc3: {  	[tilespmem:$0x1F800] =	vst v18;
	v2 =	vadd.f32 v44, v39;
	v48 =	vmul.f32 v41, v10;
	v18 =	vpop (erf)  }
0xc4: {  	[tilespmem:$0x1F860] =	vst v50;
	v51 =	vld [tilespmem:$0x1AFD0];
	v0 =	vadd.f32 v45, v0;
	v50 =	vpop (erf)  }
0xc5: {  	v2 =	vadd.f32 v48, v2;
	v52 =	vmul.f32 v43, v12;
	v1 =	vadd.f32 $1.000000000e+00, v50  }
0xc6: {  	v31 =	vld [tilespmem:$0x1B050];
	v0 =	vmul.f32 $1.442695020e+00, v0  }
0xc7: {  	[tilespmem:$0x1F870] =	vst v53;
	v53 =	vadd.f32 v52, v2;
	v54 =	vmul.f32 v46, v13;
	(erf) = vrcp.f32 v1  }
0xc8: {  	v32 =	vld [tilespmem:$0x1B0D0];
	(erf) = vpow2.f32 v0  }
0xc9: {  	v56 =	vmul.f32 v51, v14;
	v55 =	vadd.f32 v54, v53  }
0xca: {  	v57 =	vld [tilespmem:$0x1B150]  }
0xcb: {  	v58 =	vmul.f32 v31, v15;
	v0 =	vadd.f32 v56, v55;
	_ =	sdelay $0x1  }
0xcc: {  	[tilespmem:$0x1F8A0] =	vst v59;
	v59 =	vmul.f32 v32, v16;
	v0 =	vadd.f32 v58, v0  }
0xcd: {  	v60 =	vmul.f32 v38, v20  }
0xce: {  	[tilespmem:$0x1F850] =	vst v47;
	v47 =	vmovc v39;
	v49 =	vmov v41;
	v61 =	vmul.f32 v57, v17;
	v0 =	vadd.f32 v59, v0  }
0xcf: {  	v62 =	vmul.f32 v49, v21;
	v2 =	vadd.f32 v60, v47;
	v11 =	vpop (erf)  }
0xd0: {  	[tilespmem:$0x1F7C0] =	vst v8;
	v0 =	vadd.f32 v61, v0;
	v63 =	vpop (erf)  }
0xd1: {  	[tilespmem:$0x1F880] =	vst v29;
	v29 =	vmul.f32 v43, v22;
	v2 =	vadd.f32 v62, v2;
	v8 =	vadd.f32 $1.000000000e+00, v63  }
0xd2: {  	v0 =	vmul.f32 $1.442695020e+00, v0  }
0xd3: {  	v34 =	vmul.f32 v46, v23;
	v33 =	vadd.f32 v29, v2;
	(erf) = vrcp.f32 v8  }
0xd4: {  	(erf) = vpow2.f32 v0  }
0xd5: {  	v35 =	vadd.f32 v34, v33;
	v36 =	vmul.f32 v51, v24;
	v37 =	vld [tilespmem:$0x1ADE0]  }
0xd6: {  	[tilespmem:$0x1F8B0] =	vst v38;
	v38 =	vld [tilespmem:$0x1B660]  }
0xd7: {  	[tilespmem:$0x1F8C0] =	vst v39;
	v39 =	vmul.f32 v31, v25;
	v40 =	vld [tilespmem:$0x1AE60];
	v0 =	vadd.f32 v36, v35;
	_ =	sdelay $0x1  }
0xd8: {  	[tilespmem:$0x1F8D0] =	vst v41;
	v41 =	vmul.f32 v32, v26;
	v42 =	vld [tilespmem:$0x1AEE0];
	v0 =	vadd.f32 v39, v0  }
0xd9: {  	[tilespmem:$0x1F8E0] =	vst v43;
	v43 =	vmul.f32 v37, v9  }
0xda: {  	[tilespmem:$0x1F7E0] =	vst v7;
	v44 =	vmul.f32 v57, v27;
	v33 =	vld [tilespmem:$0x1AF60];
	v0 =	vadd.f32 v41, v0  }
0xdb: {  	[tilespmem:$0x1F8F0] =	vst v46;
	v2 =	vadd.f32 v43, v38;
	v46 =	vmul.f32 v40, v10;
	v7 =	vpop (erf)  }
0xdc: {  	v48 =	vld [tilespmem:$0x1AFE0];
	v0 =	vadd.f32 v44, v0;
	v47 =	vpop (erf)  }
0xdd: {  	v2 =	vadd.f32 v46, v2;
	v49 =	vmul.f32 v42, v12;
	v1 =	vadd.f32 $1.000000000e+00, v47  }
0xde: {  	v34 =	vld [tilespmem:$0x1B060];
	v0 =	vmul.f32 $1.442695020e+00, v0  }
0xdf: {  	[tilespmem:$0x1F900] =	vst v51;
	v51 =	vmul.f32 v33, v13;
	v50 =	vadd.f32 v49, v2;
	(erf) = vrcp.f32 v1  }
0xe0: {  	v52 =	vld [tilespmem:$0x1B0E0];
	(erf) = vpow2.f32 v0  }
0xe1: {  	v54 =	vmul.f32 v48, v14;
	v53 =	vadd.f32 v51, v50  }
0xe2: {  	v35 =	vld [tilespmem:$0x1B160]  }
0xe3: {  	v55 =	vmul.f32 v34, v15;
	v0 =	vadd.f32 v54, v53;
	_ =	sdelay $0x1  }
0xe4: {  	v56 =	vmul.f32 v52, v16;
	v0 =	vadd.f32 v55, v0  }
0xe5: {  	[tilespmem:$0x1F930] =	vst v57;
	v57 =	vmul.f32 v37, v20  }
0xe6: {  	v45 =	vmov v38;
	v58 =	vmul.f32 v35, v17;
	v0 =	vadd.f32 v56, v0  }
0xe7: {  	v2 =	vadd.f32 v57, v45;
	v59 =	vmul.f32 v40, v21;
	v8 =	vpop (erf)  }
0xe8: {  	v0 =	vadd.f32 v58, v0;
	v60 =	vpop (erf)  }
0xe9: {  	v62 =	vmul.f32 v42, v22;
	v2 =	vadd.f32 v59, v2;
	v61 =	vadd.f32 $1.000000000e+00, v60  }
0xea: {  	v0 =	vmul.f32 $1.442695020e+00, v0  }
0xeb: {  	v4 =	vmul.f32 v33, v23;
	v63 =	vadd.f32 v62, v2;
	(erf) = vrcp.f32 v61  }
0xec: {  	(erf) = vpow2.f32 v0  }
0xed: {  	[tilespmem:$0x1F940] =	vst v37;
	v37 =	vld [tilespmem:$0x1ADF0];
	v5 =	vadd.f32 v4, v63;
	v36 =	vmul.f32 v48, v24  }
0xee: {  	[tilespmem:$0x1F950] =	vst v38;
	v38 =	vld [tilespmem:$0x1B670]  }
0xef: {  	[tilespmem:$0x1F960] =	vst v40;
	v40 =	vld [tilespmem:$0x1AE70];
	v39 =	vmul.f32 v34, v25;
	v0 =	vadd.f32 v36, v5;
	_ =	sdelay $0x1  }
0xf0: {  	[tilespmem:$0x1F970] =	vst v42;
	v42 =	vld [tilespmem:$0x1AEF0];
	v41 =	vmul.f32 v52, v26;
	v0 =	vadd.f32 v39, v0  }
0xf1: {  	v43 =	vmul.f32 v37, v9  }
0xf2: {  	v45 =	vld [tilespmem:$0x1AF70];
	v44 =	vmul.f32 v35, v27;
	v0 =	vadd.f32 v41, v0  }
0xf3: {  	v46 =	vmul.f32 v40, v10;
	v2 =	vadd.f32 v43, v38;
	v6 =	vpop (erf)  }
0xf4: {  	[tilespmem:$0x1F990] =	vst v48;
	v48 =	vld [tilespmem:$0x1AFF0];
	v0 =	vadd.f32 v44, v0;
	v47 =	vpop (erf)  }
0xf5: {  	v49 =	vmul.f32 v42, v12;
	v2 =	vadd.f32 v46, v2;
	v1 =	vadd.f32 $1.000000000e+00, v47  }
0xf6: {  	v50 =	vld [tilespmem:$0x1B070];
	v0 =	vmul.f32 $1.442695020e+00, v0  }
0xf7: {  	v51 =	vadd.f32 v49, v2;
	v53 =	vmul.f32 v45, v13;
	(erf) = vrcp.f32 v1  }
0xf8: {  	v54 =	vld [tilespmem:$0x1B0F0];
	(erf) = vpow2.f32 v0  }
0xf9: {  	v55 =	vadd.f32 v53, v51;
	v56 =	vmul.f32 v48, v14  }
0xfa: {  	v57 =	vld [tilespmem:$0x1B170]  }
0xfb: {  	v58 =	vmul.f32 v50, v15;
	v0 =	vadd.f32 v56, v55;
	_ =	sdelay $0x1  }
0xfc: {  	v59 =	vmul.f32 v54, v16;
	v0 =	vadd.f32 v58, v0  }
0xfd: {  	v60 =	vmul.f32 v37, v20  }
0xfe: {  	v61 =	vmul.f32 v57, v17;
	v0 =	vadd.f32 v59, v0  }
0xff: {  	v62 =	vmul.f32 v40, v21;
	v2 =	vadd.f32 v60, v38;
	v5 =	vpop (erf)  }
0x100: {  	[tilespmem:$0x1F890] =	vst v30;
	v0 =	vadd.f32 v61, v0;
	v63 =	vpop (erf)  }
0x101: {  	[tilespmem:$0x1F9B0] =	vst v52;
	v30 =	vmul.f32 v42, v22;
	v2 =	vadd.f32 v62, v2;
	v1 =	vadd.f32 $1.000000000e+00, v63  }
0x102: {  	[tilespmem:$0x1F980] =	vst v33;
	v52 =	vmov v45;
	v0 =	vmul.f32 $1.442695020e+00, v0  }
0x103: {  	[tilespmem:$0x1F920] =	vst v32;
	v33 =	vmul.f32 v52, v23;
	v32 =	vadd.f32 v30, v2;
	(erf) = vrcp.f32 v1  }
0x104: {  	[tilespmem:$0x1F9A0] =	vst v34;
	(erf) = vpow2.f32 v0  }
0x105: {  	[tilespmem:$0x1F9F0] =	vst v40;
	v40 =	vmul.f32 v48, v24;
	v36 =	vld [tilespmem:$0x1AE00];
	v34 =	vadd.f32 v33, v32  }
0x106: {  	[tilespmem:$0x1F9D0] =	vst v37;
	v37 =	vld [tilespmem:$0x1AE80]  }
0x107: {  	[tilespmem:$0x1FA00] =	vst v42;
	v42 =	vmul.f32 v50, v25;
	v41 =	vld [tilespmem:$0x1B680];
	v0 =	vadd.f32 v40, v34;
	_ =	sdelay $0x1  }
0x108: {  	v43 =	vmul.f32 v54, v26;
	v44 =	vld [tilespmem:$0x1AF00];
	v0 =	vadd.f32 v42, v0  }
0x109: {  	[tilespmem:$0x1FA10] =	vst v45;
	v45 =	vmul.f32 v36, v9  }
0x10a: {  	v46 =	vmul.f32 v57, v27;
	v47 =	vld [tilespmem:$0x1AF80];
	v0 =	vadd.f32 v43, v0  }
0x10b: {  	v49 =	vmul.f32 v37, v10;
	v2 =	vadd.f32 v45, v41;
	v4 =	vpop (erf)  }
0x10c: {  	[tilespmem:$0x1FA30] =	vst v50;
	v51 =	vld [tilespmem:$0x1B000];
	v0 =	vadd.f32 v46, v0;
	v50 =	vpop (erf)  }
0x10d: {  	v2 =	vadd.f32 v49, v2;
	v52 =	vmul.f32 v44, v12;
	v1 =	vadd.f32 $1.000000000e+00, v50  }
0x10e: {  	v53 =	vld [tilespmem:$0x1B080];
	v0 =	vmul.f32 $1.442695020e+00, v0  }
0x10f: {  	[tilespmem:$0x1FA40] =	vst v54;
	v54 =	vadd.f32 v52, v2;
	v55 =	vmul.f32 v47, v13;
	(erf) = vrcp.f32 v1  }
0x110: {  	v56 =	vld [tilespmem:$0x1B100];
	(erf) = vpow2.f32 v0  }
0x111: {  	[tilespmem:$0x1FA50] =	vst v57;
	v58 =	vmul.f32 v51, v14;
	v57 =	vadd.f32 v55, v54  }
0x112: {  	v59 =	vld [tilespmem:$0x1B180]  }
0x113: {  	v60 =	vmul.f32 v53, v15;
	v0 =	vadd.f32 v58, v57;
	_ =	sdelay $0x1  }
0x114: {  	v61 =	vmul.f32 v56, v16;
	v0 =	vadd.f32 v60, v0  }
0x115: {  	v62 =	vmul.f32 v36, v20  }
0x116: {  	[tilespmem:$0x1FA20] =	vst v48;
	v48 =	vmov v41;
	v63 =	vmul.f32 v59, v17;
	v0 =	vadd.f32 v61, v0  }
0x117: {  	[tilespmem:$0x1FA60] =	vst v36;
	v36 =	vmul.f32 v37, v21;
	v2 =	vadd.f32 v62, v48;
	v3 =	vpop (erf)  }
0x118: {  	[tilespmem:$0x1FA80] =	vst v37;
	v0 =	vadd.f32 v63, v0;
	v37 =	vpop (erf)  }
0x119: {  	[tilespmem:$0x1F9E0] =	vst v38;
	v38 =	vmul.f32 v44, v22;
	v2 =	vadd.f32 v36, v2;
	v1 =	vadd.f32 $1.000000000e+00, v37  }
0x11a: {  	v0 =	vmul.f32 $1.442695020e+00, v0  }
0x11b: {  	v39 =	vadd.f32 v38, v2;
	v40 =	vmul.f32 v47, v23;
	(erf) = vrcp.f32 v1  }
0x11c: {  	(erf) = vpow2.f32 v0  }
0x11d: {  	[tilespmem:$0x1FA70] =	vst v41;
	v41 =	vadd.f32 v40, v39;
	v42 =	vmul.f32 v51, v24;
	v43 =	vld [tilespmem:$0x1AE10]  }
0x11e: {  	v38 =	vld [tilespmem:$0x1B690]  }
0x11f: {  	[tilespmem:$0x1FA90] =	vst v44;
	v44 =	vmul.f32 v53, v25;
	v39 =	vld [tilespmem:$0x1AE90];
	v0 =	vadd.f32 v42, v41;
	_ =	sdelay $0x1  }
0x120: {  	v45 =	vmul.f32 v56, v26;
	v46 =	vld [tilespmem:$0x1AF10];
	v0 =	vadd.f32 v44, v0  }
0x121: {  	[tilespmem:$0x1FAA0] =	vst v47;
	v47 =	vmul.f32 v43, v9  }
0x122: {  	v49 =	vld [tilespmem:$0x1AF90];
	v48 =	vmul.f32 v59, v27;
	v0 =	vadd.f32 v45, v0  }
0x123: {  	[tilespmem:$0x1FAB0] =	vst v51;
	v51 =	vmul.f32 v39, v10;
	v50 =	vadd.f32 v47, v38;
	v2 =	vpop (erf)  }
0x124: {  	[tilespmem:$0x1FAC0] =	vst v53;
	v53 =	vld [tilespmem:$0x1B010];
	v0 =	vadd.f32 v48, v0;
	v52 =	vpop (erf)  }
0x125: {  	[tilespmem:$0x1F790] =	vst v28;
	v54 =	vmul.f32 v46, v12;
	v28 =	vadd.f32 v51, v50;
	v1 =	vadd.f32 $1.000000000e+00, v52  }
0x126: {  	v55 =	vld [tilespmem:$0x1B090];
	v0 =	vmul.f32 $1.442695020e+00, v0  }
0x127: {  	[tilespmem:$0x1FAD0] =	vst v56;
	v57 =	vmul.f32 v49, v13;
	v56 =	vadd.f32 v54, v28;
	(erf) = vrcp.f32 v1  }
0x128: {  	v58 =	vld [tilespmem:$0x1B110];
	(erf) = vpow2.f32 v0  }
0x129: {  	[tilespmem:$0x1FAE0] =	vst v59;
	v60 =	vmul.f32 v53, v14;
	v59 =	vadd.f32 v57, v56  }
0x12a: {  	v61 =	vld [tilespmem:$0x1B190]  }
0x12b: {  	v62 =	vmul.f32 v55, v15;
	v0 =	vadd.f32 v60, v59;
	_ =	sdelay $0x1  }
0x12c: {  	v40 =	vmul.f32 v43, v20;
	v63 =	vmul.f32 v58, v16;
	v0 =	vadd.f32 v62, v0  }
0x12d: {  	[tilespmem:$0x1FAF0] =	vst v43;
	v43 =	vmul.f32 v39, v21  }
0x12e: {  	v28 =	vadd.f32 v40, v38;
	v41 =	vmul.f32 v61, v17;
	v0 =	vadd.f32 v63, v0  }
0x12f: {  	v1 =	vpop (erf)  }
0x130: {  	v28 =	vadd.f32 v43, v28;
	v45 =	vmul.f32 v46, v22;
	v0 =	vadd.f32 v41, v0;
	v44 =	vpop (erf)  }
0x131: {  	v29 =	vadd.f32 $1.000000000e+00, v44  }
0x132: {  	[tilespmem:$0x1FB20] =	vst v46;
	v46 =	vmul.f32 v49, v23;
	v28 =	vadd.f32 v45, v28;
	v0 =	vmul.f32 $1.442695020e+00, v0  }
0x133: {  	(erf) = vrcp.f32 v29  }
0x134: {  	[tilespmem:$0x1FB30] =	vst v49;
	v49 =	vld [tilespmem:$0x1AE20];
	v48 =	vmul.f32 v53, v24;
	v47 =	vadd.f32 v46, v28;
	(erf) = vpow2.f32 v0  }
0x135: {  	v50 =	vld [tilespmem:$0x1B6A0]  }
0x136: {  	v51 =	vmul.f32 v55, v25;
	v52 =	vld [tilespmem:$0x1AEA0];
	v0 =	vadd.f32 v48, v47;
	_ =	sdelay $0x1  }
0x137: {  	v54 =	vld [tilespmem:$0x1AF20];
	v0 =	vadd.f32 v51, v0  }
0x138: {  	[tilespmem:$0x1FB40] =	vst v53;
	v42 =	vmov v61;
	v53 =	vmul.f32 v58, v26;
	v9 =	vmul.f32 v49, v9  }
0x139: {  	[tilespmem:$0x1FB50] =	vst v55;
	v56 =	vld [tilespmem:$0x1AFA0];
	v55 =	vmul.f32 v42, v27  }
0x13a: {  	v9 =	vadd.f32 v9, v50;
	v10 =	vmul.f32 v52, v10;
	v28 =	vadd.f32 v53, v0  }
0x13b: {  	v59 =	vld [tilespmem:$0x1B020];
	v0 =	vpop (erf)  }
0x13c: {  	[tilespmem:$0x1FB60] =	vst v58;
	v12 =	vmul.f32 v54, v12;
	v9 =	vadd.f32 v10, v9;
	v28 =	vadd.f32 v55, v28;
	v58 =	vpop (erf)  }
0x13d: {  	[tilespmem:$0x1FB70] =	vst v61;
	v61 =	vld [tilespmem:$0x1B0A0];
	v60 =	vadd.f32 $1.000000000e+00, v58  }
0x13e: {  	v62 =	vmul.f32 v56, v13;
	v9 =	vadd.f32 v12, v9;
	v28 =	vmul.f32 $1.442695020e+00, v28  }
0x13f: {  	(erf) = vrcp.f32 v60  }
0x140: {  	v63 =	vld [tilespmem:$0x1B120];
	v36 =	vmul.f32 v59, v14;
	v9 =	vadd.f32 v62, v9;
	(erf) = vpow2.f32 v28  }
0x141: {  	v37 =	vld [tilespmem:$0x1B1A0]  }
0x142: {  	[tilespmem:$0x1FB00] =	vst v38;
	v38 =	vmul.f32 v61, v15;
	v9 =	vadd.f32 v36, v9;
	_ =	sdelay $0x1  }
0x143: {  	v9 =	vadd.f32 v38, v9  }
0x144: {  	[tilespmem:$0x1FB10] =	vst v39;
	v41 =	vmul.f32 v49, v20;
	v39 =	vmul.f32 v63, v16  }
0x145: {  	v57 =	vmov v50;
	v42 =	vmul.f32 v37, v17  }
0x146: {  	v43 =	vmul.f32 v52, v21;
	v12 =	vadd.f32 v41, v57;
	v10 =	vadd.f32 v39, v9  }
0x147: {  	v9 =	vpop (erf)  }
0x148: {  	v45 =	vmul.f32 v54, v22;
	v12 =	vadd.f32 v43, v12;
	v10 =	vadd.f32 v42, v10;
	v44 =	vpop (erf)  }
0x149: {  	v13 =	vadd.f32 $1.000000000e+00, v44  }
0x14a: {  	v46 =	vmul.f32 v56, v23;
	v12 =	vadd.f32 v45, v12;
	v10 =	vmul.f32 $1.442695020e+00, v10  }
0x14b: {  	(erf) = vrcp.f32 v13  }
0x14c: {  	v48 =	vmul.f32 v59, v24;
	v47 =	vadd.f32 v46, v12;
	(erf) = vpow2.f32 v10  }
0x14d: {  	[tilespmem:$0x1FB90] =	vst v50  }
0x14e: {  	[tilespmem:$0x1FB80] =	vst v49;
	v50 =	vld [tilespmem:$0x1B1B0];
	v49 =	vmul.f32 v61, v25;
	v10 =	vadd.f32 v48, v47  }
0x14f: {  	v51 =	vld [tilespmem:$0x1B6B0]  }
0x150: {  	v40 =	vmov v63;
	v53 =	vld [tilespmem:$0x1B230];
	v10 =	vadd.f32 v49, v10  }
0x151: {  	[tilespmem:$0x1FBA0] =	vst v52;
	v52 =	vmul.f32 v40, v26  }
0x152: {  	[tilespmem:$0x1FBB0] =	vst v54;
	v55 =	vld [tilespmem:$0x1B2B0]  }
0x153: {  	[tilespmem:$0x1FBC0] =	vst v56;
	v54 =	vmul.f32 v37, v27;
	v56 =	vmul.f32 v50, v19;
	v12 =	vadd.f32 v52, v10  }
0x154: {  	v58 =	vld [tilespmem:$0x1B330];
	v10 =	vpop (erf)  }
0x155: {  	[tilespmem:$0x1FBD0] =	vst v59;
	v14 =	vadd.f32 v56, v51;
	v59 =	vmul.f32 v53, v11;
	v12 =	vadd.f32 v54, v12;
	v57 =	vpop (erf)  }
0x156: {  	v60 =	vld [tilespmem:$0x1B3B0];
	v13 =	vadd.f32 $1.000000000e+00, v57  }
0x157: {  	[tilespmem:$0x1FBE0] =	vst v61;
	v61 =	vadd.f32 v59, v14;
	v62 =	vmul.f32 v55, v8;
	v12 =	vmul.f32 $1.442695020e+00, v12  }
0x158: {  	[tilespmem:$0x1F910] =	vst v31;
	(erf) = vrcp.f32 v13  }
0x159: {  	[tilespmem:$0x1FBF0] =	vst v63;
	v63 =	vld [tilespmem:$0x1B430];
	v30 =	vadd.f32 v62, v61;
	v31 =	vmul.f32 v58, v5;
	(erf) = vpow2.f32 v12;
	_ =	sdelay $0x1  }
0x15a: {  	v32 =	vld [tilespmem:$0x1B4B0];
	v33 =	vmul.f32 v60, v3;
	v12 =	vadd.f32 v31, v30;
	_ =	sdelay $0x1  }
0x15b: {  	[tilespmem:$0x1F9C0] =	vst v35;
	v35 =	vld [tilespmem:$0x1B530];
	v12 =	vadd.f32 v33, v12  }
0x15c: {  	v36 =	vmul.f32 v63, v1  }
0x15d: {  	v38 =	vmul.f32 v50, v18  }
0x15e: {  	[tilespmem:$0x1FC00] =	vst v37;
	v37 =	vmul.f32 v32, v9;
	v13 =	vadd.f32 v36, v12  }
0x15f: {  	v15 =	vadd.f32 v38, v51;
	v12 =	vpop (erf)  }
0x160: {  	v41 =	vmul.f32 v53, v7;
	v13 =	vadd.f32 v37, v13;
	v39 =	vpop (erf);
	v40 =	vmul.f32 v35, v12  }
0x161: {  	v14 =	vadd.f32 $1.000000000e+00, v39  }
0x162: {  	v42 =	vadd.f32 v41, v15;
	v43 =	vmul.f32 v55, v6;
	v13 =	vadd.f32 v40, v13  }
0x163: {  	(erf) = vrcp.f32 v14  }
0x164: {  	v44 =	vmul.f32 v58, v4;
	v14 =	vadd.f32 v43, v42;
	v13 =	vmul.f32 $1.442695020e+00, v13  }
0x165: {  	v34 =	vmov v60  }
0x166: {  	v46 =	vmul.f32 v34, v2;
	v45 =	vadd.f32 v44, v14;
	(erf) = vpow2.f32 v13  }
0x167: {  	v47 =	vld [tilespmem:$0x1B1C0]  }
0x168: {  	[tilespmem:$0x1FC10] =	vst v50;
	v50 =	vld [tilespmem:$0x1B240];
	v13 =	vadd.f32 v46, v45  }
0x169: {  	v48 =	vld [tilespmem:$0x1B6C0];
	v49 =	vmul.f32 v63, v0;
	_ =	sdelay $0x1  }
0x16a: {  	[tilespmem:$0x1FC20] =	vst v51;
	v52 =	vld [tilespmem:$0x1B2C0];
	v51 =	vmul.f32 v32, v10;
	v14 =	vadd.f32 v49, v13  }
0x16b: {  	[tilespmem:$0x1FC30] =	vst v53;
	v53 =	vmul.f32 v47, v19;
	v13 =	vpop (erf)  }
0x16c: {  	[tilespmem:$0x1FC40] =	vst v55;
	v55 =	vld [tilespmem:$0x1B340];
	v14 =	vadd.f32 v51, v14;
	v54 =	vmul.f32 v35, v13  }
0x16d: {  	v56 =	vmul.f32 v50, v11;
	v16 =	vadd.f32 v53, v48  }
0x16e: {  	[tilespmem:$0x1FC50] =	vst v58;
	v58 =	vld [tilespmem:$0x1B3C0];
	v14 =	vadd.f32 v54, v14;
	v57 =	vpop (erf)  }
0x16f: {  	v16 =	vadd.f32 v56, v16;
	v59 =	vmul.f32 v52, v8;
	v15 =	vadd.f32 $1.000000000e+00, v57  }
0x170: {  	[tilespmem:$0x1FC60] =	vst v60;
	v60 =	vld [tilespmem:$0x1B440];
	v14 =	vmul.f32 $1.442695020e+00, v14  }
0x171: {  	v62 =	vmul.f32 v55, v5;
	v61 =	vadd.f32 v59, v16;
	(erf) = vrcp.f32 v15  }
0x172: {  	[tilespmem:$0x1FC70] =	vst v63;
	v63 =	vld [tilespmem:$0x1B4C0];
	(erf) = vpow2.f32 v14  }
0x173: {  	[tilespmem:$0x1FC80] =	vst v32;
	v32 =	vmul.f32 v58, v3;
	v31 =	vadd.f32 v62, v61  }
0x174: {  	v33 =	vld [tilespmem:$0x1B540]  }
0x175: {  	v34 =	vmul.f32 v60, v1;
	v14 =	vadd.f32 v32, v31;
	_ =	sdelay $0x1  }
0x176: {  	[tilespmem:$0x1FC90] =	vst v35;
	v35 =	vmul.f32 v63, v9;
	v14 =	vadd.f32 v34, v14  }
0x177: {  	v36 =	vmul.f32 v47, v18  }
0x178: {  	v37 =	vmul.f32 v33, v12;
	v14 =	vadd.f32 v35, v14  }
0x179: {  	v16 =	vadd.f32 v36, v48;
	v39 =	vmul.f32 v50, v7;
	v38 =	vpop (erf)  }
0x17a: {  	v14 =	vadd.f32 v37, v14;
	v40 =	vpop (erf)  }
0x17b: {  	[tilespmem:$0x1FCC0] =	vst v50;
	v41 =	vmul.f32 v52, v6;
	v16 =	vadd.f32 v39, v16;
	v15 =	vadd.f32 $1.000000000e+00, v40  }
0x17c: {  	[tilespmem:$0x1FCE0] =	vst v55;
	v14 =	vmul.f32 $1.442695020e+00, v14  }
0x17d: {  	[tilespmem:$0x1FD00] =	vst v60;
	v43 =	vmul.f32 v55, v4;
	v42 =	vadd.f32 v41, v16;
	(erf) = vrcp.f32 v15  }
0x17e: {  	[tilespmem:$0x1FCA0] =	vst v47;
	v47 =	vld [tilespmem:$0x1B6D0];
	(erf) = vpow2.f32 v14  }
0x17f: {  	[tilespmem:$0x1FCF0] =	vst v58;
	v44 =	vadd.f32 v43, v42;
	v45 =	vmul.f32 v58, v2;
	v46 =	vld [tilespmem:$0x1B1D0]  }
0x180: {  	[tilespmem:$0x1FCB0] =	vst v48  }
0x181: {  	[tilespmem:$0x1FD10] =	vst v63;
	v48 =	vmul.f32 v60, v0;
	v49 =	vld [tilespmem:$0x1B250];
	v14 =	vadd.f32 v45, v44  }
0x182: {  	[tilespmem:$0x1FCD0] =	vst v52;
	v51 =	vld [tilespmem:$0x1B2D0]  }
0x183: {  	[tilespmem:$0x1FD20] =	vst v33;
	v50 =	vmul.f32 v63, v10;
	v14 =	vadd.f32 v48, v14  }
0x184: {  	[tilespmem:$0x1FD40] =	vst v47;
	v52 =	vmul.f32 v46, v19  }
0x185: {  	[tilespmem:$0x1FD30] =	vst v46;
	v53 =	vmul.f32 v33, v13;
	v54 =	vld [tilespmem:$0x1B350];
	v14 =	vadd.f32 v50, v14  }
0x186: {  	v16 =	vadd.f32 v52, v47;
	v56 =	vmul.f32 v49, v11;
	[tilespmem:$0x1FD50] =	vst v49;
	v55 =	vpop (erf)  }
0x187: {  	v58 =	vld [tilespmem:$0x1B3D0];
	[tilespmem:$0x1FD60] =	vst v51;
	v14 =	vadd.f32 v53, v14;
	v57 =	vpop (erf)  }
0x188: {  	v16 =	vadd.f32 v56, v16;
	v59 =	vmul.f32 v51, v8;
	[tilespmem:$0x1FF00] =	vst v38;
	v15 =	vadd.f32 $1.000000000e+00, v57  }
0x189: {  	v60 =	vld [tilespmem:$0x1B450];
	v14 =	vmul.f32 $1.442695020e+00, v14;
	[tilespmem:$0x1FF10] =	vst v55  }
0x18a: {  	v61 =	vadd.f32 v59, v16;
	v62 =	vmul.f32 v54, v5;
	(erf) = vrcp.f32 v15  }
0x18b: {  	(erf) = vpow2.f32 v14;
	v63 =	vld [tilespmem:$0x1B4D0]  }
0x18c: {  	v31 =	vmul.f32 v58, v3;
	v30 =	vadd.f32 v62, v61  }
0x18d: {  	v32 =	vld [tilespmem:$0x1B550]  }
0x18e: {  	v33 =	vmul.f32 v60, v1;
	v14 =	vadd.f32 v31, v30;
	_ =	sdelay $0x1  }
0x18f: {  	v14 =	vadd.f32 v33, v14;
	v34 =	vmul.f32 v63, v9  }
0x190: {  	v35 =	vmul.f32 v46, v18  }
0x191: {  	v36 =	vmul.f32 v32, v12;
	v14 =	vadd.f32 v34, v14  }
0x192: {  	v16 =	vadd.f32 v35, v47;
	v38 =	vmul.f32 v49, v7;
	v37 =	vpop (erf)  }
0x193: {  	v14 =	vadd.f32 v36, v14;
	v39 =	vpop (erf)  }
0x194: {  	v40 =	vmul.f32 v51, v6;
	v16 =	vadd.f32 v38, v16;
	v15 =	vadd.f32 $1.000000000e+00, v39  }
0x195: {  	v14 =	vmul.f32 $1.442695020e+00, v14  }
0x196: {  	v42 =	vmul.f32 v54, v4;
	v41 =	vadd.f32 v40, v16;
	(erf) = vrcp.f32 v15  }
0x197: {  	(erf) = vpow2.f32 v14  }
0x198: {  	v44 =	vmul.f32 v58, v2;
	v43 =	vadd.f32 v42, v41;
	v45 =	vld [tilespmem:$0x1B1E0]  }
0x199: {  	v46 =	vld [tilespmem:$0x1B6E0]  }
0x19a: {  	v47 =	vmul.f32 v60, v0;
	v48 =	vld [tilespmem:$0x1B260];
	v14 =	vadd.f32 v44, v43;
	_ =	sdelay $0x1  }
0x19b: {  	v50 =	vld [tilespmem:$0x1B2E0];
	v49 =	vmul.f32 v63, v10;
	v14 =	vadd.f32 v47, v14  }
0x19c: {  	v51 =	vmul.f32 v45, v19  }
0x19d: {  	v53 =	vld [tilespmem:$0x1B360];
	v52 =	vmul.f32 v32, v13;
	v14 =	vadd.f32 v49, v14  }
0x19e: {  	v56 =	vmul.f32 v48, v11;
	v16 =	vadd.f32 v51, v46;
	v55 =	vpop (erf)  }
0x19f: {  	[tilespmem:$0x1FD80] =	vst v58;
	v58 =	vld [tilespmem:$0x1B3E0];
	v14 =	vadd.f32 v52, v14;
	v57 =	vpop (erf)  }
0x1a0: {  	v59 =	vmul.f32 v50, v8;
	v16 =	vadd.f32 v56, v16;
	v15 =	vadd.f32 $1.000000000e+00, v57  }
0x1a1: {  	[tilespmem:$0x1FD90] =	vst v60;
	v60 =	vld [tilespmem:$0x1B460];
	v14 =	vmul.f32 $1.442695020e+00, v14  }
0x1a2: {  	v62 =	vmul.f32 v53, v5;
	v61 =	vadd.f32 v59, v16;
	(erf) = vrcp.f32 v15  }
0x1a3: {  	[tilespmem:$0x1FDA0] =	vst v63;
	v63 =	vld [tilespmem:$0x1B4E0];
	(erf) = vpow2.f32 v14  }
0x1a4: {  	v30 =	vmul.f32 v58, v3;
	v29 =	vadd.f32 v62, v61  }
0x1a5: {  	v31 =	vld [tilespmem:$0x1B560]  }
0x1a6: {  	[tilespmem:$0x1FDB0] =	vst v32;
	v32 =	vmul.f32 v60, v1;
	v14 =	vadd.f32 v30, v29;
	_ =	sdelay $0x1  }
0x1a7: {  	v33 =	vmul.f32 v63, v9;
	v14 =	vadd.f32 v32, v14  }
0x1a8: {  	v34 =	vmul.f32 v45, v18  }
0x1a9: {  	[tilespmem:$0x1FD70] =	vst v54;
	v54 =	vmov v46;
	v35 =	vmul.f32 v31, v12;
	v14 =	vadd.f32 v33, v14  }
0x1aa: {  	[tilespmem:$0x1FF20] =	vst v37;
	v37 =	vmul.f32 v48, v7;
	v16 =	vadd.f32 v34, v54;
	v36 =	vpop (erf)  }
0x1ab: {  	v14 =	vadd.f32 v35, v14;
	v38 =	vpop (erf)  }
0x1ac: {  	v39 =	vmul.f32 v50, v6;
	v16 =	vadd.f32 v37, v16;
	v15 =	vadd.f32 $1.000000000e+00, v38  }
0x1ad: {  	v14 =	vmul.f32 $1.442695020e+00, v14  }
0x1ae: {  	v41 =	vmul.f32 v53, v4;
	v40 =	vadd.f32 v39, v16;
	(erf) = vrcp.f32 v15  }
0x1af: {  	(erf) = vpow2.f32 v14  }
0x1b0: {  	v43 =	vmul.f32 v58, v2;
	v44 =	vld [tilespmem:$0x1B1F0];
	v42 =	vadd.f32 v41, v40  }
0x1b1: {  	[tilespmem:$0x1FDC0] =	vst v45;
	v45 =	vld [tilespmem:$0x1B6F0]  }
0x1b2: {  	[tilespmem:$0x1FDD0] =	vst v46;
	v46 =	vmul.f32 v60, v0;
	v47 =	vld [tilespmem:$0x1B270];
	v14 =	vadd.f32 v43, v42;
	_ =	sdelay $0x1  }
0x1b3: {  	[tilespmem:$0x1FDE0] =	vst v48;
	v48 =	vmul.f32 v63, v10;
	v49 =	vld [tilespmem:$0x1B2F0];
	v14 =	vadd.f32 v46, v14  }
0x1b4: {  	[tilespmem:$0x1FDF0] =	vst v50;
	v50 =	vmul.f32 v44, v19  }
0x1b5: {  	v51 =	vmul.f32 v31, v13;
	v52 =	vld [tilespmem:$0x1B370];
	v14 =	vadd.f32 v48, v14  }
0x1b6: {  	v16 =	vadd.f32 v50, v45;
	[tilespmem:$0x1FF30] =	vst v55;
	v55 =	vmul.f32 v47, v11;
	v54 =	vpop (erf)  }
0x1b7: {  	v57 =	vld [tilespmem:$0x1B3F0];
	v14 =	vadd.f32 v51, v14;
	v56 =	vpop (erf)  }
0x1b8: {  	[tilespmem:$0x1FE10] =	vst v58;
	v58 =	vmul.f32 v49, v8;
	v16 =	vadd.f32 v55, v16;
	v15 =	vadd.f32 $1.000000000e+00, v56  }
0x1b9: {  	v59 =	vld [tilespmem:$0x1B470];
	v14 =	vmul.f32 $1.442695020e+00, v14  }
0x1ba: {  	[tilespmem:$0x1FE30] =	vst v63;
	v22 =	vmul.f32 v52, v5;
	v63 =	vadd.f32 v58, v16;
	(erf) = vrcp.f32 v15  }
0x1bb: {  	v32 =	vld [tilespmem:$0x1B4F0];
	(erf) = vpow2.f32 v14  }
0x1bc: {  	v34 =	vmul.f32 v57, v3;
	v33 =	vadd.f32 v22, v63  }
0x1bd: {  	v35 =	vld [tilespmem:$0x1B570]  }
0x1be: {  	[tilespmem:$0x1FF40] =	vst v36;
	v36 =	vmul.f32 v59, v1;
	v14 =	vadd.f32 v34, v33;
	_ =	sdelay $0x1  }
0x1bf: {  	v37 =	vmul.f32 v32, v9;
	v14 =	vadd.f32 v36, v14  }
0x1c0: {  	v38 =	vmul.f32 v44, v18  }
0x1c1: {  	[tilespmem:$0x1FE00] =	vst v53;
	v53 =	vmov v45;
	v39 =	vmul.f32 v35, v12;
	v14 =	vadd.f32 v37, v14  }
0x1c2: {  	v41 =	vmul.f32 v47, v7;
	v16 =	vadd.f32 v38, v53;
	v40 =	vpop (erf)  }
0x1c3: {  	v14 =	vadd.f32 v39, v14;
	v42 =	vpop (erf)  }
0x1c4: {  	v43 =	vmul.f32 v49, v6;
	v16 =	vadd.f32 v41, v16;
	v15 =	vadd.f32 $1.000000000e+00, v42  }
0x1c5: {  	[tilespmem:$0x1FE60] =	vst v45;
	v14 =	vmul.f32 $1.442695020e+00, v14  }
0x1c6: {  	[tilespmem:$0x1FE50] =	vst v44;
	v45 =	vmul.f32 v52, v4;
	v44 =	vadd.f32 v43, v16;
	(erf) = vrcp.f32 v15  }
0x1c7: {  	[tilespmem:$0x1FE20] =	vst v60;
	(erf) = vpow2.f32 v14  }
0x1c8: {  	v60 =	vld [tilespmem:$0x1B200];
	[tilespmem:$0x1FE70] =	vst v47;
	v47 =	vmul.f32 v57, v2;
	v46 =	vadd.f32 v45, v44  }
0x1c9: {  	v61 =	vld [tilespmem:$0x1B280]  }
0x1ca: {  	v63 =	vld [tilespmem:$0x1B700];
	v48 =	vmul.f32 v59, v0;
	v14 =	vadd.f32 v47, v46;
	_ =	sdelay $0x1  }
0x1cb: {  	v50 =	vld [tilespmem:$0x1B300];
	[tilespmem:$0x1FE80] =	vst v49;
	v49 =	vmul.f32 v32, v10;
	v14 =	vadd.f32 v48, v14  }
0x1cc: {  	v51 =	vmul.f32 v60, v19  }
0x1cd: {  	[tilespmem:$0x1FE90] =	vst v52;
	v52 =	vmul.f32 v35, v13;
	v53 =	vld [tilespmem:$0x1B380];
	v14 =	vadd.f32 v49, v14  }
0x1ce: {  	[tilespmem:$0x1FEB0] =	vst v59;
	v59 =	vmul.f32 v61, v11;
	v16 =	vadd.f32 v51, v63;
	v58 =	vpop (erf)  }
0x1cf: {  	v62 =	vld [tilespmem:$0x1B400];
	v14 =	vadd.f32 v52, v14;
	v22 =	vpop (erf)  }
0x1d0: {  	v23 =	vmul.f32 v50, v8;
	v16 =	vadd.f32 v59, v16;
	v15 =	vadd.f32 $1.000000000e+00, v22  }
0x1d1: {  	v59 =	vld [tilespmem:$0x1B480];
	v14 =	vmul.f32 $1.442695020e+00, v14  }
0x1d2: {  	v25 =	vmul.f32 v53, v5;
	v24 =	vadd.f32 v23, v16;
	(erf) = vrcp.f32 v15  }
0x1d3: {  	v56 =	vld [tilespmem:$0x1B500];
	(erf) = vpow2.f32 v14  }
0x1d4: {  	v27 =	vmul.f32 v62, v3;
	v26 =	vadd.f32 v25, v24  }
0x1d5: {  	[tilespmem:$0x1FEA0] =	vst v57;
	v57 =	vld [tilespmem:$0x1B580]  }
0x1d6: {  	v28 =	vmul.f32 v59, v1;
	v14 =	vadd.f32 v27, v26;
	_ =	sdelay $0x1  }
0x1d7: {  	v29 =	vmul.f32 v56, v9;
	v14 =	vadd.f32 v28, v14  }
0x1d8: {  	v30 =	vmul.f32 v60, v18  }
0x1d9: {  	[tilespmem:$0x1FE40] =	vst v31;
	v31 =	vmul.f32 v57, v12;
	v14 =	vadd.f32 v29, v14  }
0x1da: {  	[tilespmem:$0x1FEC0] =	vst v32;
	v16 =	vadd.f32 v30, v63;
	v33 =	vmul.f32 v61, v7;
	v32 =	vpop (erf)  }
0x1db: {  	v14 =	vadd.f32 v31, v14;
	v34 =	vpop (erf)  }
0x1dc: {  	[tilespmem:$0x1FED0] =	vst v35;
	v35 =	vmul.f32 v50, v6;
	v16 =	vadd.f32 v33, v16;
	v15 =	vadd.f32 $1.000000000e+00, v34  }
0x1dd: {  	v14 =	vmul.f32 $1.442695020e+00, v14  }
0x1de: {  	v36 =	vadd.f32 v35, v16;
	v37 =	vmul.f32 v53, v4;
	(erf) = vrcp.f32 v15  }
0x1df: {  	(erf) = vpow2.f32 v14  }
0x1e0: {  	[tilespmem:$0x1FEF0] =	vst v53;
	v38 =	vadd.f32 v37, v36;
	v39 =	vmul.f32 v62, v2;
	v52 =	vld [tilespmem:$0x1B210]  }
0x1e1: {  	[tilespmem:$0x1FF50] =	vst v54;
	v54 =	vld [tilespmem:$0x1B710]  }
0x1e2: {  	v53 =	vld [tilespmem:$0x1B290];
	[tilespmem:$0x1FF60] =	vst v40;
	v40 =	vmul.f32 v59, v0;
	v14 =	vadd.f32 v39, v38;
	_ =	sdelay $0x1  }
0x1e3: {  	v41 =	vmul.f32 v56, v10;
	[tilespmem:$0x1FF70] =	vst v58;
	v58 =	vld [tilespmem:$0x1B310];
	v14 =	vadd.f32 v40, v14  }
0x1e4: {  	v42 =	vmul.f32 v52, v19  }
0x1e5: {  	v55 =	vld [tilespmem:$0x1B390];
	v43 =	vmul.f32 v57, v13;
	v14 =	vadd.f32 v41, v14  }
0x1e6: {  	v45 =	vmul.f32 v53, v11;
	v16 =	vadd.f32 v42, v54;
	v44 =	vpop (erf)  }
0x1e7: {  	v51 =	vld [tilespmem:$0x1B410];
	v14 =	vadd.f32 v43, v14;
	v46 =	vpop (erf)  }
0x1e8: {  	v47 =	vmul.f32 v58, v8;
	v16 =	vadd.f32 v45, v16;
	v15 =	vadd.f32 $1.000000000e+00, v46  }
0x1e9: {  	[tilespmem:$0x1FEE0] =	vst v50;
	v50 =	vld [tilespmem:$0x1B490];
	v14 =	vmul.f32 $1.442695020e+00, v14  }
0x1ea: {  	v49 =	vmul.f32 v55, v5;
	v48 =	vadd.f32 v47, v16;
	(erf) = vrcp.f32 v15  }
0x1eb: {  	v47 =	vld [tilespmem:$0x1B510];
	(erf) = vpow2.f32 v14  }
0x1ec: {  	v21 =	vmul.f32 v51, v3;
	v20 =	vadd.f32 v49, v48  }
0x1ed: {  	v48 =	vld [tilespmem:$0x1B590]  }
0x1ee: {  	v22 =	vmul.f32 v50, v1;
	v14 =	vadd.f32 v21, v20;
	_ =	sdelay $0x1  }
0x1ef: {  	v23 =	vmul.f32 v47, v9;
	v14 =	vadd.f32 v22, v14  }
0x1f0: {  	v24 =	vmul.f32 v52, v18  }
0x1f1: {  	v25 =	vmul.f32 v48, v12;
	v14 =	vadd.f32 v23, v14  }
0x1f2: {  	v27 =	vmul.f32 v53, v7;
	v16 =	vadd.f32 v24, v54;
	v26 =	vpop (erf)  }
0x1f3: {  	v14 =	vadd.f32 v25, v14;
	v28 =	vpop (erf)  }
0x1f4: {  	v29 =	vmul.f32 v58, v6;
	v16 =	vadd.f32 v27, v16;
	v15 =	vadd.f32 $1.000000000e+00, v28  }
0x1f5: {  	v14 =	vmul.f32 $1.442695020e+00, v14  }
0x1f6: {  	v31 =	vmul.f32 v55, v4;
	v30 =	vadd.f32 v29, v16;
	(erf) = vrcp.f32 v15  }
0x1f7: {  	[tilespmem:$0x1FF80] =	vst v32;
	(erf) = vpow2.f32 v14  }
0x1f8: {  	v33 =	vmul.f32 v51, v2;
	v32 =	vadd.f32 v31, v30;
	[tilespmem:$0x1FF90] =	vst v44;
	v44 =	vld [tilespmem:$0x1B220]  }
0x1f9: {  	v42 =	vld [tilespmem:$0x1B2A0]  }
0x1fa: {  	v34 =	vmul.f32 v50, v0;
	v46 =	vld [tilespmem:$0x1B720];
	v14 =	vadd.f32 v33, v32;
	_ =	sdelay $0x1  }
0x1fb: {  	v45 =	vld [tilespmem:$0x1B320];
	v35 =	vmul.f32 v47, v10;
	v14 =	vadd.f32 v34, v14  }
0x1fc: {  	v36 =	vmul.f32 v44, v19  }
0x1fd: {  	v49 =	vld [tilespmem:$0x1B3A0];
	v37 =	vmul.f32 v48, v13;
	v14 =	vadd.f32 v35, v14  }
0x1fe: {  	v11 =	vmul.f32 v42, v11;
	v16 =	vadd.f32 v36, v46;
	v38 =	vpop (erf)  }
0x1ff: {  	v43 =	vld [tilespmem:$0x1B420];
	v14 =	vadd.f32 v37, v14;
	v39 =	vpop (erf)  }
0x200: {  	v8 =	vmul.f32 v45, v8;
	v11 =	vadd.f32 v11, v16;
	v15 =	vadd.f32 $1.000000000e+00, v39  }
0x201: {  	v41 =	vld [tilespmem:$0x1B4A0];
	v14 =	vmul.f32 $1.442695020e+00, v14  }
0x202: {  	v5 =	vmul.f32 v49, v5;
	v8 =	vadd.f32 v8, v11;
	(erf) = vrcp.f32 v15  }
0x203: {  	v40 =	vld [tilespmem:$0x1B520];
	(erf) = vpow2.f32 v14  }
0x204: {  	v3 =	vmul.f32 v43, v3;
	v5 =	vadd.f32 v5, v8  }
0x205: {  	v39 =	vld [tilespmem:$0x1B5A0]  }
0x206: {  	v1 =	vmul.f32 v41, v1;
	v3 =	vadd.f32 v3, v5;
	_ =	sdelay $0x1  }
0x207: {  	v16 =	vmul.f32 v40, v9;
	v1 =	vadd.f32 v1, v3  }
0x208: {  	v17 =	vmul.f32 v44, v18  }
0x209: {  	v1 =	vadd.f32 v16, v1;
	v18 =	vmul.f32 v39, v12  }
0x20a: {  	v7 =	vmul.f32 v42, v7;
	v5 =	vadd.f32 v17, v46;
	v19 =	vpop (erf)  }
0x20b: {  	v1 =	vadd.f32 v18, v1;
	v20 =	vpop (erf)  }
0x20c: {  	v6 =	vmul.f32 v45, v6;
	v5 =	vadd.f32 v7, v5;
	v3 =	vadd.f32 $1.000000000e+00, v20  }
0x20d: {  	v1 =	vmul.f32 $1.442695020e+00, v1  }
0x20e: {  	v4 =	vmul.f32 v49, v4;
	v21 =	vadd.f32 v6, v5;
	(erf) = vrcp.f32 v3  }
0x20f: {  	(erf) = vpow2.f32 v1  }
0x210: {  	v2 =	vmul.f32 v43, v2;
	v22 =	vadd.f32 v4, v21;
	_ =	sdelay $0x1  }
0x211: {  	v0 =	vmul.f32 v41, v0;
	v1 =	vadd.f32 v2, v22;
	_ =	sdelay $0x1  }
0x212: {  	v24 =	vld [tilespmem:s22+$0x0];
	v23 =	vmul.f32 v40, v10;
	v0 =	vadd.f32 v0, v1;
	_ =	sdelay $0x1  }
0x213: {  	v25 =	vmul.f32 v39, v13;
	v0 =	vadd.f32 v23, v0  }
0x214: {  	v27 =	vld [tilespmem:s20+$0x0];
	[tilespmem:$0x1FFA0] =	vst v26;
	v26 =	vpop (erf)  }
0x215: {  	v0 =	vadd.f32 v25, v0;
	v28 =	vpop (erf)  }
0x216: {  	v29 =	vadd.s32 $0x9C40, v24;
	v1 =	vadd.f32 $1.000000000e+00, v28  }
0x217: {  	v0 =	vmul.f32 $1.442695020e+00, v0  }
0x218: {  	(erf) = vrcp.f32 v1  }
0x219: {  	(erf) = vpow2.f32 v0;
	_ =	sdelay $0x1  }
0x21a: {  	v30 =	vld.idx.msk [tilespmem:v29+s3+$0x0], $0xffff  }
0x21b: {  	v31 =	vld.idx.msk [tilespmem:v27+s3+$0x0], $0xffff;
	_ =	sdelay $0x4  }
0x21c: {  	v33 =	vunpack.i.l.bf16.f32 v31;
	v34 =	vunpack.i.l.bf16.f32 v30;
	v32 =	vpop (erf)  }
0x21d: {  	v4 =	vadd.f32 v34, v33;
	v35 =	vpop (erf)  }
0x21e: {  	v5 =	vadd.f32 $1.000000000e+00, v35  }
0x21f: {  	v4 =	vmul.f32 $1.442695020e+00, v4  }
0x220: {  	(erf) = vrcp.f32 v5  }
0x221: {  	(erf) = vpow2.f32 v4;
	_ =	sdelay $0x7  }
0x222: {  	v1 =	vunpack.i.u.bf16.f32 v31;
	v0 =	vunpack.i.u.bf16.f32 v30;
	v36 =	vpop (erf)  }
0x223: {  	v0 =	vadd.f32 v0, v1;
	v37 =	vpop (erf)  }
0x224: {  	v8 =	vadd.s32 $0xC350, v24;
	v1 =	vadd.f32 $1.000000000e+00, v37  }
0x225: {  	[tilespmem:$0x1FFB0] =	vst v38;
	v38 =	vadd.s32 $0x2710, v27;
	v0 =	vmul.f32 $1.442695020e+00, v0  }
0x226: {  	(erf) = vrcp.f32 v1  }
0x227: {  	(erf) = vpow2.f32 v0;
	_ =	sdelay $0x1  }
0x228: {  	v10 =	vld.idx.msk [tilespmem:v8+s3+$0x0], $0xffff  }
0x229: {  	v9 =	vld.idx.msk [tilespmem:v38+s3+$0x0], $0xffff;
	_ =	sdelay $0x4  }
0x22a: {  	v5 =	vunpack.i.l.bf16.f32 v10;
	v4 =	vunpack.i.l.bf16.f32 v9;
	v35 =	vpop (erf)  }
0x22b: {  	v4 =	vadd.f32 v5, v4;
	v11 =	vpop (erf)  }
0x22c: {  	v5 =	vadd.f32 $1.000000000e+00, v11  }
0x22d: {  	v4 =	vmul.f32 $1.442695020e+00, v4  }
0x22e: {  	(erf) = vrcp.f32 v5  }
0x22f: {  	(erf) = vpow2.f32 v4;
	_ =	sdelay $0x7  }
0x230: {  	v1 =	vunpack.i.u.bf16.f32 v10;
	v0 =	vunpack.i.u.bf16.f32 v9;
	v30 =	vpop (erf)  }
0x231: {  	v0 =	vadd.f32 v1, v0;
	v12 =	vpop (erf)  }
0x232: {  	v14 =	vadd.s32 $0xEA60, v24;
	v1 =	vadd.f32 $1.000000000e+00, v12  }
0x233: {  	v13 =	vadd.s32 $0x4E20, v27;
	v0 =	vmul.f32 $1.442695020e+00, v0  }
0x234: {  	(erf) = vrcp.f32 v1  }
0x235: {  	(erf) = vpow2.f32 v0;
	_ =	sdelay $0x1  }
0x236: {  	v16 =	vld.idx.msk [tilespmem:v14+s3+$0x0], $0xffff  }
0x237: {  	v15 =	vld.idx.msk [tilespmem:v13+s3+$0x0], $0xffff;
	_ =	sdelay $0x4  }
0x238: {  	v5 =	vunpack.i.l.bf16.f32 v16;
	v4 =	vunpack.i.l.bf16.f32 v15;
	v34 =	vpop (erf)  }
0x239: {  	v4 =	vadd.f32 v5, v4;
	v17 =	vpop (erf)  }
0x23a: {  	v5 =	vadd.f32 $1.000000000e+00, v17  }
0x23b: {  	v4 =	vmul.f32 $1.442695020e+00, v4  }
0x23c: {  	(erf) = vrcp.f32 v5  }
0x23d: {  	(erf) = vpow2.f32 v4;
	_ =	sdelay $0x7  }
0x23e: {  	v1 =	vunpack.i.u.bf16.f32 v16;
	v0 =	vunpack.i.u.bf16.f32 v15;
	v33 =	vpop (erf)  }
0x23f: {  	v0 =	vadd.f32 v1, v0;
	v18 =	vpop (erf)  }
0x240: {  	v3 =	vadd.s32 $0x7530, v27;
	v1 =	vadd.f32 $1.000000000e+00, v18  }
0x241: {  	v2 =	vadd.s32 $0x11170, v24;
	v0 =	vmul.f32 $1.442695020e+00, v0  }
0x242: {  	(erf) = vrcp.f32 v1  }
0x243: {  	(erf) = vpow2.f32 v0;
	_ =	sdelay $0x1  }
0x244: {  	[tilespmem:$0x1FFC0] =	vst v19;
	v19 =	vld.idx.msk [tilespmem:v3+s3+$0x0], $0xffff  }
0x245: {  	v20 =	vld.idx.msk [tilespmem:v2+s3+$0x0], $0xffff;
	_ =	sdelay $0x4  }
0x246: {  	v21 =	vunpack.i.l.bf16.f32 v19;
	v22 =	vunpack.i.l.bf16.f32 v20;
	[tilespmem:$0x1FFE0] =	vst v32;
	v32 =	vpop (erf)  }
0x247: {  	v2 =	vadd.f32 v22, v21;
	v23 =	vpop (erf)  }
0x248: {  	v3 =	vadd.f32 $1.000000000e+00, v23  }
0x249: {  	v2 =	vmul.f32 $1.442695020e+00, v2  }
0x24a: {  	(erf) = vrcp.f32 v3  }
0x24b: {  	(erf) = vpow2.f32 v2;
	_ =	sdelay $0x5  }
0x24c: {  	v2 =	vld [tilespmem:s22+$0x10]  }
0x24d: {  	v3 =	vld [tilespmem:s20+$0x10]  }
0x24e: {  	v1 =	vunpack.i.u.bf16.f32 v20;
	v0 =	vunpack.i.u.bf16.f32 v19;
	v23 =	vpop (erf)  }
0x24f: {  	v0 =	vadd.f32 v1, v0;
	v24 =	vpop (erf)  }
0x250: {  	v1 =	vadd.f32 $1.000000000e+00, v24  }
0x251: {  	v0 =	vmul.f32 $1.442695020e+00, v0;
	v25 =	vadd.s32 $0x9C40, v2  }
0x252: {  	(erf) = vrcp.f32 v1  }
0x253: {  	(erf) = vpow2.f32 v0;
	_ =	sdelay $0x1  }
0x254: {  	v27 =	vld.idx.msk [tilespmem:v3+s3+$0x0], $0xffff  }
0x255: {  	[tilespmem:$0x1FFD0] =	vst v26;
	v26 =	vld.idx.msk [tilespmem:v25+s3+$0x0], $0xffff;
	_ =	sdelay $0x4  }
0x256: {  	[tilespmem:$0x1FFF0] =	vst v36;
	v36 =	vunpack.i.l.bf16.f32 v27;
	v37 =	vunpack.i.l.bf16.f32 v26;
	v31 =	vpop (erf)  }
0x257: {  	v4 =	vadd.f32 v37, v36;
	v38 =	vpop (erf)  }
0x258: {  	v5 =	vadd.f32 $1.000000000e+00, v38  }
0x259: {  	v4 =	vmul.f32 $1.442695020e+00, v4  }
0x25a: {  	(erf) = vrcp.f32 v5  }
0x25b: {  	(erf) = vpow2.f32 v4;
	_ =	sdelay $0x7  }
0x25c: {  	v1 =	vunpack.i.u.bf16.f32 v27;
	v0 =	vunpack.i.u.bf16.f32 v26;
	v29 =	vpop (erf)  }
0x25d: {  	v0 =	vadd.f32 v0, v1;
	v8 =	vpop (erf)  }
0x25e: {  	v9 =	vadd.s32 $0x2710, v3;
	v1 =	vadd.f32 $1.000000000e+00, v8  }
0x25f: {  	v10 =	vadd.s32 $0xC350, v2;
	v0 =	vmul.f32 $1.442695020e+00, v0  }
0x260: {  	(erf) = vrcp.f32 v1  }
0x261: {  	(erf) = vpow2.f32 v0;
	_ =	sdelay $0x1  }
0x262: {  	v11 =	vld.idx.msk [tilespmem:v9+s3+$0x0], $0xffff  }
0x263: {  	v12 =	vld.idx.msk [tilespmem:v10+s3+$0x0], $0xffff;
	_ =	sdelay $0x4  }
0x264: {  	v5 =	vunpack.i.l.bf16.f32 v12;
	v4 =	vunpack.i.l.bf16.f32 v11;
	v24 =	vpop (erf)  }
0x265: {  	v4 =	vadd.f32 v5, v4;
	v13 =	vpop (erf)  }
0x266: {  	v5 =	vadd.f32 $1.000000000e+00, v13  }
0x267: {  	v4 =	vmul.f32 $1.442695020e+00, v4  }
0x268: {  	(erf) = vrcp.f32 v5  }
0x269: {  	(erf) = vpow2.f32 v4;
	_ =	sdelay $0x7  }
0x26a: {  	v1 =	vunpack.i.u.bf16.f32 v12;
	v0 =	vunpack.i.u.bf16.f32 v11;
	v21 =	vpop (erf)  }
0x26b: {  	v0 =	vadd.f32 v1, v0;
	v14 =	vpop (erf)  }
0x26c: {  	v15 =	vadd.s32 $0x4E20, v3;
	v1 =	vadd.f32 $1.000000000e+00, v14  }
0x26d: {  	v16 =	vadd.s32 $0xEA60, v2;
	v0 =	vmul.f32 $1.442695020e+00, v0  }
0x26e: {  	(erf) = vrcp.f32 v1  }
0x26f: {  	(erf) = vpow2.f32 v0;
	_ =	sdelay $0x1  }
0x270: {  	v17 =	vld.idx.msk [tilespmem:v15+s3+$0x0], $0xffff  }
0x271: {  	v18 =	vld.idx.msk [tilespmem:v16+s3+$0x0], $0xffff;
	_ =	sdelay $0x4  }
0x272: {  	v19 =	vunpack.i.l.bf16.f32 v18;
	v5 =	vunpack.i.l.bf16.f32 v17;
	v22 =	vpop (erf)  }
0x273: {  	v5 =	vadd.f32 v19, v5;
	v20 =	vpop (erf)  }
0x274: {  	v8 =	vadd.f32 $1.000000000e+00, v20  }
0x275: {  	v5 =	vmul.f32 $1.442695020e+00, v5  }
0x276: {  	(erf) = vrcp.f32 v8  }
0x277: {  	(erf) = vpow2.f32 v5;
	_ =	sdelay $0x7  }
0x278: {  	v1 =	vunpack.i.u.bf16.f32 v18;
	v0 =	vunpack.i.u.bf16.f32 v17;
	v19 =	vpop (erf)  }
0x279: {  	v0 =	vadd.f32 v1, v0;
	v25 =	vpop (erf)  }
0x27a: {  	v2 =	vadd.s32 $0x11170, v2;
	v1 =	vadd.f32 $1.000000000e+00, v25  }
0x27b: {  	v3 =	vadd.s32 $0x7530, v3;
	v0 =	vmul.f32 $1.442695020e+00, v0  }
0x27c: {  	(erf) = vrcp.f32 v1  }
0x27d: {  	(erf) = vpow2.f32 v0;
	_ =	sdelay $0x1  }
0x27e: {  	v27 =	vld.idx.msk [tilespmem:v2+s3+$0x0], $0xffff  }
0x27f: {  	v26 =	vld.idx.msk [tilespmem:v3+s3+$0x0], $0xffff;
	_ =	sdelay $0x4  }
0x280: {  	v36 =	vunpack.i.l.bf16.f32 v27;
	v28 =	vunpack.i.l.bf16.f32 v26;
	v18 =	vpop (erf)  }
0x281: {  	v2 =	vadd.f32 v36, v28;
	v37 =	vpop (erf)  }
0x282: {  	v8 =	vadd.f32 $1.000000000e+00, v37  }
0x283: {  	v2 =	vmul.f32 $1.442695020e+00, v2  }
0x284: {  	(erf) = vrcp.f32 v8  }
0x285: {  	v38 =	vld [tilespmem:$0x1F790];
	(erf) = vpow2.f32 v2;
	_ =	sdelay $0x1  }
0x286: {  	v20 =	vld [tilespmem:$0x1F7A0];
	_ =	sdelay $0x2  }
0x287: {  	v4 =	vmul.f32 v35, v38;
	v17 =	vld [tilespmem:$0x1F7B0];
	_ =	sdelay $0x1  }
0x288: {  	v8 =	vadd.f32 v4, v20;
	v4 =	vld [tilespmem:$0x1F7C0]  }
0x289: {  	v1 =	vunpack.i.u.bf16.f32 v27;
	v0 =	vunpack.i.u.bf16.f32 v26;
	v16 =	vpop (erf)  }
0x28a: {  	v0 =	vadd.f32 v1, v0;
	v2 =	vld [tilespmem:$0x1F7D0];
	v10 =	vpop (erf)  }
0x28b: {  	v11 =	vmul.f32 v30, v17;
	v1 =	vadd.f32 $1.000000000e+00, v10  }
0x28c: {  	v0 =	vmul.f32 $1.442695020e+00, v0  }
0x28d: {  	v3 =	vld [tilespmem:$0x1F7E0];
	v15 =	vadd.f32 v8, v11;
	v25 =	vmul.f32 v34, v4;
	(erf) = vrcp.f32 v1  }
0x28e: {  	(erf) = vpow2.f32 v0  }
0x28f: {  	v27 =	vmul.f32 v33, v2;
	v26 =	vadd.f32 v25, v15;
	v25 =	vld [tilespmem:$0x1F7F0];
	_ =	sdelay $0x1  }
0x290: {  	v0 =	vadd.f32 v26, v27;
	v26 =	vld [tilespmem:$0x1F800]  }
0x291: {  	v28 =	vmul.f32 v32, v3;
	v1 =	vld [tilespmem:$0x1F810]  }
0x292: {  	v38 =	vmul.f32 v24, v38  }
0x293: {  	v36 =	vmul.f32 v23, v25;
	v0 =	vadd.f32 v28, v0  }
0x294: {  	v17 =	vmul.f32 v21, v17;
	v13 =	vadd.f32 v38, v20  }
0x295: {  	v0 =	vadd.f32 v0, v36;
	v37 =	vmul.f32 v31, v26;
	v14 =	vpop (erf)  }
0x296: {  	v28 =	vadd.f32 v13, v17;
	v27 =	vmul.f32 v29, v1;
	v5 =	vpop (erf)  }
0x297: {  	v36 =	vmul.f32 v22, v4;
	v0 =	vadd.f32 v37, v0;
	v8 =	vadd.f32 $1.000000000e+00, v5  }
0x298: {  	v37 =	vmul.f32 v19, v2  }
0x299: {  	v0 =	vadd.f32 v0, v27;
	(erf) = vrcp.f32 v8;
	v8 =	vadd.f32 v36, v28;
	_ =	sdelay $0x1  }
0x29a: {  	v2 =	vmul.f32 v18, v3;
	v0 =	vmul.f32 $1.442695020e+00, v0;
	v38 =	vadd.f32 v8, v37;
	_ =	sdelay $0x1  }
0x29b: {  	v3 =	vmul.f32 v16, v25;
	(erf) = vpow2.f32 v0;
	v0 =	vadd.f32 v2, v38;
	_ =	sdelay $0x1  }
0x29c: {  	v8 =	vadd.f32 v0, v3;
	v0 =	vld [tilespmem:$0x1F820]  }
0x29d: {  	v2 =	vld [tilespmem:$0x1F830]  }
0x29e: {  	v3 =	vld [tilespmem:$0x1F840];
	_ =	sdelay $0x2  }
0x29f: {  	v5 =	vmul.f32 v35, v0  }
0x2a0: {  	v12 =	vpop (erf)  }
0x2a1: {  	v11 =	vmul.f32 v12, v1;
	v1 =	vld [tilespmem:$0x1F850];
	v20 =	vmul.f32 v30, v3;
	v15 =	vadd.f32 v5, v2;
	_ =	sdelay $0x1  }
0x2a2: {  	v15 =	vadd.f32 v15, v20;
	v20 =	vld [tilespmem:$0x1F860];
	_ =	sdelay $0x2  }
0x2a3: {  	v4 =	vmul.f32 v14, v26;
	v26 =	vmul.f32 v34, v1;
	_ =	sdelay $0x1  }
0x2a4: {  	v8 =	vadd.f32 v4, v8;
	v27 =	vadd.f32 v26, v15;
	v28 =	vmul.f32 v33, v20;
	_ =	sdelay $0x1  }
0x2a5: {  	v25 =	vpop (erf);
	v8 =	vadd.f32 v8, v11;
	v36 =	vadd.f32 v27, v28;
	v27 =	vld [tilespmem:$0x1F870]  }
0x2a6: {  	v13 =	vadd.f32 $1.000000000e+00, v25  }
0x2a7: {  	v25 =	vld [tilespmem:$0x1F880];
	v8 =	vmul.f32 $1.442695020e+00, v8  }
0x2a8: {  	(erf) = vrcp.f32 v13  }
0x2a9: {  	(erf) = vpow2.f32 v8;
	v26 =	vld [tilespmem:$0x1F890]  }
0x2aa: {  	v37 =	vmul.f32 v32, v27  }
0x2ab: {  	v5 =	vmul.f32 v24, v0;
	v0 =	vld [tilespmem:$0x1F8A0]  }
0x2ac: {  	v38 =	vmul.f32 v23, v25;
	v8 =	vadd.f32 v37, v36  }
0x2ad: {  	v3 =	vmul.f32 v21, v3;
	v15 =	vadd.f32 v5, v2  }
0x2ae: {  	v5 =	vmul.f32 v22, v1;
	v1 =	vld [tilespmem:$0x1F8B0];
	v4 =	vmul.f32 v31, v26;
	v8 =	vadd.f32 v8, v38;
	_ =	sdelay $0x1  }
0x2af: {  	v2 =	vld [tilespmem:$0x1F8C0];
	v15 =	vadd.f32 v15, v3;
	v28 =	vmul.f32 v29, v0;
	v8 =	vadd.f32 v4, v8  }
0x2b0: {  	v3 =	vld [tilespmem:$0x1F8D0];
	v37 =	vpop (erf)  }
0x2b1: {  	v11 =	vmul.f32 v19, v20;
	v10 =	vadd.f32 v5, v15;
	v4 =	vpop (erf);
	v8 =	vadd.f32 v8, v28  }
0x2b2: {  	v20 =	vmul.f32 v18, v27;
	v27 =	vmul.f32 v35, v1;
	v13 =	vadd.f32 $1.000000000e+00, v4  }
0x2b3: {  	v25 =	vmul.f32 v16, v25;
	v17 =	vadd.f32 v10, v11;
	v8 =	vmul.f32 $1.442695020e+00, v8  }
0x2b4: {  	v15 =	vadd.f32 v27, v2;
	v28 =	vmul.f32 v12, v0;
	(erf) = vrcp.f32 v13  }
0x2b5: {  	v0 =	vmul.f32 v30, v3;
	(erf) = vpow2.f32 v8;
	v8 =	vadd.f32 v20, v17;
	_ =	sdelay $0x1  }
0x2b6: {  	v26 =	vmul.f32 v14, v26;
	v15 =	vadd.f32 v15, v0;
	v0 =	vld [tilespmem:$0x1F8E0];
	v8 =	vadd.f32 v8, v25;
	_ =	sdelay $0x1  }
0x2b7: {  	v20 =	vld [tilespmem:$0x1F8F0];
	v8 =	vadd.f32 v26, v8;
	_ =	sdelay $0x1  }
0x2b8: {  	v8 =	vadd.f32 v8, v28;
	v28 =	vld [tilespmem:$0x1F900]  }
0x2b9: {  	v5 =	vmul.f32 v34, v0  }
0x2ba: {  	v38 =	vpop (erf)  }
0x2bb: {  	v10 =	vadd.f32 v5, v15;
	v11 =	vmul.f32 v33, v20;
	v4 =	vpop (erf)  }
0x2bc: {  	v13 =	vadd.f32 $1.000000000e+00, v4  }
0x2bd: {  	v17 =	vadd.f32 v10, v11;
	v8 =	vmul.f32 $1.442695020e+00, v8;
	v25 =	vmul.f32 v32, v28  }
0x2be: {  	(erf) = vrcp.f32 v13  }
0x2bf: {  	(erf) = vpow2.f32 v8;
	v8 =	vadd.f32 v25, v17;
	v25 =	vld [tilespmem:$0x1F910];
	_ =	sdelay $0x4  }
0x2c0: {  	v26 =	vmul.f32 v23, v25;
	_ =	sdelay $0x1  }
0x2c1: {  	v8 =	vadd.f32 v8, v26;
	v26 =	vld [tilespmem:$0x1F920];
	_ =	sdelay $0x1  }
0x2c2: {  	v36 =	vmul.f32 v24, v1;
	v1 =	vld [tilespmem:$0x1F930];
	_ =	sdelay $0x2  }
0x2c3: {  	v15 =	vadd.f32 v36, v2;
	v5 =	vmul.f32 v21, v3;
	v27 =	vmul.f32 v31, v26  }
0x2c4: {  	v2 =	vmul.f32 v22, v0  }
0x2c5: {  	v15 =	vadd.f32 v15, v5;
	v4 =	vmul.f32 v29, v1;
	v8 =	vadd.f32 v27, v8  }
0x2c6: {  	v0 =	vld [tilespmem:$0x1F940]  }
0x2c7: {  	v3 =	vadd.f32 v2, v15;
	v8 =	vadd.f32 v8, v4;
	v4 =	vmul.f32 v19, v20  }
0x2c8: {  	v2 =	vld [tilespmem:$0x1F950]  }
0x2c9: {  	v17 =	vmul.f32 v18, v28;
	v27 =	vpop (erf);
	v5 =	vadd.f32 v3, v4;
	v3 =	vld [tilespmem:$0x1F960]  }
0x2ca: {  	v28 =	vmul.f32 v12, v1;
	v20 =	vmul.f32 v16, v25;
	v36 =	vpop (erf)  }
0x2cb: {  	v1 =	vld [tilespmem:$0x1F970];
	v25 =	vmul.f32 v14, v26;
	v26 =	vmul.f32 v35, v0;
	v13 =	vadd.f32 $1.000000000e+00, v36  }
0x2cc: {  	v8 =	vmul.f32 $1.442695020e+00, v8  }
0x2cd: {  	v15 =	vadd.f32 v26, v2;
	(erf) = vrcp.f32 v13  }
0x2ce: {  	(erf) = vpow2.f32 v8;
	v8 =	vadd.f32 v17, v5;
	v5 =	vmul.f32 v30, v3;
	_ =	sdelay $0x1  }
0x2cf: {  	v8 =	vadd.f32 v8, v20;
	v20 =	vmul.f32 v34, v1;
	v15 =	vadd.f32 v15, v5;
	_ =	sdelay $0x1  }
0x2d0: {  	v8 =	vadd.f32 v25, v8;
	v25 =	vadd.f32 v20, v15;
	v20 =	vld [tilespmem:$0x1F980];
	_ =	sdelay $0x4  }
0x2d1: {  	v4 =	vld [tilespmem:$0x1F990];
	v26 =	vmul.f32 v33, v20  }
0x2d2: {  	v36 =	vpop (erf)  }
0x2d3: {  	v8 =	vadd.f32 v8, v28;
	v11 =	vpop (erf);
	v28 =	vadd.f32 v25, v26;
	v25 =	vld [tilespmem:$0x1F9A0]  }
0x2d4: {  	v13 =	vadd.f32 $1.000000000e+00, v11  }
0x2d5: {  	v5 =	vld [tilespmem:$0x1F9B0];
	v8 =	vmul.f32 $1.442695020e+00, v8  }
0x2d6: {  	v9 =	vmul.f32 v32, v4;
	(erf) = vrcp.f32 v13  }
0x2d7: {  	(erf) = vpow2.f32 v8;
	v26 =	vmul.f32 v24, v0;
	v0 =	vld [tilespmem:$0x1F9C0]  }
0x2d8: {  	v8 =	vadd.f32 v9, v28;
	v10 =	vmul.f32 v23, v25;
	_ =	sdelay $0x1  }
0x2d9: {  	v11 =	vmul.f32 v31, v5;
	v8 =	vadd.f32 v8, v10  }
0x2da: {  	v3 =	vmul.f32 v21, v3  }
0x2db: {  	v15 =	vadd.f32 v26, v2;
	v28 =	vmul.f32 v29, v0;
	v8 =	vadd.f32 v11, v8;
	_ =	sdelay $0x1  }
0x2dc: {  	v15 =	vadd.f32 v15, v3;
	v8 =	vadd.f32 v8, v28;
	v28 =	vmul.f32 v22, v1  }
0x2dd: {  	v26 =	vpop (erf)  }
0x2de: {  	v2 =	vmul.f32 v19, v20;
	v11 =	vpop (erf);
	v1 =	vadd.f32 v28, v15  }
0x2df: {  	v9 =	vmul.f32 v18, v4;
	v13 =	vadd.f32 $1.000000000e+00, v11  }
0x2e0: {  	v10 =	vmul.f32 v16, v25;
	v8 =	vmul.f32 $1.442695020e+00, v8;
	v3 =	vadd.f32 v1, v2;
	v1 =	vld [tilespmem:$0x1F9D0]  }
0x2e1: {  	v25 =	vmul.f32 v12, v0;
	v0 =	vld [tilespmem:$0x1F9E0];
	(erf) = vrcp.f32 v13  }
0x2e2: {  	(erf) = vpow2.f32 v8;
	v8 =	vadd.f32 v9, v3;
	v3 =	vld [tilespmem:$0x1F9F0];
	_ =	sdelay $0x2  }
0x2e3: {  	v20 =	vmul.f32 v35, v1;
	_ =	sdelay $0x1  }
0x2e4: {  	v15 =	vadd.f32 v20, v0;
	v2 =	vmul.f32 v30, v3;
	_ =	sdelay $0x1  }
0x2e5: {  	v15 =	vadd.f32 v15, v2;
	v2 =	vld [tilespmem:$0x1FA00];
	_ =	sdelay $0x1  }
0x2e6: {  	v28 =	vpop (erf)  }
0x2e7: {  	v11 =	vmul.f32 v14, v5;
	v8 =	vadd.f32 v8, v10;
	v4 =	vpop (erf)  }
0x2e8: {  	v13 =	vadd.f32 $1.000000000e+00, v4;
	v4 =	vld [tilespmem:$0x1FA10]  }
0x2e9: {  	v8 =	vadd.f32 v11, v8;
	v5 =	vmul.f32 v34, v2;
	_ =	sdelay $0x1  }
0x2ea: {  	v8 =	vadd.f32 v8, v25;
	v11 =	vadd.f32 v5, v15;
	v5 =	vld [tilespmem:$0x1FA20];
	_ =	sdelay $0x1  }
0x2eb: {  	v6 =	vld [tilespmem:$0x1FA30];
	v8 =	vmul.f32 $1.442695020e+00, v8;
	v20 =	vmul.f32 v33, v4  }
0x2ec: {  	v7 =	vld [tilespmem:$0x1FA40];
	(erf) = vrcp.f32 v13  }
0x2ed: {  	(erf) = vpow2.f32 v8;
	v25 =	vadd.f32 v11, v20;
	v20 =	vmul.f32 v24, v1;
	v1 =	vld [tilespmem:$0x1FA50]  }
0x2ee: {  	v9 =	vmul.f32 v32, v5;
	_ =	sdelay $0x1  }
0x2ef: {  	v10 =	vmul.f32 v23, v6;
	v8 =	vadd.f32 v9, v25  }
0x2f0: {  	v3 =	vmul.f32 v21, v3;
	v11 =	vmul.f32 v31, v7  }
0x2f1: {  	v15 =	vadd.f32 v20, v0;
	v25 =	vmul.f32 v29, v1;
	v8 =	vadd.f32 v8, v10;
	_ =	sdelay $0x1  }
0x2f2: {  	v0 =	vmul.f32 v22, v2;
	v15 =	vadd.f32 v15, v3;
	v8 =	vadd.f32 v11, v8  }
0x2f3: {  	v17 =	vpop (erf)  }
0x2f4: {  	v3 =	vmul.f32 v19, v4;
	v2 =	vadd.f32 v0, v15;
	v8 =	vadd.f32 v8, v25;
	v25 =	vpop (erf)  }
0x2f5: {  	v13 =	vadd.f32 $1.000000000e+00, v25  }
0x2f6: {  	v10 =	vmul.f32 v18, v5;
	v4 =	vadd.f32 v2, v3;
	v8 =	vmul.f32 $1.442695020e+00, v8  }
0x2f7: {  	(erf) = vrcp.f32 v13  }
0x2f8: {  	(erf) = vpow2.f32 v8;
	v8 =	vadd.f32 v10, v4;
	v4 =	vld [tilespmem:$0x1FA60]  }
0x2f9: {  	v3 =	vld [tilespmem:$0x1FA70]  }
0x2fa: {  	v2 =	vld [tilespmem:$0x1FA80];
	_ =	sdelay $0x2  }
0x2fb: {  	v11 =	vmul.f32 v16, v6;
	v25 =	vmul.f32 v35, v4  }
0x2fc: {  	v20 =	vmul.f32 v14, v7  }
0x2fd: {  	v5 =	vmul.f32 v30, v2;
	v8 =	vadd.f32 v8, v11;
	v15 =	vadd.f32 v25, v3;
	_ =	sdelay $0x1  }
0x2fe: {  	v8 =	vadd.f32 v20, v8;
	v20 =	vmul.f32 v12, v1;
	v0 =	vadd.f32 v15, v5;
	v5 =	vld [tilespmem:$0x1FA90];
	_ =	sdelay $0x1  }
0x2ff: {  	v6 =	vld [tilespmem:$0x1FAA0]  }
0x300: {  	v25 =	vpop (erf)  }
0x301: {  	v7 =	vld [tilespmem:$0x1FAB0];
	v8 =	vadd.f32 v8, v20;
	v20 =	vpop (erf)  }
0x302: {  	v13 =	vadd.f32 $1.000000000e+00, v20;
	v1 =	vmul.f32 v34, v5  }
0x303: {  	v9 =	vld [tilespmem:$0x1FAC0];
	v8 =	vmul.f32 $1.442695020e+00, v8  }
0x304: {  	v10 =	vld [tilespmem:$0x1FAD0];
	v11 =	vmul.f32 v33, v6;
	(erf) = vrcp.f32 v13;
	v0 =	vadd.f32 v1, v0  }
0x305: {  	v13 =	vmul.f32 v24, v4;
	v4 =	vld [tilespmem:$0x1FAE0];
	(erf) = vpow2.f32 v8  }
0x306: {  	v15 =	vmul.f32 v32, v7;
	v0 =	vadd.f32 v0, v11;
	_ =	sdelay $0x1  }
0x307: {  	v20 =	vmul.f32 v23, v9;
	v0 =	vadd.f32 v15, v0;
	_ =	sdelay $0x1  }
0x308: {  	v1 =	vmul.f32 v31, v10;
	v0 =	vadd.f32 v0, v20;
	v20 =	vmul.f32 v29, v4;
	_ =	sdelay $0x1  }
0x309: {  	v1 =	vadd.f32 v1, v0  }
0x30a: {  	v15 =	vadd.f32 v13, v3;
	v13 =	vpop (erf);
	v0 =	vmul.f32 v21, v2  }
0x30b: {  	v1 =	vadd.f32 v1, v20;
	v20 =	vpop (erf)  }
0x30c: {  	v0 =	vadd.f32 v15, v0;
	v8 =	vadd.f32 $1.000000000e+00, v20;
	v20 =	vmul.f32 v22, v5;
	_ =	sdelay $0x1  }
0x30d: {  	v5 =	vmul.f32 v19, v6;
	v0 =	vadd.f32 v20, v0;
	_ =	sdelay $0x1  }
0x30e: {  	(erf) = vrcp.f32 v8;
	v8 =	vmul.f32 v18, v7;
	v0 =	vadd.f32 v0, v5;
	_ =	sdelay $0x1  }
0x30f: {  	v11 =	vmul.f32 v16, v9;
	v0 =	vadd.f32 v8, v0;
	_ =	sdelay $0x1  }
0x310: {  	v3 =	vld [tilespmem:$0x1FAF0];
	v15 =	vmul.f32 v14, v10;
	v0 =	vadd.f32 v0, v11  }
0x311: {  	v5 =	vld [tilespmem:$0x1FB00]  }
0x312: {  	v2 =	vadd.f32 v15, v0;
	v15 =	vmul.f32 v12, v4;
	v4 =	vld [tilespmem:$0x1FB10];
	_ =	sdelay $0x1  }
0x313: {  	v7 =	vld [tilespmem:$0x1FB20]  }
0x314: {  	v20 =	vmul.f32 v35, v3  }
0x315: {  	v9 =	vld [tilespmem:$0x1FB30];
	v1 =	vmul.f32 $1.442695020e+00, v1  }
0x316: {  	v8 =	vadd.f32 v20, v5;
	v10 =	vmul.f32 v30, v4  }
0x317: {  	(erf) = vpow2.f32 v1  }
0x318: {  	v1 =	vadd.f32 v2, v15;
	v15 =	vmul.f32 v34, v7;
	v0 =	vadd.f32 v8, v10;
	_ =	sdelay $0x1  }
0x319: {  	v10 =	vmul.f32 v33, v9;
	v0 =	vadd.f32 v15, v0;
	_ =	sdelay $0x1  }
0x31a: {  	v0 =	vadd.f32 v0, v10;
	v10 =	vld [tilespmem:$0x1FB40];
	_ =	sdelay $0x2  }
0x31b: {  	v20 =	vpop (erf)  }
0x31c: {  	v11 =	vpop (erf)  }
0x31d: {  	v2 =	vadd.f32 $1.000000000e+00, v11;
	v8 =	vld [tilespmem:$0x1FB50];
	v11 =	vmul.f32 v32, v10;
	_ =	sdelay $0x1  }
0x31e: {  	v0 =	vadd.f32 v11, v0;
	v11 =	vld [tilespmem:$0x1FB60];
	_ =	sdelay $0x2  }
0x31f: {  	v1 =	vmul.f32 $1.442695020e+00, v1;
	v15 =	vmul.f32 v23, v8  }
0x320: {  	(erf) = vrcp.f32 v2  }
0x321: {  	(erf) = vpow2.f32 v1;
	v0 =	vadd.f32 v0, v15;
	v6 =	vmul.f32 v31, v11;
	_ =	sdelay $0x1  }
0x322: {  	v15 =	vmul.f32 v24, v3;
	v3 =	vadd.f32 v6, v0;
	v6 =	vld [tilespmem:$0x1FB70];
	_ =	sdelay $0x3  }
0x323: {  	v2 =	vadd.f32 v15, v5;
	v0 =	vmul.f32 v21, v4  }
0x324: {  	v1 =	vmul.f32 v29, v6  }
0x325: {  	v7 =	vmul.f32 v22, v7;
	v15 =	vpop (erf);
	v0 =	vadd.f32 v2, v0  }
0x326: {  	v1 =	vadd.f32 v3, v1;
	v3 =	vpop (erf)  }
0x327: {  	v0 =	vadd.f32 v7, v0;
	v7 =	vmul.f32 v19, v9;
	v2 =	vadd.f32 $1.000000000e+00, v3  }
0x328: {  	v1 =	vmul.f32 $1.442695020e+00, v1  }
0x329: {  	v4 =	vld [tilespmem:$0x1FB80];
	v9 =	vmul.f32 v18, v10;
	v0 =	vadd.f32 v0, v7;
	(erf) = vrcp.f32 v2  }
0x32a: {  	v5 =	vld [tilespmem:$0x1FB90];
	(erf) = vpow2.f32 v1  }
0x32b: {  	v0 =	vadd.f32 v9, v0;
	v9 =	vmul.f32 v12, v6;
	v6 =	vld [tilespmem:$0x1FBA0];
	_ =	sdelay $0x1  }
0x32c: {  	v10 =	vmul.f32 v16, v8  }
0x32d: {  	v8 =	vmul.f32 v35, v4;
	v7 =	vld [tilespmem:$0x1FBB0]  }
0x32e: {  	v11 =	vmul.f32 v14, v11;
	v0 =	vadd.f32 v0, v10  }
0x32f: {  	v2 =	vadd.f32 v8, v5;
	v8 =	vld [tilespmem:$0x1FBC0];
	v10 =	vmul.f32 v30, v6  }
0x330: {  	v0 =	vadd.f32 v11, v0  }
0x331: {  	v2 =	vadd.f32 v2, v10;
	v10 =	vld [tilespmem:$0x1FBE0];
	v30 =	vpop (erf)  }
0x332: {  	v34 =	vmul.f32 v34, v7;
	v0 =	vadd.f32 v0, v9;
	v9 =	vld [tilespmem:$0x1FBD0];
	v11 =	vpop (erf)  }
0x333: {  	v1 =	vadd.f32 $1.000000000e+00, v11  }
0x334: {  	v0 =	vmul.f32 $1.442695020e+00, v0;
	v35 =	vadd.f32 v34, v2;
	v11 =	vmul.f32 v33, v8  }
0x335: {  	(erf) = vrcp.f32 v1  }
0x336: {  	v33 =	vadd.f32 v35, v11;
	v35 =	vmul.f32 v23, v10;
	v23 =	vld [tilespmem:$0x1FBF0];
	(erf) = vpow2.f32 v0  }
0x337: {  	v34 =	vmul.f32 v32, v9;
	v32 =	vld [tilespmem:$0x1FC00];
	_ =	sdelay $0x1  }
0x338: {  	v0 =	vadd.f32 v34, v33;
	_ =	sdelay $0x1  }
0x339: {  	v0 =	vadd.f32 v0, v35;
	v11 =	vmul.f32 v31, v23;
	v31 =	vmul.f32 v24, v4  }
0x33a: {  	v33 =	vmul.f32 v29, v32  }
0x33b: {  	v34 =	vmul.f32 v21, v6;
	v0 =	vadd.f32 v11, v0;
	v2 =	vadd.f32 v31, v5  }
0x33c: {  	v21 =	vpop (erf)  }
0x33d: {  	v6 =	vmul.f32 v22, v7;
	v0 =	vadd.f32 v0, v33;
	v2 =	vadd.f32 v2, v34;
	v35 =	vpop (erf)  }
0x33e: {  	v1 =	vadd.f32 $1.000000000e+00, v35  }
0x33f: {  	v11 =	vmul.f32 v19, v8;
	v0 =	vmul.f32 $1.442695020e+00, v0;
	v7 =	vadd.f32 v6, v2  }
0x340: {  	(erf) = vrcp.f32 v1  }
0x341: {  	v22 =	vmul.f32 v18, v9;
	v19 =	vadd.f32 v7, v11;
	(erf) = vpow2.f32 v0;
	_ =	sdelay $0x1  }
0x342: {  	v24 =	vmul.f32 v16, v10;
	v0 =	vadd.f32 v22, v19  }
0x343: {  	v31 =	vmul.f32 v12, v32;
	v32 =	vld [tilespmem:$0x1FC10]  }
0x344: {  	v35 =	vld [tilespmem:$0x1FC30];
	v0 =	vadd.f32 v0, v24  }
0x345: {  	v29 =	vmul.f32 v14, v23;
	v7 =	vld [tilespmem:$0x1FC20];
	_ =	sdelay $0x1  }
0x346: {  	v9 =	vld [tilespmem:$0x1FC40];
	v1 =	vadd.f32 v29, v0  }
0x347: {  	v33 =	vmul.f32 v37, v32;
	v0 =	vpop (erf)  }
0x348: {  	v18 =	vld [tilespmem:$0x1FC50];
	v1 =	vadd.f32 v1, v31;
	v34 =	vpop (erf)  }
0x349: {  	v11 =	vmul.f32 v27, v35;
	v3 =	vadd.f32 v33, v7;
	v2 =	vadd.f32 $1.000000000e+00, v34  }
0x34a: {  	v8 =	vld [tilespmem:$0x1FC60];
	v1 =	vmul.f32 $1.442695020e+00, v1  }
0x34b: {  	v14 =	vmul.f32 v26, v9;
	v12 =	vadd.f32 v3, v11;
	(erf) = vrcp.f32 v2  }
0x34c: {  	v11 =	vld [tilespmem:$0x1FC70];
	(erf) = vpow2.f32 v1  }
0x34d: {  	v19 =	vmul.f32 v17, v18;
	v16 =	vadd.f32 v12, v14  }
0x34e: {  	v24 =	vld [tilespmem:$0x1FC80]  }
0x34f: {  	v22 =	vmul.f32 v13, v8;
	v1 =	vadd.f32 v16, v19  }
0x350: {  	v33 =	vld [tilespmem:$0x1FC90]  }
0x351: {  	v23 =	vmul.f32 v15, v11;
	v1 =	vadd.f32 v1, v22;
	_ =	sdelay $0x1  }
0x352: {  	v29 =	vmul.f32 v21, v24;
	v1 =	vadd.f32 v1, v23  }
0x353: {  	v31 =	vmul.f32 v38, v32;
	v2 =	vpop (erf)  }
0x354: {  	v1 =	vadd.f32 v1, v29;
	v32 =	vpop (erf);
	v34 =	vmul.f32 v2, v33  }
0x355: {  	v6 =	vmul.f32 v36, v35;
	v4 =	vadd.f32 v31, v7;
	v3 =	vadd.f32 $1.000000000e+00, v32  }
0x356: {  	v1 =	vadd.f32 v1, v34  }
0x357: {  	v35 =	vadd.f32 v4, v6;
	v16 =	vmul.f32 v28, v9;
	(erf) = vrcp.f32 v3  }
0x358: {  	v1 =	vmul.f32 $1.442695020e+00, v1  }
0x359: {  	v18 =	vmul.f32 v25, v18;
	v7 =	vld [tilespmem:$0x1FCA0];
	v3 =	vadd.f32 v35, v16  }
0x35a: {  	(erf) = vpow2.f32 v1  }
0x35b: {  	v9 =	vld [tilespmem:$0x1FCB0];
	v22 =	vmul.f32 v20, v8;
	v19 =	vadd.f32 v3, v18  }
0x35c: {  	v10 =	vld [tilespmem:$0x1FCC0]  }
0x35d: {  	v23 =	vmul.f32 v30, v11;
	v1 =	vadd.f32 v19, v22  }
0x35e: {  	v8 =	vld [tilespmem:$0x1FCD0];
	v29 =	vmul.f32 v37, v7  }
0x35f: {  	v24 =	vmul.f32 v0, v24;
	v1 =	vadd.f32 v1, v23  }
0x360: {  	v11 =	vld [tilespmem:$0x1FCE0];
	v5 =	vadd.f32 v29, v9;
	v3 =	vpop (erf)  }
0x361: {  	v32 =	vmul.f32 v27, v10;
	v1 =	vadd.f32 v1, v24;
	v31 =	vmul.f32 v3, v33  }
0x362: {  	v18 =	vld [tilespmem:$0x1FCF0]  }
0x363: {  	v34 =	vmul.f32 v26, v8;
	v5 =	vadd.f32 v5, v32;
	v1 =	vadd.f32 v1, v31;
	v33 =	vpop (erf)  }
0x364: {  	v23 =	vld [tilespmem:$0x1FD00];
	v4 =	vadd.f32 $1.000000000e+00, v33  }
0x365: {  	v12 =	vmul.f32 v17, v11;
	v35 =	vadd.f32 v5, v34;
	v1 =	vmul.f32 $1.442695020e+00, v1  }
0x366: {  	(erf) = vrcp.f32 v4  }
0x367: {  	v29 =	vld [tilespmem:$0x1FD10];
	v14 =	vadd.f32 v35, v12;
	v22 =	vmul.f32 v13, v18;
	(erf) = vpow2.f32 v1;
	_ =	sdelay $0x1  }
0x368: {  	v24 =	vmul.f32 v15, v23;
	v33 =	vld [tilespmem:$0x1FD20];
	v1 =	vadd.f32 v14, v22;
	_ =	sdelay $0x1  }
0x369: {  	v1 =	vadd.f32 v1, v24  }
0x36a: {  	v31 =	vmul.f32 v21, v29  }
0x36b: {  	v32 =	vmul.f32 v38, v7  }
0x36c: {  	v34 =	vmul.f32 v2, v33;
	v4 =	vadd.f32 v1, v31  }
0x36d: {  	v5 =	vadd.f32 v32, v9;
	v35 =	vmul.f32 v36, v10;
	v1 =	vpop (erf)  }
0x36e: {  	v4 =	vadd.f32 v4, v34;
	v9 =	vpop (erf)  }
0x36f: {  	v10 =	vmul.f32 v28, v8;
	v5 =	vadd.f32 v5, v35;
	v6 =	vadd.f32 $1.000000000e+00, v9  }
0x370: {  	v24 =	vmul.f32 v0, v29;
	v29 =	vld [tilespmem:$0x1FD30];
	v4 =	vmul.f32 $1.442695020e+00, v4  }
0x371: {  	v11 =	vmul.f32 v25, v11;
	v12 =	vld [tilespmem:$0x1FD50];
	v5 =	vadd.f32 v5, v10;
	(erf) = vrcp.f32 v6  }
0x372: {  	v10 =	vld [tilespmem:$0x1FD40];
	(erf) = vpow2.f32 v4  }
0x373: {  	v19 =	vadd.f32 v5, v11;
	v22 =	vmul.f32 v20, v18  }
0x374: {  	v11 =	vld [tilespmem:$0x1FD60]  }
0x375: {  	v23 =	vmul.f32 v30, v23;
	v31 =	vmul.f32 v37, v29;
	v4 =	vadd.f32 v19, v22  }
0x376: {  	v18 =	vld [tilespmem:$0x1FD70];
	v32 =	vmul.f32 v3, v33  }
0x377: {  	v33 =	vmul.f32 v27, v12;
	v6 =	vadd.f32 v31, v10;
	v4 =	vadd.f32 v4, v23  }
0x378: {  	v19 =	vld [tilespmem:$0x1FD80]  }
0x379: {  	v35 =	vmul.f32 v26, v11;
	v6 =	vadd.f32 v6, v33;
	v4 =	vadd.f32 v4, v24  }
0x37a: {  	v5 =	vpop (erf)  }
0x37b: {  	v9 =	vmul.f32 v17, v18;
	v6 =	vadd.f32 v6, v35;
	v4 =	vadd.f32 v4, v32;
	v34 =	vpop (erf)  }
0x37c: {  	v7 =	vadd.f32 $1.000000000e+00, v34  }
0x37d: {  	v14 =	vadd.f32 v6, v9;
	v22 =	vmul.f32 v13, v19;
	v4 =	vmul.f32 $1.442695020e+00, v4  }
0x37e: {  	(erf) = vrcp.f32 v7  }
0x37f: {  	(erf) = vpow2.f32 v4;
	v4 =	vadd.f32 v14, v22;
	v14 =	vld [tilespmem:$0x1FD90];
	_ =	sdelay $0x1  }
0x380: {  	v16 =	vld [tilespmem:$0x1FDA0];
	_ =	sdelay $0x1  }
0x381: {  	v31 =	vld [tilespmem:$0x1FDB0]  }
0x382: {  	v29 =	vmul.f32 v38, v29;
	v23 =	vmul.f32 v15, v14  }
0x383: {  	v33 =	vmul.f32 v36, v12  }
0x384: {  	v24 =	vmul.f32 v21, v16;
	v7 =	vadd.f32 v29, v10;
	v4 =	vadd.f32 v4, v23  }
0x385: {  	v35 =	vmul.f32 v28, v11  }
0x386: {  	v32 =	vmul.f32 v2, v31;
	v7 =	vadd.f32 v7, v33;
	v4 =	vadd.f32 v4, v24  }
0x387: {  	v6 =	vpop (erf)  }
0x388: {  	v12 =	vmul.f32 v25, v18;
	v7 =	vadd.f32 v7, v35;
	v34 =	vpop (erf);
	v4 =	vadd.f32 v4, v32  }
0x389: {  	v9 =	vadd.f32 $1.000000000e+00, v34  }
0x38a: {  	v18 =	vadd.f32 v7, v12;
	v12 =	vld [tilespmem:$0x1FDC0];
	v4 =	vmul.f32 $1.442695020e+00, v4  }
0x38b: {  	v8 =	vld [tilespmem:$0x1FDD0];
	v22 =	vmul.f32 v20, v19;
	(erf) = vrcp.f32 v9  }
0x38c: {  	v24 =	vmul.f32 v0, v16;
	v16 =	vld [tilespmem:$0x1FDE0];
	(erf) = vpow2.f32 v4;
	_ =	sdelay $0x1  }
0x38d: {  	v23 =	vmul.f32 v30, v14;
	v14 =	vld [tilespmem:$0x1FDF0];
	v4 =	vadd.f32 v18, v22  }
0x38e: {  	v29 =	vmul.f32 v37, v12  }
0x38f: {  	v4 =	vadd.f32 v4, v23;
	v23 =	vld [tilespmem:$0x1FE00]  }
0x390: {  	v9 =	vadd.f32 v29, v8;
	v32 =	vmul.f32 v27, v16  }
0x391: {  	v4 =	vadd.f32 v4, v24;
	v24 =	vld [tilespmem:$0x1FE10]  }
0x392: {  	v31 =	vmul.f32 v3, v31;
	v34 =	vmul.f32 v26, v14;
	v9 =	vadd.f32 v9, v32  }
0x393: {  	v7 =	vpop (erf)  }
0x394: {  	v9 =	vadd.f32 v9, v34;
	v4 =	vadd.f32 v4, v31;
	v35 =	vmul.f32 v17, v23;
	v33 =	vpop (erf)  }
0x395: {  	v10 =	vadd.f32 $1.000000000e+00, v33  }
0x396: {  	v4 =	vmul.f32 $1.442695020e+00, v4;
	v18 =	vadd.f32 v9, v35;
	v19 =	vmul.f32 v13, v24  }
0x397: {  	(erf) = vrcp.f32 v10  }
0x398: {  	(erf) = vpow2.f32 v4;
	v4 =	vadd.f32 v18, v19;
	v18 =	vld [tilespmem:$0x1FE20];
	_ =	sdelay $0x1  }
0x399: {  	v19 =	vld [tilespmem:$0x1FE30]  }
0x39a: {  	v32 =	vld [tilespmem:$0x1FE40];
	_ =	sdelay $0x1  }
0x39b: {  	v31 =	vmul.f32 v38, v12;
	v22 =	vmul.f32 v15, v18  }
0x39c: {  	v34 =	vmul.f32 v36, v16  }
0x39d: {  	v10 =	vadd.f32 v31, v8;
	v29 =	vmul.f32 v21, v19;
	v4 =	vadd.f32 v4, v22  }
0x39e: {  	v33 =	vmul.f32 v2, v32  }
0x39f: {  	v8 =	vmul.f32 v28, v14;
	v10 =	vadd.f32 v10, v34;
	v4 =	vadd.f32 v4, v29  }
0x3a0: {  	v9 =	vpop (erf)  }
0x3a1: {  	v14 =	vmul.f32 v25, v23;
	v10 =	vadd.f32 v10, v8;
	v35 =	vpop (erf);
	v4 =	vadd.f32 v4, v33  }
0x3a2: {  	v11 =	vadd.f32 $1.000000000e+00, v35  }
0x3a3: {  	v23 =	vmul.f32 v20, v24;
	v8 =	vld [tilespmem:$0x1FE50];
	v16 =	vadd.f32 v10, v14;
	v4 =	vmul.f32 $1.442695020e+00, v4  }
0x3a4: {  	v29 =	vmul.f32 v0, v19;
	v19 =	vld [tilespmem:$0x1FE70];
	(erf) = vrcp.f32 v11  }
0x3a5: {  	(erf) = vpow2.f32 v4;
	v4 =	vadd.f32 v16, v23;
	v16 =	vld [tilespmem:$0x1FE60];
	_ =	sdelay $0x1  }
0x3a6: {  	v24 =	vmul.f32 v30, v18;
	v18 =	vld [tilespmem:$0x1FE80]  }
0x3a7: {  	v31 =	vmul.f32 v37, v8  }
0x3a8: {  	v4 =	vadd.f32 v4, v24;
	v24 =	vld [tilespmem:$0x1FE90]  }
0x3a9: {  	v33 =	vmul.f32 v27, v19;
	v11 =	vadd.f32 v31, v16  }
0x3aa: {  	v4 =	vadd.f32 v4, v29;
	v29 =	vld [tilespmem:$0x1FEA0]  }
0x3ab: {  	v32 =	vmul.f32 v3, v32;
	v35 =	vmul.f32 v26, v18;
	v11 =	vadd.f32 v11, v33  }
0x3ac: {  	v10 =	vpop (erf)  }
0x3ad: {  	v4 =	vadd.f32 v4, v32;
	v22 =	vmul.f32 v17, v24;
	v34 =	vpop (erf);
	v11 =	vadd.f32 v11, v35  }
0x3ae: {  	v12 =	vadd.f32 $1.000000000e+00, v34  }
0x3af: {  	v4 =	vmul.f32 $1.442695020e+00, v4;
	v32 =	vmul.f32 v13, v29;
	v23 =	vadd.f32 v11, v22;
	v22 =	vld [tilespmem:$0x1FEB0]  }
0x3b0: {  	(erf) = vrcp.f32 v12  }
0x3b1: {  	(erf) = vpow2.f32 v4;
	v4 =	vadd.f32 v23, v32;
	v23 =	vld [tilespmem:$0x1FEC0];
	_ =	sdelay $0x1  }
0x3b2: {  	v31 =	vld [tilespmem:$0x1FED0]  }
0x3b3: {  	v33 =	vmul.f32 v15, v22;
	_ =	sdelay $0x1  }
0x3b4: {  	v4 =	vadd.f32 v4, v33;
	v34 =	vmul.f32 v21, v23  }
0x3b5: {  	v35 =	vmul.f32 v38, v8  }
0x3b6: {  	v32 =	vmul.f32 v2, v31;
	v4 =	vadd.f32 v4, v34  }
0x3b7: {  	v12 =	vadd.f32 v35, v16;
	v33 =	vmul.f32 v36, v19;
	v11 =	vpop (erf)  }
0x3b8: {  	v4 =	vadd.f32 v4, v32;
	v34 =	vpop (erf)  }
0x3b9: {  	v35 =	vmul.f32 v28, v18;
	v12 =	vadd.f32 v12, v33;
	v14 =	vadd.f32 $1.000000000e+00, v34  }
0x3ba: {  	v4 =	vmul.f32 $1.442695020e+00, v4  }
0x3bb: {  	v16 =	vmul.f32 v25, v24;
	v12 =	vadd.f32 v12, v35;
	(erf) = vrcp.f32 v14  }
0x3bc: {  	(erf) = vpow2.f32 v4  }
0x3bd: {  	v19 =	vmul.f32 v20, v29;
	v18 =	vadd.f32 v12, v16;
	_ =	sdelay $0x1  }
0x3be: {  	v22 =	vmul.f32 v30, v22;
	v4 =	vadd.f32 v18, v19;
	_ =	sdelay $0x1  }
0x3bf: {  	v8 =	vld [tilespmem:$0x1FEE0];
	v23 =	vmul.f32 v0, v23;
	v4 =	vadd.f32 v4, v22  }
0x3c0: {  	v24 =	vmul.f32 v37, v60  }
0x3c1: {  	v29 =	vmul.f32 v3, v31;
	v34 =	vld [tilespmem:$0x1FEF0];
	v4 =	vadd.f32 v4, v23  }
0x3c2: {  	v31 =	vmul.f32 v27, v61;
	v14 =	vadd.f32 v24, v63;
	v12 =	vpop (erf)  }
0x3c3: {  	v4 =	vadd.f32 v4, v29;
	v32 =	vpop (erf)  }
0x3c4: {  	v33 =	vmul.f32 v26, v8;
	v14 =	vadd.f32 v14, v31;
	v16 =	vadd.f32 $1.000000000e+00, v32  }
0x3c5: {  	v4 =	vmul.f32 $1.442695020e+00, v4  }
0x3c6: {  	v35 =	vmul.f32 v17, v34;
	v14 =	vadd.f32 v14, v33;
	(erf) = vrcp.f32 v16  }
0x3c7: {  	(erf) = vpow2.f32 v4  }
0x3c8: {  	v19 =	vmul.f32 v13, v62;
	v16 =	vadd.f32 v14, v35;
	_ =	sdelay $0x1  }
0x3c9: {  	v22 =	vmul.f32 v15, v59;
	v4 =	vadd.f32 v16, v19;
	_ =	sdelay $0x1  }
0x3ca: {  	v23 =	vmul.f32 v21, v56;
	v4 =	vadd.f32 v4, v22  }
0x3cb: {  	v24 =	vmul.f32 v38, v60  }
0x3cc: {  	v29 =	vmul.f32 v2, v57;
	v4 =	vadd.f32 v4, v23  }
0x3cd: {  	v31 =	vmul.f32 v36, v61;
	v16 =	vadd.f32 v24, v63;
	v14 =	vpop (erf)  }
0x3ce: {  	v4 =	vadd.f32 v4, v29;
	v32 =	vpop (erf)  }
0x3cf: {  	v33 =	vmul.f32 v28, v8;
	v16 =	vadd.f32 v16, v31;
	v19 =	vadd.f32 $1.000000000e+00, v32  }
0x3d0: {  	v4 =	vmul.f32 $1.442695020e+00, v4  }
0x3d1: {  	v34 =	vmul.f32 v25, v34;
	v16 =	vadd.f32 v16, v33;
	(erf) = vrcp.f32 v19  }
0x3d2: {  	(erf) = vpow2.f32 v4  }
0x3d3: {  	v60 =	vmul.f32 v20, v62;
	v35 =	vadd.f32 v16, v34;
	_ =	sdelay $0x1  }
0x3d4: {  	v61 =	vmul.f32 v30, v59;
	v4 =	vadd.f32 v35, v60;
	_ =	sdelay $0x1  }
0x3d5: {  	v62 =	vmul.f32 v0, v56;
	v4 =	vadd.f32 v4, v61  }
0x3d6: {  	v63 =	vmul.f32 v37, v52  }
0x3d7: {  	v8 =	vmul.f32 v3, v57;
	v4 =	vadd.f32 v4, v62  }
0x3d8: {  	v18 =	vmul.f32 v27, v53;
	v19 =	vadd.f32 v63, v54;
	v16 =	vpop (erf)  }
0x3d9: {  	v4 =	vadd.f32 v4, v8;
	v24 =	vpop (erf)  }
0x3da: {  	v29 =	vmul.f32 v26, v58;
	v19 =	vadd.f32 v19, v18;
	v22 =	vadd.f32 $1.000000000e+00, v24  }
0x3db: {  	v4 =	vmul.f32 $1.442695020e+00, v4  }
0x3dc: {  	v31 =	vmul.f32 v17, v55;
	v19 =	vadd.f32 v19, v29;
	(erf) = vrcp.f32 v22  }
0x3dd: {  	(erf) = vpow2.f32 v4  }
0x3de: {  	v33 =	vmul.f32 v13, v51;
	v32 =	vadd.f32 v19, v31;
	_ =	sdelay $0x1  }
0x3df: {  	v34 =	vmul.f32 v15, v50;
	v4 =	vadd.f32 v32, v33;
	_ =	sdelay $0x1  }
0x3e0: {  	v35 =	vmul.f32 v21, v47;
	v4 =	vadd.f32 v4, v34  }
0x3e1: {  	v56 =	vmul.f32 v38, v52  }
0x3e2: {  	v57 =	vmul.f32 v2, v48;
	v4 =	vadd.f32 v4, v35  }
0x3e3: {  	v59 =	vmul.f32 v36, v53;
	v22 =	vadd.f32 v56, v54;
	v19 =	vpop (erf)  }
0x3e4: {  	v4 =	vadd.f32 v4, v57;
	v60 =	vpop (erf)  }
0x3e5: {  	v61 =	vmul.f32 v28, v58;
	v22 =	vadd.f32 v22, v59;
	v23 =	vadd.f32 $1.000000000e+00, v60  }
0x3e6: {  	v4 =	vmul.f32 $1.442695020e+00, v4  }
0x3e7: {  	v62 =	vmul.f32 v25, v55;
	v22 =	vadd.f32 v22, v61;
	(erf) = vrcp.f32 v23  }
0x3e8: {  	(erf) = vpow2.f32 v4  }
0x3e9: {  	v8 =	vmul.f32 v20, v51;
	v63 =	vadd.f32 v22, v62;
	_ =	sdelay $0x1  }
0x3ea: {  	v18 =	vmul.f32 v30, v50;
	v4 =	vadd.f32 v63, v8  }
0x3eb: {  	v24 =	vmul.f32 v0, v47  }
0x3ec: {  	v4 =	vadd.f32 v4, v18  }
0x3ed: {  	v29 =	vmul.f32 v37, v44  }
0x3ee: {  	v31 =	vmul.f32 v3, v48;
	v4 =	vadd.f32 v4, v24  }
0x3ef: {  	v27 =	vmul.f32 v27, v42;
	v23 =	vadd.f32 v29, v46;
	v24 =	vpop (erf)  }
0x3f0: {  	v4 =	vadd.f32 v4, v31;
	v32 =	vpop (erf)  }
0x3f1: {  	v26 =	vmul.f32 v26, v45;
	v23 =	vadd.f32 v23, v27;
	v22 =	vadd.f32 $1.000000000e+00, v32  }
0x3f2: {  	v4 =	vmul.f32 $1.442695020e+00, v4  }
0x3f3: {  	v17 =	vmul.f32 v17, v49;
	v33 =	vadd.f32 v23, v26;
	(erf) = vrcp.f32 v22  }
0x3f4: {  	(erf) = vpow2.f32 v4  }
0x3f5: {  	v13 =	vmul.f32 v13, v43;
	v34 =	vadd.f32 v33, v17;
	_ =	sdelay $0x1  }
0x3f6: {  	v35 =	vmul.f32 v15, v41;
	v4 =	vadd.f32 v34, v13;
	_ =	sdelay $0x1  }
0x3f7: {  	v37 =	vmul.f32 v21, v40;
	v4 =	vadd.f32 v4, v35  }
0x3f8: {  	v44 =	vmul.f32 v38, v44  }
0x3f9: {  	v2 =	vmul.f32 v2, v39;
	v4 =	vadd.f32 v4, v37  }
0x3fa: {  	v48 =	vmul.f32 v36, v42;
	v47 =	vadd.f32 v44, v46;
	v17 =	vpop (erf)  }
0x3fb: {  	v2 =	vadd.f32 v4, v2;
	v50 =	vpop (erf)  }
0x3fc: {  	v51 =	vmul.f32 v28, v45;
	v8 =	vadd.f32 v47, v48;
	v4 =	vadd.f32 $1.000000000e+00, v50  }
0x3fd: {  	v2 =	vmul.f32 $1.442695020e+00, v2  }
0x3fe: {  	v53 =	vmul.f32 v25, v49;
	v52 =	vadd.f32 v8, v51;
	(erf) = vrcp.f32 v4  }
0x3ff: {  	(erf) = vpow2.f32 v2  }
0x400: {  	v55 =	vmul.f32 v20, v43;
	v54 =	vadd.f32 v52, v53;
	_ =	sdelay $0x1  }
0x401: {  	v56 =	vmul.f32 v30, v41;
	v2 =	vadd.f32 v54, v55;
	_ =	sdelay $0x1  }
0x402: {  	v58 =	vld [tilespmem:$0x1B5B0];
	v0 =	vmul.f32 v0, v40;
	v2 =	vadd.f32 v2, v56  }
0x403: {  	v38 =	vld [tilespmem:$0x1B600]  }
0x404: {  	v28 =	vld [tilespmem:$0x1B5E0];
	v57 =	vmul.f32 v3, v39;
	v0 =	vadd.f32 v2, v0  }
0x405: {  	v44 =	vld [tilespmem:$0x1FFA0];
	v59 =	vpop (erf)  }
0x406: {  	v62 =	vld [tilespmem:$0x1B5C0];
	v0 =	vadd.f32 v0, v57;
	v61 =	vpop (erf)  }
0x407: {  	v60 =	vld [tilespmem:$0x1B730];
	v2 =	vadd.f32 $1.000000000e+00, v61  }
0x408: {  	v30 =	vld [tilespmem:$0x1FF30];
	v0 =	vmul.f32 $1.442695020e+00, v0  }
0x409: {  	v63 =	vld [tilespmem:$0x1B5D0];
	(erf) = vrcp.f32 v2  }
0x40a: {  	v1 =	vmul.f32 v1, v58;
	v29 =	vld [tilespmem:$0x1FF20];
	(erf) = vpow2.f32 v0  }
0x40b: {  	v3 =	vmul.f32 v5, v58;
	v26 =	vld [tilespmem:$0x1FF00]  }
0x40c: {  	v6 =	vmul.f32 v6, v62;
	v27 =	vld [tilespmem:$0x1FF10];
	v1 =	vadd.f32 v1, v60  }
0x40d: {  	v49 =	vmul.f32 v12, v28;
	v42 =	vmul.f32 v7, v62;
	v47 =	vld [tilespmem:$0x1FFB0];
	v3 =	vadd.f32 v3, v60  }
0x40e: {  	v21 =	vmul.f32 v62, v30;
	v1 =	vadd.f32 v1, v6;
	v45 =	vmul.f32 v9, v63;
	v31 =	vld [tilespmem:$0x1B5F0]  }
0x40f: {  	v48 =	vmul.f32 v11, v28;
	v3 =	vadd.f32 v3, v42;
	v46 =	vmul.f32 v10, v63;
	v32 =	vld [tilespmem:$0x1FF40]  }
0x410: {  	v20 =	vmul.f32 v62, v29;
	v33 =	vld [tilespmem:$0x1FF50];
	v1 =	vadd.f32 v1, v45;
	v2 =	vmul.f32 v58, v26  }
0x411: {  	v6 =	vmul.f32 v38, v44;
	v3 =	vadd.f32 v3, v46;
	v34 =	vld [tilespmem:$0x1FF60];
	v0 =	vmul.f32 v58, v27  }
0x412: {  	v9 =	vmul.f32 v38, v47;
	v1 =	vadd.f32 v1, v48;
	v35 =	vld [tilespmem:$0x1FF70];
	v2 =	vadd.f32 v2, v60;
	v36 =	vpop (erf)  }
0x413: {  	v3 =	vadd.f32 v3, v49;
	v52 =	vmul.f32 v14, v31;
	v37 =	vld [tilespmem:$0x1FF80];
	v0 =	vadd.f32 v0, v60;
	v40 =	vpop (erf)  }
0x414: {  	v39 =	vld [tilespmem:$0x1FF90];
	v2 =	vadd.f32 v20, v2;
	v20 =	vmul.f32 v63, v32;
	v41 =	vadd.f32 $1.000000000e+00, v40  }
0x415: {  	v43 =	vld [tilespmem:$0x1B610];
	v53 =	vmul.f32 v16, v31;
	v0 =	vadd.f32 v21, v0;
	v21 =	vmul.f32 v63, v33  }
0x416: {  	v51 =	vld [tilespmem:$0x1FFC0];
	v2 =	vadd.f32 v20, v2;
	v20 =	vmul.f32 v28, v34;
	(erf) = vrcp.f32 v41  }
0x417: {  	v1 =	vadd.f32 v1, v52;
	v54 =	vld [tilespmem:$0x1FFD0];
	v0 =	vadd.f32 v21, v0;
	v21 =	vmul.f32 v28, v35  }
0x418: {  	v3 =	vadd.f32 v3, v53;
	v50 =	vld [tilespmem:$0x1B620];
	v2 =	vadd.f32 v20, v2;
	v20 =	vmul.f32 v31, v37  }
0x419: {  	v55 =	vmul.f32 v19, v38;
	v57 =	vld [tilespmem:$0x1FFE0];
	v0 =	vadd.f32 v21, v0;
	v21 =	vmul.f32 v31, v39  }
0x41a: {  	v56 =	vmul.f32 v24, v38;
	v4 =	vmul.f32 v59, v43;
	v59 =	vld [tilespmem:$0x1FFF0];
	v2 =	vadd.f32 v20, v2  }
0x41b: {  	v1 =	vadd.f32 v1, v55;
	v58 =	vmul.f32 v17, v43;
	v0 =	vadd.f32 v21, v0  }
0x41c: {  	v10 =	vmul.f32 v43, v54;
	v2 =	vadd.f32 v6, v2;
	v6 =	vmul.f32 v43, v51  }
0x41d: {  	v1 =	vadd.f32 v1, v58;
	v61 =	vmul.f32 v36, v50;
	v0 =	vadd.f32 v9, v0  }
0x41e: {  	s19 =	sadd.s32 $0x2, s19;
	v3 =	vadd.f32 v3, v56;
	v2 =	vadd.f32 v6, v2;
	v6 =	vmul.f32 v50, v57  }
0x41f: {  	p0 =	slt.u32 s19, $0x136;
	v5 =	vmul.f32 v50, v59;
	v1 =	vadd.f32 v1, v61;
	v0 =	vadd.f32 v10, v0;
	v60 =	vpop (erf)  }
.Ltmp0:
0x420: {  	v3 =	vadd.f32 v3, v4;
	v2 =	vadd.f32 v6, v2;
	v62 =	vmul.f32 v60, v50;
	(pc) =	sbr.rel @p0 .LBB2_2-.Ltmp0, $4  }
0x421: {  	[tilespmem:s21+$0x0] =	vst v1;
	v0 =	vadd.f32 v5, v0  }
0x422: {  	[tilespmem:s21+$0xFFFFFFE0] =	vst v2;
	v63 =	vadd.f32 v3, v62  }
0x423: {  	[tilespmem:s21+$0xFFFFFFF0] =	vst v0  }
0x424: {  	s20 =	sadd.s32 $0x40, s20;
	s22 =	sadd.s32 $0x40, s22;
	[tilespmem:s21+$0x10] =	vst v63;
	s21 =	sadd.s32 $0x40, s21  }
0x425: {  	v0 =	vld [tilespmem:$0x18690]  }
0x426: {  	v1 =	vld [tilespmem:$0x15F80];
	_ =	sdelay $0x3  }
0x427: {  	v2 =	vadd.s32 $0x9C40, v0;
	_ =	sdelay $0x3  }
0x428: {  	v3 =	vld.idx.msk [tilespmem:v1+s3+$0x0], $0xffff  }
0x429: {  	v2 =	vld.idx.msk [tilespmem:v2+s3+$0x0], $0xffff;
	_ =	sdelay $0x4  }
0x42a: {  	v4 =	vunpack.i.l.bf16.f32 v3;
	v5 =	vunpack.i.l.bf16.f32 v2  }
0x42b: {  	v4 =	vadd.f32 v5, v4;
	_ =	sdelay $0x1  }
0x42c: {  	v4 =	vmul.f32 $1.442695020e+00, v4;
	_ =	sdelay $0x1  }
0x42d: {  	(erf) = vpow2.f32 v4;
	_ =	sdelay $0x7  }
0x42e: {  	v3 =	vunpack.i.u.bf16.f32 v3;
	v2 =	vunpack.i.u.bf16.f32 v2  }
0x42f: {  	v2 =	vadd.f32 v2, v3;
	v4 =	vpop (erf)  }
0x430: {  	v31 =	vadd.s32 $0x2710, v1;
	v30 =	vadd.f32 $1.000000000e+00, v4  }
0x431: {  	v32 =	vadd.s32 $0xC350, v0;
	v2 =	vmul.f32 $1.442695020e+00, v2  }
0x432: {  	(erf) = vrcp.f32 v30  }
0x433: {  	(erf) = vpow2.f32 v2;
	_ =	sdelay $0x1  }
0x434: {  	v33 =	vld.idx.msk [tilespmem:v31+s3+$0x0], $0xffff  }
0x435: {  	v34 =	vld.idx.msk [tilespmem:v32+s3+$0x0], $0xffff;
	_ =	sdelay $0x4  }
0x436: {  	v35 =	vunpack.i.l.bf16.f32 v33;
	v6 =	vunpack.i.l.bf16.f32 v34;
	v4 =	vpop (erf)  }
0x437: {  	v5 =	vadd.f32 v6, v35;
	v7 =	vpop (erf)  }
0x438: {  	v36 =	vadd.f32 $1.000000000e+00, v7  }
0x439: {  	v5 =	vmul.f32 $1.442695020e+00, v5  }
0x43a: {  	(erf) = vrcp.f32 v36  }
0x43b: {  	(erf) = vpow2.f32 v5;
	_ =	sdelay $0x7  }
0x43c: {  	v3 =	vunpack.i.u.bf16.f32 v34;
	v2 =	vunpack.i.u.bf16.f32 v33;
	v5 =	vpop (erf)  }
0x43d: {  	v2 =	vadd.f32 v3, v2;
	v37 =	vpop (erf)  }
0x43e: {  	v39 =	vadd.s32 $0x4E20, v1;
	v38 =	vadd.f32 $1.000000000e+00, v37  }
0x43f: {  	v40 =	vadd.s32 $0xEA60, v0;
	v2 =	vmul.f32 $1.442695020e+00, v2  }
0x440: {  	(erf) = vrcp.f32 v38  }
0x441: {  	(erf) = vpow2.f32 v2;
	_ =	sdelay $0x1  }
0x442: {  	v41 =	vld.idx.msk [tilespmem:v39+s3+$0x0], $0xffff  }
0x443: {  	v42 =	vld.idx.msk [tilespmem:v40+s3+$0x0], $0xffff;
	_ =	sdelay $0x4  }
0x444: {  	v43 =	vunpack.i.l.bf16.f32 v41;
	v8 =	vunpack.i.l.bf16.f32 v42;
	v6 =	vpop (erf)  }
0x445: {  	v7 =	vadd.f32 v8, v43;
	v9 =	vpop (erf)  }
0x446: {  	v44 =	vadd.f32 $1.000000000e+00, v9  }
0x447: {  	v7 =	vmul.f32 $1.442695020e+00, v7  }
0x448: {  	(erf) = vrcp.f32 v44  }
0x449: {  	(erf) = vpow2.f32 v7;
	_ =	sdelay $0x7  }
0x44a: {  	v3 =	vunpack.i.u.bf16.f32 v42;
	v2 =	vunpack.i.u.bf16.f32 v41;
	v7 =	vpop (erf)  }
0x44b: {  	v2 =	vadd.f32 v3, v2;
	v45 =	vpop (erf)  }
0x44c: {  	v0 =	vadd.s32 $0x11170, v0;
	v46 =	vadd.f32 $1.000000000e+00, v45  }
0x44d: {  	v1 =	vadd.s32 $0x7530, v1;
	v2 =	vmul.f32 $1.442695020e+00, v2  }
0x44e: {  	(erf) = vrcp.f32 v46  }
0x44f: {  	(erf) = vpow2.f32 v2;
	_ =	sdelay $0x1  }
0x450: {  	v0 =	vld.idx.msk [tilespmem:v0+s3+$0x0], $0xffff  }
0x451: {  	v1 =	vld.idx.msk [tilespmem:v1+s3+$0x0], $0xffff;
	_ =	sdelay $0x4  }
0x452: {  	v48 =	vunpack.i.l.bf16.f32 v0;
	v47 =	vunpack.i.l.bf16.f32 v1;
	v8 =	vpop (erf)  }
0x453: {  	v2 =	vadd.f32 v48, v47;
	v49 =	vpop (erf)  }
0x454: {  	v50 =	vadd.f32 $1.000000000e+00, v49  }
0x455: {  	v2 =	vmul.f32 $1.442695020e+00, v2  }
0x456: {  	(erf) = vrcp.f32 v50  }
0x457: {  	(erf) = vpow2.f32 v2;
	_ =	sdelay $0x7  }
0x458: {  	v0 =	vunpack.i.u.bf16.f32 v0;
	v1 =	vunpack.i.u.bf16.f32 v1;
	v9 =	vpop (erf)  }
0x459: {  	v0 =	vadd.f32 v0, v1;
	v2 =	vpop (erf)  }
0x45a: {  	v51 =	vadd.f32 $1.000000000e+00, v2  }
0x45b: {  	v0 =	vmul.f32 $1.442695020e+00, v0  }
0x45c: {  	(erf) = vrcp.f32 v51  }
0x45d: {  	(erf) = vpow2.f32 v0;
	_ =	sdelay $0x2  }
0x45e: {  	v52 =	vld [tilespmem:$0x1ADB0]  }
0x45f: {  	v53 =	vld [tilespmem:$0x1B630]  }
0x460: {  	v54 =	vld [tilespmem:$0x1AE30];
	_ =	sdelay $0x1  }
0x461: {  	v55 =	vld [tilespmem:$0x1AEB0]  }
0x462: {  	v0 =	vmul.f32 v52, v4;
	v10 =	vpop (erf)  }
0x463: {  	v12 =	vld [tilespmem:$0x1AF30];
	v11 =	vpop (erf)  }
0x464: {  	v56 =	vmul.f32 v54, v5;
	v0 =	vadd.f32 v0, v53;
	v11 =	vadd.f32 $1.000000000e+00, v11  }
0x465: {  	v57 =	vld [tilespmem:$0x1AFB0]  }
0x466: {  	v58 =	vmul.f32 v55, v6;
	v0 =	vadd.f32 v56, v0;
	(erf) = vrcp.f32 v11  }
0x467: {  	v59 =	vld [tilespmem:$0x1B030]  }
0x468: {  	v61 =	vld [tilespmem:$0x1B0B0];
	v60 =	vmul.f32 v12, v7;
	v0 =	vadd.f32 v58, v0  }
0x469: {  	v62 =	vld [tilespmem:$0x1B130]  }
0x46a: {  	v16 =	vld [tilespmem:$0x1ADC0];
	v63 =	vmul.f32 v57, v8;
	v0 =	vadd.f32 v60, v0  }
0x46b: {  	v13 =	vld [tilespmem:$0x1B640]  }
0x46c: {  	v18 =	vld [tilespmem:$0x1AE40];
	v17 =	vmul.f32 v59, v9;
	v0 =	vadd.f32 v63, v0;
	_ =	sdelay $0x1  }
0x46d: {  	v14 =	vld [tilespmem:$0x1AEC0];
	v19 =	vmul.f32 v61, v10;
	v0 =	vadd.f32 v17, v0  }
0x46e: {  	v2 =	vmul.f32 v16, v4;
	v11 =	vpop (erf)  }
0x46f: {  	v21 =	vld [tilespmem:$0x1AF40];
	v0 =	vadd.f32 v19, v0;
	v20 =	vmul.f32 v62, v11  }
0x470: {  	v3 =	vmul.f32 v18, v5;
	v2 =	vadd.f32 v2, v13  }
0x471: {  	v22 =	vld [tilespmem:$0x1AFC0];
	v0 =	vadd.f32 v20, v0  }
0x472: {  	v23 =	vmul.f32 v14, v6;
	v2 =	vadd.f32 v3, v2  }
0x473: {  	v24 =	vld [tilespmem:$0x1B040];
	v0 =	vmul.f32 $1.442695020e+00, v0  }
0x474: {  	v26 =	vld [tilespmem:$0x1B0C0];
	v25 =	vmul.f32 v21, v7;
	v2 =	vadd.f32 v23, v2  }
0x475: {  	v27 =	vld [tilespmem:$0x1B140];
	(erf) = vpow2.f32 v0  }
0x476: {  	v28 =	vld [tilespmem:$0x1ADD0];
	v1 =	vmul.f32 v22, v8;
	v2 =	vadd.f32 v25, v2  }
0x477: {  	v29 =	vld [tilespmem:$0x1B650]  }
0x478: {  	v31 =	vld [tilespmem:$0x1AE50];
	v30 =	vmul.f32 v24, v9;
	v1 =	vadd.f32 v1, v2;
	_ =	sdelay $0x1  }
0x479: {  	v33 =	vld [tilespmem:$0x1AED0];
	v1 =	vadd.f32 v30, v1;
	v32 =	vmul.f32 v26, v10  }
0x47a: {  	v3 =	vmul.f32 v28, v4  }
0x47b: {  	v34 =	vld [tilespmem:$0x1AF50];
	v1 =	vadd.f32 v32, v1;
	v0 =	vmul.f32 v27, v11  }
0x47c: {  	v13 =	vmul.f32 v31, v5;
	v3 =	vadd.f32 v3, v29  }
0x47d: {  	v36 =	vld [tilespmem:$0x1AFD0];
	v0 =	vadd.f32 v0, v1;
	v35 =	vpop (erf)  }
0x47e: {  	v12 =	vmul.f32 v33, v6;
	v3 =	vadd.f32 v13, v3;
	v14 =	vadd.f32 $1.000000000e+00, v35  }
0x47f: {  	v37 =	vld [tilespmem:$0x1B050];
	v0 =	vmul.f32 $1.442695020e+00, v0  }
0x480: {  	v39 =	vld [tilespmem:$0x1B150];
	v3 =	vadd.f32 v12, v3;
	v2 =	vmul.f32 v34, v7;
	(erf) = vrcp.f32 v14  }
0x481: {  	v38 =	vld [tilespmem:$0x1B0D0];
	(erf) = vpow2.f32 v0  }
0x482: {  	v40 =	vld [tilespmem:$0x1ADE0];
	v2 =	vadd.f32 v2, v3;
	v1 =	vmul.f32 v36, v8  }
0x483: {  	v43 =	vld [tilespmem:$0x1AE60]  }
0x484: {  	v41 =	vld [tilespmem:$0x1B660];
	v42 =	vmul.f32 v37, v9;
	v1 =	vadd.f32 v1, v2;
	_ =	sdelay $0x1  }
0x485: {  	v45 =	vld [tilespmem:$0x1AEE0];
	v44 =	vmul.f32 v38, v10;
	v1 =	vadd.f32 v42, v1  }
0x486: {  	v3 =	vmul.f32 v40, v4  }
0x487: {  	v15 =	vld [tilespmem:$0x1AF60];
	v46 =	vmul.f32 v39, v11;
	v1 =	vadd.f32 v44, v1  }
0x488: {  	v13 =	vmul.f32 v43, v5;
	v3 =	vadd.f32 v3, v41;
	v0 =	vpop (erf)  }
0x489: {  	v48 =	vld [tilespmem:$0x1AFE0];
	v1 =	vadd.f32 v46, v1;
	v47 =	vpop (erf)  }
0x48a: {  	v12 =	vmul.f32 v45, v6;
	v3 =	vadd.f32 v13, v3;
	v14 =	vadd.f32 $1.000000000e+00, v47  }
0x48b: {  	v49 =	vld [tilespmem:$0x1B060];
	v1 =	vmul.f32 $1.442695020e+00, v1  }
0x48c: {  	v54 =	vld [tilespmem:$0x1B670];
	v50 =	vmul.f32 v15, v7;
	v3 =	vadd.f32 v12, v3;
	(erf) = vrcp.f32 v14  }
0x48d: {  	v51 =	vld [tilespmem:$0x1B0E0];
	(erf) = vpow2.f32 v1  }
0x48e: {  	v53 =	vld [tilespmem:$0x1ADF0];
	v3 =	vadd.f32 v50, v3;
	v2 =	vmul.f32 v48, v8  }
0x48f: {  	v52 =	vld [tilespmem:$0x1B160]  }
0x490: {  	v55 =	vmul.f32 v49, v9;
	v56 =	vld [tilespmem:$0x1AE70];
	v2 =	vadd.f32 v2, v3;
	_ =	sdelay $0x1  }
0x491: {  	v58 =	vld [tilespmem:$0x1AEF0];
	v57 =	vmul.f32 v51, v10;
	v2 =	vadd.f32 v55, v2  }
0x492: {  	v12 =	vmul.f32 v53, v4  }
0x493: {  	v16 =	vld [tilespmem:$0x1AF70];
	v59 =	vmul.f32 v52, v11;
	v2 =	vadd.f32 v57, v2  }
0x494: {  	v13 =	vmul.f32 v56, v5;
	v12 =	vadd.f32 v12, v54;
	v1 =	vpop (erf)  }
0x495: {  	v61 =	vld [tilespmem:$0x1AFF0];
	v2 =	vadd.f32 v59, v2;
	v60 =	vpop (erf)  }
0x496: {  	v12 =	vadd.f32 v13, v12;
	v62 =	vmul.f32 v58, v6;
	v15 =	vadd.f32 $1.000000000e+00, v60  }
0x497: {  	v63 =	vld [tilespmem:$0x1B070];
	v2 =	vmul.f32 $1.442695020e+00, v2  }
0x498: {  	v21 =	vld [tilespmem:$0x1B0F0];
	v12 =	vadd.f32 v62, v12;
	v20 =	vmul.f32 v16, v7;
	(erf) = vrcp.f32 v15  }
0x499: {  	v22 =	vld [tilespmem:$0x1B170];
	(erf) = vpow2.f32 v2  }
0x49a: {  	v23 =	vld [tilespmem:$0x1AE00];
	v12 =	vadd.f32 v20, v12;
	v3 =	vmul.f32 v61, v8  }
0x49b: {  	v24 =	vld [tilespmem:$0x1B680]  }
0x49c: {  	v26 =	vld [tilespmem:$0x1AE80];
	v25 =	vmul.f32 v63, v9;
	v3 =	vadd.f32 v3, v12;
	_ =	sdelay $0x1  }
0x49d: {  	v28 =	vld [tilespmem:$0x1AF00];
	v27 =	vmul.f32 v21, v10;
	v3 =	vadd.f32 v25, v3  }
0x49e: {  	v13 =	vmul.f32 v23, v4  }
0x49f: {  	v17 =	vld [tilespmem:$0x1AF80];
	v29 =	vmul.f32 v22, v11;
	v3 =	vadd.f32 v27, v3  }
0x4a0: {  	v13 =	vadd.f32 v13, v24;
	v14 =	vmul.f32 v26, v5;
	v2 =	vpop (erf)  }
0x4a1: {  	v31 =	vld [tilespmem:$0x1B000];
	v3 =	vadd.f32 v29, v3;
	v30 =	vpop (erf)  }
0x4a2: {  	v32 =	vmul.f32 v28, v6;
	v13 =	vadd.f32 v14, v13;
	v16 =	vadd.f32 $1.000000000e+00, v30  }
0x4a3: {  	v33 =	vld [tilespmem:$0x1B080];
	v3 =	vmul.f32 $1.442695020e+00, v3  }
0x4a4: {  	v37 =	vld [tilespmem:$0x1AE10];
	v34 =	vmul.f32 v17, v7;
	v13 =	vadd.f32 v32, v13;
	(erf) = vrcp.f32 v16  }
0x4a5: {  	v35 =	vld [tilespmem:$0x1B100];
	(erf) = vpow2.f32 v3  }
0x4a6: {  	v38 =	vld [tilespmem:$0x1B690];
	v12 =	vmul.f32 v31, v8;
	v13 =	vadd.f32 v34, v13  }
0x4a7: {  	v36 =	vld [tilespmem:$0x1B180]  }
0x4a8: {  	v40 =	vld [tilespmem:$0x1AE90];
	v39 =	vmul.f32 v33, v9;
	v12 =	vadd.f32 v12, v13;
	_ =	sdelay $0x1  }
0x4a9: {  	v42 =	vld [tilespmem:$0x1AF10];
	v41 =	vmul.f32 v35, v10;
	v12 =	vadd.f32 v39, v12  }
0x4aa: {  	v14 =	vmul.f32 v37, v4  }
0x4ab: {  	v18 =	vld [tilespmem:$0x1AF90];
	v43 =	vmul.f32 v36, v11;
	v12 =	vadd.f32 v41, v12  }
0x4ac: {  	v14 =	vadd.f32 v14, v38;
	v15 =	vmul.f32 v40, v5;
	v3 =	vpop (erf)  }
0x4ad: {  	v45 =	vld [tilespmem:$0x1B010];
	v12 =	vadd.f32 v43, v12;
	v44 =	vpop (erf)  }
0x4ae: {  	v49 =	vld [tilespmem:$0x1B110];
	v46 =	vmul.f32 v42, v6;
	v14 =	vadd.f32 v15, v14;
	v17 =	vadd.f32 $1.000000000e+00, v44  }
0x4af: {  	v47 =	vld [tilespmem:$0x1B090];
	v12 =	vmul.f32 $1.442695020e+00, v12  }
0x4b0: {  	v51 =	vld [tilespmem:$0x1AE20];
	v48 =	vmul.f32 v18, v7;
	v14 =	vadd.f32 v46, v14;
	(erf) = vrcp.f32 v17  }
0x4b1: {  	v50 =	vld [tilespmem:$0x1B190];
	(erf) = vpow2.f32 v12  }
0x4b2: {  	v54 =	vld [tilespmem:$0x1AEA0];
	v13 =	vmul.f32 v45, v8;
	v14 =	vadd.f32 v48, v14  }
0x4b3: {  	v52 =	vld [tilespmem:$0x1B6A0]  }
0x4b4: {  	v53 =	vmul.f32 v47, v9;
	v13 =	vadd.f32 v13, v14  }
0x4b5: {  	v56 =	vld [tilespmem:$0x1AF20]  }
0x4b6: {  	v55 =	vmul.f32 v49, v10;
	v15 =	vmul.f32 v51, v4;
	v13 =	vadd.f32 v53, v13  }
0x4b7: {  	v57 =	vld [tilespmem:$0x1AFA0];
	v5 =	vmul.f32 v54, v5  }
0x4b8: {  	v15 =	vadd.f32 v15, v52;
	v13 =	vadd.f32 v55, v13;
	v12 =	vmul.f32 v50, v11  }
0x4b9: {  	v59 =	vld [tilespmem:$0x1B020];
	v4 =	vpop (erf)  }
0x4ba: {  	v6 =	vmul.f32 v56, v6;
	v5 =	vadd.f32 v5, v15;
	v12 =	vadd.f32 v12, v13;
	v58 =	vpop (erf)  }
0x4bb: {  	v60 =	vld [tilespmem:$0x1B0A0];
	v16 =	vadd.f32 $1.000000000e+00, v58  }
0x4bc: {  	v61 =	vmul.f32 v57, v7;
	v5 =	vadd.f32 v6, v5;
	v12 =	vmul.f32 $1.442695020e+00, v12  }
0x4bd: {  	(erf) = vrcp.f32 v16  }
0x4be: {  	v62 =	vld [tilespmem:$0x1B120];
	v63 =	vmul.f32 v59, v8;
	v5 =	vadd.f32 v61, v5;
	(erf) = vpow2.f32 v12;
	_ =	sdelay $0x1  }
0x4bf: {  	v5 =	vadd.f32 v63, v5;
	v13 =	vmul.f32 v60, v9;
	v12 =	vld [tilespmem:$0x1B1A0];
	_ =	sdelay $0x1  }
0x4c0: {  	v5 =	vadd.f32 v13, v5  }
0x4c1: {  	v14 =	vmul.f32 v62, v10;
	_ =	sdelay $0x1  }
0x4c2: {  	v6 =	vadd.f32 v14, v5;
	v15 =	vmul.f32 v12, v11  }
0x4c3: {  	v5 =	vpop (erf)  }
0x4c4: {  	v6 =	vadd.f32 v15, v6;
	v16 =	vpop (erf)  }
0x4c5: {  	v17 =	vadd.f32 $1.000000000e+00, v16  }
0x4c6: {  	v6 =	vmul.f32 $1.442695020e+00, v6  }
0x4c7: {  	(erf) = vrcp.f32 v17  }
0x4c8: {  	(erf) = vpow2.f32 v6;
	_ =	sdelay $0x1  }
0x4c9: {  	v18 =	vld [tilespmem:$0x1B1B0]  }
0x4ca: {  	v19 =	vld [tilespmem:$0x1B6B0]  }
0x4cb: {  	v20 =	vld [tilespmem:$0x1B230];
	_ =	sdelay $0x1  }
0x4cc: {  	v21 =	vld [tilespmem:$0x1B2B0]  }
0x4cd: {  	v7 =	vmul.f32 v18, v0  }
0x4ce: {  	v23 =	vld [tilespmem:$0x1B330];
	v6 =	vpop (erf)  }
0x4cf: {  	v7 =	vadd.f32 v7, v19;
	v24 =	vmul.f32 v20, v1;
	v22 =	vpop (erf)  }
0x4d0: {  	v25 =	vld [tilespmem:$0x1B3B0];
	v11 =	vadd.f32 $1.000000000e+00, v22  }
0x4d1: {  	v7 =	vadd.f32 v24, v7;
	v26 =	vmul.f32 v21, v2  }
0x4d2: {  	(erf) = vrcp.f32 v11  }
0x4d3: {  	v27 =	vld [tilespmem:$0x1B430];
	v7 =	vadd.f32 v26, v7;
	v28 =	vmul.f32 v23, v3  }
0x4d4: {  	v33 =	vld [tilespmem:$0x1B6C0]  }
0x4d5: {  	v29 =	vld [tilespmem:$0x1B4B0];
	v7 =	vadd.f32 v28, v7;
	v31 =	vmul.f32 v25, v4  }
0x4d6: {  	v32 =	vld [tilespmem:$0x1B1C0]  }
0x4d7: {  	v30 =	vld [tilespmem:$0x1B530];
	v7 =	vadd.f32 v31, v7  }
0x4d8: {  	v35 =	vld [tilespmem:$0x1B240];
	v34 =	vmul.f32 v27, v5;
	_ =	sdelay $0x1  }
0x4d9: {  	v36 =	vld [tilespmem:$0x1B2C0];
	v8 =	vadd.f32 v34, v7;
	v11 =	vmul.f32 v29, v6  }
0x4da: {  	v9 =	vmul.f32 v32, v0;
	v7 =	vpop (erf)  }
0x4db: {  	v38 =	vld [tilespmem:$0x1B340];
	v8 =	vadd.f32 v11, v8;
	v37 =	vmul.f32 v30, v7  }
0x4dc: {  	v10 =	vmul.f32 v35, v1;
	v9 =	vadd.f32 v9, v33  }
0x4dd: {  	v39 =	vld [tilespmem:$0x1B3C0];
	v8 =	vadd.f32 v37, v8  }
0x4de: {  	v40 =	vmul.f32 v36, v2;
	v9 =	vadd.f32 v10, v9  }
0x4df: {  	v41 =	vld [tilespmem:$0x1B440];
	v8 =	vmul.f32 $1.442695020e+00, v8  }
0x4e0: {  	v49 =	vld [tilespmem:$0x1B250];
	v42 =	vmul.f32 v38, v3;
	v9 =	vadd.f32 v40, v9  }
0x4e1: {  	v43 =	vld [tilespmem:$0x1B4C0];
	(erf) = vpow2.f32 v8  }
0x4e2: {  	v46 =	vld [tilespmem:$0x1B1D0];
	v45 =	vmul.f32 v39, v4;
	v9 =	vadd.f32 v42, v9  }
0x4e3: {  	v44 =	vld [tilespmem:$0x1B540]  }
0x4e4: {  	v47 =	vld [tilespmem:$0x1B6D0];
	v9 =	vadd.f32 v45, v9;
	v48 =	vmul.f32 v41, v5;
	_ =	sdelay $0x1  }
0x4e5: {  	v51 =	vld [tilespmem:$0x1B2D0];
	v9 =	vadd.f32 v48, v9;
	v50 =	vmul.f32 v43, v6  }
0x4e6: {  	v11 =	vmul.f32 v46, v0  }
0x4e7: {  	v52 =	vld [tilespmem:$0x1B350];
	v9 =	vadd.f32 v50, v9;
	v8 =	vmul.f32 v44, v7  }
0x4e8: {  	v13 =	vmul.f32 v49, v1;
	v11 =	vadd.f32 v11, v47  }
0x4e9: {  	v54 =	vld [tilespmem:$0x1B3D0];
	v8 =	vadd.f32 v8, v9;
	v53 =	vpop (erf)  }
0x4ea: {  	v12 =	vmul.f32 v51, v2;
	v11 =	vadd.f32 v13, v11;
	v14 =	vadd.f32 $1.000000000e+00, v53  }
0x4eb: {  	v55 =	vld [tilespmem:$0x1B450];
	v8 =	vmul.f32 $1.442695020e+00, v8  }
0x4ec: {  	v56 =	vld [tilespmem:$0x1B4D0];
	v10 =	vmul.f32 v52, v3;
	v11 =	vadd.f32 v12, v11;
	(erf) = vrcp.f32 v14  }
0x4ed: {  	v57 =	vld [tilespmem:$0x1B550];
	(erf) = vpow2.f32 v8  }
0x4ee: {  	v58 =	vld [tilespmem:$0x1B1E0];
	v10 =	vadd.f32 v10, v11;
	v9 =	vmul.f32 v54, v4  }
0x4ef: {  	v59 =	vld [tilespmem:$0x1B6E0]  }
0x4f0: {  	v61 =	vld [tilespmem:$0x1B260];
	v60 =	vmul.f32 v55, v5;
	v9 =	vadd.f32 v9, v10;
	_ =	sdelay $0x1  }
0x4f1: {  	v63 =	vld [tilespmem:$0x1B2E0];
	v62 =	vmul.f32 v56, v6;
	v9 =	vadd.f32 v60, v9  }
0x4f2: {  	v11 =	vmul.f32 v58, v0  }
0x4f3: {  	v19 =	vld [tilespmem:$0x1B360];
	v18 =	vmul.f32 v57, v7;
	v9 =	vadd.f32 v62, v9  }
0x4f4: {  	v13 =	vmul.f32 v61, v1;
	v11 =	vadd.f32 v11, v59;
	v8 =	vpop (erf)  }
0x4f5: {  	v21 =	vld [tilespmem:$0x1B3E0];
	v9 =	vadd.f32 v18, v9;
	v20 =	vpop (erf)  }
0x4f6: {  	v12 =	vmul.f32 v63, v2;
	v11 =	vadd.f32 v13, v11;
	v14 =	vadd.f32 $1.000000000e+00, v20  }
0x4f7: {  	v22 =	vld [tilespmem:$0x1B460];
	v9 =	vmul.f32 $1.442695020e+00, v9  }
0x4f8: {  	v24 =	vld [tilespmem:$0x1B4E0];
	v23 =	vmul.f32 v19, v3;
	v11 =	vadd.f32 v12, v11;
	(erf) = vrcp.f32 v14  }
0x4f9: {  	v26 =	vld [tilespmem:$0x1B1F0];
	(erf) = vpow2.f32 v9  }
0x4fa: {  	v25 =	vld [tilespmem:$0x1B560];
	v11 =	vadd.f32 v23, v11;
	v10 =	vmul.f32 v21, v4  }
0x4fb: {  	v27 =	vld [tilespmem:$0x1B6F0]  }
0x4fc: {  	v29 =	vld [tilespmem:$0x1B270];
	v28 =	vmul.f32 v22, v5;
	v10 =	vadd.f32 v10, v11;
	_ =	sdelay $0x1  }
0x4fd: {  	v31 =	vld [tilespmem:$0x1B2F0];
	v30 =	vmul.f32 v24, v6;
	v10 =	vadd.f32 v28, v10  }
0x4fe: {  	v12 =	vmul.f32 v26, v0  }
0x4ff: {  	v33 =	vld [tilespmem:$0x1B370];
	v32 =	vmul.f32 v25, v7;
	v10 =	vadd.f32 v30, v10  }
0x500: {  	v13 =	vmul.f32 v29, v1;
	v12 =	vadd.f32 v12, v27;
	v9 =	vpop (erf)  }
0x501: {  	v35 =	vld [tilespmem:$0x1B3F0];
	v10 =	vadd.f32 v32, v10;
	v34 =	vpop (erf)  }
0x502: {  	v36 =	vmul.f32 v31, v2;
	v12 =	vadd.f32 v13, v12;
	v15 =	vadd.f32 $1.000000000e+00, v34  }
0x503: {  	v37 =	vld [tilespmem:$0x1B470];
	v10 =	vmul.f32 $1.442695020e+00, v10  }
0x504: {  	v40 =	vld [tilespmem:$0x1B570];
	v38 =	vmul.f32 v33, v3;
	v12 =	vadd.f32 v36, v12;
	(erf) = vrcp.f32 v15  }
0x505: {  	v39 =	vld [tilespmem:$0x1B4F0];
	(erf) = vpow2.f32 v10  }
0x506: {  	v41 =	vld [tilespmem:$0x1B200];
	v11 =	vmul.f32 v35, v4;
	v12 =	vadd.f32 v38, v12  }
0x507: {  	v42 =	vld [tilespmem:$0x1B700]  }
0x508: {  	v44 =	vld [tilespmem:$0x1B280];
	v43 =	vmul.f32 v37, v5;
	v11 =	vadd.f32 v11, v12;
	_ =	sdelay $0x1  }
0x509: {  	v45 =	vmul.f32 v39, v6;
	v46 =	vld [tilespmem:$0x1B300];
	v11 =	vadd.f32 v43, v11  }
0x50a: {  	v13 =	vmul.f32 v41, v0  }
0x50b: {  	v47 =	vld [tilespmem:$0x1B380];
	v11 =	vadd.f32 v45, v11;
	v10 =	vmul.f32 v40, v7  }
0x50c: {  	v13 =	vadd.f32 v13, v42;
	v14 =	vmul.f32 v44, v1;
	v17 =	vpop (erf)  }
0x50d: {  	v49 =	vld [tilespmem:$0x1B400];
	v10 =	vadd.f32 v10, v11;
	v48 =	vpop (erf)  }
0x50e: {  	v50 =	vmul.f32 v46, v2;
	v13 =	vadd.f32 v14, v13;
	v16 =	vadd.f32 $1.000000000e+00, v48  }
0x50f: {  	v51 =	vld [tilespmem:$0x1B480];
	v10 =	vmul.f32 $1.442695020e+00, v10  }
0x510: {  	v52 =	vld [tilespmem:$0x1B500];
	v12 =	vmul.f32 v47, v3;
	v13 =	vadd.f32 v50, v13;
	(erf) = vrcp.f32 v16  }
0x511: {  	v55 =	vld [tilespmem:$0x1B710];
	(erf) = vpow2.f32 v10  }
0x512: {  	v54 =	vld [tilespmem:$0x1B210];
	v12 =	vadd.f32 v12, v13;
	v11 =	vmul.f32 v49, v4  }
0x513: {  	v53 =	vld [tilespmem:$0x1B580]  }
0x514: {  	v56 =	vmul.f32 v51, v5;
	v57 =	vld [tilespmem:$0x1B290];
	v11 =	vadd.f32 v11, v12;
	_ =	sdelay $0x1  }
0x515: {  	v58 =	vmul.f32 v52, v6;
	v59 =	vld [tilespmem:$0x1B310];
	v11 =	vadd.f32 v56, v11  }
0x516: {  	v13 =	vmul.f32 v54, v0  }
0x517: {  	v60 =	vld [tilespmem:$0x1B390];
	v11 =	vadd.f32 v58, v11;
	v10 =	vmul.f32 v53, v7  }
0x518: {  	v13 =	vadd.f32 v13, v55;
	v15 =	vmul.f32 v57, v1;
	v61 =	vpop (erf)  }
0x519: {  	v63 =	vld [tilespmem:$0x1B410];
	v10 =	vadd.f32 v10, v11;
	v62 =	vpop (erf)  }
0x51a: {  	v14 =	vmul.f32 v59, v2;
	v13 =	vadd.f32 v15, v13;
	v16 =	vadd.f32 $1.000000000e+00, v62  }
0x51b: {  	v20 =	vld [tilespmem:$0x1B490];
	v10 =	vmul.f32 $1.442695020e+00, v10  }
0x51c: {  	v22 =	vld [tilespmem:$0x1B590];
	v13 =	vadd.f32 v14, v13;
	v12 =	vmul.f32 v60, v3;
	(erf) = vrcp.f32 v16  }
0x51d: {  	v21 =	vld [tilespmem:$0x1B510];
	(erf) = vpow2.f32 v10  }
0x51e: {  	v23 =	vld [tilespmem:$0x1B220];
	v12 =	vadd.f32 v12, v13;
	v11 =	vmul.f32 v63, v4  }
0x51f: {  	v24 =	vld [tilespmem:$0x1B720]  }
0x520: {  	v26 =	vld [tilespmem:$0x1B2A0];
	v25 =	vmul.f32 v20, v5;
	v11 =	vadd.f32 v11, v12;
	_ =	sdelay $0x1  }
0x521: {  	v28 =	vld [tilespmem:$0x1B320];
	v27 =	vmul.f32 v21, v6;
	v11 =	vadd.f32 v25, v11  }
0x522: {  	v0 =	vmul.f32 v23, v0  }
0x523: {  	v29 =	vld [tilespmem:$0x1B3A0];
	v11 =	vadd.f32 v27, v11;
	v10 =	vmul.f32 v22, v7  }
0x524: {  	v0 =	vadd.f32 v0, v24;
	v1 =	vmul.f32 v26, v1;
	v30 =	vpop (erf)  }
0x525: {  	v32 =	vld [tilespmem:$0x1B420];
	v10 =	vadd.f32 v10, v11;
	v31 =	vpop (erf)  }
0x526: {  	v2 =	vmul.f32 v28, v2;
	v0 =	vadd.f32 v1, v0;
	v33 =	vadd.f32 $1.000000000e+00, v31  }
0x527: {  	v34 =	vld [tilespmem:$0x1B4A0];
	v10 =	vmul.f32 $1.442695020e+00, v10  }
0x528: {  	v35 =	vmul.f32 v29, v3;
	v0 =	vadd.f32 v2, v0;
	(erf) = vrcp.f32 v33  }
0x529: {  	v36 =	vld [tilespmem:$0x1B520];
	(erf) = vpow2.f32 v10  }
0x52a: {  	v37 =	vmul.f32 v32, v4;
	v0 =	vadd.f32 v35, v0  }
0x52b: {  	v38 =	vld [tilespmem:$0x1B5A0]  }
0x52c: {  	v39 =	vmul.f32 v34, v5;
	v0 =	vadd.f32 v37, v0;
	_ =	sdelay $0x1  }
0x52d: {  	v40 =	vmul.f32 v36, v6;
	v0 =	vadd.f32 v39, v0;
	_ =	sdelay $0x1  }
0x52e: {  	v41 =	vmul.f32 v38, v7;
	v0 =	vadd.f32 v40, v0  }
0x52f: {  	v42 =	vpop (erf)  }
0x530: {  	v0 =	vadd.f32 v41, v0;
	v43 =	vpop (erf)  }
0x531: {  	v44 =	vadd.f32 $1.000000000e+00, v43  }
0x532: {  	v0 =	vmul.f32 $1.442695020e+00, v0  }
0x533: {  	(erf) = vrcp.f32 v44  }
0x534: {  	(erf) = vpow2.f32 v0;
	_ =	sdelay $0x2  }
0x535: {  	v45 =	vld [tilespmem:$0x1B5B0]  }
0x536: {  	v46 =	vld [tilespmem:$0x1B730]  }
0x537: {  	v47 =	vld [tilespmem:$0x1B5C0];
	_ =	sdelay $0x1  }
0x538: {  	v48 =	vld [tilespmem:$0x1B5D0]  }
0x539: {  	v0 =	vmul.f32 v45, v8;
	v49 =	vpop (erf)  }
0x53a: {  	v51 =	vld [tilespmem:$0x1B5E0];
	v50 =	vpop (erf)  }
0x53b: {  	v52 =	vmul.f32 v47, v9;
	v0 =	vadd.f32 v0, v46;
	v6 =	vadd.f32 $1.000000000e+00, v50  }
0x53c: {  	v53 =	vld [tilespmem:$0x1B5F0]  }
0x53d: {  	v54 =	vmul.f32 v48, v17;
	v0 =	vadd.f32 v52, v0;
	(erf) = vrcp.f32 v6  }
0x53e: {  	v55 =	vld [tilespmem:$0x1B600]  }
0x53f: {  	v56 =	vmul.f32 v51, v61;
	v0 =	vadd.f32 v54, v0  }
0x540: {  	v57 =	vld [tilespmem:$0x1B610]  }
0x541: {  	v58 =	vmul.f32 v53, v30;
	v0 =	vadd.f32 v56, v0  }
0x542: {  	v59 =	vld [tilespmem:$0x1B620]  }
0x543: {  	v60 =	vmul.f32 v55, v42;
	v0 =	vadd.f32 v58, v0;
	_ =	sdelay $0x1  }
0x544: {  	v61 =	vmul.f32 v57, v49;
	v0 =	vadd.f32 v60, v0  }
0x545: {  	v62 =	vpop (erf)  }
0x546: {  	v0 =	vadd.f32 v61, v0;
	v63 =	vmul.f32 v59, v62;
	_ =	sdelay $0x1  }
0x547: {  	s18 =	sadd.s32 $0x1, s18;
	v0 =	vadd.f32 v63, v0  }
0x548: {  	p0 =	sne.s32 s18, s8  }
.Ltmp1:
0x549: {  	[tilespmem:$0x1ADA0] =	vst v0;
	(pc) =	sbr.rel @p0 .LBB2_1-.Ltmp1, $4  }
0x54a: {  	[hbm4b:s7+s3] =	stream.linear.scatter [tilespmem:s16], [sflag:$0x5], $0x2710, $0x38;
	[tilespmem:$0x1B7B0] =	vst v63  }
0x54b: {  	_ =	swait.ge [sflag:s17], $0x2710  }
0x54c: {  	[sflag:s17] =	ssyncset.done $0x0  }
0x54d: {  	[sflag:s17] =	ssyncadd.s32 $0xFFFFD8F0  }
0x54e: {  	_ =	sfence.sel $0x180000  }
0x54f: {  	[bflag:$0x0] =	sbarrier.arrive $0xFFFF  }
0x550: {  	p0 =	sne.s32 s0, $0x0;
	_ =	strace $0x90000047  }
0x551: {  	s0 =	sadd.s32 @!p0 $0x100000, s1;
	[bflag:$0x2] =	sbarrier.arrive $0xFFFF  }
0x552: {  	[sflag:s0] =	ssyncadd.tile.s32 @!p0 $0x1;
	_ =	shalt  }
.Lfunc_end2:
_tile_overlayer_lowered:
.L_overlay_start_2:
0x553: {  	(tag) =	ssettag $0x2  }
0x554: {  	s0 =	rddreg [dreg:$0x0];
	s2 =	stileid.u32  }
0x555: {  	s1 =	rddreg [dreg:$0x1];
	p0 =	sne.s32 s2, $0x0  }
0x556: {  	s3 =	rddreg [dreg:$0x2];
	[bflag:$0x3] =	sbarrier.arrive $0xFFFF;
	s2 =	simm.s32 @!p0 $0x1C05  }
0x557: {  	[timem:s3], [sflag:s2] =	dma.local @!p0 [hbm:s0], s1  }
0x558: {  	s0 =	simm.s32 @!p0 $0x5  }
0x559: {  	_ =	swait.ge @!p0 [sflag:s0], s1  }
0x55a: {  	s1 =	ssub.s32 @!p0 $0x0, s1;
	[sflag:s0] =	ssyncset.done @!p0 $0x0  }
0x55b: {  	[sflag:s0] =	ssyncadd.s32 @!p0 s1  }
0x55c: {  	[bflag:$0x3] =	sbarrier.arrive $0xFFFF  }
0x55d: {  	_ =	shalt  }

</sc_bundles>
